<compile_context>
chip_gen: v7x
topology: tpu7x:2x2x1
jax: 0.10.2.dev20260603
libtpu: 0.0.44.dev20260713+nightly
codegen_flags: <defaults>
</compile_context>

<pallas_src>
import functools

import jax
import jax.numpy as jnp
from jax import lax
from jax.experimental import pallas as pl
from jax.experimental.pallas import tpu as pltpu
from jax.experimental.pallas import tpu_sc as plsc

LANE = 16



def _tc_node_proj(x, w_st):
    n = x.shape[0]
    bn = 1000

    def body(x_ref, w_ref, ps_ref, pt_ref):
        p = jnp.dot(x_ref[...], w_ref[...], preferred_element_type=jnp.float32)
        ps_ref[...] = p[:, :128]
        pt_ref[...] = p[:, 128:]

    return pl.pallas_call(
        body,
        grid=(n // bn,),
        in_specs=[
            pl.BlockSpec((bn, 128), lambda i: (i, 0)),
            pl.BlockSpec((128, 256), lambda i: (0, 0)),
        ],
        out_specs=[
            pl.BlockSpec((bn, 128), lambda i: (i, 0)),
            pl.BlockSpec((bn, 128), lambda i: (i, 0)),
        ],
        out_shape=[jax.ShapeDtypeStruct((n, 128), jnp.float32)] * 2,
    )(x, w_st)


def _tc_final(x, agg0, agg1, deg0, deg1, eW2, eb2, nw1a, nw1b, nb1, nw2, nb2):
    n = x.shape[0]
    bn = 1000

    def body(x_ref, a0_ref, a1_ref, d0_ref, d1_ref, w2_ref, b2e_ref, wa_ref,
             wb_ref, b1_ref, w3_ref, b2_ref, out_ref):
        deg = d0_ref[...][:, :1] + d1_ref[...][:, :1]
        agg = (
            jnp.dot(a0_ref[...] + a1_ref[...], w2_ref[...],
                    preferred_element_type=jnp.float32)
            + deg * b2e_ref[...]
        )
        pre = (
            jnp.dot(x_ref[...], wa_ref[...], preferred_element_type=jnp.float32)
            + jnp.dot(agg, wb_ref[...], preferred_element_type=jnp.float32)
            + b1_ref[...]
        )
        h2 = jnp.maximum(pre, 0.0)
        out_ref[...] = (
            x_ref[...]
            + jnp.dot(h2, w3_ref[...], preferred_element_type=jnp.float32)
            + b2_ref[...]
        )

    return pl.pallas_call(
        body,
        grid=(n // bn,),
        in_specs=[
            pl.BlockSpec((bn, 128), lambda i: (i, 0)),
            pl.BlockSpec((bn, 128), lambda i: (i, 0)),
            pl.BlockSpec((bn, 128), lambda i: (i, 0)),
            pl.BlockSpec((bn, 128), lambda i: (i, 0)),
            pl.BlockSpec((bn, 128), lambda i: (i, 0)),
            pl.BlockSpec((128, 128), lambda i: (0, 0)),
            pl.BlockSpec((1, 128), lambda i: (0, 0)),
            pl.BlockSpec((128, 128), lambda i: (0, 0)),
            pl.BlockSpec((128, 128), lambda i: (0, 0)),
            pl.BlockSpec((1, 128), lambda i: (0, 0)),
            pl.BlockSpec((128, 128), lambda i: (0, 0)),
            pl.BlockSpec((1, 128), lambda i: (0, 0)),
        ],
        out_specs=pl.BlockSpec((bn, 128), lambda i: (i, 0)),
        out_shape=jax.ShapeDtypeStruct((n, 128), jnp.float32),
    )(x, agg0, agg1, deg0, deg1, eW2, eb2, nw1a, nw1b, nb1, nw2, nb2)



def _sc_edge_agg(ps, pt, ef_flat, w_flat, src, tgt):
    n = ps.shape[0]
    e = src.shape[0]
    nc, ns = 2, 16
    nw = nc * ns
    epw = e // nw
    bsz = 40
    nb = epw // bsz
    npad = ((n + 8 * ns - 1) // (8 * ns)) * (8 * ns)
    rpt = npad // ns
    mesh = plsc.VectorSubcoreMesh(core_axis_name="c", subcore_axis_name="s")

    @functools.partial(
        pl.kernel,
        mesh=mesh,
        out_type=jax.ShapeDtypeStruct((nc, npad, 128), jnp.float32),
        scratch_types=[
            pltpu.VMEM((bsz,), jnp.int32),
            pltpu.VMEM((bsz,), jnp.int32),
            pltpu.VMEM((bsz,), jnp.int32),
            pltpu.VMEM((bsz,), jnp.int32),
            pltpu.VMEM((bsz, 128), jnp.float32),
            pltpu.VMEM((bsz, 128), jnp.float32),
            pltpu.VMEM((bsz, 128), jnp.float32),
            pltpu.VMEM((bsz, 128), jnp.float32),
            pltpu.VMEM((4 * bsz + LANE,), jnp.float32),
            pltpu.VMEM((4 * bsz + LANE,), jnp.float32),
            pltpu.VMEM((640,), jnp.float32),
            pltpu.VMEM((bsz, 128), jnp.float32),
            pltpu.SemaphoreType.DMA,
            pltpu.SemaphoreType.DMA,
            pltpu.SemaphoreType.DMA,
            pltpu.SemaphoreType.DMA,
            pltpu.VMEM_SHARED((npad, 128), jnp.float32),
        ],
    )
    def k(ps_hbm, pt_hbm, ef_hbm, w_hbm, src_hbm, tgt_hbm, out_hbm,
          sid0, sid1, tid0, tid1, ps0, ps1, pt0, pt1, ef0, ef1, wtab, hv,
          semi0, semi1, semg0, semg1, accum):
        c = lax.axis_index("c")
        s = lax.axis_index("s")
        wid = c * ns + s
        sidb = (sid0, sid1)
        tidb = (tid0, tid1)
        psb = (ps0, ps1)
        ptb = (pt0, pt1)
        efb = (ef0, ef1)
        semi = (semi0, semi1)
        semg = (semg0, semg1)

        zero16 = jnp.zeros((LANE,), jnp.float32)

        def zrow(r, carry):
            for j in range(128 // LANE):
                ps0[r, pl.ds(j * LANE, LANE)] = zero16
            return carry

        lax.fori_loop(0, bsz, zrow, 0)
        pltpu.sync_copy(w_hbm, wtab)

        nfull, rem = rpt // bsz, rpt % bsz
        for zi in range(nfull):
            pltpu.sync_copy(ps0, accum.at[pl.ds(s * rpt + zi * bsz, bsz)])
        if rem:
            pltpu.sync_copy(ps0.at[pl.ds(0, rem)],
                            accum.at[pl.ds(s * rpt + nfull * bsz, rem)])
        plsc.subcore_barrier()

        base = wid * epw

        def issue_idx(g, p):
            off = base + g * bsz
            pltpu.async_copy(src_hbm.at[pl.ds(off, bsz)], sidb[p], semi[p])
            pltpu.async_copy(tgt_hbm.at[pl.ds(off, bsz)], tidb[p], semi[p])

        def drain_idx(p):
            pltpu.make_async_copy(src_hbm.at[pl.ds(0, bsz)], sidb[p],
                                  semi[p]).wait()
            pltpu.make_async_copy(tgt_hbm.at[pl.ds(0, bsz)], tidb[p],
                                  semi[p]).wait()

        def issue_gathers(g, p):
            off = base + g * bsz
            pltpu.async_copy(ps_hbm.at[sidb[p]], psb[p], semg[p])
            pltpu.async_copy(pt_hbm.at[tidb[p]], ptb[p], semg[p])
            pltpu.async_copy(ef_hbm.at[pl.ds(4 * off, 4 * bsz)],
                             efb[p].at[pl.ds(0, 4 * bsz)], semg[p])

        def drain_gathers(p):
            for dst in (psb[p], ptb[p]):
                pltpu.make_async_copy(ps_hbm.at[pl.ds(0, bsz)], dst,
                                      semg[p]).wait()
            pltpu.make_async_copy(ef_hbm.at[pl.ds(0, 4 * bsz)],
                                  efb[p].at[pl.ds(0, 4 * bsz)],
                                  semg[p]).wait()

        bidx = [jnp.full((LANE,), kk, jnp.int32) for kk in range(4)]

        def process(p):
            wv = [[wtab[pl.ds(kk * 128 + j * LANE, LANE)]
                   for j in range(128 // LANE)] for kk in range(4)]
            ebv = [wtab[pl.ds(512 + j * LANE, LANE)]
                   for j in range(128 // LANE)]

            def rowpair(i, rc):
                r = 2 * i
                efc0 = efb[p][pl.ds(4 * r, LANE)]
                efc1 = efb[p][pl.ds(4 * r + 4, LANE)]
                eb0 = [efc0.at[bidx[kk]].get(mode="promise_in_bounds")
                       for kk in range(4)]
                eb1_ = [efc1.at[bidx[kk]].get(mode="promise_in_bounds")
                        for kk in range(4)]
                for j in range(128 // LANE):
                    sl = pl.ds(j * LANE, LANE)
                    v0 = psb[p][r, sl] + ptb[p][r, sl] + ebv[j]
                    v1 = psb[p][r + 1, sl] + ptb[p][r + 1, sl] + ebv[j]
                    for kk in range(4):
                        v0 = v0 + eb0[kk] * wv[kk][j]
                        v1 = v1 + eb1_[kk] * wv[kk][j]
                    hv[r, sl] = jnp.maximum(v0, 0.0)
                    hv[r + 1, sl] = jnp.maximum(v1, 0.0)
                return rc

            lax.fori_loop(0, bsz // 2, rowpair, 0)
            pltpu.sync_copy(hv, accum.at[tidb[p]], add=True)

        pltpu.sync_copy(src_hbm.at[pl.ds(base, bsz)], sid0)
        pltpu.sync_copy(tgt_hbm.at[pl.ds(base, bsz)], tid0)
        issue_gathers(0, 0)
        issue_idx(1, 1)

        def pipe(i, carry):
            g1 = 2 * i + 1
            g2 = jnp.minimum(2 * i + 2, nb - 1)
            g3 = jnp.minimum(2 * i + 3, nb - 1)
            drain_idx(1)
            issue_gathers(g1, 1)
            drain_gathers(0)
            process(0)
            issue_idx(g2, 0)
            drain_idx(0)
            issue_gathers(g2, 0)
            drain_gathers(1)
            process(1)
            issue_idx(g3, 1)
            return carry

        lax.fori_loop(0, nb // 2, pipe, 0)
        drain_idx(1)
        drain_gathers(0)

        plsc.subcore_barrier()
        pltpu.sync_copy(accum.at[pl.ds(s * rpt, rpt)],
                        out_hbm.at[c, pl.ds(s * rpt, rpt)])

    return k(ps, pt, ef_flat, w_flat, src, tgt)


def _sc_degree(tgt, n):
    e = tgt.shape[0]
    nc, ns = 2, 16
    nw = nc * ns
    epw = e // nw
    bsz = 80
    nb = epw // bsz
    npad = ((n + 8 * ns - 1) // (8 * ns)) * (8 * ns)
    rpt = npad // ns
    mesh = plsc.VectorSubcoreMesh(core_axis_name="c", subcore_axis_name="s")

    @functools.partial(
        pl.kernel,
        mesh=mesh,
        out_type=jax.ShapeDtypeStruct((nc, npad, 128), jnp.float32),
        scratch_types=[
            pltpu.VMEM((bsz,), jnp.int32),
            pltpu.VMEM((bsz, 128), jnp.float32),
            pltpu.VMEM_SHARED((npad, 128), jnp.float32),
        ],
    )
    def k(tgt_hbm, out_hbm, tidv, ones_rows, accum):
        c = lax.axis_index("c")
        s = lax.axis_index("s")
        wid = c * ns + s

        zero16 = jnp.zeros((LANE,), jnp.float32)
        one0 = jnp.where(lax.iota(jnp.int32, LANE) == 0, 1.0, 0.0)

        def zrow(r, carry):
            for j in range(128 // LANE):
                ones_rows[r, pl.ds(j * LANE, LANE)] = zero16
            return carry

        lax.fori_loop(0, bsz, zrow, 0)

        nfull, rem = rpt // bsz, rpt % bsz
        for zi in range(nfull):
            pltpu.sync_copy(ones_rows, accum.at[pl.ds(s * rpt + zi * bsz, bsz)])
        if rem:
            pltpu.sync_copy(ones_rows.at[pl.ds(0, rem)],
                            accum.at[pl.ds(s * rpt + nfull * bsz, rem)])

        def orow(r, carry):
            ones_rows[r, pl.ds(0, LANE)] = one0
            return carry

        lax.fori_loop(0, bsz, orow, 0)
        plsc.subcore_barrier()

        base = wid * epw

        def batch(b, carry):
            off = base + b * bsz
            pltpu.sync_copy(tgt_hbm.at[pl.ds(off, bsz)], tidv)
            pltpu.sync_copy(ones_rows, accum.at[tidv], add=True)
            return carry

        lax.fori_loop(0, nb, batch, 0)
        plsc.subcore_barrier()
        pltpu.sync_copy(accum.at[pl.ds(s * rpt, rpt)],
                        out_hbm.at[c, pl.ds(s * rpt, rpt)])

    return k(tgt)



def kernel(node_features, edge_index, edge_features, eW1, eb1, eW2, eb2,
           nW1, nb1, nW2, nb2):
    n, d = node_features.shape
    e = edge_features.shape[0]

    src = edge_index[0].astype(jnp.int32)
    tgt = edge_index[1].astype(jnp.int32)

    w_st = jnp.concatenate([eW1[:d], eW1[d:2 * d]], axis=1)
    w_flat = jnp.concatenate([eW1[2 * d:].reshape(-1), eb1])
    ef_flat = edge_features.reshape(-1)
    nw1a = nW1[:d]
    nw1b = nW1[d:]

    deg = _sc_degree(tgt, n)
    ps, pt = _tc_node_proj(node_features, w_st)
    hsum = _sc_edge_agg(ps, pt, ef_flat, w_flat, src, tgt)
    out = _tc_final(node_features, hsum[0, :n], hsum[1, :n],
                    deg[0, :n], deg[1, :n],
                    eW2, eb2.reshape(1, -1), nw1a, nw1b,
                    nb1.reshape(1, -1), nW2, nb2.reshape(1, -1))
    return out

# --- scband reference (transcript-rebuilt; emitter-appended) ---
"""Pipeline reference for scband-message-passing-layer-13915694039743 (READ-ONLY COPY).

The authoritative reference and input builder live on the scoring server;
editing this copy changes nothing except your own understanding.
"""

import jax, jax.numpy as jnp
import numpy as np

NODE_DIM = 128
EDGE_DIM = 4
HIDDEN_DIM = 128
N_NODES = 10000
N_EDGES = 320000


def setup_inputs(seed: int = 0) -> dict:
    key = jax.random.key(seed)
    ks = jax.random.split(key, 12)
    node_features = jax.random.normal(ks[0], (N_NODES, NODE_DIM), dtype=jnp.float32)
    edge_index = jax.random.randint(ks[1], (2, N_EDGES), 0, N_NODES, dtype=jnp.int64)
    edge_features = jax.random.normal(ks[2], (N_EDGES, EDGE_DIM), dtype=jnp.float32)
    edge_in = 2 * NODE_DIM + EDGE_DIM
    node_in = NODE_DIM + HIDDEN_DIM
    def lin(k, fan_in, fan_out):
        bound = 1.0 / np.sqrt(fan_in)
        kw, kb = jax.random.split(k)
        W = jax.random.uniform(kw, (fan_in, fan_out), minval=-bound, maxval=bound, dtype=jnp.float32)
        b = jax.random.uniform(kb, (fan_out,), minval=-bound, maxval=bound, dtype=jnp.float32)
        return W, b
    eW1, eb1 = lin(ks[3], edge_in, HIDDEN_DIM)
    eW2, eb2 = lin(ks[4], HIDDEN_DIM, HIDDEN_DIM)
    nW1, nb1 = lin(ks[5], node_in, HIDDEN_DIM)
    nW2, nb2 = lin(ks[6], HIDDEN_DIM, NODE_DIM)
    return {
        'node_features': node_features,
        'edge_index': edge_index,
        'edge_features': edge_features,
        'eW1': eW1, 'eb1': eb1, 'eW2': eW2, 'eb2': eb2,
        'nW1': nW1, 'nb1': nb1, 'nW2': nW2, 'nb2': nb2,
    }


def reference(node_features, edge_index, edge_features, eW1, eb1, eW2, eb2, nW1, nb1, nW2, nb2):
    src_idx = edge_index[0]
    tgt_idx = edge_index[1]
    src_features = jnp.take(node_features, src_idx, axis=0)
    tgt_features = jnp.take(node_features, tgt_idx, axis=0)
    edge_input = jnp.concatenate([src_features, tgt_features, edge_features], axis=-1)
    h = jax.nn.relu(edge_input @ eW1 + eb1)
    messages = h @ eW2 + eb2
    num_nodes = node_features.shape[0]
    aggregated = jnp.zeros((num_nodes, messages.shape[-1]), dtype=node_features.dtype).at[tgt_idx].add(messages)
    node_input = jnp.concatenate([node_features, aggregated], axis=-1)
    h2 = jax.nn.relu(node_input @ nW1 + nb1)
    node_update = h2 @ nW2 + nb2
    return node_features + node_update

if __name__ == "__main__":
    import jax
    _d = setup_inputs()
    print(jax.jit(kernel)(*tuple(_d.values())))

</pallas_src>

<mosaic_0001>
#map = affine_map<(d0, d1) -> (0, 0)>
#map1 = affine_map<(d0, d1) -> (0)>
#map2 = affine_map<(d0, d1) -> (0, 0, 0)>
module attributes {stable_mosaic.version = 14 : i64} {
  func.func @k(%arg0: i32, %arg1: i32, %arg2: memref<10000x128xf32, #tpu.memory_space<hbm>>, %arg3: memref<10000x128xf32, #tpu.memory_space<hbm>>, %arg4: memref<1280000xf32, #tpu.memory_space<hbm>>, %arg5: memref<640xf32, #tpu.memory_space<hbm>>, %arg6: memref<320000xi32, #tpu.memory_space<hbm>>, %arg7: memref<320000xi32, #tpu.memory_space<hbm>>, %arg8: memref<2x10112x128xf32, #tpu.memory_space<hbm>>, %arg9: memref<40xi32, #tpu.memory_space<vmem>>, %arg10: memref<40xi32, #tpu.memory_space<vmem>>, %arg11: memref<40xi32, #tpu.memory_space<vmem>>, %arg12: memref<40xi32, #tpu.memory_space<vmem>>, %arg13: memref<40x128xf32, #tpu.memory_space<vmem>>, %arg14: memref<40x128xf32, #tpu.memory_space<vmem>>, %arg15: memref<40x128xf32, #tpu.memory_space<vmem>>, %arg16: memref<40x128xf32, #tpu.memory_space<vmem>>, %arg17: memref<176xf32, #tpu.memory_space<vmem>>, %arg18: memref<176xf32, #tpu.memory_space<vmem>>, %arg19: memref<640xf32, #tpu.memory_space<vmem>>, %arg20: memref<40x128xf32, #tpu.memory_space<vmem>>, %arg21: memref<!tpu.dma_semaphore, #tpu.memory_space<semaphore_mem>>, %arg22: memref<!tpu.dma_semaphore, #tpu.memory_space<semaphore_mem>>, %arg23: memref<!tpu.dma_semaphore, #tpu.memory_space<semaphore_mem>>, %arg24: memref<!tpu.dma_semaphore, #tpu.memory_space<semaphore_mem>>, %arg25: memref<10112x128xf32, #tpu.memory_space<vmem_shared>>) attributes {dimension_semantics = [#tpu.dimension_semantics<core_parallel>, #tpu.dimension_semantics<subcore_parallel>], iteration_bounds = array<i64: 2, 16>, scalar_prefetch = 0 : i64, scratch_operands = 17 : i64, tpu.core_type = #tpu.core_type<sc_vector_subcore>, window_params = [{transform_indices = #map}, {transform_indices = #map}, {transform_indices = #map1}, {transform_indices = #map1}, {transform_indices = #map1}, {transform_indices = #map1}, {transform_indices = #map2}]} {
    %mul3A = arith.constant 16 : i32
    %mul3A_0 = arith.muli %arg0, %mul3A : i32
    %add3A = arith.addi %mul3A_0, %arg1 : i32
    %broadcast_in_dim3A = arith.constant 0.000000e+00 : f32
    %broadcast_in_dim3A_1 = vector.broadcast %broadcast_in_dim3A : f32 to vector<16xf32>
    %scan3A = arith.constant 0 : i32
    %scan3A_2 = arith.constant 0 : i32
    %scan3A_3 = arith.constant 40 : i32
    %scan3A_4 = arith.addi %scan3A_2, %scan3A_3 : i32
    %scan3A_5 = arith.constant 1 : i32
    scf.for %scan3A_140 = %scan3A_2 to %scan3A_4 step %scan3A_5  : i32 {
      %swap3A = arith.index_cast %scan3A_140 : i32 to index
      %swap3A_141 = arith.constant 0 : index
      %swap3A_142 = tpu.vector_load %arg13[%swap3A, %swap3A_141] {strides = array<i32>} : memref<40x128xf32, #tpu.memory_space<vmem>>, vector<1x16xf32>,
      %swap3A_143 = vector.shape_cast %swap3A_142 : vector<1x16xf32> to vector<16xf32>
      %swap3A_144 = vector.shape_cast %broadcast_in_dim3A_1 : vector<16xf32> to vector<1x16xf32>
      tpu.vector_store %arg13[%swap3A, %swap3A_141], %swap3A_144 {strides = array<i32>} : memref<40x128xf32, #tpu.memory_space<vmem>>, vector<1x16xf32>,
      %swap3A_145 = arith.index_cast %scan3A_140 : i32 to index
      %swap3A_146 = arith.constant 16 : index
      %swap3A_147 = tpu.vector_load %arg13[%swap3A_145, %swap3A_146] {strides = array<i32>} : memref<40x128xf32, #tpu.memory_space<vmem>>, vector<1x16xf32>,
      %swap3A_148 = vector.shape_cast %swap3A_147 : vector<1x16xf32> to vector<16xf32>
      %swap3A_149 = vector.shape_cast %broadcast_in_dim3A_1 : vector<16xf32> to vector<1x16xf32>
      tpu.vector_store %arg13[%swap3A_145, %swap3A_146], %swap3A_149 {strides = array<i32>} : memref<40x128xf32, #tpu.memory_space<vmem>>, vector<1x16xf32>,
      %swap3A_150 = arith.index_cast %scan3A_140 : i32 to index
      %swap3A_151 = arith.constant 32 : index
      %swap3A_152 = tpu.vector_load %arg13[%swap3A_150, %swap3A_151] {strides = array<i32>} : memref<40x128xf32, #tpu.memory_space<vmem>>, vector<1x16xf32>,
      %swap3A_153 = vector.shape_cast %swap3A_152 : vector<1x16xf32> to vector<16xf32>
      %swap3A_154 = vector.shape_cast %broadcast_in_dim3A_1 : vector<16xf32> to vector<1x16xf32>
      tpu.vector_store %arg13[%swap3A_150, %swap3A_151], %swap3A_154 {strides = array<i32>} : memref<40x128xf32, #tpu.memory_space<vmem>>, vector<1x16xf32>,
      %swap3A_155 = arith.index_cast %scan3A_140 : i32 to index
      %swap3A_156 = arith.constant 48 : index
      %swap3A_157 = tpu.vector_load %arg13[%swap3A_155, %swap3A_156] {strides = array<i32>} : memref<40x128xf32, #tpu.memory_space<vmem>>, vector<1x16xf32>,
      %swap3A_158 = vector.shape_cast %swap3A_157 : vector<1x16xf32> to vector<16xf32>
      %swap3A_159 = vector.shape_cast %broadcast_in_dim3A_1 : vector<16xf32> to vector<1x16xf32>
      tpu.vector_store %arg13[%swap3A_155, %swap3A_156], %swap3A_159 {strides = array<i32>} : memref<40x128xf32, #tpu.memory_space<vmem>>, vector<1x16xf32>,
      %swap3A_160 = arith.index_cast %scan3A_140 : i32 to index
      %swap3A_161 = arith.constant 64 : index
      %swap3A_162 = tpu.vector_load %arg13[%swap3A_160, %swap3A_161] {strides = array<i32>} : memref<40x128xf32, #tpu.memory_space<vmem>>, vector<1x16xf32>,
      %swap3A_163 = vector.shape_cast %swap3A_162 : vector<1x16xf32> to vector<16xf32>
      %swap3A_164 = vector.shape_cast %broadcast_in_dim3A_1 : vector<16xf32> to vector<1x16xf32>
      tpu.vector_store %arg13[%swap3A_160, %swap3A_161], %swap3A_164 {strides = array<i32>} : memref<40x128xf32, #tpu.memory_space<vmem>>, vector<1x16xf32>,
      %swap3A_165 = arith.index_cast %scan3A_140 : i32 to index
      %swap3A_166 = arith.constant 80 : index
      %swap3A_167 = tpu.vector_load %arg13[%swap3A_165, %swap3A_166] {strides = array<i32>} : memref<40x128xf32, #tpu.memory_space<vmem>>, vector<1x16xf32>,
      %swap3A_168 = vector.shape_cast %swap3A_167 : vector<1x16xf32> to vector<16xf32>
      %swap3A_169 = vector.shape_cast %broadcast_in_dim3A_1 : vector<16xf32> to vector<1x16xf32>
      tpu.vector_store %arg13[%swap3A_165, %swap3A_166], %swap3A_169 {strides = array<i32>} : memref<40x128xf32, #tpu.memory_space<vmem>>, vector<1x16xf32>,
      %swap3A_170 = arith.index_cast %scan3A_140 : i32 to index
      %swap3A_171 = arith.constant 96 : index
      %swap3A_172 = tpu.vector_load %arg13[%swap3A_170, %swap3A_171] {strides = array<i32>} : memref<40x128xf32, #tpu.memory_space<vmem>>, vector<1x16xf32>,
      %swap3A_173 = vector.shape_cast %swap3A_172 : vector<1x16xf32> to vector<16xf32>
      %swap3A_174 = vector.shape_cast %broadcast_in_dim3A_1 : vector<16xf32> to vector<1x16xf32>
      tpu.vector_store %arg13[%swap3A_170, %swap3A_171], %swap3A_174 {strides = array<i32>} : memref<40x128xf32, #tpu.memory_space<vmem>>, vector<1x16xf32>,
      %swap3A_175 = arith.index_cast %scan3A_140 : i32 to index
      %swap3A_176 = arith.constant 112 : index
      %swap3A_177 = tpu.vector_load %arg13[%swap3A_175, %swap3A_176] {strides = array<i32>} : memref<40x128xf32, #tpu.memory_space<vmem>>, vector<1x16xf32>,
      %swap3A_178 = vector.shape_cast %swap3A_177 : vector<1x16xf32> to vector<16xf32>
      %swap3A_179 = vector.shape_cast %broadcast_in_dim3A_1 : vector<16xf32> to vector<1x16xf32>
      tpu.vector_store %arg13[%swap3A_175, %swap3A_176], %swap3A_179 {strides = array<i32>} : memref<40x128xf32, #tpu.memory_space<vmem>>, vector<1x16xf32>,
    }
    %scan3A_6 = arith.constant 40 : i32
    "tpu.region"() ({
      %run_scoped3A = tpu.sem_alloc : memref<!tpu.dma_semaphore, #tpu.memory_space<semaphore_mem>>
      tpu.enqueue_dma source(%arg5 : memref<640xf32, #tpu.memory_space<hbm>>) target(%arg19 : memref<640xf32, #tpu.memory_space<vmem>>) target_semaphore(%run_scoped3A : memref<!tpu.dma_semaphore, #tpu.memory_space<semaphore_mem>>)
      tpu.wait_dma2 semaphore(%run_scoped3A : memref<!tpu.dma_semaphore, #tpu.memory_space<semaphore_mem>>) src(%arg5 : memref<640xf32, #tpu.memory_space<hbm>>) dst(%arg19 : memref<640xf32, #tpu.memory_space<vmem>>)
      tpu.yield
    }) : () -> ()
    %mul3A_7 = arith.constant 632 : i32
    %mul3A_8 = arith.muli %arg1, %mul3A_7 : i32
    %add3A_9 = arith.constant 0 : i32
    %add3A_10 = arith.addi %mul3A_8, %add3A_9 : i32
    "tpu.region"() ({
      %run_scoped3A = tpu.sem_alloc : memref<!tpu.dma_semaphore, #tpu.memory_space<semaphore_mem>>
      %dma_start3A_140 = arith.constant 0 : i32
      %dma_start3A_141 = tpu.memref_slice %arg25[%add3A_10, %dma_start3A_140] : memref<10112x128xf32, #tpu.memory_space<vmem_shared>> -> memref<40x128xf32, #tpu.memory_space<vmem_shared>>
      %dma_start3A_142 = arith.constant 0 : i32
      %dma_start3A_143 = tpu.memref_slice %arg25[%add3A_10, %dma_start3A_142] : memref<10112x128xf32, #tpu.memory_space<vmem_shared>> -> memref<40x128xf32, #tpu.memory_space<vmem_shared>>
      tpu.enqueue_dma source(%arg13 : memref<40x128xf32, #tpu.memory_space<vmem>>) target(%dma_start3A_143 : memref<40x128xf32, #tpu.memory_space<vmem_shared>>) target_semaphore(%run_scoped3A : memref<!tpu.dma_semaphore, #tpu.memory_space<semaphore_mem>>)
      %dma_wait3A_144 = arith.constant 0 : i32
      %dma_wait3A_145 = tpu.memref_slice %arg25[%add3A_10, %dma_wait3A_144] : memref<10112x128xf32, #tpu.memory_space<vmem_shared>> -> memref<40x128xf32, #tpu.memory_space<vmem_shared>>
      %dma_wait3A_146 = arith.constant 0 : i32
      %dma_wait3A_147 = tpu.memref_slice %arg25[%add3A_10, %dma_wait3A_146] : memref<10112x128xf32, #tpu.memory_space<vmem_shared>> -> memref<40x128xf32, #tpu.memory_space<vmem_shared>>
      tpu.wait_dma2 semaphore(%run_scoped3A : memref<!tpu.dma_semaphore, #tpu.memory_space<semaphore_mem>>) src(%arg13 : memref<40x128xf32, #tpu.memory_space<vmem>>) dst(%dma_wait3A_147 : memref<40x128xf32, #tpu.memory_space<vmem_shared>>)
      tpu.yield
    }) : () -> ()
    %mul3A_11 = arith.constant 632 : i32
    %mul3A_12 = arith.muli %arg1, %mul3A_11 : i32
    %add3A_13 = arith.constant 40 : i32
    %add3A_14 = arith.addi %mul3A_12, %add3A_13 : i32
    "tpu.region"() ({
      %run_scoped3A = tpu.sem_alloc : memref<!tpu.dma_semaphore, #tpu.memory_space<semaphore_mem>>
      %dma_start3A_140 = arith.constant 0 : i32
      %dma_start3A_141 = tpu.memref_slice %arg25[%add3A_14, %dma_start3A_140] : memref<10112x128xf32, #tpu.memory_space<vmem_shared>> -> memref<40x128xf32, #tpu.memory_space<vmem_shared>>
      %dma_start3A_142 = arith.constant 0 : i32
      %dma_start3A_143 = tpu.memref_slice %arg25[%add3A_14, %dma_start3A_142] : memref<10112x128xf32, #tpu.memory_space<vmem_shared>> -> memref<40x128xf32, #tpu.memory_space<vmem_shared>>
      tpu.enqueue_dma source(%arg13 : memref<40x128xf32, #tpu.memory_space<vmem>>) target(%dma_start3A_143 : memref<40x128xf32, #tpu.memory_space<vmem_shared>>) target_semaphore(%run_scoped3A : memref<!tpu.dma_semaphore, #tpu.memory_space<semaphore_mem>>)
      %dma_wait3A_144 = arith.constant 0 : i32
      %dma_wait3A_145 = tpu.memref_slice %arg25[%add3A_14, %dma_wait3A_144] : memref<10112x128xf32, #tpu.memory_space<vmem_shared>> -> memref<40x128xf32, #tpu.memory_space<vmem_shared>>
      %dma_wait3A_146 = arith.constant 0 : i32
      %dma_wait3A_147 = tpu.memref_slice %arg25[%add3A_14, %dma_wait3A_146] : memref<10112x128xf32, #tpu.memory_space<vmem_shared>> -> memref<40x128xf32, #tpu.memory_space<vmem_shared>>
      tpu.wait_dma2 semaphore(%run_scoped3A : memref<!tpu.dma_semaphore, #tpu.memory_space<semaphore_mem>>) src(%arg13 : memref<40x128xf32, #tpu.memory_space<vmem>>) dst(%dma_wait3A_147 : memref<40x128xf32, #tpu.memory_space<vmem_shared>>)
      tpu.yield
    }) : () -> ()
    %mul3A_15 = arith.constant 632 : i32
    %mul3A_16 = arith.muli %arg1, %mul3A_15 : i32
    %add3A_17 = arith.constant 80 : i32
    %add3A_18 = arith.addi %mul3A_16, %add3A_17 : i32
    "tpu.region"() ({
      %run_scoped3A = tpu.sem_alloc : memref<!tpu.dma_semaphore, #tpu.memory_space<semaphore_mem>>
      %dma_start3A_140 = arith.constant 0 : i32
      %dma_start3A_141 = tpu.memref_slice %arg25[%add3A_18, %dma_start3A_140] : memref<10112x128xf32, #tpu.memory_space<vmem_shared>> -> memref<40x128xf32, #tpu.memory_space<vmem_shared>>
      %dma_start3A_142 = arith.constant 0 : i32
      %dma_start3A_143 = tpu.memref_slice %arg25[%add3A_18, %dma_start3A_142] : memref<10112x128xf32, #tpu.memory_space<vmem_shared>> -> memref<40x128xf32, #tpu.memory_space<vmem_shared>>
      tpu.enqueue_dma source(%arg13 : memref<40x128xf32, #tpu.memory_space<vmem>>) target(%dma_start3A_143 : memref<40x128xf32, #tpu.memory_space<vmem_shared>>) target_semaphore(%run_scoped3A : memref<!tpu.dma_semaphore, #tpu.memory_space<semaphore_mem>>)
      %dma_wait3A_144 = arith.constant 0 : i32
      %dma_wait3A_145 = tpu.memref_slice %arg25[%add3A_18, %dma_wait3A_144] : memref<10112x128xf32, #tpu.memory_space<vmem_shared>> -> memref<40x128xf32, #tpu.memory_space<vmem_shared>>
      %dma_wait3A_146 = arith.constant 0 : i32
      %dma_wait3A_147 = tpu.memref_slice %arg25[%add3A_18, %dma_wait3A_146] : memref<10112x128xf32, #tpu.memory_space<vmem_shared>> -> memref<40x128xf32, #tpu.memory_space<vmem_shared>>
      tpu.wait_dma2 semaphore(%run_scoped3A : memref<!tpu.dma_semaphore, #tpu.memory_space<semaphore_mem>>) src(%arg13 : memref<40x128xf32, #tpu.memory_space<vmem>>) dst(%dma_wait3A_147 : memref<40x128xf32, #tpu.memory_space<vmem_shared>>)
      tpu.yield
    }) : () -> ()
    %mul3A_19 = arith.constant 632 : i32
    %mul3A_20 = arith.muli %arg1, %mul3A_19 : i32
    %add3A_21 = arith.constant 120 : i32
    %add3A_22 = arith.addi %mul3A_20, %add3A_21 : i32
    "tpu.region"() ({
      %run_scoped3A = tpu.sem_alloc : memref<!tpu.dma_semaphore, #tpu.memory_space<semaphore_mem>>
      %dma_start3A_140 = arith.constant 0 : i32
      %dma_start3A_141 = tpu.memref_slice %arg25[%add3A_22, %dma_start3A_140] : memref<10112x128xf32, #tpu.memory_space<vmem_shared>> -> memref<40x128xf32, #tpu.memory_space<vmem_shared>>
      %dma_start3A_142 = arith.constant 0 : i32
      %dma_start3A_143 = tpu.memref_slice %arg25[%add3A_22, %dma_start3A_142] : memref<10112x128xf32, #tpu.memory_space<vmem_shared>> -> memref<40x128xf32, #tpu.memory_space<vmem_shared>>
      tpu.enqueue_dma source(%arg13 : memref<40x128xf32, #tpu.memory_space<vmem>>) target(%dma_start3A_143 : memref<40x128xf32, #tpu.memory_space<vmem_shared>>) target_semaphore(%run_scoped3A : memref<!tpu.dma_semaphore, #tpu.memory_space<semaphore_mem>>)
      %dma_wait3A_144 = arith.constant 0 : i32
      %dma_wait3A_145 = tpu.memref_slice %arg25[%add3A_22, %dma_wait3A_144] : memref<10112x128xf32, #tpu.memory_space<vmem_shared>> -> memref<40x128xf32, #tpu.memory_space<vmem_shared>>
      %dma_wait3A_146 = arith.constant 0 : i32
      %dma_wait3A_147 = tpu.memref_slice %arg25[%add3A_22, %dma_wait3A_146] : memref<10112x128xf32, #tpu.memory_space<vmem_shared>> -> memref<40x128xf32, #tpu.memory_space<vmem_shared>>
      tpu.wait_dma2 semaphore(%run_scoped3A : memref<!tpu.dma_semaphore, #tpu.memory_space<semaphore_mem>>) src(%arg13 : memref<40x128xf32, #tpu.memory_space<vmem>>) dst(%dma_wait3A_147 : memref<40x128xf32, #tpu.memory_space<vmem_shared>>)
      tpu.yield
    }) : () -> ()
    %mul3A_23 = arith.constant 632 : i32
    %mul3A_24 = arith.muli %arg1, %mul3A_23 : i32
    %add3A_25 = arith.constant 160 : i32
    %add3A_26 = arith.addi %mul3A_24, %add3A_25 : i32
    "tpu.region"() ({
      %run_scoped3A = tpu.sem_alloc : memref<!tpu.dma_semaphore, #tpu.memory_space<semaphore_mem>>
      %dma_start3A_140 = arith.constant 0 : i32
      %dma_start3A_141 = tpu.memref_slice %arg25[%add3A_26, %dma_start3A_140] : memref<10112x128xf32, #tpu.memory_space<vmem_shared>> -> memref<40x128xf32, #tpu.memory_space<vmem_shared>>
      %dma_start3A_142 = arith.constant 0 : i32
      %dma_start3A_143 = tpu.memref_slice %arg25[%add3A_26, %dma_start3A_142] : memref<10112x128xf32, #tpu.memory_space<vmem_shared>> -> memref<40x128xf32, #tpu.memory_space<vmem_shared>>
      tpu.enqueue_dma source(%arg13 : memref<40x128xf32, #tpu.memory_space<vmem>>) target(%dma_start3A_143 : memref<40x128xf32, #tpu.memory_space<vmem_shared>>) target_semaphore(%run_scoped3A : memref<!tpu.dma_semaphore, #tpu.memory_space<semaphore_mem>>)
      %dma_wait3A_144 = arith.constant 0 : i32
      %dma_wait3A_145 = tpu.memref_slice %arg25[%add3A_26, %dma_wait3A_144] : memref<10112x128xf32, #tpu.memory_space<vmem_shared>> -> memref<40x128xf32, #tpu.memory_space<vmem_shared>>
      %dma_wait3A_146 = arith.constant 0 : i32
      %dma_wait3A_147 = tpu.memref_slice %arg25[%add3A_26, %dma_wait3A_146] : memref<10112x128xf32, #tpu.memory_space<vmem_shared>> -> memref<40x128xf32, #tpu.memory_space<vmem_shared>>
      tpu.wait_dma2 semaphore(%run_scoped3A : memref<!tpu.dma_semaphore, #tpu.memory_space<semaphore_mem>>) src(%arg13 : memref<40x128xf32, #tpu.memory_space<vmem>>) dst(%dma_wait3A_147 : memref<40x128xf32, #tpu.memory_space<vmem_shared>>)
      tpu.yield
    }) : () -> ()
    %mul3A_27 = arith.constant 632 : i32
    %mul3A_28 = arith.muli %arg1, %mul3A_27 : i32
    %add3A_29 = arith.constant 200 : i32
    %add3A_30 = arith.addi %mul3A_28, %add3A_29 : i32
    "tpu.region"() ({
      %run_scoped3A = tpu.sem_alloc : memref<!tpu.dma_semaphore, #tpu.memory_space<semaphore_mem>>
      %dma_start3A_140 = arith.constant 0 : i32
      %dma_start3A_141 = tpu.memref_slice %arg25[%add3A_30, %dma_start3A_140] : memref<10112x128xf32, #tpu.memory_space<vmem_shared>> -> memref<40x128xf32, #tpu.memory_space<vmem_shared>>
      %dma_start3A_142 = arith.constant 0 : i32
      %dma_start3A_143 = tpu.memref_slice %arg25[%add3A_30, %dma_start3A_142] : memref<10112x128xf32, #tpu.memory_space<vmem_shared>> -> memref<40x128xf32, #tpu.memory_space<vmem_shared>>
      tpu.enqueue_dma source(%arg13 : memref<40x128xf32, #tpu.memory_space<vmem>>) target(%dma_start3A_143 : memref<40x128xf32, #tpu.memory_space<vmem_shared>>) target_semaphore(%run_scoped3A : memref<!tpu.dma_semaphore, #tpu.memory_space<semaphore_mem>>)
      %dma_wait3A_144 = arith.constant 0 : i32
      %dma_wait3A_145 = tpu.memref_slice %arg25[%add3A_30, %dma_wait3A_144] : memref<10112x128xf32, #tpu.memory_space<vmem_shared>> -> memref<40x128xf32, #tpu.memory_space<vmem_shared>>
      %dma_wait3A_146 = arith.constant 0 : i32
      %dma_wait3A_147 = tpu.memref_slice %arg25[%add3A_30, %dma_wait3A_146] : memref<10112x128xf32, #tpu.memory_space<vmem_shared>> -> memref<40x128xf32, #tpu.memory_space<vmem_shared>>
      tpu.wait_dma2 semaphore(%run_scoped3A : memref<!tpu.dma_semaphore, #tpu.memory_space<semaphore_mem>>) src(%arg13 : memref<40x128xf32, #tpu.memory_space<vmem>>) dst(%dma_wait3A_147 : memref<40x128xf32, #tpu.memory_space<vmem_shared>>)
      tpu.yield
    }) : () -> ()
    %mul3A_31 = arith.constant 632 : i32
    %mul3A_32 = arith.muli %arg1, %mul3A_31 : i32
    %add3A_33 = arith.constant 240 : i32
    %add3A_34 = arith.addi %mul3A_32, %add3A_33 : i32
    "tpu.region"() ({
      %run_scoped3A = tpu.sem_alloc : memref<!tpu.dma_semaphore, #tpu.memory_space<semaphore_mem>>
      %dma_start3A_140 = arith.constant 0 : i32
      %dma_start3A_141 = tpu.memref_slice %arg25[%add3A_34, %dma_start3A_140] : memref<10112x128xf32, #tpu.memory_space<vmem_shared>> -> memref<40x128xf32, #tpu.memory_space<vmem_shared>>
      %dma_start3A_142 = arith.constant 0 : i32
      %dma_start3A_143 = tpu.memref_slice %arg25[%add3A_34, %dma_start3A_142] : memref<10112x128xf32, #tpu.memory_space<vmem_shared>> -> memref<40x128xf32, #tpu.memory_space<vmem_shared>>
      tpu.enqueue_dma source(%arg13 : memref<40x128xf32, #tpu.memory_space<vmem>>) target(%dma_start3A_143 : memref<40x128xf32, #tpu.memory_space<vmem_shared>>) target_semaphore(%run_scoped3A : memref<!tpu.dma_semaphore, #tpu.memory_space<semaphore_mem>>)
      %dma_wait3A_144 = arith.constant 0 : i32
      %dma_wait3A_145 = tpu.memref_slice %arg25[%add3A_34, %dma_wait3A_144] : memref<10112x128xf32, #tpu.memory_space<vmem_shared>> -> memref<40x128xf32, #tpu.memory_space<vmem_shared>>
      %dma_wait3A_146 = arith.constant 0 : i32
      %dma_wait3A_147 = tpu.memref_slice %arg25[%add3A_34, %dma_wait3A_146] : memref<10112x128xf32, #tpu.memory_space<vmem_shared>> -> memref<40x128xf32, #tpu.memory_space<vmem_shared>>
      tpu.wait_dma2 semaphore(%run_scoped3A : memref<!tpu.dma_semaphore, #tpu.memory_space<semaphore_mem>>) src(%arg13 : memref<40x128xf32, #tpu.memory_space<vmem>>) dst(%dma_wait3A_147 : memref<40x128xf32, #tpu.memory_space<vmem_shared>>)
      tpu.yield
    }) : () -> ()
    %mul3A_35 = arith.constant 632 : i32
    %mul3A_36 = arith.muli %arg1, %mul3A_35 : i32
    %add3A_37 = arith.constant 280 : i32
    %add3A_38 = arith.addi %mul3A_36, %add3A_37 : i32
    "tpu.region"() ({
      %run_scoped3A = tpu.sem_alloc : memref<!tpu.dma_semaphore, #tpu.memory_space<semaphore_mem>>
      %dma_start3A_140 = arith.constant 0 : i32
      %dma_start3A_141 = tpu.memref_slice %arg25[%add3A_38, %dma_start3A_140] : memref<10112x128xf32, #tpu.memory_space<vmem_shared>> -> memref<40x128xf32, #tpu.memory_space<vmem_shared>>
      %dma_start3A_142 = arith.constant 0 : i32
      %dma_start3A_143 = tpu.memref_slice %arg25[%add3A_38, %dma_start3A_142] : memref<10112x128xf32, #tpu.memory_space<vmem_shared>> -> memref<40x128xf32, #tpu.memory_space<vmem_shared>>
      tpu.enqueue_dma source(%arg13 : memref<40x128xf32, #tpu.memory_space<vmem>>) target(%dma_start3A_143 : memref<40x128xf32, #tpu.memory_space<vmem_shared>>) target_semaphore(%run_scoped3A : memref<!tpu.dma_semaphore, #tpu.memory_space<semaphore_mem>>)
      %dma_wait3A_144 = arith.constant 0 : i32
      %dma_wait3A_145 = tpu.memref_slice %arg25[%add3A_38, %dma_wait3A_144] : memref<10112x128xf32, #tpu.memory_space<vmem_shared>> -> memref<40x128xf32, #tpu.memory_space<vmem_shared>>
      %dma_wait3A_146 = arith.constant 0 : i32
      %dma_wait3A_147 = tpu.memref_slice %arg25[%add3A_38, %dma_wait3A_146] : memref<10112x128xf32, #tpu.memory_space<vmem_shared>> -> memref<40x128xf32, #tpu.memory_space<vmem_shared>>
      tpu.wait_dma2 semaphore(%run_scoped3A : memref<!tpu.dma_semaphore, #tpu.memory_space<semaphore_mem>>) src(%arg13 : memref<40x128xf32, #tpu.memory_space<vmem>>) dst(%dma_wait3A_147 : memref<40x128xf32, #tpu.memory_space<vmem_shared>>)
      tpu.yield
    }) : () -> ()
    %mul3A_39 = arith.constant 632 : i32
    %mul3A_40 = arith.muli %arg1, %mul3A_39 : i32
    %add3A_41 = arith.constant 320 : i32
    %add3A_42 = arith.addi %mul3A_40, %add3A_41 : i32
    "tpu.region"() ({
      %run_scoped3A = tpu.sem_alloc : memref<!tpu.dma_semaphore, #tpu.memory_space<semaphore_mem>>
      %dma_start3A_140 = arith.constant 0 : i32
      %dma_start3A_141 = tpu.memref_slice %arg25[%add3A_42, %dma_start3A_140] : memref<10112x128xf32, #tpu.memory_space<vmem_shared>> -> memref<40x128xf32, #tpu.memory_space<vmem_shared>>
      %dma_start3A_142 = arith.constant 0 : i32
      %dma_start3A_143 = tpu.memref_slice %arg25[%add3A_42, %dma_start3A_142] : memref<10112x128xf32, #tpu.memory_space<vmem_shared>> -> memref<40x128xf32, #tpu.memory_space<vmem_shared>>
      tpu.enqueue_dma source(%arg13 : memref<40x128xf32, #tpu.memory_space<vmem>>) target(%dma_start3A_143 : memref<40x128xf32, #tpu.memory_space<vmem_shared>>) target_semaphore(%run_scoped3A : memref<!tpu.dma_semaphore, #tpu.memory_space<semaphore_mem>>)
      %dma_wait3A_144 = arith.constant 0 : i32
      %dma_wait3A_145 = tpu.memref_slice %arg25[%add3A_42, %dma_wait3A_144] : memref<10112x128xf32, #tpu.memory_space<vmem_shared>> -> memref<40x128xf32, #tpu.memory_space<vmem_shared>>
      %dma_wait3A_146 = arith.constant 0 : i32
      %dma_wait3A_147 = tpu.memref_slice %arg25[%add3A_42, %dma_wait3A_146] : memref<10112x128xf32, #tpu.memory_space<vmem_shared>> -> memref<40x128xf32, #tpu.memory_space<vmem_shared>>
      tpu.wait_dma2 semaphore(%run_scoped3A : memref<!tpu.dma_semaphore, #tpu.memory_space<semaphore_mem>>) src(%arg13 : memref<40x128xf32, #tpu.memory_space<vmem>>) dst(%dma_wait3A_147 : memref<40x128xf32, #tpu.memory_space<vmem_shared>>)
      tpu.yield
    }) : () -> ()
    %mul3A_43 = arith.constant 632 : i32
    %mul3A_44 = arith.muli %arg1, %mul3A_43 : i32
    %add3A_45 = arith.constant 360 : i32
    %add3A_46 = arith.addi %mul3A_44, %add3A_45 : i32
    "tpu.region"() ({
      %run_scoped3A = tpu.sem_alloc : memref<!tpu.dma_semaphore, #tpu.memory_space<semaphore_mem>>
      %dma_start3A_140 = arith.constant 0 : i32
      %dma_start3A_141 = tpu.memref_slice %arg25[%add3A_46, %dma_start3A_140] : memref<10112x128xf32, #tpu.memory_space<vmem_shared>> -> memref<40x128xf32, #tpu.memory_space<vmem_shared>>
      %dma_start3A_142 = arith.constant 0 : i32
      %dma_start3A_143 = tpu.memref_slice %arg25[%add3A_46, %dma_start3A_142] : memref<10112x128xf32, #tpu.memory_space<vmem_shared>> -> memref<40x128xf32, #tpu.memory_space<vmem_shared>>
      tpu.enqueue_dma source(%arg13 : memref<40x128xf32, #tpu.memory_space<vmem>>) target(%dma_start3A_143 : memref<40x128xf32, #tpu.memory_space<vmem_shared>>) target_semaphore(%run_scoped3A : memref<!tpu.dma_semaphore, #tpu.memory_space<semaphore_mem>>)
      %dma_wait3A_144 = arith.constant 0 : i32
      %dma_wait3A_145 = tpu.memref_slice %arg25[%add3A_46, %dma_wait3A_144] : memref<10112x128xf32, #tpu.memory_space<vmem_shared>> -> memref<40x128xf32, #tpu.memory_space<vmem_shared>>
      %dma_wait3A_146 = arith.constant 0 : i32
      %dma_wait3A_147 = tpu.memref_slice %arg25[%add3A_46, %dma_wait3A_146] : memref<10112x128xf32, #tpu.memory_space<vmem_shared>> -> memref<40x128xf32, #tpu.memory_space<vmem_shared>>
      tpu.wait_dma2 semaphore(%run_scoped3A : memref<!tpu.dma_semaphore, #tpu.memory_space<semaphore_mem>>) src(%arg13 : memref<40x128xf32, #tpu.memory_space<vmem>>) dst(%dma_wait3A_147 : memref<40x128xf32, #tpu.memory_space<vmem_shared>>)
      tpu.yield
    }) : () -> ()
    %mul3A_47 = arith.constant 632 : i32
    %mul3A_48 = arith.muli %arg1, %mul3A_47 : i32
    %add3A_49 = arith.constant 400 : i32
    %add3A_50 = arith.addi %mul3A_48, %add3A_49 : i32
    "tpu.region"() ({
      %run_scoped3A = tpu.sem_alloc : memref<!tpu.dma_semaphore, #tpu.memory_space<semaphore_mem>>
      %dma_start3A_140 = arith.constant 0 : i32
      %dma_start3A_141 = tpu.memref_slice %arg25[%add3A_50, %dma_start3A_140] : memref<10112x128xf32, #tpu.memory_space<vmem_shared>> -> memref<40x128xf32, #tpu.memory_space<vmem_shared>>
      %dma_start3A_142 = arith.constant 0 : i32
      %dma_start3A_143 = tpu.memref_slice %arg25[%add3A_50, %dma_start3A_142] : memref<10112x128xf32, #tpu.memory_space<vmem_shared>> -> memref<40x128xf32, #tpu.memory_space<vmem_shared>>
      tpu.enqueue_dma source(%arg13 : memref<40x128xf32, #tpu.memory_space<vmem>>) target(%dma_start3A_143 : memref<40x128xf32, #tpu.memory_space<vmem_shared>>) target_semaphore(%run_scoped3A : memref<!tpu.dma_semaphore, #tpu.memory_space<semaphore_mem>>)
      %dma_wait3A_144 = arith.constant 0 : i32
      %dma_wait3A_145 = tpu.memref_slice %arg25[%add3A_50, %dma_wait3A_144] : memref<10112x128xf32, #tpu.memory_space<vmem_shared>> -> memref<40x128xf32, #tpu.memory_space<vmem_shared>>
      %dma_wait3A_146 = arith.constant 0 : i32
      %dma_wait3A_147 = tpu.memref_slice %arg25[%add3A_50, %dma_wait3A_146] : memref<10112x128xf32, #tpu.memory_space<vmem_shared>> -> memref<40x128xf32, #tpu.memory_space<vmem_shared>>
      tpu.wait_dma2 semaphore(%run_scoped3A : memref<!tpu.dma_semaphore, #tpu.memory_space<semaphore_mem>>) src(%arg13 : memref<40x128xf32, #tpu.memory_space<vmem>>) dst(%dma_wait3A_147 : memref<40x128xf32, #tpu.memory_space<vmem_shared>>)
      tpu.yield
    }) : () -> ()
    %mul3A_51 = arith.constant 632 : i32
    %mul3A_52 = arith.muli %arg1, %mul3A_51 : i32
    %add3A_53 = arith.constant 440 : i32
    %add3A_54 = arith.addi %mul3A_52, %add3A_53 : i32
    "tpu.region"() ({
      %run_scoped3A = tpu.sem_alloc : memref<!tpu.dma_semaphore, #tpu.memory_space<semaphore_mem>>
      %dma_start3A_140 = arith.constant 0 : i32
      %dma_start3A_141 = tpu.memref_slice %arg25[%add3A_54, %dma_start3A_140] : memref<10112x128xf32, #tpu.memory_space<vmem_shared>> -> memref<40x128xf32, #tpu.memory_space<vmem_shared>>
      %dma_start3A_142 = arith.constant 0 : i32
      %dma_start3A_143 = tpu.memref_slice %arg25[%add3A_54, %dma_start3A_142] : memref<10112x128xf32, #tpu.memory_space<vmem_shared>> -> memref<40x128xf32, #tpu.memory_space<vmem_shared>>
      tpu.enqueue_dma source(%arg13 : memref<40x128xf32, #tpu.memory_space<vmem>>) target(%dma_start3A_143 : memref<40x128xf32, #tpu.memory_space<vmem_shared>>) target_semaphore(%run_scoped3A : memref<!tpu.dma_semaphore, #tpu.memory_space<semaphore_mem>>)
      %dma_wait3A_144 = arith.constant 0 : i32
      %dma_wait3A_145 = tpu.memref_slice %arg25[%add3A_54, %dma_wait3A_144] : memref<10112x128xf32, #tpu.memory_space<vmem_shared>> -> memref<40x128xf32, #tpu.memory_space<vmem_shared>>
      %dma_wait3A_146 = arith.constant 0 : i32
      %dma_wait3A_147 = tpu.memref_slice %arg25[%add3A_54, %dma_wait3A_146] : memref<10112x128xf32, #tpu.memory_space<vmem_shared>> -> memref<40x128xf32, #tpu.memory_space<vmem_shared>>
      tpu.wait_dma2 semaphore(%run_scoped3A : memref<!tpu.dma_semaphore, #tpu.memory_space<semaphore_mem>>) src(%arg13 : memref<40x128xf32, #tpu.memory_space<vmem>>) dst(%dma_wait3A_147 : memref<40x128xf32, #tpu.memory_space<vmem_shared>>)
      tpu.yield
    }) : () -> ()
    %mul3A_55 = arith.constant 632 : i32
    %mul3A_56 = arith.muli %arg1, %mul3A_55 : i32
    %add3A_57 = arith.constant 480 : i32
    %add3A_58 = arith.addi %mul3A_56, %add3A_57 : i32
    "tpu.region"() ({
      %run_scoped3A = tpu.sem_alloc : memref<!tpu.dma_semaphore, #tpu.memory_space<semaphore_mem>>
      %dma_start3A_140 = arith.constant 0 : i32
      %dma_start3A_141 = tpu.memref_slice %arg25[%add3A_58, %dma_start3A_140] : memref<10112x128xf32, #tpu.memory_space<vmem_shared>> -> memref<40x128xf32, #tpu.memory_space<vmem_shared>>
      %dma_start3A_142 = arith.constant 0 : i32
      %dma_start3A_143 = tpu.memref_slice %arg25[%add3A_58, %dma_start3A_142] : memref<10112x128xf32, #tpu.memory_space<vmem_shared>> -> memref<40x128xf32, #tpu.memory_space<vmem_shared>>
      tpu.enqueue_dma source(%arg13 : memref<40x128xf32, #tpu.memory_space<vmem>>) target(%dma_start3A_143 : memref<40x128xf32, #tpu.memory_space<vmem_shared>>) target_semaphore(%run_scoped3A : memref<!tpu.dma_semaphore, #tpu.memory_space<semaphore_mem>>)
      %dma_wait3A_144 = arith.constant 0 : i32
      %dma_wait3A_145 = tpu.memref_slice %arg25[%add3A_58, %dma_wait3A_144] : memref<10112x128xf32, #tpu.memory_space<vmem_shared>> -> memref<40x128xf32, #tpu.memory_space<vmem_shared>>
      %dma_wait3A_146 = arith.constant 0 : i32
      %dma_wait3A_147 = tpu.memref_slice %arg25[%add3A_58, %dma_wait3A_146] : memref<10112x128xf32, #tpu.memory_space<vmem_shared>> -> memref<40x128xf32, #tpu.memory_space<vmem_shared>>
      tpu.wait_dma2 semaphore(%run_scoped3A : memref<!tpu.dma_semaphore, #tpu.memory_space<semaphore_mem>>) src(%arg13 : memref<40x128xf32, #tpu.memory_space<vmem>>) dst(%dma_wait3A_147 : memref<40x128xf32, #tpu.memory_space<vmem_shared>>)
      tpu.yield
    }) : () -> ()
    %mul3A_59 = arith.constant 632 : i32
    %mul3A_60 = arith.muli %arg1, %mul3A_59 : i32
    %add3A_61 = arith.constant 520 : i32
    %add3A_62 = arith.addi %mul3A_60, %add3A_61 : i32
    "tpu.region"() ({
      %run_scoped3A = tpu.sem_alloc : memref<!tpu.dma_semaphore, #tpu.memory_space<semaphore_mem>>
      %dma_start3A_140 = arith.constant 0 : i32
      %dma_start3A_141 = tpu.memref_slice %arg25[%add3A_62, %dma_start3A_140] : memref<10112x128xf32, #tpu.memory_space<vmem_shared>> -> memref<40x128xf32, #tpu.memory_space<vmem_shared>>
      %dma_start3A_142 = arith.constant 0 : i32
      %dma_start3A_143 = tpu.memref_slice %arg25[%add3A_62, %dma_start3A_142] : memref<10112x128xf32, #tpu.memory_space<vmem_shared>> -> memref<40x128xf32, #tpu.memory_space<vmem_shared>>
      tpu.enqueue_dma source(%arg13 : memref<40x128xf32, #tpu.memory_space<vmem>>) target(%dma_start3A_143 : memref<40x128xf32, #tpu.memory_space<vmem_shared>>) target_semaphore(%run_scoped3A : memref<!tpu.dma_semaphore, #tpu.memory_space<semaphore_mem>>)
      %dma_wait3A_144 = arith.constant 0 : i32
      %dma_wait3A_145 = tpu.memref_slice %arg25[%add3A_62, %dma_wait3A_144] : memref<10112x128xf32, #tpu.memory_space<vmem_shared>> -> memref<40x128xf32, #tpu.memory_space<vmem_shared>>
      %dma_wait3A_146 = arith.constant 0 : i32
      %dma_wait3A_147 = tpu.memref_slice %arg25[%add3A_62, %dma_wait3A_146] : memref<10112x128xf32, #tpu.memory_space<vmem_shared>> -> memref<40x128xf32, #tpu.memory_space<vmem_shared>>
      tpu.wait_dma2 semaphore(%run_scoped3A : memref<!tpu.dma_semaphore, #tpu.memory_space<semaphore_mem>>) src(%arg13 : memref<40x128xf32, #tpu.memory_space<vmem>>) dst(%dma_wait3A_147 : memref<40x128xf32, #tpu.memory_space<vmem_shared>>)
      tpu.yield
    }) : () -> ()
    %mul3A_63 = arith.constant 632 : i32
    %mul3A_64 = arith.muli %arg1, %mul3A_63 : i32
    %add3A_65 = arith.constant 560 : i32
    %add3A_66 = arith.addi %mul3A_64, %add3A_65 : i32
    "tpu.region"() ({
      %run_scoped3A = tpu.sem_alloc : memref<!tpu.dma_semaphore, #tpu.memory_space<semaphore_mem>>
      %dma_start3A_140 = arith.constant 0 : i32
      %dma_start3A_141 = tpu.memref_slice %arg25[%add3A_66, %dma_start3A_140] : memref<10112x128xf32, #tpu.memory_space<vmem_shared>> -> memref<40x128xf32, #tpu.memory_space<vmem_shared>>
      %dma_start3A_142 = arith.constant 0 : i32
      %dma_start3A_143 = tpu.memref_slice %arg25[%add3A_66, %dma_start3A_142] : memref<10112x128xf32, #tpu.memory_space<vmem_shared>> -> memref<40x128xf32, #tpu.memory_space<vmem_shared>>
      tpu.enqueue_dma source(%arg13 : memref<40x128xf32, #tpu.memory_space<vmem>>) target(%dma_start3A_143 : memref<40x128xf32, #tpu.memory_space<vmem_shared>>) target_semaphore(%run_scoped3A : memref<!tpu.dma_semaphore, #tpu.memory_space<semaphore_mem>>)
      %dma_wait3A_144 = arith.constant 0 : i32
      %dma_wait3A_145 = tpu.memref_slice %arg25[%add3A_66, %dma_wait3A_144] : memref<10112x128xf32, #tpu.memory_space<vmem_shared>> -> memref<40x128xf32, #tpu.memory_space<vmem_shared>>
      %dma_wait3A_146 = arith.constant 0 : i32
      %dma_wait3A_147 = tpu.memref_slice %arg25[%add3A_66, %dma_wait3A_146] : memref<10112x128xf32, #tpu.memory_space<vmem_shared>> -> memref<40x128xf32, #tpu.memory_space<vmem_shared>>
      tpu.wait_dma2 semaphore(%run_scoped3A : memref<!tpu.dma_semaphore, #tpu.memory_space<semaphore_mem>>) src(%arg13 : memref<40x128xf32, #tpu.memory_space<vmem>>) dst(%dma_wait3A_147 : memref<40x128xf32, #tpu.memory_space<vmem_shared>>)
      tpu.yield
    }) : () -> ()
    %mul3A_67 = arith.constant 632 : i32
    %mul3A_68 = arith.muli %arg1, %mul3A_67 : i32
    %add3A_69 = arith.constant 600 : i32
    %add3A_70 = arith.addi %mul3A_68, %add3A_69 : i32
    "tpu.region"() ({
      %run_scoped3A = tpu.sem_alloc : memref<!tpu.dma_semaphore, #tpu.memory_space<semaphore_mem>>
      %dma_start3A_140 = arith.constant 0 : i32
      %dma_start3A_141 = arith.constant 0 : i32
      %dma_start3A_142 = tpu.memref_slice %arg13[%dma_start3A_140, %dma_start3A_141] : memref<40x128xf32, #tpu.memory_space<vmem>> -> memref<32x128xf32, #tpu.memory_space<vmem>>
      %dma_start3A_143 = arith.constant 0 : i32
      %dma_start3A_144 = tpu.memref_slice %arg25[%add3A_70, %dma_start3A_143] : memref<10112x128xf32, #tpu.memory_space<vmem_shared>> -> memref<32x128xf32, #tpu.memory_space<vmem_shared>>
      %dma_start3A_145 = arith.constant 0 : i32
      %dma_start3A_146 = tpu.memref_slice %arg25[%add3A_70, %dma_start3A_145] : memref<10112x128xf32, #tpu.memory_space<vmem_shared>> -> memref<32x128xf32, #tpu.memory_space<vmem_shared>>
      %dma_start3A_147 = arith.constant 0 : i32
      %dma_start3A_148 = arith.constant 0 : i32
      %dma_start3A_149 = tpu.memref_slice %arg13[%dma_start3A_147, %dma_start3A_148] : memref<40x128xf32, #tpu.memory_space<vmem>> -> memref<32x128xf32, #tpu.memory_space<vmem>>
      tpu.enqueue_dma source(%dma_start3A_149 : memref<32x128xf32, #tpu.memory_space<vmem>>) target(%dma_start3A_146 : memref<32x128xf32, #tpu.memory_space<vmem_shared>>) target_semaphore(%run_scoped3A : memref<!tpu.dma_semaphore, #tpu.memory_space<semaphore_mem>>)
      %dma_wait3A_150 = arith.constant 0 : i32
      %dma_wait3A_151 = arith.constant 0 : i32
      %dma_wait3A_152 = tpu.memref_slice %arg13[%dma_wait3A_150, %dma_wait3A_151] : memref<40x128xf32, #tpu.memory_space<vmem>> -> memref<32x128xf32, #tpu.memory_space<vmem>>
      %dma_wait3A_153 = arith.constant 0 : i32
      %dma_wait3A_154 = tpu.memref_slice %arg25[%add3A_70, %dma_wait3A_153] : memref<10112x128xf32, #tpu.memory_space<vmem_shared>> -> memref<32x128xf32, #tpu.memory_space<vmem_shared>>
      %dma_wait3A_155 = arith.constant 0 : i32
      %dma_wait3A_156 = tpu.memref_slice %arg25[%add3A_70, %dma_wait3A_155] : memref<10112x128xf32, #tpu.memory_space<vmem_shared>> -> memref<32x128xf32, #tpu.memory_space<vmem_shared>>
      %dma_wait3A_157 = arith.constant 0 : i32
      %dma_wait3A_158 = arith.constant 0 : i32
      %dma_wait3A_159 = tpu.memref_slice %arg13[%dma_wait3A_157, %dma_wait3A_158] : memref<40x128xf32, #tpu.memory_space<vmem>> -> memref<32x128xf32, #tpu.memory_space<vmem>>
      tpu.wait_dma2 semaphore(%run_scoped3A : memref<!tpu.dma_semaphore, #tpu.memory_space<semaphore_mem>>) src(%dma_wait3A_159 : memref<32x128xf32, #tpu.memory_space<vmem>>) dst(%dma_wait3A_156 : memref<32x128xf32, #tpu.memory_space<vmem_shared>>)
      tpu.yield
    }) : () -> ()
    %barrier3A = arith.constant 0 : index
    tpu.barrier barrier_id(%barrier3A)
    %mul3A_71 = arith.constant 10000 : i32
    %mul3A_72 = arith.muli %add3A, %mul3A_71 : i32
    %broadcast_in_dim3A_73 = arith.constant 0 : i32
    %broadcast_in_dim3A_74 = vector.broadcast %broadcast_in_dim3A_73 : i32 to vector<16xi32>
    %broadcast_in_dim3A_75 = arith.constant 1 : i32
    %broadcast_in_dim3A_76 = vector.broadcast %broadcast_in_dim3A_75 : i32 to vector<16xi32>
    %broadcast_in_dim3A_77 = arith.constant 2 : i32
    %broadcast_in_dim3A_78 = vector.broadcast %broadcast_in_dim3A_77 : i32 to vector<16xi32>
    %broadcast_in_dim3A_79 = arith.constant 3 : i32
    %broadcast_in_dim3A_80 = vector.broadcast %broadcast_in_dim3A_79 : i32 to vector<16xi32>
    "tpu.region"() ({
      %run_scoped3A = tpu.sem_alloc : memref<!tpu.dma_semaphore, #tpu.memory_space<semaphore_mem>>
      %dma_start3A_140 = tpu.memref_slice %arg6[%mul3A_72] : memref<320000xi32, #tpu.memory_space<hbm>> -> memref<40xi32, #tpu.memory_space<hbm>>
      %dma_start3A_141 = tpu.memref_slice %arg6[%mul3A_72] : memref<320000xi32, #tpu.memory_space<hbm>> -> memref<40xi32, #tpu.memory_space<hbm>>
      tpu.enqueue_dma source(%dma_start3A_141 : memref<40xi32, #tpu.memory_space<hbm>>) target(%arg9 : memref<40xi32, #tpu.memory_space<vmem>>) target_semaphore(%run_scoped3A : memref<!tpu.dma_semaphore, #tpu.memory_space<semaphore_mem>>)
      %dma_wait3A_142 = tpu.memref_slice %arg6[%mul3A_72] : memref<320000xi32, #tpu.memory_space<hbm>> -> memref<40xi32, #tpu.memory_space<hbm>>
      %dma_wait3A_143 = tpu.memref_slice %arg6[%mul3A_72] : memref<320000xi32, #tpu.memory_space<hbm>> -> memref<40xi32, #tpu.memory_space<hbm>>
      tpu.wait_dma2 semaphore(%run_scoped3A : memref<!tpu.dma_semaphore, #tpu.memory_space<semaphore_mem>>) src(%dma_wait3A_143 : memref<40xi32, #tpu.memory_space<hbm>>) dst(%arg9 : memref<40xi32, #tpu.memory_space<vmem>>)
      tpu.yield
    }) : () -> ()
    "tpu.region"() ({
      %run_scoped3A = tpu.sem_alloc : memref<!tpu.dma_semaphore, #tpu.memory_space<semaphore_mem>>
      %dma_start3A_140 = tpu.memref_slice %arg7[%mul3A_72] : memref<320000xi32, #tpu.memory_space<hbm>> -> memref<40xi32, #tpu.memory_space<hbm>>
      %dma_start3A_141 = tpu.memref_slice %arg7[%mul3A_72] : memref<320000xi32, #tpu.memory_space<hbm>> -> memref<40xi32, #tpu.memory_space<hbm>>
      tpu.enqueue_dma source(%dma_start3A_141 : memref<40xi32, #tpu.memory_space<hbm>>) target(%arg11 : memref<40xi32, #tpu.memory_space<vmem>>) target_semaphore(%run_scoped3A : memref<!tpu.dma_semaphore, #tpu.memory_space<semaphore_mem>>)
      %dma_wait3A_142 = tpu.memref_slice %arg7[%mul3A_72] : memref<320000xi32, #tpu.memory_space<hbm>> -> memref<40xi32, #tpu.memory_space<hbm>>
      %dma_wait3A_143 = tpu.memref_slice %arg7[%mul3A_72] : memref<320000xi32, #tpu.memory_space<hbm>> -> memref<40xi32, #tpu.memory_space<hbm>>
      tpu.wait_dma2 semaphore(%run_scoped3A : memref<!tpu.dma_semaphore, #tpu.memory_space<semaphore_mem>>) src(%dma_wait3A_143 : memref<40xi32, #tpu.memory_space<hbm>>) dst(%arg11 : memref<40xi32, #tpu.memory_space<vmem>>)
      tpu.yield
    }) : () -> ()
    %add3A_81 = arith.constant 0 : i32
    %add3A_82 = arith.addi %mul3A_72, %add3A_81 : i32
    %dma_start3A = arith.constant 0 : i32
    %dma_start3A_83 = arith.constant 0 : i32
    %dma_start3A_84 = tpu.memref_slice %arg2[%dma_start3A, %dma_start3A_83] : memref<10000x128xf32, #tpu.memory_space<hbm>> -> memref<10000x128xf32, #tpu.memory_space<hbm>>
    tpu.enqueue_indirect_dma source(%dma_start3A_84 : memref<10000x128xf32, #tpu.memory_space<hbm>>) target(%arg13 : memref<40x128xf32, #tpu.memory_space<vmem>>) offsets(%arg9 : memref<40xi32, #tpu.memory_space<vmem>>) semaphore(%arg23 : memref<!tpu.dma_semaphore, #tpu.memory_space<semaphore_mem>>)
    %dma_start3A_85 = arith.constant 0 : i32
    %dma_start3A_86 = arith.constant 0 : i32
    %dma_start3A_87 = tpu.memref_slice %arg3[%dma_start3A_85, %dma_start3A_86] : memref<10000x128xf32, #tpu.memory_space<hbm>> -> memref<10000x128xf32, #tpu.memory_space<hbm>>
    tpu.enqueue_indirect_dma source(%dma_start3A_87 : memref<10000x128xf32, #tpu.memory_space<hbm>>) target(%arg15 : memref<40x128xf32, #tpu.memory_space<vmem>>) offsets(%arg11 : memref<40xi32, #tpu.memory_space<vmem>>) semaphore(%arg23 : memref<!tpu.dma_semaphore, #tpu.memory_space<semaphore_mem>>)
    %mul3A_88 = arith.constant 4 : i32
    %mul3A_89 = arith.muli %mul3A_88, %add3A_82 : i32
    %dma_start3A_90 = arith.constant 0 : i32
    %dma_start3A_91 = tpu.memref_slice %arg17[%dma_start3A_90] : memref<176xf32, #tpu.memory_space<vmem>> -> memref<160xf32, #tpu.memory_space<vmem>>
    %dma_start3A_92 = tpu.memref_slice %arg4[%mul3A_89] : memref<1280000xf32, #tpu.memory_space<hbm>> -> memref<160xf32, #tpu.memory_space<hbm>>
    %dma_start3A_93 = arith.constant 0 : i32
    %dma_start3A_94 = tpu.memref_slice %arg17[%dma_start3A_93] : memref<176xf32, #tpu.memory_space<vmem>> -> memref<160xf32, #tpu.memory_space<vmem>>
    %dma_start3A_95 = tpu.memref_slice %arg4[%mul3A_89] : memref<1280000xf32, #tpu.memory_space<hbm>> -> memref<160xf32, #tpu.memory_space<hbm>>
    tpu.enqueue_dma source(%dma_start3A_95 : memref<160xf32, #tpu.memory_space<hbm>>) target(%dma_start3A_94 : memref<160xf32, #tpu.memory_space<vmem>>) target_semaphore(%arg23 : memref<!tpu.dma_semaphore, #tpu.memory_space<semaphore_mem>>)
    %add3A_96 = arith.constant 40 : i32
    %add3A_97 = arith.addi %mul3A_72, %add3A_96 : i32
    %dma_start3A_98 = tpu.memref_slice %arg6[%add3A_97] : memref<320000xi32, #tpu.memory_space<hbm>> -> memref<40xi32, #tpu.memory_space<hbm>>
    %dma_start3A_99 = tpu.memref_slice %arg6[%add3A_97] : memref<320000xi32, #tpu.memory_space<hbm>> -> memref<40xi32, #tpu.memory_space<hbm>>
    tpu.enqueue_dma source(%dma_start3A_99 : memref<40xi32, #tpu.memory_space<hbm>>) target(%arg10 : memref<40xi32, #tpu.memory_space<vmem>>) target_semaphore(%arg22 : memref<!tpu.dma_semaphore, #tpu.memory_space<semaphore_mem>>)
    %dma_start3A_100 = tpu.memref_slice %arg7[%add3A_97] : memref<320000xi32, #tpu.memory_space<hbm>> -> memref<40xi32, #tpu.memory_space<hbm>>
    %dma_start3A_101 = tpu.memref_slice %arg7[%add3A_97] : memref<320000xi32, #tpu.memory_space<hbm>> -> memref<40xi32, #tpu.memory_space<hbm>>
    tpu.enqueue_dma source(%dma_start3A_101 : memref<40xi32, #tpu.memory_space<hbm>>) target(%arg12 : memref<40xi32, #tpu.memory_space<vmem>>) target_semaphore(%arg22 : memref<!tpu.dma_semaphore, #tpu.memory_space<semaphore_mem>>)
    %scan3A_102 = arith.constant 0 : i32
    %scan3A_103 = arith.constant 0 : i32
    %scan3A_104 = arith.constant 125 : i32
    %scan3A_105 = arith.addi %scan3A_103, %scan3A_104 : i32
    %scan3A_106 = arith.constant 1 : i32
    scf.for %scan3A_140 = %scan3A_103 to %scan3A_105 step %scan3A_106  : i32 {
      %mul3A_141 = arith.constant 2 : i32
      %mul3A_142 = arith.muli %mul3A_141, %scan3A_140 : i32
      %add3A_143 = arith.constant 1 : i32
      %add3A_144 = arith.addi %mul3A_142, %add3A_143 : i32
      %mul3A_145 = arith.constant 2 : i32
      %mul3A_146 = arith.muli %mul3A_145, %scan3A_140 : i32
      %add3A_147 = arith.constant 2 : i32
      %add3A_148 = arith.addi %mul3A_146, %add3A_147 : i32
      %min3A = arith.constant 249 : i32
      %min3A_149 = arith.minsi %add3A_148, %min3A : i32
      %mul3A_150 = arith.constant 2 : i32
      %mul3A_151 = arith.muli %mul3A_150, %scan3A_140 : i32
      %add3A_152 = arith.constant 3 : i32
      %add3A_153 = arith.addi %mul3A_151, %add3A_152 : i32
      %min3A_154 = arith.constant 249 : i32
      %min3A_155 = arith.minsi %add3A_153, %min3A_154 : i32
      %dma_wait3A_156 = arith.constant 0 : i32
      %dma_wait3A_157 = tpu.memref_slice %arg6[%dma_wait3A_156] : memref<320000xi32, #tpu.memory_space<hbm>> -> memref<40xi32, #tpu.memory_space<hbm>>
      %dma_wait3A_158 = arith.constant 0 : i32
      %dma_wait3A_159 = tpu.memref_slice %arg6[%dma_wait3A_158] : memref<320000xi32, #tpu.memory_space<hbm>> -> memref<40xi32, #tpu.memory_space<hbm>>
      tpu.wait_dma2 semaphore(%arg22 : memref<!tpu.dma_semaphore, #tpu.memory_space<semaphore_mem>>) src(%dma_wait3A_159 : memref<40xi32, #tpu.memory_space<hbm>>) dst(%arg10 : memref<40xi32, #tpu.memory_space<vmem>>)
      %dma_wait3A_160 = arith.constant 0 : i32
      %dma_wait3A_161 = tpu.memref_slice %arg7[%dma_wait3A_160] : memref<320000xi32, #tpu.memory_space<hbm>> -> memref<40xi32, #tpu.memory_space<hbm>>
      %dma_wait3A_162 = arith.constant 0 : i32
      %dma_wait3A_163 = tpu.memref_slice %arg7[%dma_wait3A_162] : memref<320000xi32, #tpu.memory_space<hbm>> -> memref<40xi32, #tpu.memory_space<hbm>>
      tpu.wait_dma2 semaphore(%arg22 : memref<!tpu.dma_semaphore, #tpu.memory_space<semaphore_mem>>) src(%dma_wait3A_163 : memref<40xi32, #tpu.memory_space<hbm>>) dst(%arg12 : memref<40xi32, #tpu.memory_space<vmem>>)
      %mul3A_164 = arith.constant 40 : i32
      %mul3A_165 = arith.muli %add3A_144, %mul3A_164 : i32
      %add3A_166 = arith.addi %mul3A_72, %mul3A_165 : i32
      %dma_start3A_167 = arith.constant 0 : i32
      %dma_start3A_168 = arith.constant 0 : i32
      %dma_start3A_169 = tpu.memref_slice %arg2[%dma_start3A_167, %dma_start3A_168] : memref<10000x128xf32, #tpu.memory_space<hbm>> -> memref<10000x128xf32, #tpu.memory_space<hbm>>
      tpu.enqueue_indirect_dma source(%dma_start3A_169 : memref<10000x128xf32, #tpu.memory_space<hbm>>) target(%arg14 : memref<40x128xf32, #tpu.memory_space<vmem>>) offsets(%arg10 : memref<40xi32, #tpu.memory_space<vmem>>) semaphore(%arg24 : memref<!tpu.dma_semaphore, #tpu.memory_space<semaphore_mem>>)
      %dma_start3A_170 = arith.constant 0 : i32
      %dma_start3A_171 = arith.constant 0 : i32
      %dma_start3A_172 = tpu.memref_slice %arg3[%dma_start3A_170, %dma_start3A_171] : memref<10000x128xf32, #tpu.memory_space<hbm>> -> memref<10000x128xf32, #tpu.memory_space<hbm>>
      tpu.enqueue_indirect_dma source(%dma_start3A_172 : memref<10000x128xf32, #tpu.memory_space<hbm>>) target(%arg16 : memref<40x128xf32, #tpu.memory_space<vmem>>) offsets(%arg12 : memref<40xi32, #tpu.memory_space<vmem>>) semaphore(%arg24 : memref<!tpu.dma_semaphore, #tpu.memory_space<semaphore_mem>>)
      %mul3A_173 = arith.constant 4 : i32
      %mul3A_174 = arith.muli %mul3A_173, %add3A_166 : i32
      %dma_start3A_175 = arith.constant 0 : i32
      %dma_start3A_176 = tpu.memref_slice %arg18[%dma_start3A_175] : memref<176xf32, #tpu.memory_space<vmem>> -> memref<160xf32, #tpu.memory_space<vmem>>
      %dma_start3A_177 = tpu.memref_slice %arg4[%mul3A_174] : memref<1280000xf32, #tpu.memory_space<hbm>> -> memref<160xf32, #tpu.memory_space<hbm>>
      %dma_start3A_178 = arith.constant 0 : i32
      %dma_start3A_179 = tpu.memref_slice %arg18[%dma_start3A_178] : memref<176xf32, #tpu.memory_space<vmem>> -> memref<160xf32, #tpu.memory_space<vmem>>
      %dma_start3A_180 = tpu.memref_slice %arg4[%mul3A_174] : memref<1280000xf32, #tpu.memory_space<hbm>> -> memref<160xf32, #tpu.memory_space<hbm>>
      tpu.enqueue_dma source(%dma_start3A_180 : memref<160xf32, #tpu.memory_space<hbm>>) target(%dma_start3A_179 : memref<160xf32, #tpu.memory_space<vmem>>) target_semaphore(%arg24 : memref<!tpu.dma_semaphore, #tpu.memory_space<semaphore_mem>>)
      %dma_wait3A_181 = arith.constant 0 : i32
      %dma_wait3A_182 = arith.constant 0 : i32
      %dma_wait3A_183 = tpu.memref_slice %arg2[%dma_wait3A_181, %dma_wait3A_182] : memref<10000x128xf32, #tpu.memory_space<hbm>> -> memref<40x128xf32, #tpu.memory_space<hbm>>
      %dma_wait3A_184 = arith.constant 0 : i32
      %dma_wait3A_185 = arith.constant 0 : i32
      %dma_wait3A_186 = tpu.memref_slice %arg2[%dma_wait3A_184, %dma_wait3A_185] : memref<10000x128xf32, #tpu.memory_space<hbm>> -> memref<40x128xf32, #tpu.memory_space<hbm>>
      tpu.wait_dma2 semaphore(%arg23 : memref<!tpu.dma_semaphore, #tpu.memory_space<semaphore_mem>>) src(%dma_wait3A_186 : memref<40x128xf32, #tpu.memory_space<hbm>>) dst(%arg13 : memref<40x128xf32, #tpu.memory_space<vmem>>)
      %dma_wait3A_187 = arith.constant 0 : i32
      %dma_wait3A_188 = arith.constant 0 : i32
      %dma_wait3A_189 = tpu.memref_slice %arg2[%dma_wait3A_187, %dma_wait3A_188] : memref<10000x128xf32, #tpu.memory_space<hbm>> -> memref<40x128xf32, #tpu.memory_space<hbm>>
      %dma_wait3A_190 = arith.constant 0 : i32
      %dma_wait3A_191 = arith.constant 0 : i32
      %dma_wait3A_192 = tpu.memref_slice %arg2[%dma_wait3A_190, %dma_wait3A_191] : memref<10000x128xf32, #tpu.memory_space<hbm>> -> memref<40x128xf32, #tpu.memory_space<hbm>>
      tpu.wait_dma2 semaphore(%arg23 : memref<!tpu.dma_semaphore, #tpu.memory_space<semaphore_mem>>) src(%dma_wait3A_192 : memref<40x128xf32, #tpu.memory_space<hbm>>) dst(%arg15 : memref<40x128xf32, #tpu.memory_space<vmem>>)
      %dma_wait3A_193 = arith.constant 0 : i32
      %dma_wait3A_194 = tpu.memref_slice %arg17[%dma_wait3A_193] : memref<176xf32, #tpu.memory_space<vmem>> -> memref<160xf32, #tpu.memory_space<vmem>>
      %dma_wait3A_195 = arith.constant 0 : i32
      %dma_wait3A_196 = tpu.memref_slice %arg4[%dma_wait3A_195] : memref<1280000xf32, #tpu.memory_space<hbm>> -> memref<160xf32, #tpu.memory_space<hbm>>
      %dma_wait3A_197 = arith.constant 0 : i32
      %dma_wait3A_198 = tpu.memref_slice %arg17[%dma_wait3A_197] : memref<176xf32, #tpu.memory_space<vmem>> -> memref<160xf32, #tpu.memory_space<vmem>>
      %dma_wait3A_199 = arith.constant 0 : i32
      %dma_wait3A_200 = tpu.memref_slice %arg4[%dma_wait3A_199] : memref<1280000xf32, #tpu.memory_space<hbm>> -> memref<160xf32, #tpu.memory_space<hbm>>
      tpu.wait_dma2 semaphore(%arg23 : memref<!tpu.dma_semaphore, #tpu.memory_space<semaphore_mem>>) src(%dma_wait3A_200 : memref<160xf32, #tpu.memory_space<hbm>>) dst(%dma_wait3A_198 : memref<160xf32, #tpu.memory_space<vmem>>)
      %get3A = arith.constant 0 : index
      %get3A_201 = tpu.vector_load %arg19[%get3A] {strides = array<i32>} : memref<640xf32, #tpu.memory_space<vmem>>, vector<16xf32>,
      %get3A_202 = vector.shape_cast %get3A_201 : vector<16xf32> to vector<16xf32>
      %get3A_203 = arith.constant 16 : index
      %get3A_204 = tpu.vector_load %arg19[%get3A_203] {strides = array<i32>} : memref<640xf32, #tpu.memory_space<vmem>>, vector<16xf32>,
      %get3A_205 = vector.shape_cast %get3A_204 : vector<16xf32> to vector<16xf32>
      %get3A_206 = arith.constant 32 : index
      %get3A_207 = tpu.vector_load %arg19[%get3A_206] {strides = array<i32>} : memref<640xf32, #tpu.memory_space<vmem>>, vector<16xf32>,
      %get3A_208 = vector.shape_cast %get3A_207 : vector<16xf32> to vector<16xf32>
      %get3A_209 = arith.constant 48 : index
      %get3A_210 = tpu.vector_load %arg19[%get3A_209] {strides = array<i32>} : memref<640xf32, #tpu.memory_space<vmem>>, vector<16xf32>,
      %get3A_211 = vector.shape_cast %get3A_210 : vector<16xf32> to vector<16xf32>
      %get3A_212 = arith.constant 64 : index
      %get3A_213 = tpu.vector_load %arg19[%get3A_212] {strides = array<i32>} : memref<640xf32, #tpu.memory_space<vmem>>, vector<16xf32>,
      %get3A_214 = vector.shape_cast %get3A_213 : vector<16xf32> to vector<16xf32>
      %get3A_215 = arith.constant 80 : index
      %get3A_216 = tpu.vector_load %arg19[%get3A_215] {strides = array<i32>} : memref<640xf32, #tpu.memory_space<vmem>>, vector<16xf32>,
      %get3A_217 = vector.shape_cast %get3A_216 : vector<16xf32> to vector<16xf32>
      %get3A_218 = arith.constant 96 : index
      %get3A_219 = tpu.vector_load %arg19[%get3A_218] {strides = array<i32>} : memref<640xf32, #tpu.memory_space<vmem>>, vector<16xf32>,
      %get3A_220 = vector.shape_cast %get3A_219 : vector<16xf32> to vector<16xf32>
      %get3A_221 = arith.constant 112 : index
      %get3A_222 = tpu.vector_load %arg19[%get3A_221] {strides = array<i32>} : memref<640xf32, #tpu.memory_space<vmem>>, vector<16xf32>,
      %get3A_223 = vector.shape_cast %get3A_222 : vector<16xf32> to vector<16xf32>
      %get3A_224 = arith.constant 128 : index
      %get3A_225 = tpu.vector_load %arg19[%get3A_224] {strides = array<i32>} : memref<640xf32, #tpu.memory_space<vmem>>, vector<16xf32>,
      %get3A_226 = vector.shape_cast %get3A_225 : vector<16xf32> to vector<16xf32>
      %get3A_227 = arith.constant 144 : index
      %get3A_228 = tpu.vector_load %arg19[%get3A_227] {strides = array<i32>} : memref<640xf32, #tpu.memory_space<vmem>>, vector<16xf32>,
      %get3A_229 = vector.shape_cast %get3A_228 : vector<16xf32> to vector<16xf32>
      %get3A_230 = arith.constant 160 : index
      %get3A_231 = tpu.vector_load %arg19[%get3A_230] {strides = array<i32>} : memref<640xf32, #tpu.memory_space<vmem>>, vector<16xf32>,
      %get3A_232 = vector.shape_cast %get3A_231 : vector<16xf32> to vector<16xf32>
      %get3A_233 = arith.constant 176 : index
      %get3A_234 = tpu.vector_load %arg19[%get3A_233] {strides = array<i32>} : memref<640xf32, #tpu.memory_space<vmem>>, vector<16xf32>,
      %get3A_235 = vector.shape_cast %get3A_234 : vector<16xf32> to vector<16xf32>
      %get3A_236 = arith.constant 192 : index
      %get3A_237 = tpu.vector_load %arg19[%get3A_236] {strides = array<i32>} : memref<640xf32, #tpu.memory_space<vmem>>, vector<16xf32>,
      %get3A_238 = vector.shape_cast %get3A_237 : vector<16xf32> to vector<16xf32>
      %get3A_239 = arith.constant 208 : index
      %get3A_240 = tpu.vector_load %arg19[%get3A_239] {strides = array<i32>} : memref<640xf32, #tpu.memory_space<vmem>>, vector<16xf32>,
      %get3A_241 = vector.shape_cast %get3A_240 : vector<16xf32> to vector<16xf32>
      %get3A_242 = arith.constant 224 : index
      %get3A_243 = tpu.vector_load %arg19[%get3A_242] {strides = array<i32>} : memref<640xf32, #tpu.memory_space<vmem>>, vector<16xf32>,
      %get3A_244 = vector.shape_cast %get3A_243 : vector<16xf32> to vector<16xf32>
      %get3A_245 = arith.constant 240 : index
      %get3A_246 = tpu.vector_load %arg19[%get3A_245] {strides = array<i32>} : memref<640xf32, #tpu.memory_space<vmem>>, vector<16xf32>,
      %get3A_247 = vector.shape_cast %get3A_246 : vector<16xf32> to vector<16xf32>
      %get3A_248 = arith.constant 256 : index
      %get3A_249 = tpu.vector_load %arg19[%get3A_248] {strides = array<i32>} : memref<640xf32, #tpu.memory_space<vmem>>, vector<16xf32>,
      %get3A_250 = vector.shape_cast %get3A_249 : vector<16xf32> to vector<16xf32>
      %get3A_251 = arith.constant 272 : index
      %get3A_252 = tpu.vector_load %arg19[%get3A_251] {strides = array<i32>} : memref<640xf32, #tpu.memory_space<vmem>>, vector<16xf32>,
      %get3A_253 = vector.shape_cast %get3A_252 : vector<16xf32> to vector<16xf32>
      %get3A_254 = arith.constant 288 : index
      %get3A_255 = tpu.vector_load %arg19[%get3A_254] {strides = array<i32>} : memref<640xf32, #tpu.memory_space<vmem>>, vector<16xf32>,
      %get3A_256 = vector.shape_cast %get3A_255 : vector<16xf32> to vector<16xf32>
      %get3A_257 = arith.constant 304 : index
      %get3A_258 = tpu.vector_load %arg19[%get3A_257] {strides = array<i32>} : memref<640xf32, #tpu.memory_space<vmem>>, vector<16xf32>,
      %get3A_259 = vector.shape_cast %get3A_258 : vector<16xf32> to vector<16xf32>
      %get3A_260 = arith.constant 320 : index
      %get3A_261 = tpu.vector_load %arg19[%get3A_260] {strides = array<i32>} : memref<640xf32, #tpu.memory_space<vmem>>, vector<16xf32>,
      %get3A_262 = vector.shape_cast %get3A_261 : vector<16xf32> to vector<16xf32>
      %get3A_263 = arith.constant 336 : index
      %get3A_264 = tpu.vector_load %arg19[%get3A_263] {strides = array<i32>} : memref<640xf32, #tpu.memory_space<vmem>>, vector<16xf32>,
      %get3A_265 = vector.shape_cast %get3A_264 : vector<16xf32> to vector<16xf32>
      %get3A_266 = arith.constant 352 : index
      %get3A_267 = tpu.vector_load %arg19[%get3A_266] {strides = array<i32>} : memref<640xf32, #tpu.memory_space<vmem>>, vector<16xf32>,
      %get3A_268 = vector.shape_cast %get3A_267 : vector<16xf32> to vector<16xf32>
      %get3A_269 = arith.constant 368 : index
      %get3A_270 = tpu.vector_load %arg19[%get3A_269] {strides = array<i32>} : memref<640xf32, #tpu.memory_space<vmem>>, vector<16xf32>,
      %get3A_271 = vector.shape_cast %get3A_270 : vector<16xf32> to vector<16xf32>
      %get3A_272 = arith.constant 384 : index
      %get3A_273 = tpu.vector_load %arg19[%get3A_272] {strides = array<i32>} : memref<640xf32, #tpu.memory_space<vmem>>, vector<16xf32>,
      %get3A_274 = vector.shape_cast %get3A_273 : vector<16xf32> to vector<16xf32>
      %get3A_275 = arith.constant 400 : index
      %get3A_276 = tpu.vector_load %arg19[%get3A_275] {strides = array<i32>} : memref<640xf32, #tpu.memory_space<vmem>>, vector<16xf32>,
      %get3A_277 = vector.shape_cast %get3A_276 : vector<16xf32> to vector<16xf32>
      %get3A_278 = arith.constant 416 : index
      %get3A_279 = tpu.vector_load %arg19[%get3A_278] {strides = array<i32>} : memref<640xf32, #tpu.memory_space<vmem>>, vector<16xf32>,
      %get3A_280 = vector.shape_cast %get3A_279 : vector<16xf32> to vector<16xf32>
      %get3A_281 = arith.constant 432 : index
      %get3A_282 = tpu.vector_load %arg19[%get3A_281] {strides = array<i32>} : memref<640xf32, #tpu.memory_space<vmem>>, vector<16xf32>,
      %get3A_283 = vector.shape_cast %get3A_282 : vector<16xf32> to vector<16xf32>
      %get3A_284 = arith.constant 448 : index
      %get3A_285 = tpu.vector_load %arg19[%get3A_284] {strides = array<i32>} : memref<640xf32, #tpu.memory_space<vmem>>, vector<16xf32>,
      %get3A_286 = vector.shape_cast %get3A_285 : vector<16xf32> to vector<16xf32>
      %get3A_287 = arith.constant 464 : index
      %get3A_288 = tpu.vector_load %arg19[%get3A_287] {strides = array<i32>} : memref<640xf32, #tpu.memory_space<vmem>>, vector<16xf32>,
      %get3A_289 = vector.shape_cast %get3A_288 : vector<16xf32> to vector<16xf32>
      %get3A_290 = arith.constant 480 : index
      %get3A_291 = tpu.vector_load %arg19[%get3A_290] {strides = array<i32>} : memref<640xf32, #tpu.memory_space<vmem>>, vector<16xf32>,
      %get3A_292 = vector.shape_cast %get3A_291 : vector<16xf32> to vector<16xf32>
      %get3A_293 = arith.constant 496 : index
      %get3A_294 = tpu.vector_load %arg19[%get3A_293] {strides = array<i32>} : memref<640xf32, #tpu.memory_space<vmem>>, vector<16xf32>,
      %get3A_295 = vector.shape_cast %get3A_294 : vector<16xf32> to vector<16xf32>
      %get3A_296 = arith.constant 512 : index
      %get3A_297 = tpu.vector_load %arg19[%get3A_296] {strides = array<i32>} : memref<640xf32, #tpu.memory_space<vmem>>, vector<16xf32>,
      %get3A_298 = vector.shape_cast %get3A_297 : vector<16xf32> to vector<16xf32>
      %get3A_299 = arith.constant 528 : index
      %get3A_300 = tpu.vector_load %arg19[%get3A_299] {strides = array<i32>} : memref<640xf32, #tpu.memory_space<vmem>>, vector<16xf32>,
      %get3A_301 = vector.shape_cast %get3A_300 : vector<16xf32> to vector<16xf32>
      %get3A_302 = arith.constant 544 : index
      %get3A_303 = tpu.vector_load %arg19[%get3A_302] {strides = array<i32>} : memref<640xf32, #tpu.memory_space<vmem>>, vector<16xf32>,
      %get3A_304 = vector.shape_cast %get3A_303 : vector<16xf32> to vector<16xf32>
      %get3A_305 = arith.constant 560 : index
      %get3A_306 = tpu.vector_load %arg19[%get3A_305] {strides = array<i32>} : memref<640xf32, #tpu.memory_space<vmem>>, vector<16xf32>,
      %get3A_307 = vector.shape_cast %get3A_306 : vector<16xf32> to vector<16xf32>
      %get3A_308 = arith.constant 576 : index
      %get3A_309 = tpu.vector_load %arg19[%get3A_308] {strides = array<i32>} : memref<640xf32, #tpu.memory_space<vmem>>, vector<16xf32>,
      %get3A_310 = vector.shape_cast %get3A_309 : vector<16xf32> to vector<16xf32>
      %get3A_311 = arith.constant 592 : index
      %get3A_312 = tpu.vector_load %arg19[%get3A_311] {strides = array<i32>} : memref<640xf32, #tpu.memory_space<vmem>>, vector<16xf32>,
      %get3A_313 = vector.shape_cast %get3A_312 : vector<16xf32> to vector<16xf32>
      %get3A_314 = arith.constant 608 : index
      %get3A_315 = tpu.vector_load %arg19[%get3A_314] {strides = array<i32>} : memref<640xf32, #tpu.memory_space<vmem>>, vector<16xf32>,
      %get3A_316 = vector.shape_cast %get3A_315 : vector<16xf32> to vector<16xf32>
      %get3A_317 = arith.constant 624 : index
      %get3A_318 = tpu.vector_load %arg19[%get3A_317] {strides = array<i32>} : memref<640xf32, #tpu.memory_space<vmem>>, vector<16xf32>,
      %get3A_319 = vector.shape_cast %get3A_318 : vector<16xf32> to vector<16xf32>
      %scan3A_320 = arith.constant 0 : i32
      %scan3A_321 = arith.constant 0 : i32
      %scan3A_322 = arith.constant 20 : i32
      %scan3A_323 = arith.addi %scan3A_321, %scan3A_322 : i32
      %scan3A_324 = arith.constant 1 : i32
      scf.for %scan3A_511 = %scan3A_321 to %scan3A_323 step %scan3A_324  : i32 {
        %mul3A_512 = arith.constant 2 : i32
        %mul3A_513 = arith.muli %mul3A_512, %scan3A_511 : i32
        %mul3A_514 = arith.constant 4 : i32
        %mul3A_515 = arith.muli %mul3A_514, %mul3A_513 : i32
        %get3A_516 = arith.index_cast %mul3A_515 : i32 to index
        %get3A_517 = tpu.vector_load %arg17[%get3A_516] {strides = array<i32>} : memref<176xf32, #tpu.memory_space<vmem>>, vector<16xf32>,
        %get3A_518 = vector.shape_cast %get3A_517 : vector<16xf32> to vector<16xf32>
        %mul3A_519 = arith.constant 4 : i32
        %mul3A_520 = arith.muli %mul3A_519, %mul3A_513 : i32
        %add3A_521 = arith.constant 4 : i32
        %add3A_522 = arith.addi %mul3A_520, %add3A_521 : i32
        %get3A_523 = arith.index_cast %add3A_522 : i32 to index
        %get3A_524 = tpu.vector_load %arg17[%get3A_523] {strides = array<i32>} : memref<176xf32, #tpu.memory_space<vmem>>, vector<16xf32>,
        %get3A_525 = vector.shape_cast %get3A_524 : vector<16xf32> to vector<16xf32>
        %lt3A = arith.constant 0 : i32
        %lt3A_526 = vector.broadcast %lt3A : i32 to vector<16xi32>
        %lt3A_527 = arith.cmpi slt, %broadcast_in_dim3A_74, %lt3A_526 : vector<16xi32>
        %add3A_528 = arith.constant 16 : i32
        %add3A_529 = vector.broadcast %add3A_528 : i32 to vector<16xi32>
        %add3A_530 = arith.addi %broadcast_in_dim3A_74, %add3A_529 : vector<16xi32>
        %select_n3A = arith.select %lt3A_527, %add3A_530, %broadcast_in_dim3A_74 : vector<16xi1>, vector<16xi32>
        %broadcast_in_dim3A_531 = vector.shape_cast %select_n3A : vector<16xi32> to vector<16x1xi32>
        %gather3A = vector.shape_cast %broadcast_in_dim3A_531 : vector<16x1xi32> to vector<16xi32>
        %gather3A_532 = tpu.dynamic_gather %get3A_518[%gather3A] in [0] : vector<16xf32>, vector<16xi32> -> vector<16xf32>
        %lt3A_533 = arith.constant 0 : i32
        %lt3A_534 = vector.broadcast %lt3A_533 : i32 to vector<16xi32>
        %lt3A_535 = arith.cmpi slt, %broadcast_in_dim3A_76, %lt3A_534 : vector<16xi32>
        %add3A_536 = arith.constant 16 : i32
        %add3A_537 = vector.broadcast %add3A_536 : i32 to vector<16xi32>
        %add3A_538 = arith.addi %broadcast_in_dim3A_76, %add3A_537 : vector<16xi32>
        %select_n3A_539 = arith.select %lt3A_535, %add3A_538, %broadcast_in_dim3A_76 : vector<16xi1>, vector<16xi32>
        %broadcast_in_dim3A_540 = vector.shape_cast %select_n3A_539 : vector<16xi32> to vector<16x1xi32>
        %gather3A_541 = vector.shape_cast %broadcast_in_dim3A_540 : vector<16x1xi32> to vector<16xi32>
        %gather3A_542 = tpu.dynamic_gather %get3A_518[%gather3A_541] in [0] : vector<16xf32>, vector<16xi32> -> vector<16xf32>
        %lt3A_543 = arith.constant 0 : i32
        %lt3A_544 = vector.broadcast %lt3A_543 : i32 to vector<16xi32>
        %lt3A_545 = arith.cmpi slt, %broadcast_in_dim3A_78, %lt3A_544 : vector<16xi32>
        %add3A_546 = arith.constant 16 : i32
        %add3A_547 = vector.broadcast %add3A_546 : i32 to vector<16xi32>
        %add3A_548 = arith.addi %broadcast_in_dim3A_78, %add3A_547 : vector<16xi32>
        %select_n3A_549 = arith.select %lt3A_545, %add3A_548, %broadcast_in_dim3A_78 : vector<16xi1>, vector<16xi32>
        %broadcast_in_dim3A_550 = vector.shape_cast %select_n3A_549 : vector<16xi32> to vector<16x1xi32>
        %gather3A_551 = vector.shape_cast %broadcast_in_dim3A_550 : vector<16x1xi32> to vector<16xi32>
        %gather3A_552 = tpu.dynamic_gather %get3A_518[%gather3A_551] in [0] : vector<16xf32>, vector<16xi32> -> vector<16xf32>
        %lt3A_553 = arith.constant 0 : i32
        %lt3A_554 = vector.broadcast %lt3A_553 : i32 to vector<16xi32>
        %lt3A_555 = arith.cmpi slt, %broadcast_in_dim3A_80, %lt3A_554 : vector<16xi32>
        %add3A_556 = arith.constant 16 : i32
        %add3A_557 = vector.broadcast %add3A_556 : i32 to vector<16xi32>
        %add3A_558 = arith.addi %broadcast_in_dim3A_80, %add3A_557 : vector<16xi32>
        %select_n3A_559 = arith.select %lt3A_555, %add3A_558, %broadcast_in_dim3A_80 : vector<16xi1>, vector<16xi32>
        %broadcast_in_dim3A_560 = vector.shape_cast %select_n3A_559 : vector<16xi32> to vector<16x1xi32>
        %gather3A_561 = vector.shape_cast %broadcast_in_dim3A_560 : vector<16x1xi32> to vector<16xi32>
        %gather3A_562 = tpu.dynamic_gather %get3A_518[%gather3A_561] in [0] : vector<16xf32>, vector<16xi32> -> vector<16xf32>
        %lt3A_563 = arith.constant 0 : i32
        %lt3A_564 = vector.broadcast %lt3A_563 : i32 to vector<16xi32>
        %lt3A_565 = arith.cmpi slt, %broadcast_in_dim3A_74, %lt3A_564 : vector<16xi32>
        %add3A_566 = arith.constant 16 : i32
        %add3A_567 = vector.broadcast %add3A_566 : i32 to vector<16xi32>
        %add3A_568 = arith.addi %broadcast_in_dim3A_74, %add3A_567 : vector<16xi32>
        %select_n3A_569 = arith.select %lt3A_565, %add3A_568, %broadcast_in_dim3A_74 : vector<16xi1>, vector<16xi32>
        %broadcast_in_dim3A_570 = vector.shape_cast %select_n3A_569 : vector<16xi32> to vector<16x1xi32>
        %gather3A_571 = vector.shape_cast %broadcast_in_dim3A_570 : vector<16x1xi32> to vector<16xi32>
        %gather3A_572 = tpu.dynamic_gather %get3A_525[%gather3A_571] in [0] : vector<16xf32>, vector<16xi32> -> vector<16xf32>
        %lt3A_573 = arith.constant 0 : i32
        %lt3A_574 = vector.broadcast %lt3A_573 : i32 to vector<16xi32>
        %lt3A_575 = arith.cmpi slt, %broadcast_in_dim3A_76, %lt3A_574 : vector<16xi32>
        %add3A_576 = arith.constant 16 : i32
        %add3A_577 = vector.broadcast %add3A_576 : i32 to vector<16xi32>
        %add3A_578 = arith.addi %broadcast_in_dim3A_76, %add3A_577 : vector<16xi32>
        %select_n3A_579 = arith.select %lt3A_575, %add3A_578, %broadcast_in_dim3A_76 : vector<16xi1>, vector<16xi32>
        %broadcast_in_dim3A_580 = vector.shape_cast %select_n3A_579 : vector<16xi32> to vector<16x1xi32>
        %gather3A_581 = vector.shape_cast %broadcast_in_dim3A_580 : vector<16x1xi32> to vector<16xi32>
        %gather3A_582 = tpu.dynamic_gather %get3A_525[%gather3A_581] in [0] : vector<16xf32>, vector<16xi32> -> vector<16xf32>
        %lt3A_583 = arith.constant 0 : i32
        %lt3A_584 = vector.broadcast %lt3A_583 : i32 to vector<16xi32>
        %lt3A_585 = arith.cmpi slt, %broadcast_in_dim3A_78, %lt3A_584 : vector<16xi32>
        %add3A_586 = arith.constant 16 : i32
        %add3A_587 = vector.broadcast %add3A_586 : i32 to vector<16xi32>
        %add3A_588 = arith.addi %broadcast_in_dim3A_78, %add3A_587 : vector<16xi32>
        %select_n3A_589 = arith.select %lt3A_585, %add3A_588, %broadcast_in_dim3A_78 : vector<16xi1>, vector<16xi32>
        %broadcast_in_dim3A_590 = vector.shape_cast %select_n3A_589 : vector<16xi32> to vector<16x1xi32>
        %gather3A_591 = vector.shape_cast %broadcast_in_dim3A_590 : vector<16x1xi32> to vector<16xi32>
        %gather3A_592 = tpu.dynamic_gather %get3A_525[%gather3A_591] in [0] : vector<16xf32>, vector<16xi32> -> vector<16xf32>
        %lt3A_593 = arith.constant 0 : i32
        %lt3A_594 = vector.broadcast %lt3A_593 : i32 to vector<16xi32>
        %lt3A_595 = arith.cmpi slt, %broadcast_in_dim3A_80, %lt3A_594 : vector<16xi32>
        %add3A_596 = arith.constant 16 : i32
        %add3A_597 = vector.broadcast %add3A_596 : i32 to vector<16xi32>
        %add3A_598 = arith.addi %broadcast_in_dim3A_80, %add3A_597 : vector<16xi32>
        %select_n3A_599 = arith.select %lt3A_595, %add3A_598, %broadcast_in_dim3A_80 : vector<16xi1>, vector<16xi32>
        %broadcast_in_dim3A_600 = vector.shape_cast %select_n3A_599 : vector<16xi32> to vector<16x1xi32>
        %gather3A_601 = vector.shape_cast %broadcast_in_dim3A_600 : vector<16x1xi32> to vector<16xi32>
        %gather3A_602 = tpu.dynamic_gather %get3A_525[%gather3A_601] in [0] : vector<16xf32>, vector<16xi32> -> vector<16xf32>
        %get3A_603 = arith.index_cast %mul3A_513 : i32 to index
        %get3A_604 = arith.constant 0 : index
        %get3A_605 = tpu.vector_load %arg13[%get3A_603, %get3A_604] {strides = array<i32>} : memref<40x128xf32, #tpu.memory_space<vmem>>, vector<1x16xf32>,
        %get3A_606 = vector.shape_cast %get3A_605 : vector<1x16xf32> to vector<16xf32>
        %get3A_607 = arith.index_cast %mul3A_513 : i32 to index
        %get3A_608 = arith.constant 0 : index
        %get3A_609 = tpu.vector_load %arg15[%get3A_607, %get3A_608] {strides = array<i32>} : memref<40x128xf32, #tpu.memory_space<vmem>>, vector<1x16xf32>,
        %get3A_610 = vector.shape_cast %get3A_609 : vector<1x16xf32> to vector<16xf32>
        %add3A_611 = arith.addf %get3A_606, %get3A_610 : vector<16xf32>
        %add3A_612 = arith.addf %add3A_611, %get3A_298 : vector<16xf32>
        %add3A_613 = arith.constant 1 : i32
        %add3A_614 = arith.addi %mul3A_513, %add3A_613 : i32
        %get3A_615 = arith.index_cast %add3A_614 : i32 to index
        %get3A_616 = arith.constant 0 : index
        %get3A_617 = tpu.vector_load %arg13[%get3A_615, %get3A_616] {strides = array<i32>} : memref<40x128xf32, #tpu.memory_space<vmem>>, vector<1x16xf32>,
        %get3A_618 = vector.shape_cast %get3A_617 : vector<1x16xf32> to vector<16xf32>
        %add3A_619 = arith.constant 1 : i32
        %add3A_620 = arith.addi %mul3A_513, %add3A_619 : i32
        %get3A_621 = arith.index_cast %add3A_620 : i32 to index
        %get3A_622 = arith.constant 0 : index
        %get3A_623 = tpu.vector_load %arg15[%get3A_621, %get3A_622] {strides = array<i32>} : memref<40x128xf32, #tpu.memory_space<vmem>>, vector<1x16xf32>,
        %get3A_624 = vector.shape_cast %get3A_623 : vector<1x16xf32> to vector<16xf32>
        %add3A_625 = arith.addf %get3A_618, %get3A_624 : vector<16xf32>
        %add3A_626 = arith.addf %add3A_625, %get3A_298 : vector<16xf32>
        %mul3A_627 = arith.mulf %gather3A_532, %get3A_202 : vector<16xf32>
        %add3A_628 = arith.addf %add3A_612, %mul3A_627 : vector<16xf32>
        %mul3A_629 = arith.mulf %gather3A_572, %get3A_202 : vector<16xf32>
        %add3A_630 = arith.addf %add3A_626, %mul3A_629 : vector<16xf32>
        %mul3A_631 = arith.mulf %gather3A_542, %get3A_226 : vector<16xf32>
        %add3A_632 = arith.addf %add3A_628, %mul3A_631 : vector<16xf32>
        %mul3A_633 = arith.mulf %gather3A_582, %get3A_226 : vector<16xf32>
        %add3A_634 = arith.addf %add3A_630, %mul3A_633 : vector<16xf32>
        %mul3A_635 = arith.mulf %gather3A_552, %get3A_250 : vector<16xf32>
        %add3A_636 = arith.addf %add3A_632, %mul3A_635 : vector<16xf32>
        %mul3A_637 = arith.mulf %gather3A_592, %get3A_250 : vector<16xf32>
        %add3A_638 = arith.addf %add3A_634, %mul3A_637 : vector<16xf32>
        %mul3A_639 = arith.mulf %gather3A_562, %get3A_274 : vector<16xf32>
        %add3A_640 = arith.addf %add3A_636, %mul3A_639 : vector<16xf32>
        %mul3A_641 = arith.mulf %gather3A_602, %get3A_274 : vector<16xf32>
        %add3A_642 = arith.addf %add3A_638, %mul3A_641 : vector<16xf32>
        %max3A = arith.constant 0.000000e+00 : f32
        %max3A_643 = vector.broadcast %max3A : f32 to vector<16xf32>
        %max3A_644 = arith.maximumf %add3A_640, %max3A_643 : vector<16xf32>
        %swap3A = arith.index_cast %mul3A_513 : i32 to index
        %swap3A_645 = arith.constant 0 : index
        %swap3A_646 = tpu.vector_load %arg20[%swap3A, %swap3A_645] {strides = array<i32>} : memref<40x128xf32, #tpu.memory_space<vmem>>, vector<1x16xf32>,
        %swap3A_647 = vector.shape_cast %swap3A_646 : vector<1x16xf32> to vector<16xf32>
        %swap3A_648 = vector.shape_cast %max3A_644 : vector<16xf32> to vector<1x16xf32>
        tpu.vector_store %arg20[%swap3A, %swap3A_645], %swap3A_648 {strides = array<i32>} : memref<40x128xf32, #tpu.memory_space<vmem>>, vector<1x16xf32>,
        %max3A_649 = arith.constant 0.000000e+00 : f32
        %max3A_650 = vector.broadcast %max3A_649 : f32 to vector<16xf32>
        %max3A_651 = arith.maximumf %add3A_642, %max3A_650 : vector<16xf32>
        %add3A_652 = arith.constant 1 : i32
        %add3A_653 = arith.addi %mul3A_513, %add3A_652 : i32
        %swap3A_654 = arith.index_cast %add3A_653 : i32 to index
        %swap3A_655 = arith.constant 0 : index
        %swap3A_656 = tpu.vector_load %arg20[%swap3A_654, %swap3A_655] {strides = array<i32>} : memref<40x128xf32, #tpu.memory_space<vmem>>, vector<1x16xf32>,
        %swap3A_657 = vector.shape_cast %swap3A_656 : vector<1x16xf32> to vector<16xf32>
        %swap3A_658 = vector.shape_cast %max3A_651 : vector<16xf32> to vector<1x16xf32>
        tpu.vector_store %arg20[%swap3A_654, %swap3A_655], %swap3A_658 {strides = array<i32>} : memref<40x128xf32, #tpu.memory_space<vmem>>, vector<1x16xf32>,
        %get3A_659 = arith.index_cast %mul3A_513 : i32 to index
        %get3A_660 = arith.constant 16 : index
        %get3A_661 = tpu.vector_load %arg13[%get3A_659, %get3A_660] {strides = array<i32>} : memref<40x128xf32, #tpu.memory_space<vmem>>, vector<1x16xf32>,
        %get3A_662 = vector.shape_cast %get3A_661 : vector<1x16xf32> to vector<16xf32>
        %get3A_663 = arith.index_cast %mul3A_513 : i32 to index
        %get3A_664 = arith.constant 16 : index
        %get3A_665 = tpu.vector_load %arg15[%get3A_663, %get3A_664] {strides = array<i32>} : memref<40x128xf32, #tpu.memory_space<vmem>>, vector<1x16xf32>,
        %get3A_666 = vector.shape_cast %get3A_665 : vector<1x16xf32> to vector<16xf32>
        %add3A_667 = arith.addf %get3A_662, %get3A_666 : vector<16xf32>
        %add3A_668 = arith.addf %add3A_667, %get3A_301 : vector<16xf32>
        %add3A_669 = arith.constant 1 : i32
        %add3A_670 = arith.addi %mul3A_513, %add3A_669 : i32
        %get3A_671 = arith.index_cast %add3A_670 : i32 to index
        %get3A_672 = arith.constant 16 : index
        %get3A_673 = tpu.vector_load %arg13[%get3A_671, %get3A_672] {strides = array<i32>} : memref<40x128xf32, #tpu.memory_space<vmem>>, vector<1x16xf32>,
        %get3A_674 = vector.shape_cast %get3A_673 : vector<1x16xf32> to vector<16xf32>
        %add3A_675 = arith.constant 1 : i32
        %add3A_676 = arith.addi %mul3A_513, %add3A_675 : i32
        %get3A_677 = arith.index_cast %add3A_676 : i32 to index
        %get3A_678 = arith.constant 16 : index
        %get3A_679 = tpu.vector_load %arg15[%get3A_677, %get3A_678] {strides = array<i32>} : memref<40x128xf32, #tpu.memory_space<vmem>>, vector<1x16xf32>,
        %get3A_680 = vector.shape_cast %get3A_679 : vector<1x16xf32> to vector<16xf32>
        %add3A_681 = arith.addf %get3A_674, %get3A_680 : vector<16xf32>
        %add3A_682 = arith.addf %add3A_681, %get3A_301 : vector<16xf32>
        %mul3A_683 = arith.mulf %gather3A_532, %get3A_205 : vector<16xf32>
        %add3A_684 = arith.addf %add3A_668, %mul3A_683 : vector<16xf32>
        %mul3A_685 = arith.mulf %gather3A_572, %get3A_205 : vector<16xf32>
        %add3A_686 = arith.addf %add3A_682, %mul3A_685 : vector<16xf32>
        %mul3A_687 = arith.mulf %gather3A_542, %get3A_229 : vector<16xf32>
        %add3A_688 = arith.addf %add3A_684, %mul3A_687 : vector<16xf32>
        %mul3A_689 = arith.mulf %gather3A_582, %get3A_229 : vector<16xf32>
        %add3A_690 = arith.addf %add3A_686, %mul3A_689 : vector<16xf32>
        %mul3A_691 = arith.mulf %gather3A_552, %get3A_253 : vector<16xf32>
        %add3A_692 = arith.addf %add3A_688, %mul3A_691 : vector<16xf32>
        %mul3A_693 = arith.mulf %gather3A_592, %get3A_253 : vector<16xf32>
        %add3A_694 = arith.addf %add3A_690, %mul3A_693 : vector<16xf32>
        %mul3A_695 = arith.mulf %gather3A_562, %get3A_277 : vector<16xf32>
        %add3A_696 = arith.addf %add3A_692, %mul3A_695 : vector<16xf32>
        %mul3A_697 = arith.mulf %gather3A_602, %get3A_277 : vector<16xf32>
        %add3A_698 = arith.addf %add3A_694, %mul3A_697 : vector<16xf32>
        %max3A_699 = arith.constant 0.000000e+00 : f32
        %max3A_700 = vector.broadcast %max3A_699 : f32 to vector<16xf32>
        %max3A_701 = arith.maximumf %add3A_696, %max3A_700 : vector<16xf32>
        %swap3A_702 = arith.index_cast %mul3A_513 : i32 to index
        %swap3A_703 = arith.constant 16 : index
        %swap3A_704 = tpu.vector_load %arg20[%swap3A_702, %swap3A_703] {strides = array<i32>} : memref<40x128xf32, #tpu.memory_space<vmem>>, vector<1x16xf32>,
        %swap3A_705 = vector.shape_cast %swap3A_704 : vector<1x16xf32> to vector<16xf32>
        %swap3A_706 = vector.shape_cast %max3A_701 : vector<16xf32> to vector<1x16xf32>
        tpu.vector_store %arg20[%swap3A_702, %swap3A_703], %swap3A_706 {strides = array<i32>} : memref<40x128xf32, #tpu.memory_space<vmem>>, vector<1x16xf32>,
        %max3A_707 = arith.constant 0.000000e+00 : f32
        %max3A_708 = vector.broadcast %max3A_707 : f32 to vector<16xf32>
        %max3A_709 = arith.maximumf %add3A_698, %max3A_708 : vector<16xf32>
        %add3A_710 = arith.constant 1 : i32
        %add3A_711 = arith.addi %mul3A_513, %add3A_710 : i32
        %swap3A_712 = arith.index_cast %add3A_711 : i32 to index
        %swap3A_713 = arith.constant 16 : index
        %swap3A_714 = tpu.vector_load %arg20[%swap3A_712, %swap3A_713] {strides = array<i32>} : memref<40x128xf32, #tpu.memory_space<vmem>>, vector<1x16xf32>,
        %swap3A_715 = vector.shape_cast %swap3A_714 : vector<1x16xf32> to vector<16xf32>
        %swap3A_716 = vector.shape_cast %max3A_709 : vector<16xf32> to vector<1x16xf32>
        tpu.vector_store %arg20[%swap3A_712, %swap3A_713], %swap3A_716 {strides = array<i32>} : memref<40x128xf32, #tpu.memory_space<vmem>>, vector<1x16xf32>,
        %get3A_717 = arith.index_cast %mul3A_513 : i32 to index
        %get3A_718 = arith.constant 32 : index
        %get3A_719 = tpu.vector_load %arg13[%get3A_717, %get3A_718] {strides = array<i32>} : memref<40x128xf32, #tpu.memory_space<vmem>>, vector<1x16xf32>,
        %get3A_720 = vector.shape_cast %get3A_719 : vector<1x16xf32> to vector<16xf32>
        %get3A_721 = arith.index_cast %mul3A_513 : i32 to index
        %get3A_722 = arith.constant 32 : index
        %get3A_723 = tpu.vector_load %arg15[%get3A_721, %get3A_722] {strides = array<i32>} : memref<40x128xf32, #tpu.memory_space<vmem>>, vector<1x16xf32>,
        %get3A_724 = vector.shape_cast %get3A_723 : vector<1x16xf32> to vector<16xf32>
        %add3A_725 = arith.addf %get3A_720, %get3A_724 : vector<16xf32>
        %add3A_726 = arith.addf %add3A_725, %get3A_304 : vector<16xf32>
        %add3A_727 = arith.constant 1 : i32
        %add3A_728 = arith.addi %mul3A_513, %add3A_727 : i32
        %get3A_729 = arith.index_cast %add3A_728 : i32 to index
        %get3A_730 = arith.constant 32 : index
        %get3A_731 = tpu.vector_load %arg13[%get3A_729, %get3A_730] {strides = array<i32>} : memref<40x128xf32, #tpu.memory_space<vmem>>, vector<1x16xf32>,
        %get3A_732 = vector.shape_cast %get3A_731 : vector<1x16xf32> to vector<16xf32>
        %add3A_733 = arith.constant 1 : i32
        %add3A_734 = arith.addi %mul3A_513, %add3A_733 : i32
        %get3A_735 = arith.index_cast %add3A_734 : i32 to index
        %get3A_736 = arith.constant 32 : index
        %get3A_737 = tpu.vector_load %arg15[%get3A_735, %get3A_736] {strides = array<i32>} : memref<40x128xf32, #tpu.memory_space<vmem>>, vector<1x16xf32>,
        %get3A_738 = vector.shape_cast %get3A_737 : vector<1x16xf32> to vector<16xf32>
        %add3A_739 = arith.addf %get3A_732, %get3A_738 : vector<16xf32>
        %add3A_740 = arith.addf %add3A_739, %get3A_304 : vector<16xf32>
        %mul3A_741 = arith.mulf %gather3A_532, %get3A_208 : vector<16xf32>
        %add3A_742 = arith.addf %add3A_726, %mul3A_741 : vector<16xf32>
        %mul3A_743 = arith.mulf %gather3A_572, %get3A_208 : vector<16xf32>
        %add3A_744 = arith.addf %add3A_740, %mul3A_743 : vector<16xf32>
        %mul3A_745 = arith.mulf %gather3A_542, %get3A_232 : vector<16xf32>
        %add3A_746 = arith.addf %add3A_742, %mul3A_745 : vector<16xf32>
        %mul3A_747 = arith.mulf %gather3A_582, %get3A_232 : vector<16xf32>
        %add3A_748 = arith.addf %add3A_744, %mul3A_747 : vector<16xf32>
        %mul3A_749 = arith.mulf %gather3A_552, %get3A_256 : vector<16xf32>
        %add3A_750 = arith.addf %add3A_746, %mul3A_749 : vector<16xf32>
        %mul3A_751 = arith.mulf %gather3A_592, %get3A_256 : vector<16xf32>
        %add3A_752 = arith.addf %add3A_748, %mul3A_751 : vector<16xf32>
        %mul3A_753 = arith.mulf %gather3A_562, %get3A_280 : vector<16xf32>
        %add3A_754 = arith.addf %add3A_750, %mul3A_753 : vector<16xf32>
        %mul3A_755 = arith.mulf %gather3A_602, %get3A_280 : vector<16xf32>
        %add3A_756 = arith.addf %add3A_752, %mul3A_755 : vector<16xf32>
        %max3A_757 = arith.constant 0.000000e+00 : f32
        %max3A_758 = vector.broadcast %max3A_757 : f32 to vector<16xf32>
        %max3A_759 = arith.maximumf %add3A_754, %max3A_758 : vector<16xf32>
        %swap3A_760 = arith.index_cast %mul3A_513 : i32 to index
        %swap3A_761 = arith.constant 32 : index
        %swap3A_762 = tpu.vector_load %arg20[%swap3A_760, %swap3A_761] {strides = array<i32>} : memref<40x128xf32, #tpu.memory_space<vmem>>, vector<1x16xf32>,
        %swap3A_763 = vector.shape_cast %swap3A_762 : vector<1x16xf32> to vector<16xf32>
        %swap3A_764 = vector.shape_cast %max3A_759 : vector<16xf32> to vector<1x16xf32>
        tpu.vector_store %arg20[%swap3A_760, %swap3A_761], %swap3A_764 {strides = array<i32>} : memref<40x128xf32, #tpu.memory_space<vmem>>, vector<1x16xf32>,
        %max3A_765 = arith.constant 0.000000e+00 : f32
        %max3A_766 = vector.broadcast %max3A_765 : f32 to vector<16xf32>
        %max3A_767 = arith.maximumf %add3A_756, %max3A_766 : vector<16xf32>
        %add3A_768 = arith.constant 1 : i32
        %add3A_769 = arith.addi %mul3A_513, %add3A_768 : i32
        %swap3A_770 = arith.index_cast %add3A_769 : i32 to index
        %swap3A_771 = arith.constant 32 : index
        %swap3A_772 = tpu.vector_load %arg20[%swap3A_770, %swap3A_771] {strides = array<i32>} : memref<40x128xf32, #tpu.memory_space<vmem>>, vector<1x16xf32>,
        %swap3A_773 = vector.shape_cast %swap3A_772 : vector<1x16xf32> to vector<16xf32>
        %swap3A_774 = vector.shape_cast %max3A_767 : vector<16xf32> to vector<1x16xf32>
        tpu.vector_store %arg20[%swap3A_770, %swap3A_771], %swap3A_774 {strides = array<i32>} : memref<40x128xf32, #tpu.memory_space<vmem>>, vector<1x16xf32>,
        %get3A_775 = arith.index_cast %mul3A_513 : i32 to index
        %get3A_776 = arith.constant 48 : index
        %get3A_777 = tpu.vector_load %arg13[%get3A_775, %get3A_776] {strides = array<i32>} : memref<40x128xf32, #tpu.memory_space<vmem>>, vector<1x16xf32>,
        %get3A_778 = vector.shape_cast %get3A_777 : vector<1x16xf32> to vector<16xf32>
        %get3A_779 = arith.index_cast %mul3A_513 : i32 to index
        %get3A_780 = arith.constant 48 : index
        %get3A_781 = tpu.vector_load %arg15[%get3A_779, %get3A_780] {strides = array<i32>} : memref<40x128xf32, #tpu.memory_space<vmem>>, vector<1x16xf32>,
        %get3A_782 = vector.shape_cast %get3A_781 : vector<1x16xf32> to vector<16xf32>
        %add3A_783 = arith.addf %get3A_778, %get3A_782 : vector<16xf32>
        %add3A_784 = arith.addf %add3A_783, %get3A_307 : vector<16xf32>
        %add3A_785 = arith.constant 1 : i32
        %add3A_786 = arith.addi %mul3A_513, %add3A_785 : i32
        %get3A_787 = arith.index_cast %add3A_786 : i32 to index
        %get3A_788 = arith.constant 48 : index
        %get3A_789 = tpu.vector_load %arg13[%get3A_787, %get3A_788] {strides = array<i32>} : memref<40x128xf32, #tpu.memory_space<vmem>>, vector<1x16xf32>,
        %get3A_790 = vector.shape_cast %get3A_789 : vector<1x16xf32> to vector<16xf32>
        %add3A_791 = arith.constant 1 : i32
        %add3A_792 = arith.addi %mul3A_513, %add3A_791 : i32
        %get3A_793 = arith.index_cast %add3A_792 : i32 to index
        %get3A_794 = arith.constant 48 : index
        %get3A_795 = tpu.vector_load %arg15[%get3A_793, %get3A_794] {strides = array<i32>} : memref<40x128xf32, #tpu.memory_space<vmem>>, vector<1x16xf32>,
        %get3A_796 = vector.shape_cast %get3A_795 : vector<1x16xf32> to vector<16xf32>
        %add3A_797 = arith.addf %get3A_790, %get3A_796 : vector<16xf32>
        %add3A_798 = arith.addf %add3A_797, %get3A_307 : vector<16xf32>
        %mul3A_799 = arith.mulf %gather3A_532, %get3A_211 : vector<16xf32>
        %add3A_800 = arith.addf %add3A_784, %mul3A_799 : vector<16xf32>
        %mul3A_801 = arith.mulf %gather3A_572, %get3A_211 : vector<16xf32>
        %add3A_802 = arith.addf %add3A_798, %mul3A_801 : vector<16xf32>
        %mul3A_803 = arith.mulf %gather3A_542, %get3A_235 : vector<16xf32>
        %add3A_804 = arith.addf %add3A_800, %mul3A_803 : vector<16xf32>
        %mul3A_805 = arith.mulf %gather3A_582, %get3A_235 : vector<16xf32>
        %add3A_806 = arith.addf %add3A_802, %mul3A_805 : vector<16xf32>
        %mul3A_807 = arith.mulf %gather3A_552, %get3A_259 : vector<16xf32>
        %add3A_808 = arith.addf %add3A_804, %mul3A_807 : vector<16xf32>
        %mul3A_809 = arith.mulf %gather3A_592, %get3A_259 : vector<16xf32>
        %add3A_810 = arith.addf %add3A_806, %mul3A_809 : vector<16xf32>
        %mul3A_811 = arith.mulf %gather3A_562, %get3A_283 : vector<16xf32>
        %add3A_812 = arith.addf %add3A_808, %mul3A_811 : vector<16xf32>
        %mul3A_813 = arith.mulf %gather3A_602, %get3A_283 : vector<16xf32>
        %add3A_814 = arith.addf %add3A_810, %mul3A_813 : vector<16xf32>
        %max3A_815 = arith.constant 0.000000e+00 : f32
        %max3A_816 = vector.broadcast %max3A_815 : f32 to vector<16xf32>
        %max3A_817 = arith.maximumf %add3A_812, %max3A_816 : vector<16xf32>
        %swap3A_818 = arith.index_cast %mul3A_513 : i32 to index
        %swap3A_819 = arith.constant 48 : index
        %swap3A_820 = tpu.vector_load %arg20[%swap3A_818, %swap3A_819] {strides = array<i32>} : memref<40x128xf32, #tpu.memory_space<vmem>>, vector<1x16xf32>,
        %swap3A_821 = vector.shape_cast %swap3A_820 : vector<1x16xf32> to vector<16xf32>
        %swap3A_822 = vector.shape_cast %max3A_817 : vector<16xf32> to vector<1x16xf32>
        tpu.vector_store %arg20[%swap3A_818, %swap3A_819], %swap3A_822 {strides = array<i32>} : memref<40x128xf32, #tpu.memory_space<vmem>>, vector<1x16xf32>,
        %max3A_823 = arith.constant 0.000000e+00 : f32
        %max3A_824 = vector.broadcast %max3A_823 : f32 to vector<16xf32>
        %max3A_825 = arith.maximumf %add3A_814, %max3A_824 : vector<16xf32>
        %add3A_826 = arith.constant 1 : i32
        %add3A_827 = arith.addi %mul3A_513, %add3A_826 : i32
        %swap3A_828 = arith.index_cast %add3A_827 : i32 to index
        %swap3A_829 = arith.constant 48 : index
        %swap3A_830 = tpu.vector_load %arg20[%swap3A_828, %swap3A_829] {strides = array<i32>} : memref<40x128xf32, #tpu.memory_space<vmem>>, vector<1x16xf32>,
        %swap3A_831 = vector.shape_cast %swap3A_830 : vector<1x16xf32> to vector<16xf32>
        %swap3A_832 = vector.shape_cast %max3A_825 : vector<16xf32> to vector<1x16xf32>
        tpu.vector_store %arg20[%swap3A_828, %swap3A_829], %swap3A_832 {strides = array<i32>} : memref<40x128xf32, #tpu.memory_space<vmem>>, vector<1x16xf32>,
        %get3A_833 = arith.index_cast %mul3A_513 : i32 to index
        %get3A_834 = arith.constant 64 : index
        %get3A_835 = tpu.vector_load %arg13[%get3A_833, %get3A_834] {strides = array<i32>} : memref<40x128xf32, #tpu.memory_space<vmem>>, vector<1x16xf32>,
        %get3A_836 = vector.shape_cast %get3A_835 : vector<1x16xf32> to vector<16xf32>
        %get3A_837 = arith.index_cast %mul3A_513 : i32 to index
        %get3A_838 = arith.constant 64 : index
        %get3A_839 = tpu.vector_load %arg15[%get3A_837, %get3A_838] {strides = array<i32>} : memref<40x128xf32, #tpu.memory_space<vmem>>, vector<1x16xf32>,
        %get3A_840 = vector.shape_cast %get3A_839 : vector<1x16xf32> to vector<16xf32>
        %add3A_841 = arith.addf %get3A_836, %get3A_840 : vector<16xf32>
        %add3A_842 = arith.addf %add3A_841, %get3A_310 : vector<16xf32>
        %add3A_843 = arith.constant 1 : i32
        %add3A_844 = arith.addi %mul3A_513, %add3A_843 : i32
        %get3A_845 = arith.index_cast %add3A_844 : i32 to index
        %get3A_846 = arith.constant 64 : index
        %get3A_847 = tpu.vector_load %arg13[%get3A_845, %get3A_846] {strides = array<i32>} : memref<40x128xf32, #tpu.memory_space<vmem>>, vector<1x16xf32>,
        %get3A_848 = vector.shape_cast %get3A_847 : vector<1x16xf32> to vector<16xf32>
        %add3A_849 = arith.constant 1 : i32
        %add3A_850 = arith.addi %mul3A_513, %add3A_849 : i32
        %get3A_851 = arith.index_cast %add3A_850 : i32 to index
        %get3A_852 = arith.constant 64 : index
        %get3A_853 = tpu.vector_load %arg15[%get3A_851, %get3A_852] {strides = array<i32>} : memref<40x128xf32, #tpu.memory_space<vmem>>, vector<1x16xf32>,
        %get3A_854 = vector.shape_cast %get3A_853 : vector<1x16xf32> to vector<16xf32>
        %add3A_855 = arith.addf %get3A_848, %get3A_854 : vector<16xf32>
        %add3A_856 = arith.addf %add3A_855, %get3A_310 : vector<16xf32>
        %mul3A_857 = arith.mulf %gather3A_532, %get3A_214 : vector<16xf32>
        %add3A_858 = arith.addf %add3A_842, %mul3A_857 : vector<16xf32>
        %mul3A_859 = arith.mulf %gather3A_572, %get3A_214 : vector<16xf32>
        %add3A_860 = arith.addf %add3A_856, %mul3A_859 : vector<16xf32>
        %mul3A_861 = arith.mulf %gather3A_542, %get3A_238 : vector<16xf32>
        %add3A_862 = arith.addf %add3A_858, %mul3A_861 : vector<16xf32>
        %mul3A_863 = arith.mulf %gather3A_582, %get3A_238 : vector<16xf32>
        %add3A_864 = arith.addf %add3A_860, %mul3A_863 : vector<16xf32>
        %mul3A_865 = arith.mulf %gather3A_552, %get3A_262 : vector<16xf32>
        %add3A_866 = arith.addf %add3A_862, %mul3A_865 : vector<16xf32>
        %mul3A_867 = arith.mulf %gather3A_592, %get3A_262 : vector<16xf32>
        %add3A_868 = arith.addf %add3A_864, %mul3A_867 : vector<16xf32>
        %mul3A_869 = arith.mulf %gather3A_562, %get3A_286 : vector<16xf32>
        %add3A_870 = arith.addf %add3A_866, %mul3A_869 : vector<16xf32>
        %mul3A_871 = arith.mulf %gather3A_602, %get3A_286 : vector<16xf32>
        %add3A_872 = arith.addf %add3A_868, %mul3A_871 : vector<16xf32>
        %max3A_873 = arith.constant 0.000000e+00 : f32
        %max3A_874 = vector.broadcast %max3A_873 : f32 to vector<16xf32>
        %max3A_875 = arith.maximumf %add3A_870, %max3A_874 : vector<16xf32>
        %swap3A_876 = arith.index_cast %mul3A_513 : i32 to index
        %swap3A_877 = arith.constant 64 : index
        %swap3A_878 = tpu.vector_load %arg20[%swap3A_876, %swap3A_877] {strides = array<i32>} : memref<40x128xf32, #tpu.memory_space<vmem>>, vector<1x16xf32>,
        %swap3A_879 = vector.shape_cast %swap3A_878 : vector<1x16xf32> to vector<16xf32>
        %swap3A_880 = vector.shape_cast %max3A_875 : vector<16xf32> to vector<1x16xf32>
        tpu.vector_store %arg20[%swap3A_876, %swap3A_877], %swap3A_880 {strides = array<i32>} : memref<40x128xf32, #tpu.memory_space<vmem>>, vector<1x16xf32>,
        %max3A_881 = arith.constant 0.000000e+00 : f32
        %max3A_882 = vector.broadcast %max3A_881 : f32 to vector<16xf32>
        %max3A_883 = arith.maximumf %add3A_872, %max3A_882 : vector<16xf32>
        %add3A_884 = arith.constant 1 : i32
        %add3A_885 = arith.addi %mul3A_513, %add3A_884 : i32
        %swap3A_886 = arith.index_cast %add3A_885 : i32 to index
        %swap3A_887 = arith.constant 64 : index
        %swap3A_888 = tpu.vector_load %arg20[%swap3A_886, %swap3A_887] {strides = array<i32>} : memref<40x128xf32, #tpu.memory_space<vmem>>, vector<1x16xf32>,
        %swap3A_889 = vector.shape_cast %swap3A_888 : vector<1x16xf32> to vector<16xf32>
        %swap3A_890 = vector.shape_cast %max3A_883 : vector<16xf32> to vector<1x16xf32>
        tpu.vector_store %arg20[%swap3A_886, %swap3A_887], %swap3A_890 {strides = array<i32>} : memref<40x128xf32, #tpu.memory_space<vmem>>, vector<1x16xf32>,
        %get3A_891 = arith.index_cast %mul3A_513 : i32 to index
        %get3A_892 = arith.constant 80 : index
        %get3A_893 = tpu.vector_load %arg13[%get3A_891, %get3A_892] {strides = array<i32>} : memref<40x128xf32, #tpu.memory_space<vmem>>, vector<1x16xf32>,
        %get3A_894 = vector.shape_cast %get3A_893 : vector<1x16xf32> to vector<16xf32>
        %get3A_895 = arith.index_cast %mul3A_513 : i32 to index
        %get3A_896 = arith.constant 80 : index
        %get3A_897 = tpu.vector_load %arg15[%get3A_895, %get3A_896] {strides = array<i32>} : memref<40x128xf32, #tpu.memory_space<vmem>>, vector<1x16xf32>,
        %get3A_898 = vector.shape_cast %get3A_897 : vector<1x16xf32> to vector<16xf32>
        %add3A_899 = arith.addf %get3A_894, %get3A_898 : vector<16xf32>
        %add3A_900 = arith.addf %add3A_899, %get3A_313 : vector<16xf32>
        %add3A_901 = arith.constant 1 : i32
        %add3A_902 = arith.addi %mul3A_513, %add3A_901 : i32
        %get3A_903 = arith.index_cast %add3A_902 : i32 to index
        %get3A_904 = arith.constant 80 : index
        %get3A_905 = tpu.vector_load %arg13[%get3A_903, %get3A_904] {strides = array<i32>} : memref<40x128xf32, #tpu.memory_space<vmem>>, vector<1x16xf32>,
        %get3A_906 = vector.shape_cast %get3A_905 : vector<1x16xf32> to vector<16xf32>
        %add3A_907 = arith.constant 1 : i32
        %add3A_908 = arith.addi %mul3A_513, %add3A_907 : i32
        %get3A_909 = arith.index_cast %add3A_908 : i32 to index
        %get3A_910 = arith.constant 80 : index
        %get3A_911 = tpu.vector_load %arg15[%get3A_909, %get3A_910] {strides = array<i32>} : memref<40x128xf32, #tpu.memory_space<vmem>>, vector<1x16xf32>,
        %get3A_912 = vector.shape_cast %get3A_911 : vector<1x16xf32> to vector<16xf32>
        %add3A_913 = arith.addf %get3A_906, %get3A_912 : vector<16xf32>
        %add3A_914 = arith.addf %add3A_913, %get3A_313 : vector<16xf32>
        %mul3A_915 = arith.mulf %gather3A_532, %get3A_217 : vector<16xf32>
        %add3A_916 = arith.addf %add3A_900, %mul3A_915 : vector<16xf32>
        %mul3A_917 = arith.mulf %gather3A_572, %get3A_217 : vector<16xf32>
        %add3A_918 = arith.addf %add3A_914, %mul3A_917 : vector<16xf32>
        %mul3A_919 = arith.mulf %gather3A_542, %get3A_241 : vector<16xf32>
        %add3A_920 = arith.addf %add3A_916, %mul3A_919 : vector<16xf32>
        %mul3A_921 = arith.mulf %gather3A_582, %get3A_241 : vector<16xf32>
        %add3A_922 = arith.addf %add3A_918, %mul3A_921 : vector<16xf32>
        %mul3A_923 = arith.mulf %gather3A_552, %get3A_265 : vector<16xf32>
        %add3A_924 = arith.addf %add3A_920, %mul3A_923 : vector<16xf32>
        %mul3A_925 = arith.mulf %gather3A_592, %get3A_265 : vector<16xf32>
        %add3A_926 = arith.addf %add3A_922, %mul3A_925 : vector<16xf32>
        %mul3A_927 = arith.mulf %gather3A_562, %get3A_289 : vector<16xf32>
        %add3A_928 = arith.addf %add3A_924, %mul3A_927 : vector<16xf32>
        %mul3A_929 = arith.mulf %gather3A_602, %get3A_289 : vector<16xf32>
        %add3A_930 = arith.addf %add3A_926, %mul3A_929 : vector<16xf32>
        %max3A_931 = arith.constant 0.000000e+00 : f32
        %max3A_932 = vector.broadcast %max3A_931 : f32 to vector<16xf32>
        %max3A_933 = arith.maximumf %add3A_928, %max3A_932 : vector<16xf32>
        %swap3A_934 = arith.index_cast %mul3A_513 : i32 to index
        %swap3A_935 = arith.constant 80 : index
        %swap3A_936 = tpu.vector_load %arg20[%swap3A_934, %swap3A_935] {strides = array<i32>} : memref<40x128xf32, #tpu.memory_space<vmem>>, vector<1x16xf32>,
        %swap3A_937 = vector.shape_cast %swap3A_936 : vector<1x16xf32> to vector<16xf32>
        %swap3A_938 = vector.shape_cast %max3A_933 : vector<16xf32> to vector<1x16xf32>
        tpu.vector_store %arg20[%swap3A_934, %swap3A_935], %swap3A_938 {strides = array<i32>} : memref<40x128xf32, #tpu.memory_space<vmem>>, vector<1x16xf32>,
        %max3A_939 = arith.constant 0.000000e+00 : f32
        %max3A_940 = vector.broadcast %max3A_939 : f32 to vector<16xf32>
        %max3A_941 = arith.maximumf %add3A_930, %max3A_940 : vector<16xf32>
        %add3A_942 = arith.constant 1 : i32
        %add3A_943 = arith.addi %mul3A_513, %add3A_942 : i32
        %swap3A_944 = arith.index_cast %add3A_943 : i32 to index
        %swap3A_945 = arith.constant 80 : index
        %swap3A_946 = tpu.vector_load %arg20[%swap3A_944, %swap3A_945] {strides = array<i32>} : memref<40x128xf32, #tpu.memory_space<vmem>>, vector<1x16xf32>,
        %swap3A_947 = vector.shape_cast %swap3A_946 : vector<1x16xf32> to vector<16xf32>
        %swap3A_948 = vector.shape_cast %max3A_941 : vector<16xf32> to vector<1x16xf32>
        tpu.vector_store %arg20[%swap3A_944, %swap3A_945], %swap3A_948 {strides = array<i32>} : memref<40x128xf32, #tpu.memory_space<vmem>>, vector<1x16xf32>,
        %get3A_949 = arith.index_cast %mul3A_513 : i32 to index
        %get3A_950 = arith.constant 96 : index
        %get3A_951 = tpu.vector_load %arg13[%get3A_949, %get3A_950] {strides = array<i32>} : memref<40x128xf32, #tpu.memory_space<vmem>>, vector<1x16xf32>,
        %get3A_952 = vector.shape_cast %get3A_951 : vector<1x16xf32> to vector<16xf32>
        %get3A_953 = arith.index_cast %mul3A_513 : i32 to index
        %get3A_954 = arith.constant 96 : index
        %get3A_955 = tpu.vector_load %arg15[%get3A_953, %get3A_954] {strides = array<i32>} : memref<40x128xf32, #tpu.memory_space<vmem>>, vector<1x16xf32>,
        %get3A_956 = vector.shape_cast %get3A_955 : vector<1x16xf32> to vector<16xf32>
        %add3A_957 = arith.addf %get3A_952, %get3A_956 : vector<16xf32>
        %add3A_958 = arith.addf %add3A_957, %get3A_316 : vector<16xf32>
        %add3A_959 = arith.constant 1 : i32
        %add3A_960 = arith.addi %mul3A_513, %add3A_959 : i32
        %get3A_961 = arith.index_cast %add3A_960 : i32 to index
        %get3A_962 = arith.constant 96 : index
        %get3A_963 = tpu.vector_load %arg13[%get3A_961, %get3A_962] {strides = array<i32>} : memref<40x128xf32, #tpu.memory_space<vmem>>, vector<1x16xf32>,
        %get3A_964 = vector.shape_cast %get3A_963 : vector<1x16xf32> to vector<16xf32>
        %add3A_965 = arith.constant 1 : i32
        %add3A_966 = arith.addi %mul3A_513, %add3A_965 : i32
        %get3A_967 = arith.index_cast %add3A_966 : i32 to index
        %get3A_968 = arith.constant 96 : index
        %get3A_969 = tpu.vector_load %arg15[%get3A_967, %get3A_968] {strides = array<i32>} : memref<40x128xf32, #tpu.memory_space<vmem>>, vector<1x16xf32>,
        %get3A_970 = vector.shape_cast %get3A_969 : vector<1x16xf32> to vector<16xf32>
        %add3A_971 = arith.addf %get3A_964, %get3A_970 : vector<16xf32>
        %add3A_972 = arith.addf %add3A_971, %get3A_316 : vector<16xf32>
        %mul3A_973 = arith.mulf %gather3A_532, %get3A_220 : vector<16xf32>
        %add3A_974 = arith.addf %add3A_958, %mul3A_973 : vector<16xf32>
        %mul3A_975 = arith.mulf %gather3A_572, %get3A_220 : vector<16xf32>
        %add3A_976 = arith.addf %add3A_972, %mul3A_975 : vector<16xf32>
        %mul3A_977 = arith.mulf %gather3A_542, %get3A_244 : vector<16xf32>
        %add3A_978 = arith.addf %add3A_974, %mul3A_977 : vector<16xf32>
        %mul3A_979 = arith.mulf %gather3A_582, %get3A_244 : vector<16xf32>
        %add3A_980 = arith.addf %add3A_976, %mul3A_979 : vector<16xf32>
        %mul3A_981 = arith.mulf %gather3A_552, %get3A_268 : vector<16xf32>
        %add3A_982 = arith.addf %add3A_978, %mul3A_981 : vector<16xf32>
        %mul3A_983 = arith.mulf %gather3A_592, %get3A_268 : vector<16xf32>
        %add3A_984 = arith.addf %add3A_980, %mul3A_983 : vector<16xf32>
        %mul3A_985 = arith.mulf %gather3A_562, %get3A_292 : vector<16xf32>
        %add3A_986 = arith.addf %add3A_982, %mul3A_985 : vector<16xf32>
        %mul3A_987 = arith.mulf %gather3A_602, %get3A_292 : vector<16xf32>
        %add3A_988 = arith.addf %add3A_984, %mul3A_987 : vector<16xf32>
        %max3A_989 = arith.constant 0.000000e+00 : f32
        %max3A_990 = vector.broadcast %max3A_989 : f32 to vector<16xf32>
        %max3A_991 = arith.maximumf %add3A_986, %max3A_990 : vector<16xf32>
        %swap3A_992 = arith.index_cast %mul3A_513 : i32 to index
        %swap3A_993 = arith.constant 96 : index
        %swap3A_994 = tpu.vector_load %arg20[%swap3A_992, %swap3A_993] {strides = array<i32>} : memref<40x128xf32, #tpu.memory_space<vmem>>, vector<1x16xf32>,
        %swap3A_995 = vector.shape_cast %swap3A_994 : vector<1x16xf32> to vector<16xf32>
        %swap3A_996 = vector.shape_cast %max3A_991 : vector<16xf32> to vector<1x16xf32>
        tpu.vector_store %arg20[%swap3A_992, %swap3A_993], %swap3A_996 {strides = array<i32>} : memref<40x128xf32, #tpu.memory_space<vmem>>, vector<1x16xf32>,
        %max3A_997 = arith.constant 0.000000e+00 : f32
        %max3A_998 = vector.broadcast %max3A_997 : f32 to vector<16xf32>
        %max3A_999 = arith.maximumf %add3A_988, %max3A_998 : vector<16xf32>
        %add3A_1000 = arith.constant 1 : i32
        %add3A_1001 = arith.addi %mul3A_513, %add3A_1000 : i32
        %swap3A_1002 = arith.index_cast %add3A_1001 : i32 to index
        %swap3A_1003 = arith.constant 96 : index
        %swap3A_1004 = tpu.vector_load %arg20[%swap3A_1002, %swap3A_1003] {strides = array<i32>} : memref<40x128xf32, #tpu.memory_space<vmem>>, vector<1x16xf32>,
        %swap3A_1005 = vector.shape_cast %swap3A_1004 : vector<1x16xf32> to vector<16xf32>
        %swap3A_1006 = vector.shape_cast %max3A_999 : vector<16xf32> to vector<1x16xf32>
        tpu.vector_store %arg20[%swap3A_1002, %swap3A_1003], %swap3A_1006 {strides = array<i32>} : memref<40x128xf32, #tpu.memory_space<vmem>>, vector<1x16xf32>,
        %get3A_1007 = arith.index_cast %mul3A_513 : i32 to index
        %get3A_1008 = arith.constant 112 : index
        %get3A_1009 = tpu.vector_load %arg13[%get3A_1007, %get3A_1008] {strides = array<i32>} : memref<40x128xf32, #tpu.memory_space<vmem>>, vector<1x16xf32>,
        %get3A_1010 = vector.shape_cast %get3A_1009 : vector<1x16xf32> to vector<16xf32>
        %get3A_1011 = arith.index_cast %mul3A_513 : i32 to index
        %get3A_1012 = arith.constant 112 : index
        %get3A_1013 = tpu.vector_load %arg15[%get3A_1011, %get3A_1012] {strides = array<i32>} : memref<40x128xf32, #tpu.memory_space<vmem>>, vector<1x16xf32>,
        %get3A_1014 = vector.shape_cast %get3A_1013 : vector<1x16xf32> to vector<16xf32>
        %add3A_1015 = arith.addf %get3A_1010, %get3A_1014 : vector<16xf32>
        %add3A_1016 = arith.addf %add3A_1015, %get3A_319 : vector<16xf32>
        %add3A_1017 = arith.constant 1 : i32
        %add3A_1018 = arith.addi %mul3A_513, %add3A_1017 : i32
        %get3A_1019 = arith.index_cast %add3A_1018 : i32 to index
        %get3A_1020 = arith.constant 112 : index
        %get3A_1021 = tpu.vector_load %arg13[%get3A_1019, %get3A_1020] {strides = array<i32>} : memref<40x128xf32, #tpu.memory_space<vmem>>, vector<1x16xf32>,
        %get3A_1022 = vector.shape_cast %get3A_1021 : vector<1x16xf32> to vector<16xf32>
        %add3A_1023 = arith.constant 1 : i32
        %add3A_1024 = arith.addi %mul3A_513, %add3A_1023 : i32
        %get3A_1025 = arith.index_cast %add3A_1024 : i32 to index
        %get3A_1026 = arith.constant 112 : index
        %get3A_1027 = tpu.vector_load %arg15[%get3A_1025, %get3A_1026] {strides = array<i32>} : memref<40x128xf32, #tpu.memory_space<vmem>>, vector<1x16xf32>,
        %get3A_1028 = vector.shape_cast %get3A_1027 : vector<1x16xf32> to vector<16xf32>
        %add3A_1029 = arith.addf %get3A_1022, %get3A_1028 : vector<16xf32>
        %add3A_1030 = arith.addf %add3A_1029, %get3A_319 : vector<16xf32>
        %mul3A_1031 = arith.mulf %gather3A_532, %get3A_223 : vector<16xf32>
        %add3A_1032 = arith.addf %add3A_1016, %mul3A_1031 : vector<16xf32>
        %mul3A_1033 = arith.mulf %gather3A_572, %get3A_223 : vector<16xf32>
        %add3A_1034 = arith.addf %add3A_1030, %mul3A_1033 : vector<16xf32>
        %mul3A_1035 = arith.mulf %gather3A_542, %get3A_247 : vector<16xf32>
        %add3A_1036 = arith.addf %add3A_1032, %mul3A_1035 : vector<16xf32>
        %mul3A_1037 = arith.mulf %gather3A_582, %get3A_247 : vector<16xf32>
        %add3A_1038 = arith.addf %add3A_1034, %mul3A_1037 : vector<16xf32>
        %mul3A_1039 = arith.mulf %gather3A_552, %get3A_271 : vector<16xf32>
        %add3A_1040 = arith.addf %add3A_1036, %mul3A_1039 : vector<16xf32>
        %mul3A_1041 = arith.mulf %gather3A_592, %get3A_271 : vector<16xf32>
        %add3A_1042 = arith.addf %add3A_1038, %mul3A_1041 : vector<16xf32>
        %mul3A_1043 = arith.mulf %gather3A_562, %get3A_295 : vector<16xf32>
        %add3A_1044 = arith.addf %add3A_1040, %mul3A_1043 : vector<16xf32>
        %mul3A_1045 = arith.mulf %gather3A_602, %get3A_295 : vector<16xf32>
        %add3A_1046 = arith.addf %add3A_1042, %mul3A_1045 : vector<16xf32>
        %max3A_1047 = arith.constant 0.000000e+00 : f32
        %max3A_1048 = vector.broadcast %max3A_1047 : f32 to vector<16xf32>
        %max3A_1049 = arith.maximumf %add3A_1044, %max3A_1048 : vector<16xf32>
        %swap3A_1050 = arith.index_cast %mul3A_513 : i32 to index
        %swap3A_1051 = arith.constant 112 : index
        %swap3A_1052 = tpu.vector_load %arg20[%swap3A_1050, %swap3A_1051] {strides = array<i32>} : memref<40x128xf32, #tpu.memory_space<vmem>>, vector<1x16xf32>,
        %swap3A_1053 = vector.shape_cast %swap3A_1052 : vector<1x16xf32> to vector<16xf32>
        %swap3A_1054 = vector.shape_cast %max3A_1049 : vector<16xf32> to vector<1x16xf32>
        tpu.vector_store %arg20[%swap3A_1050, %swap3A_1051], %swap3A_1054 {strides = array<i32>} : memref<40x128xf32, #tpu.memory_space<vmem>>, vector<1x16xf32>,
        %max3A_1055 = arith.constant 0.000000e+00 : f32
        %max3A_1056 = vector.broadcast %max3A_1055 : f32 to vector<16xf32>
        %max3A_1057 = arith.maximumf %add3A_1046, %max3A_1056 : vector<16xf32>
        %add3A_1058 = arith.constant 1 : i32
        %add3A_1059 = arith.addi %mul3A_513, %add3A_1058 : i32
        %swap3A_1060 = arith.index_cast %add3A_1059 : i32 to index
        %swap3A_1061 = arith.constant 112 : index
        %swap3A_1062 = tpu.vector_load %arg20[%swap3A_1060, %swap3A_1061] {strides = array<i32>} : memref<40x128xf32, #tpu.memory_space<vmem>>, vector<1x16xf32>,
        %swap3A_1063 = vector.shape_cast %swap3A_1062 : vector<1x16xf32> to vector<16xf32>
        %swap3A_1064 = vector.shape_cast %max3A_1057 : vector<16xf32> to vector<1x16xf32>
        tpu.vector_store %arg20[%swap3A_1060, %swap3A_1061], %swap3A_1064 {strides = array<i32>} : memref<40x128xf32, #tpu.memory_space<vmem>>, vector<1x16xf32>,
      }
      %scan3A_325 = arith.constant 20 : i32
      "tpu.region"() ({
        %run_scoped3A = tpu.sem_alloc : memref<!tpu.dma_semaphore, #tpu.memory_space<semaphore_mem>>
        %dma_start3A_511 = arith.constant 0 : i32
        %dma_start3A_512 = arith.constant 0 : i32
        %dma_start3A_513 = tpu.memref_slice %arg25[%dma_start3A_511, %dma_start3A_512] : memref<10112x128xf32, #tpu.memory_space<vmem_shared>> -> memref<10112x128xf32, #tpu.memory_space<vmem_shared>>
        tpu.enqueue_indirect_dma source(%arg20 : memref<40x128xf32, #tpu.memory_space<vmem>>) target(%dma_start3A_513 : memref<10112x128xf32, #tpu.memory_space<vmem_shared>>) offsets(%arg11 : memref<40xi32, #tpu.memory_space<vmem>>) semaphore(%run_scoped3A : memref<!tpu.dma_semaphore, #tpu.memory_space<semaphore_mem>>) {add = true}
        %dma_wait3A_514 = arith.constant 0 : i32
        %dma_wait3A_515 = arith.constant 0 : i32
        %dma_wait3A_516 = tpu.memref_slice %arg25[%dma_wait3A_514, %dma_wait3A_515] : memref<10112x128xf32, #tpu.memory_space<vmem_shared>> -> memref<10112x128xf32, #tpu.memory_space<vmem_shared>>
        tpu.wait_indirect_dma semaphore(%run_scoped3A : memref<!tpu.dma_semaphore, #tpu.memory_space<semaphore_mem>>) src(%arg20 : memref<40x128xf32, #tpu.memory_space<vmem>>) dst(%dma_wait3A_516 : memref<10112x128xf32, #tpu.memory_space<vmem_shared>>)
        tpu.yield
      }) : () -> ()
      %mul3A_326 = arith.constant 40 : i32
      %mul3A_327 = arith.muli %min3A_149, %mul3A_326 : i32
      %add3A_328 = arith.addi %mul3A_72, %mul3A_327 : i32
      %dma_start3A_329 = tpu.memref_slice %arg6[%add3A_328] : memref<320000xi32, #tpu.memory_space<hbm>> -> memref<40xi32, #tpu.memory_space<hbm>>
      %dma_start3A_330 = tpu.memref_slice %arg6[%add3A_328] : memref<320000xi32, #tpu.memory_space<hbm>> -> memref<40xi32, #tpu.memory_space<hbm>>
      tpu.enqueue_dma source(%dma_start3A_330 : memref<40xi32, #tpu.memory_space<hbm>>) target(%arg9 : memref<40xi32, #tpu.memory_space<vmem>>) target_semaphore(%arg21 : memref<!tpu.dma_semaphore, #tpu.memory_space<semaphore_mem>>)
      %dma_start3A_331 = tpu.memref_slice %arg7[%add3A_328] : memref<320000xi32, #tpu.memory_space<hbm>> -> memref<40xi32, #tpu.memory_space<hbm>>
      %dma_start3A_332 = tpu.memref_slice %arg7[%add3A_328] : memref<320000xi32, #tpu.memory_space<hbm>> -> memref<40xi32, #tpu.memory_space<hbm>>
      tpu.enqueue_dma source(%dma_start3A_332 : memref<40xi32, #tpu.memory_space<hbm>>) target(%arg11 : memref<40xi32, #tpu.memory_space<vmem>>) target_semaphore(%arg21 : memref<!tpu.dma_semaphore, #tpu.memory_space<semaphore_mem>>)
      %dma_wait3A_333 = arith.constant 0 : i32
      %dma_wait3A_334 = tpu.memref_slice %arg6[%dma_wait3A_333] : memref<320000xi32, #tpu.memory_space<hbm>> -> memref<40xi32, #tpu.memory_space<hbm>>
      %dma_wait3A_335 = arith.constant 0 : i32
      %dma_wait3A_336 = tpu.memref_slice %arg6[%dma_wait3A_335] : memref<320000xi32, #tpu.memory_space<hbm>> -> memref<40xi32, #tpu.memory_space<hbm>>
      tpu.wait_dma2 semaphore(%arg21 : memref<!tpu.dma_semaphore, #tpu.memory_space<semaphore_mem>>) src(%dma_wait3A_336 : memref<40xi32, #tpu.memory_space<hbm>>) dst(%arg9 : memref<40xi32, #tpu.memory_space<vmem>>)
      %dma_wait3A_337 = arith.constant 0 : i32
      %dma_wait3A_338 = tpu.memref_slice %arg7[%dma_wait3A_337] : memref<320000xi32, #tpu.memory_space<hbm>> -> memref<40xi32, #tpu.memory_space<hbm>>
      %dma_wait3A_339 = arith.constant 0 : i32
      %dma_wait3A_340 = tpu.memref_slice %arg7[%dma_wait3A_339] : memref<320000xi32, #tpu.memory_space<hbm>> -> memref<40xi32, #tpu.memory_space<hbm>>
      tpu.wait_dma2 semaphore(%arg21 : memref<!tpu.dma_semaphore, #tpu.memory_space<semaphore_mem>>) src(%dma_wait3A_340 : memref<40xi32, #tpu.memory_space<hbm>>) dst(%arg11 : memref<40xi32, #tpu.memory_space<vmem>>)
      %mul3A_341 = arith.constant 40 : i32
      %mul3A_342 = arith.muli %min3A_149, %mul3A_341 : i32
      %add3A_343 = arith.addi %mul3A_72, %mul3A_342 : i32
      %dma_start3A_344 = arith.constant 0 : i32
      %dma_start3A_345 = arith.constant 0 : i32
      %dma_start3A_346 = tpu.memref_slice %arg2[%dma_start3A_344, %dma_start3A_345] : memref<10000x128xf32, #tpu.memory_space<hbm>> -> memref<10000x128xf32, #tpu.memory_space<hbm>>
      tpu.enqueue_indirect_dma source(%dma_start3A_346 : memref<10000x128xf32, #tpu.memory_space<hbm>>) target(%arg13 : memref<40x128xf32, #tpu.memory_space<vmem>>) offsets(%arg9 : memref<40xi32, #tpu.memory_space<vmem>>) semaphore(%arg23 : memref<!tpu.dma_semaphore, #tpu.memory_space<semaphore_mem>>)
      %dma_start3A_347 = arith.constant 0 : i32
      %dma_start3A_348 = arith.constant 0 : i32
      %dma_start3A_349 = tpu.memref_slice %arg3[%dma_start3A_347, %dma_start3A_348] : memref<10000x128xf32, #tpu.memory_space<hbm>> -> memref<10000x128xf32, #tpu.memory_space<hbm>>
      tpu.enqueue_indirect_dma source(%dma_start3A_349 : memref<10000x128xf32, #tpu.memory_space<hbm>>) target(%arg15 : memref<40x128xf32, #tpu.memory_space<vmem>>) offsets(%arg11 : memref<40xi32, #tpu.memory_space<vmem>>) semaphore(%arg23 : memref<!tpu.dma_semaphore, #tpu.memory_space<semaphore_mem>>)
      %mul3A_350 = arith.constant 4 : i32
      %mul3A_351 = arith.muli %mul3A_350, %add3A_343 : i32
      %dma_start3A_352 = arith.constant 0 : i32
      %dma_start3A_353 = tpu.memref_slice %arg17[%dma_start3A_352] : memref<176xf32, #tpu.memory_space<vmem>> -> memref<160xf32, #tpu.memory_space<vmem>>
      %dma_start3A_354 = tpu.memref_slice %arg4[%mul3A_351] : memref<1280000xf32, #tpu.memory_space<hbm>> -> memref<160xf32, #tpu.memory_space<hbm>>
      %dma_start3A_355 = arith.constant 0 : i32
      %dma_start3A_356 = tpu.memref_slice %arg17[%dma_start3A_355] : memref<176xf32, #tpu.memory_space<vmem>> -> memref<160xf32, #tpu.memory_space<vmem>>
      %dma_start3A_357 = tpu.memref_slice %arg4[%mul3A_351] : memref<1280000xf32, #tpu.memory_space<hbm>> -> memref<160xf32, #tpu.memory_space<hbm>>
      tpu.enqueue_dma source(%dma_start3A_357 : memref<160xf32, #tpu.memory_space<hbm>>) target(%dma_start3A_356 : memref<160xf32, #tpu.memory_space<vmem>>) target_semaphore(%arg23 : memref<!tpu.dma_semaphore, #tpu.memory_space<semaphore_mem>>)
      %dma_wait3A_358 = arith.constant 0 : i32
      %dma_wait3A_359 = arith.constant 0 : i32
      %dma_wait3A_360 = tpu.memref_slice %arg2[%dma_wait3A_358, %dma_wait3A_359] : memref<10000x128xf32, #tpu.memory_space<hbm>> -> memref<40x128xf32, #tpu.memory_space<hbm>>
      %dma_wait3A_361 = arith.constant 0 : i32
      %dma_wait3A_362 = arith.constant 0 : i32
      %dma_wait3A_363 = tpu.memref_slice %arg2[%dma_wait3A_361, %dma_wait3A_362] : memref<10000x128xf32, #tpu.memory_space<hbm>> -> memref<40x128xf32, #tpu.memory_space<hbm>>
      tpu.wait_dma2 semaphore(%arg24 : memref<!tpu.dma_semaphore, #tpu.memory_space<semaphore_mem>>) src(%dma_wait3A_363 : memref<40x128xf32, #tpu.memory_space<hbm>>) dst(%arg14 : memref<40x128xf32, #tpu.memory_space<vmem>>)
      %dma_wait3A_364 = arith.constant 0 : i32
      %dma_wait3A_365 = arith.constant 0 : i32
      %dma_wait3A_366 = tpu.memref_slice %arg2[%dma_wait3A_364, %dma_wait3A_365] : memref<10000x128xf32, #tpu.memory_space<hbm>> -> memref<40x128xf32, #tpu.memory_space<hbm>>
      %dma_wait3A_367 = arith.constant 0 : i32
      %dma_wait3A_368 = arith.constant 0 : i32
      %dma_wait3A_369 = tpu.memref_slice %arg2[%dma_wait3A_367, %dma_wait3A_368] : memref<10000x128xf32, #tpu.memory_space<hbm>> -> memref<40x128xf32, #tpu.memory_space<hbm>>
      tpu.wait_dma2 semaphore(%arg24 : memref<!tpu.dma_semaphore, #tpu.memory_space<semaphore_mem>>) src(%dma_wait3A_369 : memref<40x128xf32, #tpu.memory_space<hbm>>) dst(%arg16 : memref<40x128xf32, #tpu.memory_space<vmem>>)
      %dma_wait3A_370 = arith.constant 0 : i32
      %dma_wait3A_371 = tpu.memref_slice %arg18[%dma_wait3A_370] : memref<176xf32, #tpu.memory_space<vmem>> -> memref<160xf32, #tpu.memory_space<vmem>>
      %dma_wait3A_372 = arith.constant 0 : i32
      %dma_wait3A_373 = tpu.memref_slice %arg4[%dma_wait3A_372] : memref<1280000xf32, #tpu.memory_space<hbm>> -> memref<160xf32, #tpu.memory_space<hbm>>
      %dma_wait3A_374 = arith.constant 0 : i32
      %dma_wait3A_375 = tpu.memref_slice %arg18[%dma_wait3A_374] : memref<176xf32, #tpu.memory_space<vmem>> -> memref<160xf32, #tpu.memory_space<vmem>>
      %dma_wait3A_376 = arith.constant 0 : i32
      %dma_wait3A_377 = tpu.memref_slice %arg4[%dma_wait3A_376] : memref<1280000xf32, #tpu.memory_space<hbm>> -> memref<160xf32, #tpu.memory_space<hbm>>
      tpu.wait_dma2 semaphore(%arg24 : memref<!tpu.dma_semaphore, #tpu.memory_space<semaphore_mem>>) src(%dma_wait3A_377 : memref<160xf32, #tpu.memory_space<hbm>>) dst(%dma_wait3A_375 : memref<160xf32, #tpu.memory_space<vmem>>)
      %get3A_378 = arith.constant 0 : index
      %get3A_379 = tpu.vector_load %arg19[%get3A_378] {strides = array<i32>} : memref<640xf32, #tpu.memory_space<vmem>>, vector<16xf32>,
      %get3A_380 = vector.shape_cast %get3A_379 : vector<16xf32> to vector<16xf32>
      %get3A_381 = arith.constant 16 : index
      %get3A_382 = tpu.vector_load %arg19[%get3A_381] {strides = array<i32>} : memref<640xf32, #tpu.memory_space<vmem>>, vector<16xf32>,
      %get3A_383 = vector.shape_cast %get3A_382 : vector<16xf32> to vector<16xf32>
      %get3A_384 = arith.constant 32 : index
      %get3A_385 = tpu.vector_load %arg19[%get3A_384] {strides = array<i32>} : memref<640xf32, #tpu.memory_space<vmem>>, vector<16xf32>,
      %get3A_386 = vector.shape_cast %get3A_385 : vector<16xf32> to vector<16xf32>
      %get3A_387 = arith.constant 48 : index
      %get3A_388 = tpu.vector_load %arg19[%get3A_387] {strides = array<i32>} : memref<640xf32, #tpu.memory_space<vmem>>, vector<16xf32>,
      %get3A_389 = vector.shape_cast %get3A_388 : vector<16xf32> to vector<16xf32>
      %get3A_390 = arith.constant 64 : index
      %get3A_391 = tpu.vector_load %arg19[%get3A_390] {strides = array<i32>} : memref<640xf32, #tpu.memory_space<vmem>>, vector<16xf32>,
      %get3A_392 = vector.shape_cast %get3A_391 : vector<16xf32> to vector<16xf32>
      %get3A_393 = arith.constant 80 : index
      %get3A_394 = tpu.vector_load %arg19[%get3A_393] {strides = array<i32>} : memref<640xf32, #tpu.memory_space<vmem>>, vector<16xf32>,
      %get3A_395 = vector.shape_cast %get3A_394 : vector<16xf32> to vector<16xf32>
      %get3A_396 = arith.constant 96 : index
      %get3A_397 = tpu.vector_load %arg19[%get3A_396] {strides = array<i32>} : memref<640xf32, #tpu.memory_space<vmem>>, vector<16xf32>,
      %get3A_398 = vector.shape_cast %get3A_397 : vector<16xf32> to vector<16xf32>
      %get3A_399 = arith.constant 112 : index
      %get3A_400 = tpu.vector_load %arg19[%get3A_399] {strides = array<i32>} : memref<640xf32, #tpu.memory_space<vmem>>, vector<16xf32>,
      %get3A_401 = vector.shape_cast %get3A_400 : vector<16xf32> to vector<16xf32>
      %get3A_402 = arith.constant 128 : index
      %get3A_403 = tpu.vector_load %arg19[%get3A_402] {strides = array<i32>} : memref<640xf32, #tpu.memory_space<vmem>>, vector<16xf32>,
      %get3A_404 = vector.shape_cast %get3A_403 : vector<16xf32> to vector<16xf32>
      %get3A_405 = arith.constant 144 : index
      %get3A_406 = tpu.vector_load %arg19[%get3A_405] {strides = array<i32>} : memref<640xf32, #tpu.memory_space<vmem>>, vector<16xf32>,
      %get3A_407 = vector.shape_cast %get3A_406 : vector<16xf32> to vector<16xf32>
      %get3A_408 = arith.constant 160 : index
      %get3A_409 = tpu.vector_load %arg19[%get3A_408] {strides = array<i32>} : memref<640xf32, #tpu.memory_space<vmem>>, vector<16xf32>,
      %get3A_410 = vector.shape_cast %get3A_409 : vector<16xf32> to vector<16xf32>
      %get3A_411 = arith.constant 176 : index
      %get3A_412 = tpu.vector_load %arg19[%get3A_411] {strides = array<i32>} : memref<640xf32, #tpu.memory_space<vmem>>, vector<16xf32>,
      %get3A_413 = vector.shape_cast %get3A_412 : vector<16xf32> to vector<16xf32>
      %get3A_414 = arith.constant 192 : index
      %get3A_415 = tpu.vector_load %arg19[%get3A_414] {strides = array<i32>} : memref<640xf32, #tpu.memory_space<vmem>>, vector<16xf32>,
      %get3A_416 = vector.shape_cast %get3A_415 : vector<16xf32> to vector<16xf32>
      %get3A_417 = arith.constant 208 : index
      %get3A_418 = tpu.vector_load %arg19[%get3A_417] {strides = array<i32>} : memref<640xf32, #tpu.memory_space<vmem>>, vector<16xf32>,
      %get3A_419 = vector.shape_cast %get3A_418 : vector<16xf32> to vector<16xf32>
      %get3A_420 = arith.constant 224 : index
      %get3A_421 = tpu.vector_load %arg19[%get3A_420] {strides = array<i32>} : memref<640xf32, #tpu.memory_space<vmem>>, vector<16xf32>,
      %get3A_422 = vector.shape_cast %get3A_421 : vector<16xf32> to vector<16xf32>
      %get3A_423 = arith.constant 240 : index
      %get3A_424 = tpu.vector_load %arg19[%get3A_423] {strides = array<i32>} : memref<640xf32, #tpu.memory_space<vmem>>, vector<16xf32>,
      %get3A_425 = vector.shape_cast %get3A_424 : vector<16xf32> to vector<16xf32>
      %get3A_426 = arith.constant 256 : index
      %get3A_427 = tpu.vector_load %arg19[%get3A_426] {strides = array<i32>} : memref<640xf32, #tpu.memory_space<vmem>>, vector<16xf32>,
      %get3A_428 = vector.shape_cast %get3A_427 : vector<16xf32> to vector<16xf32>
      %get3A_429 = arith.constant 272 : index
      %get3A_430 = tpu.vector_load %arg19[%get3A_429] {strides = array<i32>} : memref<640xf32, #tpu.memory_space<vmem>>, vector<16xf32>,
      %get3A_431 = vector.shape_cast %get3A_430 : vector<16xf32> to vector<16xf32>
      %get3A_432 = arith.constant 288 : index
      %get3A_433 = tpu.vector_load %arg19[%get3A_432] {strides = array<i32>} : memref<640xf32, #tpu.memory_space<vmem>>, vector<16xf32>,
      %get3A_434 = vector.shape_cast %get3A_433 : vector<16xf32> to vector<16xf32>
      %get3A_435 = arith.constant 304 : index
      %get3A_436 = tpu.vector_load %arg19[%get3A_435] {strides = array<i32>} : memref<640xf32, #tpu.memory_space<vmem>>, vector<16xf32>,
      %get3A_437 = vector.shape_cast %get3A_436 : vector<16xf32> to vector<16xf32>
      %get3A_438 = arith.constant 320 : index
      %get3A_439 = tpu.vector_load %arg19[%get3A_438] {strides = array<i32>} : memref<640xf32, #tpu.memory_space<vmem>>, vector<16xf32>,
      %get3A_440 = vector.shape_cast %get3A_439 : vector<16xf32> to vector<16xf32>
      %get3A_441 = arith.constant 336 : index
      %get3A_442 = tpu.vector_load %arg19[%get3A_441] {strides = array<i32>} : memref<640xf32, #tpu.memory_space<vmem>>, vector<16xf32>,
      %get3A_443 = vector.shape_cast %get3A_442 : vector<16xf32> to vector<16xf32>
      %get3A_444 = arith.constant 352 : index
      %get3A_445 = tpu.vector_load %arg19[%get3A_444] {strides = array<i32>} : memref<640xf32, #tpu.memory_space<vmem>>, vector<16xf32>,
      %get3A_446 = vector.shape_cast %get3A_445 : vector<16xf32> to vector<16xf32>
      %get3A_447 = arith.constant 368 : index
      %get3A_448 = tpu.vector_load %arg19[%get3A_447] {strides = array<i32>} : memref<640xf32, #tpu.memory_space<vmem>>, vector<16xf32>,
      %get3A_449 = vector.shape_cast %get3A_448 : vector<16xf32> to vector<16xf32>
      %get3A_450 = arith.constant 384 : index
      %get3A_451 = tpu.vector_load %arg19[%get3A_450] {strides = array<i32>} : memref<640xf32, #tpu.memory_space<vmem>>, vector<16xf32>,
      %get3A_452 = vector.shape_cast %get3A_451 : vector<16xf32> to vector<16xf32>
      %get3A_453 = arith.constant 400 : index
      %get3A_454 = tpu.vector_load %arg19[%get3A_453] {strides = array<i32>} : memref<640xf32, #tpu.memory_space<vmem>>, vector<16xf32>,
      %get3A_455 = vector.shape_cast %get3A_454 : vector<16xf32> to vector<16xf32>
      %get3A_456 = arith.constant 416 : index
      %get3A_457 = tpu.vector_load %arg19[%get3A_456] {strides = array<i32>} : memref<640xf32, #tpu.memory_space<vmem>>, vector<16xf32>,
      %get3A_458 = vector.shape_cast %get3A_457 : vector<16xf32> to vector<16xf32>
      %get3A_459 = arith.constant 432 : index
      %get3A_460 = tpu.vector_load %arg19[%get3A_459] {strides = array<i32>} : memref<640xf32, #tpu.memory_space<vmem>>, vector<16xf32>,
      %get3A_461 = vector.shape_cast %get3A_460 : vector<16xf32> to vector<16xf32>
      %get3A_462 = arith.constant 448 : index
      %get3A_463 = tpu.vector_load %arg19[%get3A_462] {strides = array<i32>} : memref<640xf32, #tpu.memory_space<vmem>>, vector<16xf32>,
      %get3A_464 = vector.shape_cast %get3A_463 : vector<16xf32> to vector<16xf32>
      %get3A_465 = arith.constant 464 : index
      %get3A_466 = tpu.vector_load %arg19[%get3A_465] {strides = array<i32>} : memref<640xf32, #tpu.memory_space<vmem>>, vector<16xf32>,
      %get3A_467 = vector.shape_cast %get3A_466 : vector<16xf32> to vector<16xf32>
      %get3A_468 = arith.constant 480 : index
      %get3A_469 = tpu.vector_load %arg19[%get3A_468] {strides = array<i32>} : memref<640xf32, #tpu.memory_space<vmem>>, vector<16xf32>,
      %get3A_470 = vector.shape_cast %get3A_469 : vector<16xf32> to vector<16xf32>
      %get3A_471 = arith.constant 496 : index
      %get3A_472 = tpu.vector_load %arg19[%get3A_471] {strides = array<i32>} : memref<640xf32, #tpu.memory_space<vmem>>, vector<16xf32>,
      %get3A_473 = vector.shape_cast %get3A_472 : vector<16xf32> to vector<16xf32>
      %get3A_474 = arith.constant 512 : index
      %get3A_475 = tpu.vector_load %arg19[%get3A_474] {strides = array<i32>} : memref<640xf32, #tpu.memory_space<vmem>>, vector<16xf32>,
      %get3A_476 = vector.shape_cast %get3A_475 : vector<16xf32> to vector<16xf32>
      %get3A_477 = arith.constant 528 : index
      %get3A_478 = tpu.vector_load %arg19[%get3A_477] {strides = array<i32>} : memref<640xf32, #tpu.memory_space<vmem>>, vector<16xf32>,
      %get3A_479 = vector.shape_cast %get3A_478 : vector<16xf32> to vector<16xf32>
      %get3A_480 = arith.constant 544 : index
      %get3A_481 = tpu.vector_load %arg19[%get3A_480] {strides = array<i32>} : memref<640xf32, #tpu.memory_space<vmem>>, vector<16xf32>,
      %get3A_482 = vector.shape_cast %get3A_481 : vector<16xf32> to vector<16xf32>
      %get3A_483 = arith.constant 560 : index
      %get3A_484 = tpu.vector_load %arg19[%get3A_483] {strides = array<i32>} : memref<640xf32, #tpu.memory_space<vmem>>, vector<16xf32>,
      %get3A_485 = vector.shape_cast %get3A_484 : vector<16xf32> to vector<16xf32>
      %get3A_486 = arith.constant 576 : index
      %get3A_487 = tpu.vector_load %arg19[%get3A_486] {strides = array<i32>} : memref<640xf32, #tpu.memory_space<vmem>>, vector<16xf32>,
      %get3A_488 = vector.shape_cast %get3A_487 : vector<16xf32> to vector<16xf32>
      %get3A_489 = arith.constant 592 : index
      %get3A_490 = tpu.vector_load %arg19[%get3A_489] {strides = array<i32>} : memref<640xf32, #tpu.memory_space<vmem>>, vector<16xf32>,
      %get3A_491 = vector.shape_cast %get3A_490 : vector<16xf32> to vector<16xf32>
      %get3A_492 = arith.constant 608 : index
      %get3A_493 = tpu.vector_load %arg19[%get3A_492] {strides = array<i32>} : memref<640xf32, #tpu.memory_space<vmem>>, vector<16xf32>,
      %get3A_494 = vector.shape_cast %get3A_493 : vector<16xf32> to vector<16xf32>
      %get3A_495 = arith.constant 624 : index
      %get3A_496 = tpu.vector_load %arg19[%get3A_495] {strides = array<i32>} : memref<640xf32, #tpu.memory_space<vmem>>, vector<16xf32>,
      %get3A_497 = vector.shape_cast %get3A_496 : vector<16xf32> to vector<16xf32>
      %scan3A_498 = arith.constant 0 : i32
      %scan3A_499 = arith.constant 0 : i32
      %scan3A_500 = arith.constant 20 : i32
      %scan3A_501 = arith.addi %scan3A_499, %scan3A_500 : i32
      %scan3A_502 = arith.constant 1 : i32
      scf.for %scan3A_511 = %scan3A_499 to %scan3A_501 step %scan3A_502  : i32 {
        %mul3A_512 = arith.constant 2 : i32
        %mul3A_513 = arith.muli %mul3A_512, %scan3A_511 : i32
        %mul3A_514 = arith.constant 4 : i32
        %mul3A_515 = arith.muli %mul3A_514, %mul3A_513 : i32
        %get3A_516 = arith.index_cast %mul3A_515 : i32 to index
        %get3A_517 = tpu.vector_load %arg18[%get3A_516] {strides = array<i32>} : memref<176xf32, #tpu.memory_space<vmem>>, vector<16xf32>,
        %get3A_518 = vector.shape_cast %get3A_517 : vector<16xf32> to vector<16xf32>
        %mul3A_519 = arith.constant 4 : i32
        %mul3A_520 = arith.muli %mul3A_519, %mul3A_513 : i32
        %add3A_521 = arith.constant 4 : i32
        %add3A_522 = arith.addi %mul3A_520, %add3A_521 : i32
        %get3A_523 = arith.index_cast %add3A_522 : i32 to index
        %get3A_524 = tpu.vector_load %arg18[%get3A_523] {strides = array<i32>} : memref<176xf32, #tpu.memory_space<vmem>>, vector<16xf32>,
        %get3A_525 = vector.shape_cast %get3A_524 : vector<16xf32> to vector<16xf32>
        %lt3A = arith.constant 0 : i32
        %lt3A_526 = vector.broadcast %lt3A : i32 to vector<16xi32>
        %lt3A_527 = arith.cmpi slt, %broadcast_in_dim3A_74, %lt3A_526 : vector<16xi32>
        %add3A_528 = arith.constant 16 : i32
        %add3A_529 = vector.broadcast %add3A_528 : i32 to vector<16xi32>
        %add3A_530 = arith.addi %broadcast_in_dim3A_74, %add3A_529 : vector<16xi32>
        %select_n3A = arith.select %lt3A_527, %add3A_530, %broadcast_in_dim3A_74 : vector<16xi1>, vector<16xi32>
        %broadcast_in_dim3A_531 = vector.shape_cast %select_n3A : vector<16xi32> to vector<16x1xi32>
        %gather3A = vector.shape_cast %broadcast_in_dim3A_531 : vector<16x1xi32> to vector<16xi32>
        %gather3A_532 = tpu.dynamic_gather %get3A_518[%gather3A] in [0] : vector<16xf32>, vector<16xi32> -> vector<16xf32>
        %lt3A_533 = arith.constant 0 : i32
        %lt3A_534 = vector.broadcast %lt3A_533 : i32 to vector<16xi32>
        %lt3A_535 = arith.cmpi slt, %broadcast_in_dim3A_76, %lt3A_534 : vector<16xi32>
        %add3A_536 = arith.constant 16 : i32
        %add3A_537 = vector.broadcast %add3A_536 : i32 to vector<16xi32>
        %add3A_538 = arith.addi %broadcast_in_dim3A_76, %add3A_537 : vector<16xi32>
        %select_n3A_539 = arith.select %lt3A_535, %add3A_538, %broadcast_in_dim3A_76 : vector<16xi1>, vector<16xi32>
        %broadcast_in_dim3A_540 = vector.shape_cast %select_n3A_539 : vector<16xi32> to vector<16x1xi32>
        %gather3A_541 = vector.shape_cast %broadcast_in_dim3A_540 : vector<16x1xi32> to vector<16xi32>
        %gather3A_542 = tpu.dynamic_gather %get3A_518[%gather3A_541] in [0] : vector<16xf32>, vector<16xi32> -> vector<16xf32>
        %lt3A_543 = arith.constant 0 : i32
        %lt3A_544 = vector.broadcast %lt3A_543 : i32 to vector<16xi32>
        %lt3A_545 = arith.cmpi slt, %broadcast_in_dim3A_78, %lt3A_544 : vector<16xi32>
        %add3A_546 = arith.constant 16 : i32
        %add3A_547 = vector.broadcast %add3A_546 : i32 to vector<16xi32>
        %add3A_548 = arith.addi %broadcast_in_dim3A_78, %add3A_547 : vector<16xi32>
        %select_n3A_549 = arith.select %lt3A_545, %add3A_548, %broadcast_in_dim3A_78 : vector<16xi1>, vector<16xi32>
        %broadcast_in_dim3A_550 = vector.shape_cast %select_n3A_549 : vector<16xi32> to vector<16x1xi32>
        %gather3A_551 = vector.shape_cast %broadcast_in_dim3A_550 : vector<16x1xi32> to vector<16xi32>
        %gather3A_552 = tpu.dynamic_gather %get3A_518[%gather3A_551] in [0] : vector<16xf32>, vector<16xi32> -> vector<16xf32>
        %lt3A_553 = arith.constant 0 : i32
        %lt3A_554 = vector.broadcast %lt3A_553 : i32 to vector<16xi32>
        %lt3A_555 = arith.cmpi slt, %broadcast_in_dim3A_80, %lt3A_554 : vector<16xi32>
        %add3A_556 = arith.constant 16 : i32
        %add3A_557 = vector.broadcast %add3A_556 : i32 to vector<16xi32>
        %add3A_558 = arith.addi %broadcast_in_dim3A_80, %add3A_557 : vector<16xi32>
        %select_n3A_559 = arith.select %lt3A_555, %add3A_558, %broadcast_in_dim3A_80 : vector<16xi1>, vector<16xi32>
        %broadcast_in_dim3A_560 = vector.shape_cast %select_n3A_559 : vector<16xi32> to vector<16x1xi32>
        %gather3A_561 = vector.shape_cast %broadcast_in_dim3A_560 : vector<16x1xi32> to vector<16xi32>
        %gather3A_562 = tpu.dynamic_gather %get3A_518[%gather3A_561] in [0] : vector<16xf32>, vector<16xi32> -> vector<16xf32>
        %lt3A_563 = arith.constant 0 : i32
        %lt3A_564 = vector.broadcast %lt3A_563 : i32 to vector<16xi32>
        %lt3A_565 = arith.cmpi slt, %broadcast_in_dim3A_74, %lt3A_564 : vector<16xi32>
        %add3A_566 = arith.constant 16 : i32
        %add3A_567 = vector.broadcast %add3A_566 : i32 to vector<16xi32>
        %add3A_568 = arith.addi %broadcast_in_dim3A_74, %add3A_567 : vector<16xi32>
        %select_n3A_569 = arith.select %lt3A_565, %add3A_568, %broadcast_in_dim3A_74 : vector<16xi1>, vector<16xi32>
        %broadcast_in_dim3A_570 = vector.shape_cast %select_n3A_569 : vector<16xi32> to vector<16x1xi32>
        %gather3A_571 = vector.shape_cast %broadcast_in_dim3A_570 : vector<16x1xi32> to vector<16xi32>
        %gather3A_572 = tpu.dynamic_gather %get3A_525[%gather3A_571] in [0] : vector<16xf32>, vector<16xi32> -> vector<16xf32>
        %lt3A_573 = arith.constant 0 : i32
        %lt3A_574 = vector.broadcast %lt3A_573 : i32 to vector<16xi32>
        %lt3A_575 = arith.cmpi slt, %broadcast_in_dim3A_76, %lt3A_574 : vector<16xi32>
        %add3A_576 = arith.constant 16 : i32
        %add3A_577 = vector.broadcast %add3A_576 : i32 to vector<16xi32>
        %add3A_578 = arith.addi %broadcast_in_dim3A_76, %add3A_577 : vector<16xi32>
        %select_n3A_579 = arith.select %lt3A_575, %add3A_578, %broadcast_in_dim3A_76 : vector<16xi1>, vector<16xi32>
        %broadcast_in_dim3A_580 = vector.shape_cast %select_n3A_579 : vector<16xi32> to vector<16x1xi32>
        %gather3A_581 = vector.shape_cast %broadcast_in_dim3A_580 : vector<16x1xi32> to vector<16xi32>
        %gather3A_582 = tpu.dynamic_gather %get3A_525[%gather3A_581] in [0] : vector<16xf32>, vector<16xi32> -> vector<16xf32>
        %lt3A_583 = arith.constant 0 : i32
        %lt3A_584 = vector.broadcast %lt3A_583 : i32 to vector<16xi32>
        %lt3A_585 = arith.cmpi slt, %broadcast_in_dim3A_78, %lt3A_584 : vector<16xi32>
        %add3A_586 = arith.constant 16 : i32
        %add3A_587 = vector.broadcast %add3A_586 : i32 to vector<16xi32>
        %add3A_588 = arith.addi %broadcast_in_dim3A_78, %add3A_587 : vector<16xi32>
        %select_n3A_589 = arith.select %lt3A_585, %add3A_588, %broadcast_in_dim3A_78 : vector<16xi1>, vector<16xi32>
        %broadcast_in_dim3A_590 = vector.shape_cast %select_n3A_589 : vector<16xi32> to vector<16x1xi32>
        %gather3A_591 = vector.shape_cast %broadcast_in_dim3A_590 : vector<16x1xi32> to vector<16xi32>
        %gather3A_592 = tpu.dynamic_gather %get3A_525[%gather3A_591] in [0] : vector<16xf32>, vector<16xi32> -> vector<16xf32>
        %lt3A_593 = arith.constant 0 : i32
        %lt3A_594 = vector.broadcast %lt3A_593 : i32 to vector<16xi32>
        %lt3A_595 = arith.cmpi slt, %broadcast_in_dim3A_80, %lt3A_594 : vector<16xi32>
        %add3A_596 = arith.constant 16 : i32
        %add3A_597 = vector.broadcast %add3A_596 : i32 to vector<16xi32>
        %add3A_598 = arith.addi %broadcast_in_dim3A_80, %add3A_597 : vector<16xi32>
        %select_n3A_599 = arith.select %lt3A_595, %add3A_598, %broadcast_in_dim3A_80 : vector<16xi1>, vector<16xi32>
        %broadcast_in_dim3A_600 = vector.shape_cast %select_n3A_599 : vector<16xi32> to vector<16x1xi32>
        %gather3A_601 = vector.shape_cast %broadcast_in_dim3A_600 : vector<16x1xi32> to vector<16xi32>
        %gather3A_602 = tpu.dynamic_gather %get3A_525[%gather3A_601] in [0] : vector<16xf32>, vector<16xi32> -> vector<16xf32>
        %get3A_603 = arith.index_cast %mul3A_513 : i32 to index
        %get3A_604 = arith.constant 0 : index
        %get3A_605 = tpu.vector_load %arg14[%get3A_603, %get3A_604] {strides = array<i32>} : memref<40x128xf32, #tpu.memory_space<vmem>>, vector<1x16xf32>,
        %get3A_606 = vector.shape_cast %get3A_605 : vector<1x16xf32> to vector<16xf32>
        %get3A_607 = arith.index_cast %mul3A_513 : i32 to index
        %get3A_608 = arith.constant 0 : index
        %get3A_609 = tpu.vector_load %arg16[%get3A_607, %get3A_608] {strides = array<i32>} : memref<40x128xf32, #tpu.memory_space<vmem>>, vector<1x16xf32>,
        %get3A_610 = vector.shape_cast %get3A_609 : vector<1x16xf32> to vector<16xf32>
        %add3A_611 = arith.addf %get3A_606, %get3A_610 : vector<16xf32>
        %add3A_612 = arith.addf %add3A_611, %get3A_476 : vector<16xf32>
        %add3A_613 = arith.constant 1 : i32
        %add3A_614 = arith.addi %mul3A_513, %add3A_613 : i32
        %get3A_615 = arith.index_cast %add3A_614 : i32 to index
        %get3A_616 = arith.constant 0 : index
        %get3A_617 = tpu.vector_load %arg14[%get3A_615, %get3A_616] {strides = array<i32>} : memref<40x128xf32, #tpu.memory_space<vmem>>, vector<1x16xf32>,
        %get3A_618 = vector.shape_cast %get3A_617 : vector<1x16xf32> to vector<16xf32>
        %add3A_619 = arith.constant 1 : i32
        %add3A_620 = arith.addi %mul3A_513, %add3A_619 : i32
        %get3A_621 = arith.index_cast %add3A_620 : i32 to index
        %get3A_622 = arith.constant 0 : index
        %get3A_623 = tpu.vector_load %arg16[%get3A_621, %get3A_622] {strides = array<i32>} : memref<40x128xf32, #tpu.memory_space<vmem>>, vector<1x16xf32>,
        %get3A_624 = vector.shape_cast %get3A_623 : vector<1x16xf32> to vector<16xf32>
        %add3A_625 = arith.addf %get3A_618, %get3A_624 : vector<16xf32>
        %add3A_626 = arith.addf %add3A_625, %get3A_476 : vector<16xf32>
        %mul3A_627 = arith.mulf %gather3A_532, %get3A_380 : vector<16xf32>
        %add3A_628 = arith.addf %add3A_612, %mul3A_627 : vector<16xf32>
        %mul3A_629 = arith.mulf %gather3A_572, %get3A_380 : vector<16xf32>
        %add3A_630 = arith.addf %add3A_626, %mul3A_629 : vector<16xf32>
        %mul3A_631 = arith.mulf %gather3A_542, %get3A_404 : vector<16xf32>
        %add3A_632 = arith.addf %add3A_628, %mul3A_631 : vector<16xf32>
        %mul3A_633 = arith.mulf %gather3A_582, %get3A_404 : vector<16xf32>
        %add3A_634 = arith.addf %add3A_630, %mul3A_633 : vector<16xf32>
        %mul3A_635 = arith.mulf %gather3A_552, %get3A_428 : vector<16xf32>
        %add3A_636 = arith.addf %add3A_632, %mul3A_635 : vector<16xf32>
        %mul3A_637 = arith.mulf %gather3A_592, %get3A_428 : vector<16xf32>
        %add3A_638 = arith.addf %add3A_634, %mul3A_637 : vector<16xf32>
        %mul3A_639 = arith.mulf %gather3A_562, %get3A_452 : vector<16xf32>
        %add3A_640 = arith.addf %add3A_636, %mul3A_639 : vector<16xf32>
        %mul3A_641 = arith.mulf %gather3A_602, %get3A_452 : vector<16xf32>
        %add3A_642 = arith.addf %add3A_638, %mul3A_641 : vector<16xf32>
        %max3A = arith.constant 0.000000e+00 : f32
        %max3A_643 = vector.broadcast %max3A : f32 to vector<16xf32>
        %max3A_644 = arith.maximumf %add3A_640, %max3A_643 : vector<16xf32>
        %swap3A = arith.index_cast %mul3A_513 : i32 to index
        %swap3A_645 = arith.constant 0 : index
        %swap3A_646 = tpu.vector_load %arg20[%swap3A, %swap3A_645] {strides = array<i32>} : memref<40x128xf32, #tpu.memory_space<vmem>>, vector<1x16xf32>,
        %swap3A_647 = vector.shape_cast %swap3A_646 : vector<1x16xf32> to vector<16xf32>
        %swap3A_648 = vector.shape_cast %max3A_644 : vector<16xf32> to vector<1x16xf32>
        tpu.vector_store %arg20[%swap3A, %swap3A_645], %swap3A_648 {strides = array<i32>} : memref<40x128xf32, #tpu.memory_space<vmem>>, vector<1x16xf32>,
        %max3A_649 = arith.constant 0.000000e+00 : f32
        %max3A_650 = vector.broadcast %max3A_649 : f32 to vector<16xf32>
        %max3A_651 = arith.maximumf %add3A_642, %max3A_650 : vector<16xf32>
        %add3A_652 = arith.constant 1 : i32
        %add3A_653 = arith.addi %mul3A_513, %add3A_652 : i32
        %swap3A_654 = arith.index_cast %add3A_653 : i32 to index
        %swap3A_655 = arith.constant 0 : index
        %swap3A_656 = tpu.vector_load %arg20[%swap3A_654, %swap3A_655] {strides = array<i32>} : memref<40x128xf32, #tpu.memory_space<vmem>>, vector<1x16xf32>,
        %swap3A_657 = vector.shape_cast %swap3A_656 : vector<1x16xf32> to vector<16xf32>
        %swap3A_658 = vector.shape_cast %max3A_651 : vector<16xf32> to vector<1x16xf32>
        tpu.vector_store %arg20[%swap3A_654, %swap3A_655], %swap3A_658 {strides = array<i32>} : memref<40x128xf32, #tpu.memory_space<vmem>>, vector<1x16xf32>,
        %get3A_659 = arith.index_cast %mul3A_513 : i32 to index
        %get3A_660 = arith.constant 16 : index
        %get3A_661 = tpu.vector_load %arg14[%get3A_659, %get3A_660] {strides = array<i32>} : memref<40x128xf32, #tpu.memory_space<vmem>>, vector<1x16xf32>,
        %get3A_662 = vector.shape_cast %get3A_661 : vector<1x16xf32> to vector<16xf32>
        %get3A_663 = arith.index_cast %mul3A_513 : i32 to index
        %get3A_664 = arith.constant 16 : index
        %get3A_665 = tpu.vector_load %arg16[%get3A_663, %get3A_664] {strides = array<i32>} : memref<40x128xf32, #tpu.memory_space<vmem>>, vector<1x16xf32>,
        %get3A_666 = vector.shape_cast %get3A_665 : vector<1x16xf32> to vector<16xf32>
        %add3A_667 = arith.addf %get3A_662, %get3A_666 : vector<16xf32>
        %add3A_668 = arith.addf %add3A_667, %get3A_479 : vector<16xf32>
        %add3A_669 = arith.constant 1 : i32
        %add3A_670 = arith.addi %mul3A_513, %add3A_669 : i32
        %get3A_671 = arith.index_cast %add3A_670 : i32 to index
        %get3A_672 = arith.constant 16 : index
        %get3A_673 = tpu.vector_load %arg14[%get3A_671, %get3A_672] {strides = array<i32>} : memref<40x128xf32, #tpu.memory_space<vmem>>, vector<1x16xf32>,
        %get3A_674 = vector.shape_cast %get3A_673 : vector<1x16xf32> to vector<16xf32>
        %add3A_675 = arith.constant 1 : i32
        %add3A_676 = arith.addi %mul3A_513, %add3A_675 : i32
        %get3A_677 = arith.index_cast %add3A_676 : i32 to index
        %get3A_678 = arith.constant 16 : index
        %get3A_679 = tpu.vector_load %arg16[%get3A_677, %get3A_678] {strides = array<i32>} : memref<40x128xf32, #tpu.memory_space<vmem>>, vector<1x16xf32>,
        %get3A_680 = vector.shape_cast %get3A_679 : vector<1x16xf32> to vector<16xf32>
        %add3A_681 = arith.addf %get3A_674, %get3A_680 : vector<16xf32>
        %add3A_682 = arith.addf %add3A_681, %get3A_479 : vector<16xf32>
        %mul3A_683 = arith.mulf %gather3A_532, %get3A_383 : vector<16xf32>
        %add3A_684 = arith.addf %add3A_668, %mul3A_683 : vector<16xf32>
        %mul3A_685 = arith.mulf %gather3A_572, %get3A_383 : vector<16xf32>
        %add3A_686 = arith.addf %add3A_682, %mul3A_685 : vector<16xf32>
        %mul3A_687 = arith.mulf %gather3A_542, %get3A_407 : vector<16xf32>
        %add3A_688 = arith.addf %add3A_684, %mul3A_687 : vector<16xf32>
        %mul3A_689 = arith.mulf %gather3A_582, %get3A_407 : vector<16xf32>
        %add3A_690 = arith.addf %add3A_686, %mul3A_689 : vector<16xf32>
        %mul3A_691 = arith.mulf %gather3A_552, %get3A_431 : vector<16xf32>
        %add3A_692 = arith.addf %add3A_688, %mul3A_691 : vector<16xf32>
        %mul3A_693 = arith.mulf %gather3A_592, %get3A_431 : vector<16xf32>
        %add3A_694 = arith.addf %add3A_690, %mul3A_693 : vector<16xf32>
        %mul3A_695 = arith.mulf %gather3A_562, %get3A_455 : vector<16xf32>
        %add3A_696 = arith.addf %add3A_692, %mul3A_695 : vector<16xf32>
        %mul3A_697 = arith.mulf %gather3A_602, %get3A_455 : vector<16xf32>
        %add3A_698 = arith.addf %add3A_694, %mul3A_697 : vector<16xf32>
        %max3A_699 = arith.constant 0.000000e+00 : f32
        %max3A_700 = vector.broadcast %max3A_699 : f32 to vector<16xf32>
        %max3A_701 = arith.maximumf %add3A_696, %max3A_700 : vector<16xf32>
        %swap3A_702 = arith.index_cast %mul3A_513 : i32 to index
        %swap3A_703 = arith.constant 16 : index
        %swap3A_704 = tpu.vector_load %arg20[%swap3A_702, %swap3A_703] {strides = array<i32>} : memref<40x128xf32, #tpu.memory_space<vmem>>, vector<1x16xf32>,
        %swap3A_705 = vector.shape_cast %swap3A_704 : vector<1x16xf32> to vector<16xf32>
        %swap3A_706 = vector.shape_cast %max3A_701 : vector<16xf32> to vector<1x16xf32>
        tpu.vector_store %arg20[%swap3A_702, %swap3A_703], %swap3A_706 {strides = array<i32>} : memref<40x128xf32, #tpu.memory_space<vmem>>, vector<1x16xf32>,
        %max3A_707 = arith.constant 0.000000e+00 : f32
        %max3A_708 = vector.broadcast %max3A_707 : f32 to vector<16xf32>
        %max3A_709 = arith.maximumf %add3A_698, %max3A_708 : vector<16xf32>
        %add3A_710 = arith.constant 1 : i32
        %add3A_711 = arith.addi %mul3A_513, %add3A_710 : i32
        %swap3A_712 = arith.index_cast %add3A_711 : i32 to index
        %swap3A_713 = arith.constant 16 : index
        %swap3A_714 = tpu.vector_load %arg20[%swap3A_712, %swap3A_713] {strides = array<i32>} : memref<40x128xf32, #tpu.memory_space<vmem>>, vector<1x16xf32>,
        %swap3A_715 = vector.shape_cast %swap3A_714 : vector<1x16xf32> to vector<16xf32>
        %swap3A_716 = vector.shape_cast %max3A_709 : vector<16xf32> to vector<1x16xf32>
        tpu.vector_store %arg20[%swap3A_712, %swap3A_713], %swap3A_716 {strides = array<i32>} : memref<40x128xf32, #tpu.memory_space<vmem>>, vector<1x16xf32>,
        %get3A_717 = arith.index_cast %mul3A_513 : i32 to index
        %get3A_718 = arith.constant 32 : index
        %get3A_719 = tpu.vector_load %arg14[%get3A_717, %get3A_718] {strides = array<i32>} : memref<40x128xf32, #tpu.memory_space<vmem>>, vector<1x16xf32>,
        %get3A_720 = vector.shape_cast %get3A_719 : vector<1x16xf32> to vector<16xf32>
        %get3A_721 = arith.index_cast %mul3A_513 : i32 to index
        %get3A_722 = arith.constant 32 : index
        %get3A_723 = tpu.vector_load %arg16[%get3A_721, %get3A_722] {strides = array<i32>} : memref<40x128xf32, #tpu.memory_space<vmem>>, vector<1x16xf32>,
        %get3A_724 = vector.shape_cast %get3A_723 : vector<1x16xf32> to vector<16xf32>
        %add3A_725 = arith.addf %get3A_720, %get3A_724 : vector<16xf32>
        %add3A_726 = arith.addf %add3A_725, %get3A_482 : vector<16xf32>
        %add3A_727 = arith.constant 1 : i32
        %add3A_728 = arith.addi %mul3A_513, %add3A_727 : i32
        %get3A_729 = arith.index_cast %add3A_728 : i32 to index
        %get3A_730 = arith.constant 32 : index
        %get3A_731 = tpu.vector_load %arg14[%get3A_729, %get3A_730] {strides = array<i32>} : memref<40x128xf32, #tpu.memory_space<vmem>>, vector<1x16xf32>,
        %get3A_732 = vector.shape_cast %get3A_731 : vector<1x16xf32> to vector<16xf32>
        %add3A_733 = arith.constant 1 : i32
        %add3A_734 = arith.addi %mul3A_513, %add3A_733 : i32
        %get3A_735 = arith.index_cast %add3A_734 : i32 to index
        %get3A_736 = arith.constant 32 : index
        %get3A_737 = tpu.vector_load %arg16[%get3A_735, %get3A_736] {strides = array<i32>} : memref<40x128xf32, #tpu.memory_space<vmem>>, vector<1x16xf32>,
        %get3A_738 = vector.shape_cast %get3A_737 : vector<1x16xf32> to vector<16xf32>
        %add3A_739 = arith.addf %get3A_732, %get3A_738 : vector<16xf32>
        %add3A_740 = arith.addf %add3A_739, %get3A_482 : vector<16xf32>
        %mul3A_741 = arith.mulf %gather3A_532, %get3A_386 : vector<16xf32>
        %add3A_742 = arith.addf %add3A_726, %mul3A_741 : vector<16xf32>
        %mul3A_743 = arith.mulf %gather3A_572, %get3A_386 : vector<16xf32>
        %add3A_744 = arith.addf %add3A_740, %mul3A_743 : vector<16xf32>
        %mul3A_745 = arith.mulf %gather3A_542, %get3A_410 : vector<16xf32>
        %add3A_746 = arith.addf %add3A_742, %mul3A_745 : vector<16xf32>
        %mul3A_747 = arith.mulf %gather3A_582, %get3A_410 : vector<16xf32>
        %add3A_748 = arith.addf %add3A_744, %mul3A_747 : vector<16xf32>
        %mul3A_749 = arith.mulf %gather3A_552, %get3A_434 : vector<16xf32>
        %add3A_750 = arith.addf %add3A_746, %mul3A_749 : vector<16xf32>
        %mul3A_751 = arith.mulf %gather3A_592, %get3A_434 : vector<16xf32>
        %add3A_752 = arith.addf %add3A_748, %mul3A_751 : vector<16xf32>
        %mul3A_753 = arith.mulf %gather3A_562, %get3A_458 : vector<16xf32>
        %add3A_754 = arith.addf %add3A_750, %mul3A_753 : vector<16xf32>
        %mul3A_755 = arith.mulf %gather3A_602, %get3A_458 : vector<16xf32>
        %add3A_756 = arith.addf %add3A_752, %mul3A_755 : vector<16xf32>
        %max3A_757 = arith.constant 0.000000e+00 : f32
        %max3A_758 = vector.broadcast %max3A_757 : f32 to vector<16xf32>
        %max3A_759 = arith.maximumf %add3A_754, %max3A_758 : vector<16xf32>
        %swap3A_760 = arith.index_cast %mul3A_513 : i32 to index
        %swap3A_761 = arith.constant 32 : index
        %swap3A_762 = tpu.vector_load %arg20[%swap3A_760, %swap3A_761] {strides = array<i32>} : memref<40x128xf32, #tpu.memory_space<vmem>>, vector<1x16xf32>,
        %swap3A_763 = vector.shape_cast %swap3A_762 : vector<1x16xf32> to vector<16xf32>
        %swap3A_764 = vector.shape_cast %max3A_759 : vector<16xf32> to vector<1x16xf32>
        tpu.vector_store %arg20[%swap3A_760, %swap3A_761], %swap3A_764 {strides = array<i32>} : memref<40x128xf32, #tpu.memory_space<vmem>>, vector<1x16xf32>,
        %max3A_765 = arith.constant 0.000000e+00 : f32
        %max3A_766 = vector.broadcast %max3A_765 : f32 to vector<16xf32>
        %max3A_767 = arith.maximumf %add3A_756, %max3A_766 : vector<16xf32>
        %add3A_768 = arith.constant 1 : i32
        %add3A_769 = arith.addi %mul3A_513, %add3A_768 : i32
        %swap3A_770 = arith.index_cast %add3A_769 : i32 to index
        %swap3A_771 = arith.constant 32 : index
        %swap3A_772 = tpu.vector_load %arg20[%swap3A_770, %swap3A_771] {strides = array<i32>} : memref<40x128xf32, #tpu.memory_space<vmem>>, vector<1x16xf32>,
        %swap3A_773 = vector.shape_cast %swap3A_772 : vector<1x16xf32> to vector<16xf32>
        %swap3A_774 = vector.shape_cast %max3A_767 : vector<16xf32> to vector<1x16xf32>
        tpu.vector_store %arg20[%swap3A_770, %swap3A_771], %swap3A_774 {strides = array<i32>} : memref<40x128xf32, #tpu.memory_space<vmem>>, vector<1x16xf32>,
        %get3A_775 = arith.index_cast %mul3A_513 : i32 to index
        %get3A_776 = arith.constant 48 : index
        %get3A_777 = tpu.vector_load %arg14[%get3A_775, %get3A_776] {strides = array<i32>} : memref<40x128xf32, #tpu.memory_space<vmem>>, vector<1x16xf32>,
        %get3A_778 = vector.shape_cast %get3A_777 : vector<1x16xf32> to vector<16xf32>
        %get3A_779 = arith.index_cast %mul3A_513 : i32 to index
        %get3A_780 = arith.constant 48 : index
        %get3A_781 = tpu.vector_load %arg16[%get3A_779, %get3A_780] {strides = array<i32>} : memref<40x128xf32, #tpu.memory_space<vmem>>, vector<1x16xf32>,
        %get3A_782 = vector.shape_cast %get3A_781 : vector<1x16xf32> to vector<16xf32>
        %add3A_783 = arith.addf %get3A_778, %get3A_782 : vector<16xf32>
        %add3A_784 = arith.addf %add3A_783, %get3A_485 : vector<16xf32>
        %add3A_785 = arith.constant 1 : i32
        %add3A_786 = arith.addi %mul3A_513, %add3A_785 : i32
        %get3A_787 = arith.index_cast %add3A_786 : i32 to index
        %get3A_788 = arith.constant 48 : index
        %get3A_789 = tpu.vector_load %arg14[%get3A_787, %get3A_788] {strides = array<i32>} : memref<40x128xf32, #tpu.memory_space<vmem>>, vector<1x16xf32>,
        %get3A_790 = vector.shape_cast %get3A_789 : vector<1x16xf32> to vector<16xf32>
        %add3A_791 = arith.constant 1 : i32
        %add3A_792 = arith.addi %mul3A_513, %add3A_791 : i32
        %get3A_793 = arith.index_cast %add3A_792 : i32 to index
        %get3A_794 = arith.constant 48 : index
        %get3A_795 = tpu.vector_load %arg16[%get3A_793, %get3A_794] {strides = array<i32>} : memref<40x128xf32, #tpu.memory_space<vmem>>, vector<1x16xf32>,
        %get3A_796 = vector.shape_cast %get3A_795 : vector<1x16xf32> to vector<16xf32>
        %add3A_797 = arith.addf %get3A_790, %get3A_796 : vector<16xf32>
        %add3A_798 = arith.addf %add3A_797, %get3A_485 : vector<16xf32>
        %mul3A_799 = arith.mulf %gather3A_532, %get3A_389 : vector<16xf32>
        %add3A_800 = arith.addf %add3A_784, %mul3A_799 : vector<16xf32>
        %mul3A_801 = arith.mulf %gather3A_572, %get3A_389 : vector<16xf32>
        %add3A_802 = arith.addf %add3A_798, %mul3A_801 : vector<16xf32>
        %mul3A_803 = arith.mulf %gather3A_542, %get3A_413 : vector<16xf32>
        %add3A_804 = arith.addf %add3A_800, %mul3A_803 : vector<16xf32>
        %mul3A_805 = arith.mulf %gather3A_582, %get3A_413 : vector<16xf32>
        %add3A_806 = arith.addf %add3A_802, %mul3A_805 : vector<16xf32>
        %mul3A_807 = arith.mulf %gather3A_552, %get3A_437 : vector<16xf32>
        %add3A_808 = arith.addf %add3A_804, %mul3A_807 : vector<16xf32>
        %mul3A_809 = arith.mulf %gather3A_592, %get3A_437 : vector<16xf32>
        %add3A_810 = arith.addf %add3A_806, %mul3A_809 : vector<16xf32>
        %mul3A_811 = arith.mulf %gather3A_562, %get3A_461 : vector<16xf32>
        %add3A_812 = arith.addf %add3A_808, %mul3A_811 : vector<16xf32>
        %mul3A_813 = arith.mulf %gather3A_602, %get3A_461 : vector<16xf32>
        %add3A_814 = arith.addf %add3A_810, %mul3A_813 : vector<16xf32>
        %max3A_815 = arith.constant 0.000000e+00 : f32
        %max3A_816 = vector.broadcast %max3A_815 : f32 to vector<16xf32>
        %max3A_817 = arith.maximumf %add3A_812, %max3A_816 : vector<16xf32>
        %swap3A_818 = arith.index_cast %mul3A_513 : i32 to index
        %swap3A_819 = arith.constant 48 : index
        %swap3A_820 = tpu.vector_load %arg20[%swap3A_818, %swap3A_819] {strides = array<i32>} : memref<40x128xf32, #tpu.memory_space<vmem>>, vector<1x16xf32>,
        %swap3A_821 = vector.shape_cast %swap3A_820 : vector<1x16xf32> to vector<16xf32>
        %swap3A_822 = vector.shape_cast %max3A_817 : vector<16xf32> to vector<1x16xf32>
        tpu.vector_store %arg20[%swap3A_818, %swap3A_819], %swap3A_822 {strides = array<i32>} : memref<40x128xf32, #tpu.memory_space<vmem>>, vector<1x16xf32>,
        %max3A_823 = arith.constant 0.000000e+00 : f32
        %max3A_824 = vector.broadcast %max3A_823 : f32 to vector<16xf32>
        %max3A_825 = arith.maximumf %add3A_814, %max3A_824 : vector<16xf32>
        %add3A_826 = arith.constant 1 : i32
        %add3A_827 = arith.addi %mul3A_513, %add3A_826 : i32
        %swap3A_828 = arith.index_cast %add3A_827 : i32 to index
        %swap3A_829 = arith.constant 48 : index
        %swap3A_830 = tpu.vector_load %arg20[%swap3A_828, %swap3A_829] {strides = array<i32>} : memref<40x128xf32, #tpu.memory_space<vmem>>, vector<1x16xf32>,
        %swap3A_831 = vector.shape_cast %swap3A_830 : vector<1x16xf32> to vector<16xf32>
        %swap3A_832 = vector.shape_cast %max3A_825 : vector<16xf32> to vector<1x16xf32>
        tpu.vector_store %arg20[%swap3A_828, %swap3A_829], %swap3A_832 {strides = array<i32>} : memref<40x128xf32, #tpu.memory_space<vmem>>, vector<1x16xf32>,
        %get3A_833 = arith.index_cast %mul3A_513 : i32 to index
        %get3A_834 = arith.constant 64 : index
        %get3A_835 = tpu.vector_load %arg14[%get3A_833, %get3A_834] {strides = array<i32>} : memref<40x128xf32, #tpu.memory_space<vmem>>, vector<1x16xf32>,
        %get3A_836 = vector.shape_cast %get3A_835 : vector<1x16xf32> to vector<16xf32>
        %get3A_837 = arith.index_cast %mul3A_513 : i32 to index
        %get3A_838 = arith.constant 64 : index
        %get3A_839 = tpu.vector_load %arg16[%get3A_837, %get3A_838] {strides = array<i32>} : memref<40x128xf32, #tpu.memory_space<vmem>>, vector<1x16xf32>,
        %get3A_840 = vector.shape_cast %get3A_839 : vector<1x16xf32> to vector<16xf32>
        %add3A_841 = arith.addf %get3A_836, %get3A_840 : vector<16xf32>
        %add3A_842 = arith.addf %add3A_841, %get3A_488 : vector<16xf32>
        %add3A_843 = arith.constant 1 : i32
        %add3A_844 = arith.addi %mul3A_513, %add3A_843 : i32
        %get3A_845 = arith.index_cast %add3A_844 : i32 to index
        %get3A_846 = arith.constant 64 : index
        %get3A_847 = tpu.vector_load %arg14[%get3A_845, %get3A_846] {strides = array<i32>} : memref<40x128xf32, #tpu.memory_space<vmem>>, vector<1x16xf32>,
        %get3A_848 = vector.shape_cast %get3A_847 : vector<1x16xf32> to vector<16xf32>
        %add3A_849 = arith.constant 1 : i32
        %add3A_850 = arith.addi %mul3A_513, %add3A_849 : i32
        %get3A_851 = arith.index_cast %add3A_850 : i32 to index
        %get3A_852 = arith.constant 64 : index
        %get3A_853 = tpu.vector_load %arg16[%get3A_851, %get3A_852] {strides = array<i32>} : memref<40x128xf32, #tpu.memory_space<vmem>>, vector<1x16xf32>,
        %get3A_854 = vector.shape_cast %get3A_853 : vector<1x16xf32> to vector<16xf32>
        %add3A_855 = arith.addf %get3A_848, %get3A_854 : vector<16xf32>
        %add3A_856 = arith.addf %add3A_855, %get3A_488 : vector<16xf32>
        %mul3A_857 = arith.mulf %gather3A_532, %get3A_392 : vector<16xf32>
        %add3A_858 = arith.addf %add3A_842, %mul3A_857 : vector<16xf32>
        %mul3A_859 = arith.mulf %gather3A_572, %get3A_392 : vector<16xf32>
        %add3A_860 = arith.addf %add3A_856, %mul3A_859 : vector<16xf32>
        %mul3A_861 = arith.mulf %gather3A_542, %get3A_416 : vector<16xf32>
        %add3A_862 = arith.addf %add3A_858, %mul3A_861 : vector<16xf32>
        %mul3A_863 = arith.mulf %gather3A_582, %get3A_416 : vector<16xf32>
        %add3A_864 = arith.addf %add3A_860, %mul3A_863 : vector<16xf32>
        %mul3A_865 = arith.mulf %gather3A_552, %get3A_440 : vector<16xf32>
        %add3A_866 = arith.addf %add3A_862, %mul3A_865 : vector<16xf32>
        %mul3A_867 = arith.mulf %gather3A_592, %get3A_440 : vector<16xf32>
        %add3A_868 = arith.addf %add3A_864, %mul3A_867 : vector<16xf32>
        %mul3A_869 = arith.mulf %gather3A_562, %get3A_464 : vector<16xf32>
        %add3A_870 = arith.addf %add3A_866, %mul3A_869 : vector<16xf32>
        %mul3A_871 = arith.mulf %gather3A_602, %get3A_464 : vector<16xf32>
        %add3A_872 = arith.addf %add3A_868, %mul3A_871 : vector<16xf32>
        %max3A_873 = arith.constant 0.000000e+00 : f32
        %max3A_874 = vector.broadcast %max3A_873 : f32 to vector<16xf32>
        %max3A_875 = arith.maximumf %add3A_870, %max3A_874 : vector<16xf32>
        %swap3A_876 = arith.index_cast %mul3A_513 : i32 to index
        %swap3A_877 = arith.constant 64 : index
        %swap3A_878 = tpu.vector_load %arg20[%swap3A_876, %swap3A_877] {strides = array<i32>} : memref<40x128xf32, #tpu.memory_space<vmem>>, vector<1x16xf32>,
        %swap3A_879 = vector.shape_cast %swap3A_878 : vector<1x16xf32> to vector<16xf32>
        %swap3A_880 = vector.shape_cast %max3A_875 : vector<16xf32> to vector<1x16xf32>
        tpu.vector_store %arg20[%swap3A_876, %swap3A_877], %swap3A_880 {strides = array<i32>} : memref<40x128xf32, #tpu.memory_space<vmem>>, vector<1x16xf32>,
        %max3A_881 = arith.constant 0.000000e+00 : f32
        %max3A_882 = vector.broadcast %max3A_881 : f32 to vector<16xf32>
        %max3A_883 = arith.maximumf %add3A_872, %max3A_882 : vector<16xf32>
        %add3A_884 = arith.constant 1 : i32
        %add3A_885 = arith.addi %mul3A_513, %add3A_884 : i32
        %swap3A_886 = arith.index_cast %add3A_885 : i32 to index
        %swap3A_887 = arith.constant 64 : index
        %swap3A_888 = tpu.vector_load %arg20[%swap3A_886, %swap3A_887] {strides = array<i32>} : memref<40x128xf32, #tpu.memory_space<vmem>>, vector<1x16xf32>,
        %swap3A_889 = vector.shape_cast %swap3A_888 : vector<1x16xf32> to vector<16xf32>
        %swap3A_890 = vector.shape_cast %max3A_883 : vector<16xf32> to vector<1x16xf32>
        tpu.vector_store %arg20[%swap3A_886, %swap3A_887], %swap3A_890 {strides = array<i32>} : memref<40x128xf32, #tpu.memory_space<vmem>>, vector<1x16xf32>,
        %get3A_891 = arith.index_cast %mul3A_513 : i32 to index
        %get3A_892 = arith.constant 80 : index
        %get3A_893 = tpu.vector_load %arg14[%get3A_891, %get3A_892] {strides = array<i32>} : memref<40x128xf32, #tpu.memory_space<vmem>>, vector<1x16xf32>,
        %get3A_894 = vector.shape_cast %get3A_893 : vector<1x16xf32> to vector<16xf32>
        %get3A_895 = arith.index_cast %mul3A_513 : i32 to index
        %get3A_896 = arith.constant 80 : index
        %get3A_897 = tpu.vector_load %arg16[%get3A_895, %get3A_896] {strides = array<i32>} : memref<40x128xf32, #tpu.memory_space<vmem>>, vector<1x16xf32>,
        %get3A_898 = vector.shape_cast %get3A_897 : vector<1x16xf32> to vector<16xf32>
        %add3A_899 = arith.addf %get3A_894, %get3A_898 : vector<16xf32>
        %add3A_900 = arith.addf %add3A_899, %get3A_491 : vector<16xf32>
        %add3A_901 = arith.constant 1 : i32
        %add3A_902 = arith.addi %mul3A_513, %add3A_901 : i32
        %get3A_903 = arith.index_cast %add3A_902 : i32 to index
        %get3A_904 = arith.constant 80 : index
        %get3A_905 = tpu.vector_load %arg14[%get3A_903, %get3A_904] {strides = array<i32>} : memref<40x128xf32, #tpu.memory_space<vmem>>, vector<1x16xf32>,
        %get3A_906 = vector.shape_cast %get3A_905 : vector<1x16xf32> to vector<16xf32>
        %add3A_907 = arith.constant 1 : i32
        %add3A_908 = arith.addi %mul3A_513, %add3A_907 : i32
        %get3A_909 = arith.index_cast %add3A_908 : i32 to index
        %get3A_910 = arith.constant 80 : index
        %get3A_911 = tpu.vector_load %arg16[%get3A_909, %get3A_910] {strides = array<i32>} : memref<40x128xf32, #tpu.memory_space<vmem>>, vector<1x16xf32>,
        %get3A_912 = vector.shape_cast %get3A_911 : vector<1x16xf32> to vector<16xf32>
        %add3A_913 = arith.addf %get3A_906, %get3A_912 : vector<16xf32>
        %add3A_914 = arith.addf %add3A_913, %get3A_491 : vector<16xf32>
        %mul3A_915 = arith.mulf %gather3A_532, %get3A_395 : vector<16xf32>
        %add3A_916 = arith.addf %add3A_900, %mul3A_915 : vector<16xf32>
        %mul3A_917 = arith.mulf %gather3A_572, %get3A_395 : vector<16xf32>
        %add3A_918 = arith.addf %add3A_914, %mul3A_917 : vector<16xf32>
        %mul3A_919 = arith.mulf %gather3A_542, %get3A_419 : vector<16xf32>
        %add3A_920 = arith.addf %add3A_916, %mul3A_919 : vector<16xf32>
        %mul3A_921 = arith.mulf %gather3A_582, %get3A_419 : vector<16xf32>
        %add3A_922 = arith.addf %add3A_918, %mul3A_921 : vector<16xf32>
        %mul3A_923 = arith.mulf %gather3A_552, %get3A_443 : vector<16xf32>
        %add3A_924 = arith.addf %add3A_920, %mul3A_923 : vector<16xf32>
        %mul3A_925 = arith.mulf %gather3A_592, %get3A_443 : vector<16xf32>
        %add3A_926 = arith.addf %add3A_922, %mul3A_925 : vector<16xf32>
        %mul3A_927 = arith.mulf %gather3A_562, %get3A_467 : vector<16xf32>
        %add3A_928 = arith.addf %add3A_924, %mul3A_927 : vector<16xf32>
        %mul3A_929 = arith.mulf %gather3A_602, %get3A_467 : vector<16xf32>
        %add3A_930 = arith.addf %add3A_926, %mul3A_929 : vector<16xf32>
        %max3A_931 = arith.constant 0.000000e+00 : f32
        %max3A_932 = vector.broadcast %max3A_931 : f32 to vector<16xf32>
        %max3A_933 = arith.maximumf %add3A_928, %max3A_932 : vector<16xf32>
        %swap3A_934 = arith.index_cast %mul3A_513 : i32 to index
        %swap3A_935 = arith.constant 80 : index
        %swap3A_936 = tpu.vector_load %arg20[%swap3A_934, %swap3A_935] {strides = array<i32>} : memref<40x128xf32, #tpu.memory_space<vmem>>, vector<1x16xf32>,
        %swap3A_937 = vector.shape_cast %swap3A_936 : vector<1x16xf32> to vector<16xf32>
        %swap3A_938 = vector.shape_cast %max3A_933 : vector<16xf32> to vector<1x16xf32>
        tpu.vector_store %arg20[%swap3A_934, %swap3A_935], %swap3A_938 {strides = array<i32>} : memref<40x128xf32, #tpu.memory_space<vmem>>, vector<1x16xf32>,
        %max3A_939 = arith.constant 0.000000e+00 : f32
        %max3A_940 = vector.broadcast %max3A_939 : f32 to vector<16xf32>
        %max3A_941 = arith.maximumf %add3A_930, %max3A_940 : vector<16xf32>
        %add3A_942 = arith.constant 1 : i32
        %add3A_943 = arith.addi %mul3A_513, %add3A_942 : i32
        %swap3A_944 = arith.index_cast %add3A_943 : i32 to index
        %swap3A_945 = arith.constant 80 : index
        %swap3A_946 = tpu.vector_load %arg20[%swap3A_944, %swap3A_945] {strides = array<i32>} : memref<40x128xf32, #tpu.memory_space<vmem>>, vector<1x16xf32>,
        %swap3A_947 = vector.shape_cast %swap3A_946 : vector<1x16xf32> to vector<16xf32>
        %swap3A_948 = vector.shape_cast %max3A_941 : vector<16xf32> to vector<1x16xf32>
        tpu.vector_store %arg20[%swap3A_944, %swap3A_945], %swap3A_948 {strides = array<i32>} : memref<40x128xf32, #tpu.memory_space<vmem>>, vector<1x16xf32>,
        %get3A_949 = arith.index_cast %mul3A_513 : i32 to index
        %get3A_950 = arith.constant 96 : index
        %get3A_951 = tpu.vector_load %arg14[%get3A_949, %get3A_950] {strides = array<i32>} : memref<40x128xf32, #tpu.memory_space<vmem>>, vector<1x16xf32>,
        %get3A_952 = vector.shape_cast %get3A_951 : vector<1x16xf32> to vector<16xf32>
        %get3A_953 = arith.index_cast %mul3A_513 : i32 to index
        %get3A_954 = arith.constant 96 : index
        %get3A_955 = tpu.vector_load %arg16[%get3A_953, %get3A_954] {strides = array<i32>} : memref<40x128xf32, #tpu.memory_space<vmem>>, vector<1x16xf32>,
        %get3A_956 = vector.shape_cast %get3A_955 : vector<1x16xf32> to vector<16xf32>
        %add3A_957 = arith.addf %get3A_952, %get3A_956 : vector<16xf32>
        %add3A_958 = arith.addf %add3A_957, %get3A_494 : vector<16xf32>
        %add3A_959 = arith.constant 1 : i32
        %add3A_960 = arith.addi %mul3A_513, %add3A_959 : i32
        %get3A_961 = arith.index_cast %add3A_960 : i32 to index
        %get3A_962 = arith.constant 96 : index
        %get3A_963 = tpu.vector_load %arg14[%get3A_961, %get3A_962] {strides = array<i32>} : memref<40x128xf32, #tpu.memory_space<vmem>>, vector<1x16xf32>,
        %get3A_964 = vector.shape_cast %get3A_963 : vector<1x16xf32> to vector<16xf32>
        %add3A_965 = arith.constant 1 : i32
        %add3A_966 = arith.addi %mul3A_513, %add3A_965 : i32
        %get3A_967 = arith.index_cast %add3A_966 : i32 to index
        %get3A_968 = arith.constant 96 : index
        %get3A_969 = tpu.vector_load %arg16[%get3A_967, %get3A_968] {strides = array<i32>} : memref<40x128xf32, #tpu.memory_space<vmem>>, vector<1x16xf32>,
        %get3A_970 = vector.shape_cast %get3A_969 : vector<1x16xf32> to vector<16xf32>
        %add3A_971 = arith.addf %get3A_964, %get3A_970 : vector<16xf32>
        %add3A_972 = arith.addf %add3A_971, %get3A_494 : vector<16xf32>
        %mul3A_973 = arith.mulf %gather3A_532, %get3A_398 : vector<16xf32>
        %add3A_974 = arith.addf %add3A_958, %mul3A_973 : vector<16xf32>
        %mul3A_975 = arith.mulf %gather3A_572, %get3A_398 : vector<16xf32>
        %add3A_976 = arith.addf %add3A_972, %mul3A_975 : vector<16xf32>
        %mul3A_977 = arith.mulf %gather3A_542, %get3A_422 : vector<16xf32>
        %add3A_978 = arith.addf %add3A_974, %mul3A_977 : vector<16xf32>
        %mul3A_979 = arith.mulf %gather3A_582, %get3A_422 : vector<16xf32>
        %add3A_980 = arith.addf %add3A_976, %mul3A_979 : vector<16xf32>
        %mul3A_981 = arith.mulf %gather3A_552, %get3A_446 : vector<16xf32>
        %add3A_982 = arith.addf %add3A_978, %mul3A_981 : vector<16xf32>
        %mul3A_983 = arith.mulf %gather3A_592, %get3A_446 : vector<16xf32>
        %add3A_984 = arith.addf %add3A_980, %mul3A_983 : vector<16xf32>
        %mul3A_985 = arith.mulf %gather3A_562, %get3A_470 : vector<16xf32>
        %add3A_986 = arith.addf %add3A_982, %mul3A_985 : vector<16xf32>
        %mul3A_987 = arith.mulf %gather3A_602, %get3A_470 : vector<16xf32>
        %add3A_988 = arith.addf %add3A_984, %mul3A_987 : vector<16xf32>
        %max3A_989 = arith.constant 0.000000e+00 : f32
        %max3A_990 = vector.broadcast %max3A_989 : f32 to vector<16xf32>
        %max3A_991 = arith.maximumf %add3A_986, %max3A_990 : vector<16xf32>
        %swap3A_992 = arith.index_cast %mul3A_513 : i32 to index
        %swap3A_993 = arith.constant 96 : index
        %swap3A_994 = tpu.vector_load %arg20[%swap3A_992, %swap3A_993] {strides = array<i32>} : memref<40x128xf32, #tpu.memory_space<vmem>>, vector<1x16xf32>,
        %swap3A_995 = vector.shape_cast %swap3A_994 : vector<1x16xf32> to vector<16xf32>
        %swap3A_996 = vector.shape_cast %max3A_991 : vector<16xf32> to vector<1x16xf32>
        tpu.vector_store %arg20[%swap3A_992, %swap3A_993], %swap3A_996 {strides = array<i32>} : memref<40x128xf32, #tpu.memory_space<vmem>>, vector<1x16xf32>,
        %max3A_997 = arith.constant 0.000000e+00 : f32
        %max3A_998 = vector.broadcast %max3A_997 : f32 to vector<16xf32>
        %max3A_999 = arith.maximumf %add3A_988, %max3A_998 : vector<16xf32>
        %add3A_1000 = arith.constant 1 : i32
        %add3A_1001 = arith.addi %mul3A_513, %add3A_1000 : i32
        %swap3A_1002 = arith.index_cast %add3A_1001 : i32 to index
        %swap3A_1003 = arith.constant 96 : index
        %swap3A_1004 = tpu.vector_load %arg20[%swap3A_1002, %swap3A_1003] {strides = array<i32>} : memref<40x128xf32, #tpu.memory_space<vmem>>, vector<1x16xf32>,
        %swap3A_1005 = vector.shape_cast %swap3A_1004 : vector<1x16xf32> to vector<16xf32>
        %swap3A_1006 = vector.shape_cast %max3A_999 : vector<16xf32> to vector<1x16xf32>
        tpu.vector_store %arg20[%swap3A_1002, %swap3A_1003], %swap3A_1006 {strides = array<i32>} : memref<40x128xf32, #tpu.memory_space<vmem>>, vector<1x16xf32>,
        %get3A_1007 = arith.index_cast %mul3A_513 : i32 to index
        %get3A_1008 = arith.constant 112 : index
        %get3A_1009 = tpu.vector_load %arg14[%get3A_1007, %get3A_1008] {strides = array<i32>} : memref<40x128xf32, #tpu.memory_space<vmem>>, vector<1x16xf32>,
        %get3A_1010 = vector.shape_cast %get3A_1009 : vector<1x16xf32> to vector<16xf32>
        %get3A_1011 = arith.index_cast %mul3A_513 : i32 to index
        %get3A_1012 = arith.constant 112 : index
        %get3A_1013 = tpu.vector_load %arg16[%get3A_1011, %get3A_1012] {strides = array<i32>} : memref<40x128xf32, #tpu.memory_space<vmem>>, vector<1x16xf32>,
        %get3A_1014 = vector.shape_cast %get3A_1013 : vector<1x16xf32> to vector<16xf32>
        %add3A_1015 = arith.addf %get3A_1010, %get3A_1014 : vector<16xf32>
        %add3A_1016 = arith.addf %add3A_1015, %get3A_497 : vector<16xf32>
        %add3A_1017 = arith.constant 1 : i32
        %add3A_1018 = arith.addi %mul3A_513, %add3A_1017 : i32
        %get3A_1019 = arith.index_cast %add3A_1018 : i32 to index
        %get3A_1020 = arith.constant 112 : index
        %get3A_1021 = tpu.vector_load %arg14[%get3A_1019, %get3A_1020] {strides = array<i32>} : memref<40x128xf32, #tpu.memory_space<vmem>>, vector<1x16xf32>,
        %get3A_1022 = vector.shape_cast %get3A_1021 : vector<1x16xf32> to vector<16xf32>
        %add3A_1023 = arith.constant 1 : i32
        %add3A_1024 = arith.addi %mul3A_513, %add3A_1023 : i32
        %get3A_1025 = arith.index_cast %add3A_1024 : i32 to index
        %get3A_1026 = arith.constant 112 : index
        %get3A_1027 = tpu.vector_load %arg16[%get3A_1025, %get3A_1026] {strides = array<i32>} : memref<40x128xf32, #tpu.memory_space<vmem>>, vector<1x16xf32>,
        %get3A_1028 = vector.shape_cast %get3A_1027 : vector<1x16xf32> to vector<16xf32>
        %add3A_1029 = arith.addf %get3A_1022, %get3A_1028 : vector<16xf32>
        %add3A_1030 = arith.addf %add3A_1029, %get3A_497 : vector<16xf32>
        %mul3A_1031 = arith.mulf %gather3A_532, %get3A_401 : vector<16xf32>
        %add3A_1032 = arith.addf %add3A_1016, %mul3A_1031 : vector<16xf32>
        %mul3A_1033 = arith.mulf %gather3A_572, %get3A_401 : vector<16xf32>
        %add3A_1034 = arith.addf %add3A_1030, %mul3A_1033 : vector<16xf32>
        %mul3A_1035 = arith.mulf %gather3A_542, %get3A_425 : vector<16xf32>
        %add3A_1036 = arith.addf %add3A_1032, %mul3A_1035 : vector<16xf32>
        %mul3A_1037 = arith.mulf %gather3A_582, %get3A_425 : vector<16xf32>
        %add3A_1038 = arith.addf %add3A_1034, %mul3A_1037 : vector<16xf32>
        %mul3A_1039 = arith.mulf %gather3A_552, %get3A_449 : vector<16xf32>
        %add3A_1040 = arith.addf %add3A_1036, %mul3A_1039 : vector<16xf32>
        %mul3A_1041 = arith.mulf %gather3A_592, %get3A_449 : vector<16xf32>
        %add3A_1042 = arith.addf %add3A_1038, %mul3A_1041 : vector<16xf32>
        %mul3A_1043 = arith.mulf %gather3A_562, %get3A_473 : vector<16xf32>
        %add3A_1044 = arith.addf %add3A_1040, %mul3A_1043 : vector<16xf32>
        %mul3A_1045 = arith.mulf %gather3A_602, %get3A_473 : vector<16xf32>
        %add3A_1046 = arith.addf %add3A_1042, %mul3A_1045 : vector<16xf32>
        %max3A_1047 = arith.constant 0.000000e+00 : f32
        %max3A_1048 = vector.broadcast %max3A_1047 : f32 to vector<16xf32>
        %max3A_1049 = arith.maximumf %add3A_1044, %max3A_1048 : vector<16xf32>
        %swap3A_1050 = arith.index_cast %mul3A_513 : i32 to index
        %swap3A_1051 = arith.constant 112 : index
        %swap3A_1052 = tpu.vector_load %arg20[%swap3A_1050, %swap3A_1051] {strides = array<i32>} : memref<40x128xf32, #tpu.memory_space<vmem>>, vector<1x16xf32>,
        %swap3A_1053 = vector.shape_cast %swap3A_1052 : vector<1x16xf32> to vector<16xf32>
        %swap3A_1054 = vector.shape_cast %max3A_1049 : vector<16xf32> to vector<1x16xf32>
        tpu.vector_store %arg20[%swap3A_1050, %swap3A_1051], %swap3A_1054 {strides = array<i32>} : memref<40x128xf32, #tpu.memory_space<vmem>>, vector<1x16xf32>,
        %max3A_1055 = arith.constant 0.000000e+00 : f32
        %max3A_1056 = vector.broadcast %max3A_1055 : f32 to vector<16xf32>
        %max3A_1057 = arith.maximumf %add3A_1046, %max3A_1056 : vector<16xf32>
        %add3A_1058 = arith.constant 1 : i32
        %add3A_1059 = arith.addi %mul3A_513, %add3A_1058 : i32
        %swap3A_1060 = arith.index_cast %add3A_1059 : i32 to index
        %swap3A_1061 = arith.constant 112 : index
        %swap3A_1062 = tpu.vector_load %arg20[%swap3A_1060, %swap3A_1061] {strides = array<i32>} : memref<40x128xf32, #tpu.memory_space<vmem>>, vector<1x16xf32>,
        %swap3A_1063 = vector.shape_cast %swap3A_1062 : vector<1x16xf32> to vector<16xf32>
        %swap3A_1064 = vector.shape_cast %max3A_1057 : vector<16xf32> to vector<1x16xf32>
        tpu.vector_store %arg20[%swap3A_1060, %swap3A_1061], %swap3A_1064 {strides = array<i32>} : memref<40x128xf32, #tpu.memory_space<vmem>>, vector<1x16xf32>,
      }
      %scan3A_503 = arith.constant 20 : i32
      "tpu.region"() ({
        %run_scoped3A = tpu.sem_alloc : memref<!tpu.dma_semaphore, #tpu.memory_space<semaphore_mem>>
        %dma_start3A_511 = arith.constant 0 : i32
        %dma_start3A_512 = arith.constant 0 : i32
        %dma_start3A_513 = tpu.memref_slice %arg25[%dma_start3A_511, %dma_start3A_512] : memref<10112x128xf32, #tpu.memory_space<vmem_shared>> -> memref<10112x128xf32, #tpu.memory_space<vmem_shared>>
        tpu.enqueue_indirect_dma source(%arg20 : memref<40x128xf32, #tpu.memory_space<vmem>>) target(%dma_start3A_513 : memref<10112x128xf32, #tpu.memory_space<vmem_shared>>) offsets(%arg12 : memref<40xi32, #tpu.memory_space<vmem>>) semaphore(%run_scoped3A : memref<!tpu.dma_semaphore, #tpu.memory_space<semaphore_mem>>) {add = true}
        %dma_wait3A_514 = arith.constant 0 : i32
        %dma_wait3A_515 = arith.constant 0 : i32
        %dma_wait3A_516 = tpu.memref_slice %arg25[%dma_wait3A_514, %dma_wait3A_515] : memref<10112x128xf32, #tpu.memory_space<vmem_shared>> -> memref<10112x128xf32, #tpu.memory_space<vmem_shared>>
        tpu.wait_indirect_dma semaphore(%run_scoped3A : memref<!tpu.dma_semaphore, #tpu.memory_space<semaphore_mem>>) src(%arg20 : memref<40x128xf32, #tpu.memory_space<vmem>>) dst(%dma_wait3A_516 : memref<10112x128xf32, #tpu.memory_space<vmem_shared>>)
        tpu.yield
      }) : () -> ()
      %mul3A_504 = arith.constant 40 : i32
      %mul3A_505 = arith.muli %min3A_155, %mul3A_504 : i32
      %add3A_506 = arith.addi %mul3A_72, %mul3A_505 : i32
      %dma_start3A_507 = tpu.memref_slice %arg6[%add3A_506] : memref<320000xi32, #tpu.memory_space<hbm>> -> memref<40xi32, #tpu.memory_space<hbm>>
      %dma_start3A_508 = tpu.memref_slice %arg6[%add3A_506] : memref<320000xi32, #tpu.memory_space<hbm>> -> memref<40xi32, #tpu.memory_space<hbm>>
      tpu.enqueue_dma source(%dma_start3A_508 : memref<40xi32, #tpu.memory_space<hbm>>) target(%arg10 : memref<40xi32, #tpu.memory_space<vmem>>) target_semaphore(%arg22 : memref<!tpu.dma_semaphore, #tpu.memory_space<semaphore_mem>>)
      %dma_start3A_509 = tpu.memref_slice %arg7[%add3A_506] : memref<320000xi32, #tpu.memory_space<hbm>> -> memref<40xi32, #tpu.memory_space<hbm>>
      %dma_start3A_510 = tpu.memref_slice %arg7[%add3A_506] : memref<320000xi32, #tpu.memory_space<hbm>> -> memref<40xi32, #tpu.memory_space<hbm>>
      tpu.enqueue_dma source(%dma_start3A_510 : memref<40xi32, #tpu.memory_space<hbm>>) target(%arg12 : memref<40xi32, #tpu.memory_space<vmem>>) target_semaphore(%arg22 : memref<!tpu.dma_semaphore, #tpu.memory_space<semaphore_mem>>)
    }
    %scan3A_107 = arith.constant 125 : i32
    %dma_wait3A = arith.constant 0 : i32
    %dma_wait3A_108 = tpu.memref_slice %arg6[%dma_wait3A] : memref<320000xi32, #tpu.memory_space<hbm>> -> memref<40xi32, #tpu.memory_space<hbm>>
    %dma_wait3A_109 = arith.constant 0 : i32
    %dma_wait3A_110 = tpu.memref_slice %arg6[%dma_wait3A_109] : memref<320000xi32, #tpu.memory_space<hbm>> -> memref<40xi32, #tpu.memory_space<hbm>>
    tpu.wait_dma2 semaphore(%arg22 : memref<!tpu.dma_semaphore, #tpu.memory_space<semaphore_mem>>) src(%dma_wait3A_110 : memref<40xi32, #tpu.memory_space<hbm>>) dst(%arg10 : memref<40xi32, #tpu.memory_space<vmem>>)
    %dma_wait3A_111 = arith.constant 0 : i32
    %dma_wait3A_112 = tpu.memref_slice %arg7[%dma_wait3A_111] : memref<320000xi32, #tpu.memory_space<hbm>> -> memref<40xi32, #tpu.memory_space<hbm>>
    %dma_wait3A_113 = arith.constant 0 : i32
    %dma_wait3A_114 = tpu.memref_slice %arg7[%dma_wait3A_113] : memref<320000xi32, #tpu.memory_space<hbm>> -> memref<40xi32, #tpu.memory_space<hbm>>
    tpu.wait_dma2 semaphore(%arg22 : memref<!tpu.dma_semaphore, #tpu.memory_space<semaphore_mem>>) src(%dma_wait3A_114 : memref<40xi32, #tpu.memory_space<hbm>>) dst(%arg12 : memref<40xi32, #tpu.memory_space<vmem>>)
    %dma_wait3A_115 = arith.constant 0 : i32
    %dma_wait3A_116 = arith.constant 0 : i32
    %dma_wait3A_117 = tpu.memref_slice %arg2[%dma_wait3A_115, %dma_wait3A_116] : memref<10000x128xf32, #tpu.memory_space<hbm>> -> memref<40x128xf32, #tpu.memory_space<hbm>>
    %dma_wait3A_118 = arith.constant 0 : i32
    %dma_wait3A_119 = arith.constant 0 : i32
    %dma_wait3A_120 = tpu.memref_slice %arg2[%dma_wait3A_118, %dma_wait3A_119] : memref<10000x128xf32, #tpu.memory_space<hbm>> -> memref<40x128xf32, #tpu.memory_space<hbm>>
    tpu.wait_dma2 semaphore(%arg23 : memref<!tpu.dma_semaphore, #tpu.memory_space<semaphore_mem>>) src(%dma_wait3A_120 : memref<40x128xf32, #tpu.memory_space<hbm>>) dst(%arg13 : memref<40x128xf32, #tpu.memory_space<vmem>>)
    %dma_wait3A_121 = arith.constant 0 : i32
    %dma_wait3A_122 = arith.constant 0 : i32
    %dma_wait3A_123 = tpu.memref_slice %arg2[%dma_wait3A_121, %dma_wait3A_122] : memref<10000x128xf32, #tpu.memory_space<hbm>> -> memref<40x128xf32, #tpu.memory_space<hbm>>
    %dma_wait3A_124 = arith.constant 0 : i32
    %dma_wait3A_125 = arith.constant 0 : i32
    %dma_wait3A_126 = tpu.memref_slice %arg2[%dma_wait3A_124, %dma_wait3A_125] : memref<10000x128xf32, #tpu.memory_space<hbm>> -> memref<40x128xf32, #tpu.memory_space<hbm>>
    tpu.wait_dma2 semaphore(%arg23 : memref<!tpu.dma_semaphore, #tpu.memory_space<semaphore_mem>>) src(%dma_wait3A_126 : memref<40x128xf32, #tpu.memory_space<hbm>>) dst(%arg15 : memref<40x128xf32, #tpu.memory_space<vmem>>)
    %dma_wait3A_127 = arith.constant 0 : i32
    %dma_wait3A_128 = tpu.memref_slice %arg17[%dma_wait3A_127] : memref<176xf32, #tpu.memory_space<vmem>> -> memref<160xf32, #tpu.memory_space<vmem>>
    %dma_wait3A_129 = arith.constant 0 : i32
    %dma_wait3A_130 = tpu.memref_slice %arg4[%dma_wait3A_129] : memref<1280000xf32, #tpu.memory_space<hbm>> -> memref<160xf32, #tpu.memory_space<hbm>>
    %dma_wait3A_131 = arith.constant 0 : i32
    %dma_wait3A_132 = tpu.memref_slice %arg17[%dma_wait3A_131] : memref<176xf32, #tpu.memory_space<vmem>> -> memref<160xf32, #tpu.memory_space<vmem>>
    %dma_wait3A_133 = arith.constant 0 : i32
    %dma_wait3A_134 = tpu.memref_slice %arg4[%dma_wait3A_133] : memref<1280000xf32, #tpu.memory_space<hbm>> -> memref<160xf32, #tpu.memory_space<hbm>>
    tpu.wait_dma2 semaphore(%arg23 : memref<!tpu.dma_semaphore, #tpu.memory_space<semaphore_mem>>) src(%dma_wait3A_134 : memref<160xf32, #tpu.memory_space<hbm>>) dst(%dma_wait3A_132 : memref<160xf32, #tpu.memory_space<vmem>>)
    %barrier3A_135 = arith.constant 0 : index
    tpu.barrier barrier_id(%barrier3A_135)
    %mul3A_136 = arith.constant 632 : i32
    %mul3A_137 = arith.muli %arg1, %mul3A_136 : i32
    %mul3A_138 = arith.constant 632 : i32
    %mul3A_139 = arith.muli %arg1, %mul3A_138 : i32
    "tpu.region"() ({
      %run_scoped3A = tpu.sem_alloc : memref<!tpu.dma_semaphore, #tpu.memory_space<semaphore_mem>>
      %dma_start3A_140 = arith.constant 0 : i32
      %dma_start3A_141 = tpu.memref_slice %arg8[%arg0, %mul3A_139, %dma_start3A_140] : memref<2x10112x128xf32, #tpu.memory_space<hbm>> -> memref<1x632x128xf32, #tpu.memory_space<hbm>>
      %dma_start3A_142 = tpu.memref_squeeze %dma_start3A_141 : memref<1x632x128xf32, #tpu.memory_space<hbm>> -> memref<632x128xf32, #tpu.memory_space<hbm>>
      %dma_start3A_143 = arith.constant 0 : i32
      %dma_start3A_144 = tpu.memref_slice %arg25[%mul3A_137, %dma_start3A_143] : memref<10112x128xf32, #tpu.memory_space<vmem_shared>> -> memref<632x128xf32, #tpu.memory_space<vmem_shared>>
      tpu.enqueue_dma source(%dma_start3A_144 : memref<632x128xf32, #tpu.memory_space<vmem_shared>>) target(%dma_start3A_142 : memref<632x128xf32, #tpu.memory_space<hbm>>) target_semaphore(%run_scoped3A : memref<!tpu.dma_semaphore, #tpu.memory_space<semaphore_mem>>)
      %dma_wait3A_145 = arith.constant 0 : i32
      %dma_wait3A_146 = tpu.memref_slice %arg8[%arg0, %mul3A_139, %dma_wait3A_145] : memref<2x10112x128xf32, #tpu.memory_space<hbm>> -> memref<1x632x128xf32, #tpu.memory_space<hbm>>
      %dma_wait3A_147 = tpu.memref_squeeze %dma_wait3A_146 : memref<1x632x128xf32, #tpu.memory_space<hbm>> -> memref<632x128xf32, #tpu.memory_space<hbm>>
      %dma_wait3A_148 = arith.constant 0 : i32
      %dma_wait3A_149 = tpu.memref_slice %arg25[%mul3A_137, %dma_wait3A_148] : memref<10112x128xf32, #tpu.memory_space<vmem_shared>> -> memref<632x128xf32, #tpu.memory_space<vmem_shared>>
      tpu.wait_dma2 semaphore(%run_scoped3A : memref<!tpu.dma_semaphore, #tpu.memory_space<semaphore_mem>>) src(%dma_wait3A_149 : memref<632x128xf32, #tpu.memory_space<vmem_shared>>) dst(%dma_wait3A_147 : memref<632x128xf32, #tpu.memory_space<hbm>>)
      tpu.yield
    }) : () -> ()
    return
  }
}

#map = affine_map<(d0, d1) -> (0)>
#map1 = affine_map<(d0, d1) -> (0, 0, 0)>
module attributes {stable_mosaic.version = 14 : i64} {
  func.func @k(%arg0: i32, %arg1: i32, %arg2: memref<320000xi32, #tpu.memory_space<hbm>>, %arg3: memref<2x10112x128xf32, #tpu.memory_space<hbm>>, %arg4: memref<80xi32, #tpu.memory_space<vmem>>, %arg5: memref<80x128xf32, #tpu.memory_space<vmem>>, %arg6: memref<10112x128xf32, #tpu.memory_space<vmem_shared>>) attributes {dimension_semantics = [#tpu.dimension_semantics<core_parallel>, #tpu.dimension_semantics<subcore_parallel>], iteration_bounds = array<i64: 2, 16>, scalar_prefetch = 0 : i64, scratch_operands = 3 : i64, tpu.core_type = #tpu.core_type<sc_vector_subcore>, window_params = [{transform_indices = #map}, {transform_indices = #map1}]} {
    %mul3A = arith.constant 16 : i32
    %mul3A_0 = arith.muli %arg0, %mul3A : i32
    %add3A = arith.addi %mul3A_0, %arg1 : i32
    %broadcast_in_dim3A = arith.constant 0.000000e+00 : f32
    %broadcast_in_dim3A_1 = vector.broadcast %broadcast_in_dim3A : f32 to vector<16xf32>
    %iota3A = tpu.iota {dimensions = array<i32: 0>} : vector<16xi32>
    %eq3A = arith.constant 0 : i32
    %eq3A_2 = vector.broadcast %eq3A : i32 to vector<16xi32>
    %eq3A_3 = arith.cmpi eq, %iota3A, %eq3A_2 : vector<16xi32>
    %jit3A = arith.constant 1.000000e+00 : f32
    %jit3A_4 = arith.constant 0.000000e+00 : f32
    %broadcast_in_dim3A_5 = vector.broadcast %jit3A : f32 to vector<16xf32>
    %broadcast_in_dim3A_6 = vector.broadcast %jit3A_4 : f32 to vector<16xf32>
    %select_n3A = arith.select %eq3A_3, %broadcast_in_dim3A_5, %broadcast_in_dim3A_6 : vector<16xi1>, vector<16xf32>
    %scan3A = arith.constant 0 : i32
    %scan3A_7 = arith.constant 0 : i32
    %scan3A_8 = arith.constant 80 : i32
    %scan3A_9 = arith.addi %scan3A_7, %scan3A_8 : i32
    %scan3A_10 = arith.constant 1 : i32
    scf.for %scan3A_63 = %scan3A_7 to %scan3A_9 step %scan3A_10  : i32 {
      %swap3A = arith.index_cast %scan3A_63 : i32 to index
      %swap3A_64 = arith.constant 0 : index
      %swap3A_65 = tpu.vector_load %arg5[%swap3A, %swap3A_64] {strides = array<i32>} : memref<80x128xf32, #tpu.memory_space<vmem>>, vector<1x16xf32>,
      %swap3A_66 = vector.shape_cast %swap3A_65 : vector<1x16xf32> to vector<16xf32>
      %swap3A_67 = vector.shape_cast %broadcast_in_dim3A_1 : vector<16xf32> to vector<1x16xf32>
      tpu.vector_store %arg5[%swap3A, %swap3A_64], %swap3A_67 {strides = array<i32>} : memref<80x128xf32, #tpu.memory_space<vmem>>, vector<1x16xf32>,
      %swap3A_68 = arith.index_cast %scan3A_63 : i32 to index
      %swap3A_69 = arith.constant 16 : index
      %swap3A_70 = tpu.vector_load %arg5[%swap3A_68, %swap3A_69] {strides = array<i32>} : memref<80x128xf32, #tpu.memory_space<vmem>>, vector<1x16xf32>,
      %swap3A_71 = vector.shape_cast %swap3A_70 : vector<1x16xf32> to vector<16xf32>
      %swap3A_72 = vector.shape_cast %broadcast_in_dim3A_1 : vector<16xf32> to vector<1x16xf32>
      tpu.vector_store %arg5[%swap3A_68, %swap3A_69], %swap3A_72 {strides = array<i32>} : memref<80x128xf32, #tpu.memory_space<vmem>>, vector<1x16xf32>,
      %swap3A_73 = arith.index_cast %scan3A_63 : i32 to index
      %swap3A_74 = arith.constant 32 : index
      %swap3A_75 = tpu.vector_load %arg5[%swap3A_73, %swap3A_74] {strides = array<i32>} : memref<80x128xf32, #tpu.memory_space<vmem>>, vector<1x16xf32>,
      %swap3A_76 = vector.shape_cast %swap3A_75 : vector<1x16xf32> to vector<16xf32>
      %swap3A_77 = vector.shape_cast %broadcast_in_dim3A_1 : vector<16xf32> to vector<1x16xf32>
      tpu.vector_store %arg5[%swap3A_73, %swap3A_74], %swap3A_77 {strides = array<i32>} : memref<80x128xf32, #tpu.memory_space<vmem>>, vector<1x16xf32>,
      %swap3A_78 = arith.index_cast %scan3A_63 : i32 to index
      %swap3A_79 = arith.constant 48 : index
      %swap3A_80 = tpu.vector_load %arg5[%swap3A_78, %swap3A_79] {strides = array<i32>} : memref<80x128xf32, #tpu.memory_space<vmem>>, vector<1x16xf32>,
      %swap3A_81 = vector.shape_cast %swap3A_80 : vector<1x16xf32> to vector<16xf32>
      %swap3A_82 = vector.shape_cast %broadcast_in_dim3A_1 : vector<16xf32> to vector<1x16xf32>
      tpu.vector_store %arg5[%swap3A_78, %swap3A_79], %swap3A_82 {strides = array<i32>} : memref<80x128xf32, #tpu.memory_space<vmem>>, vector<1x16xf32>,
      %swap3A_83 = arith.index_cast %scan3A_63 : i32 to index
      %swap3A_84 = arith.constant 64 : index
      %swap3A_85 = tpu.vector_load %arg5[%swap3A_83, %swap3A_84] {strides = array<i32>} : memref<80x128xf32, #tpu.memory_space<vmem>>, vector<1x16xf32>,
      %swap3A_86 = vector.shape_cast %swap3A_85 : vector<1x16xf32> to vector<16xf32>
      %swap3A_87 = vector.shape_cast %broadcast_in_dim3A_1 : vector<16xf32> to vector<1x16xf32>
      tpu.vector_store %arg5[%swap3A_83, %swap3A_84], %swap3A_87 {strides = array<i32>} : memref<80x128xf32, #tpu.memory_space<vmem>>, vector<1x16xf32>,
      %swap3A_88 = arith.index_cast %scan3A_63 : i32 to index
      %swap3A_89 = arith.constant 80 : index
      %swap3A_90 = tpu.vector_load %arg5[%swap3A_88, %swap3A_89] {strides = array<i32>} : memref<80x128xf32, #tpu.memory_space<vmem>>, vector<1x16xf32>,
      %swap3A_91 = vector.shape_cast %swap3A_90 : vector<1x16xf32> to vector<16xf32>
      %swap3A_92 = vector.shape_cast %broadcast_in_dim3A_1 : vector<16xf32> to vector<1x16xf32>
      tpu.vector_store %arg5[%swap3A_88, %swap3A_89], %swap3A_92 {strides = array<i32>} : memref<80x128xf32, #tpu.memory_space<vmem>>, vector<1x16xf32>,
      %swap3A_93 = arith.index_cast %scan3A_63 : i32 to index
      %swap3A_94 = arith.constant 96 : index
      %swap3A_95 = tpu.vector_load %arg5[%swap3A_93, %swap3A_94] {strides = array<i32>} : memref<80x128xf32, #tpu.memory_space<vmem>>, vector<1x16xf32>,
      %swap3A_96 = vector.shape_cast %swap3A_95 : vector<1x16xf32> to vector<16xf32>
      %swap3A_97 = vector.shape_cast %broadcast_in_dim3A_1 : vector<16xf32> to vector<1x16xf32>
      tpu.vector_store %arg5[%swap3A_93, %swap3A_94], %swap3A_97 {strides = array<i32>} : memref<80x128xf32, #tpu.memory_space<vmem>>, vector<1x16xf32>,
      %swap3A_98 = arith.index_cast %scan3A_63 : i32 to index
      %swap3A_99 = arith.constant 112 : index
      %swap3A_100 = tpu.vector_load %arg5[%swap3A_98, %swap3A_99] {strides = array<i32>} : memref<80x128xf32, #tpu.memory_space<vmem>>, vector<1x16xf32>,
      %swap3A_101 = vector.shape_cast %swap3A_100 : vector<1x16xf32> to vector<16xf32>
      %swap3A_102 = vector.shape_cast %broadcast_in_dim3A_1 : vector<16xf32> to vector<1x16xf32>
      tpu.vector_store %arg5[%swap3A_98, %swap3A_99], %swap3A_102 {strides = array<i32>} : memref<80x128xf32, #tpu.memory_space<vmem>>, vector<1x16xf32>,
    }
    %scan3A_11 = arith.constant 80 : i32
    %mul3A_12 = arith.constant 632 : i32
    %mul3A_13 = arith.muli %arg1, %mul3A_12 : i32
    %add3A_14 = arith.constant 0 : i32
    %add3A_15 = arith.addi %mul3A_13, %add3A_14 : i32
    "tpu.region"() ({
      %run_scoped3A = tpu.sem_alloc : memref<!tpu.dma_semaphore, #tpu.memory_space<semaphore_mem>>
      %dma_start3A = arith.constant 0 : i32
      %dma_start3A_63 = tpu.memref_slice %arg6[%add3A_15, %dma_start3A] : memref<10112x128xf32, #tpu.memory_space<vmem_shared>> -> memref<80x128xf32, #tpu.memory_space<vmem_shared>>
      %dma_start3A_64 = arith.constant 0 : i32
      %dma_start3A_65 = tpu.memref_slice %arg6[%add3A_15, %dma_start3A_64] : memref<10112x128xf32, #tpu.memory_space<vmem_shared>> -> memref<80x128xf32, #tpu.memory_space<vmem_shared>>
      tpu.enqueue_dma source(%arg5 : memref<80x128xf32, #tpu.memory_space<vmem>>) target(%dma_start3A_65 : memref<80x128xf32, #tpu.memory_space<vmem_shared>>) target_semaphore(%run_scoped3A : memref<!tpu.dma_semaphore, #tpu.memory_space<semaphore_mem>>)
      %dma_wait3A = arith.constant 0 : i32
      %dma_wait3A_66 = tpu.memref_slice %arg6[%add3A_15, %dma_wait3A] : memref<10112x128xf32, #tpu.memory_space<vmem_shared>> -> memref<80x128xf32, #tpu.memory_space<vmem_shared>>
      %dma_wait3A_67 = arith.constant 0 : i32
      %dma_wait3A_68 = tpu.memref_slice %arg6[%add3A_15, %dma_wait3A_67] : memref<10112x128xf32, #tpu.memory_space<vmem_shared>> -> memref<80x128xf32, #tpu.memory_space<vmem_shared>>
      tpu.wait_dma2 semaphore(%run_scoped3A : memref<!tpu.dma_semaphore, #tpu.memory_space<semaphore_mem>>) src(%arg5 : memref<80x128xf32, #tpu.memory_space<vmem>>) dst(%dma_wait3A_68 : memref<80x128xf32, #tpu.memory_space<vmem_shared>>)
      tpu.yield
    }) : () -> ()
    %mul3A_16 = arith.constant 632 : i32
    %mul3A_17 = arith.muli %arg1, %mul3A_16 : i32
    %add3A_18 = arith.constant 80 : i32
    %add3A_19 = arith.addi %mul3A_17, %add3A_18 : i32
    "tpu.region"() ({
      %run_scoped3A = tpu.sem_alloc : memref<!tpu.dma_semaphore, #tpu.memory_space<semaphore_mem>>
      %dma_start3A = arith.constant 0 : i32
      %dma_start3A_63 = tpu.memref_slice %arg6[%add3A_19, %dma_start3A] : memref<10112x128xf32, #tpu.memory_space<vmem_shared>> -> memref<80x128xf32, #tpu.memory_space<vmem_shared>>
      %dma_start3A_64 = arith.constant 0 : i32
      %dma_start3A_65 = tpu.memref_slice %arg6[%add3A_19, %dma_start3A_64] : memref<10112x128xf32, #tpu.memory_space<vmem_shared>> -> memref<80x128xf32, #tpu.memory_space<vmem_shared>>
      tpu.enqueue_dma source(%arg5 : memref<80x128xf32, #tpu.memory_space<vmem>>) target(%dma_start3A_65 : memref<80x128xf32, #tpu.memory_space<vmem_shared>>) target_semaphore(%run_scoped3A : memref<!tpu.dma_semaphore, #tpu.memory_space<semaphore_mem>>)
      %dma_wait3A = arith.constant 0 : i32
      %dma_wait3A_66 = tpu.memref_slice %arg6[%add3A_19, %dma_wait3A] : memref<10112x128xf32, #tpu.memory_space<vmem_shared>> -> memref<80x128xf32, #tpu.memory_space<vmem_shared>>
      %dma_wait3A_67 = arith.constant 0 : i32
      %dma_wait3A_68 = tpu.memref_slice %arg6[%add3A_19, %dma_wait3A_67] : memref<10112x128xf32, #tpu.memory_space<vmem_shared>> -> memref<80x128xf32, #tpu.memory_space<vmem_shared>>
      tpu.wait_dma2 semaphore(%run_scoped3A : memref<!tpu.dma_semaphore, #tpu.memory_space<semaphore_mem>>) src(%arg5 : memref<80x128xf32, #tpu.memory_space<vmem>>) dst(%dma_wait3A_68 : memref<80x128xf32, #tpu.memory_space<vmem_shared>>)
      tpu.yield
    }) : () -> ()
    %mul3A_20 = arith.constant 632 : i32
    %mul3A_21 = arith.muli %arg1, %mul3A_20 : i32
    %add3A_22 = arith.constant 160 : i32
    %add3A_23 = arith.addi %mul3A_21, %add3A_22 : i32
    "tpu.region"() ({
      %run_scoped3A = tpu.sem_alloc : memref<!tpu.dma_semaphore, #tpu.memory_space<semaphore_mem>>
      %dma_start3A = arith.constant 0 : i32
      %dma_start3A_63 = tpu.memref_slice %arg6[%add3A_23, %dma_start3A] : memref<10112x128xf32, #tpu.memory_space<vmem_shared>> -> memref<80x128xf32, #tpu.memory_space<vmem_shared>>
      %dma_start3A_64 = arith.constant 0 : i32
      %dma_start3A_65 = tpu.memref_slice %arg6[%add3A_23, %dma_start3A_64] : memref<10112x128xf32, #tpu.memory_space<vmem_shared>> -> memref<80x128xf32, #tpu.memory_space<vmem_shared>>
      tpu.enqueue_dma source(%arg5 : memref<80x128xf32, #tpu.memory_space<vmem>>) target(%dma_start3A_65 : memref<80x128xf32, #tpu.memory_space<vmem_shared>>) target_semaphore(%run_scoped3A : memref<!tpu.dma_semaphore, #tpu.memory_space<semaphore_mem>>)
      %dma_wait3A = arith.constant 0 : i32
      %dma_wait3A_66 = tpu.memref_slice %arg6[%add3A_23, %dma_wait3A] : memref<10112x128xf32, #tpu.memory_space<vmem_shared>> -> memref<80x128xf32, #tpu.memory_space<vmem_shared>>
      %dma_wait3A_67 = arith.constant 0 : i32
      %dma_wait3A_68 = tpu.memref_slice %arg6[%add3A_23, %dma_wait3A_67] : memref<10112x128xf32, #tpu.memory_space<vmem_shared>> -> memref<80x128xf32, #tpu.memory_space<vmem_shared>>
      tpu.wait_dma2 semaphore(%run_scoped3A : memref<!tpu.dma_semaphore, #tpu.memory_space<semaphore_mem>>) src(%arg5 : memref<80x128xf32, #tpu.memory_space<vmem>>) dst(%dma_wait3A_68 : memref<80x128xf32, #tpu.memory_space<vmem_shared>>)
      tpu.yield
    }) : () -> ()
    %mul3A_24 = arith.constant 632 : i32
    %mul3A_25 = arith.muli %arg1, %mul3A_24 : i32
    %add3A_26 = arith.constant 240 : i32
    %add3A_27 = arith.addi %mul3A_25, %add3A_26 : i32
    "tpu.region"() ({
      %run_scoped3A = tpu.sem_alloc : memref<!tpu.dma_semaphore, #tpu.memory_space<semaphore_mem>>
      %dma_start3A = arith.constant 0 : i32
      %dma_start3A_63 = tpu.memref_slice %arg6[%add3A_27, %dma_start3A] : memref<10112x128xf32, #tpu.memory_space<vmem_shared>> -> memref<80x128xf32, #tpu.memory_space<vmem_shared>>
      %dma_start3A_64 = arith.constant 0 : i32
      %dma_start3A_65 = tpu.memref_slice %arg6[%add3A_27, %dma_start3A_64] : memref<10112x128xf32, #tpu.memory_space<vmem_shared>> -> memref<80x128xf32, #tpu.memory_space<vmem_shared>>
      tpu.enqueue_dma source(%arg5 : memref<80x128xf32, #tpu.memory_space<vmem>>) target(%dma_start3A_65 : memref<80x128xf32, #tpu.memory_space<vmem_shared>>) target_semaphore(%run_scoped3A : memref<!tpu.dma_semaphore, #tpu.memory_space<semaphore_mem>>)
      %dma_wait3A = arith.constant 0 : i32
      %dma_wait3A_66 = tpu.memref_slice %arg6[%add3A_27, %dma_wait3A] : memref<10112x128xf32, #tpu.memory_space<vmem_shared>> -> memref<80x128xf32, #tpu.memory_space<vmem_shared>>
      %dma_wait3A_67 = arith.constant 0 : i32
      %dma_wait3A_68 = tpu.memref_slice %arg6[%add3A_27, %dma_wait3A_67] : memref<10112x128xf32, #tpu.memory_space<vmem_shared>> -> memref<80x128xf32, #tpu.memory_space<vmem_shared>>
      tpu.wait_dma2 semaphore(%run_scoped3A : memref<!tpu.dma_semaphore, #tpu.memory_space<semaphore_mem>>) src(%arg5 : memref<80x128xf32, #tpu.memory_space<vmem>>) dst(%dma_wait3A_68 : memref<80x128xf32, #tpu.memory_space<vmem_shared>>)
      tpu.yield
    }) : () -> ()
    %mul3A_28 = arith.constant 632 : i32
    %mul3A_29 = arith.muli %arg1, %mul3A_28 : i32
    %add3A_30 = arith.constant 320 : i32
    %add3A_31 = arith.addi %mul3A_29, %add3A_30 : i32
    "tpu.region"() ({
      %run_scoped3A = tpu.sem_alloc : memref<!tpu.dma_semaphore, #tpu.memory_space<semaphore_mem>>
      %dma_start3A = arith.constant 0 : i32
      %dma_start3A_63 = tpu.memref_slice %arg6[%add3A_31, %dma_start3A] : memref<10112x128xf32, #tpu.memory_space<vmem_shared>> -> memref<80x128xf32, #tpu.memory_space<vmem_shared>>
      %dma_start3A_64 = arith.constant 0 : i32
      %dma_start3A_65 = tpu.memref_slice %arg6[%add3A_31, %dma_start3A_64] : memref<10112x128xf32, #tpu.memory_space<vmem_shared>> -> memref<80x128xf32, #tpu.memory_space<vmem_shared>>
      tpu.enqueue_dma source(%arg5 : memref<80x128xf32, #tpu.memory_space<vmem>>) target(%dma_start3A_65 : memref<80x128xf32, #tpu.memory_space<vmem_shared>>) target_semaphore(%run_scoped3A : memref<!tpu.dma_semaphore, #tpu.memory_space<semaphore_mem>>)
      %dma_wait3A = arith.constant 0 : i32
      %dma_wait3A_66 = tpu.memref_slice %arg6[%add3A_31, %dma_wait3A] : memref<10112x128xf32, #tpu.memory_space<vmem_shared>> -> memref<80x128xf32, #tpu.memory_space<vmem_shared>>
      %dma_wait3A_67 = arith.constant 0 : i32
      %dma_wait3A_68 = tpu.memref_slice %arg6[%add3A_31, %dma_wait3A_67] : memref<10112x128xf32, #tpu.memory_space<vmem_shared>> -> memref<80x128xf32, #tpu.memory_space<vmem_shared>>
      tpu.wait_dma2 semaphore(%run_scoped3A : memref<!tpu.dma_semaphore, #tpu.memory_space<semaphore_mem>>) src(%arg5 : memref<80x128xf32, #tpu.memory_space<vmem>>) dst(%dma_wait3A_68 : memref<80x128xf32, #tpu.memory_space<vmem_shared>>)
      tpu.yield
    }) : () -> ()
    %mul3A_32 = arith.constant 632 : i32
    %mul3A_33 = arith.muli %arg1, %mul3A_32 : i32
    %add3A_34 = arith.constant 400 : i32
    %add3A_35 = arith.addi %mul3A_33, %add3A_34 : i32
    "tpu.region"() ({
      %run_scoped3A = tpu.sem_alloc : memref<!tpu.dma_semaphore, #tpu.memory_space<semaphore_mem>>
      %dma_start3A = arith.constant 0 : i32
      %dma_start3A_63 = tpu.memref_slice %arg6[%add3A_35, %dma_start3A] : memref<10112x128xf32, #tpu.memory_space<vmem_shared>> -> memref<80x128xf32, #tpu.memory_space<vmem_shared>>
      %dma_start3A_64 = arith.constant 0 : i32
      %dma_start3A_65 = tpu.memref_slice %arg6[%add3A_35, %dma_start3A_64] : memref<10112x128xf32, #tpu.memory_space<vmem_shared>> -> memref<80x128xf32, #tpu.memory_space<vmem_shared>>
      tpu.enqueue_dma source(%arg5 : memref<80x128xf32, #tpu.memory_space<vmem>>) target(%dma_start3A_65 : memref<80x128xf32, #tpu.memory_space<vmem_shared>>) target_semaphore(%run_scoped3A : memref<!tpu.dma_semaphore, #tpu.memory_space<semaphore_mem>>)
      %dma_wait3A = arith.constant 0 : i32
      %dma_wait3A_66 = tpu.memref_slice %arg6[%add3A_35, %dma_wait3A] : memref<10112x128xf32, #tpu.memory_space<vmem_shared>> -> memref<80x128xf32, #tpu.memory_space<vmem_shared>>
      %dma_wait3A_67 = arith.constant 0 : i32
      %dma_wait3A_68 = tpu.memref_slice %arg6[%add3A_35, %dma_wait3A_67] : memref<10112x128xf32, #tpu.memory_space<vmem_shared>> -> memref<80x128xf32, #tpu.memory_space<vmem_shared>>
      tpu.wait_dma2 semaphore(%run_scoped3A : memref<!tpu.dma_semaphore, #tpu.memory_space<semaphore_mem>>) src(%arg5 : memref<80x128xf32, #tpu.memory_space<vmem>>) dst(%dma_wait3A_68 : memref<80x128xf32, #tpu.memory_space<vmem_shared>>)
      tpu.yield
    }) : () -> ()
    %mul3A_36 = arith.constant 632 : i32
    %mul3A_37 = arith.muli %arg1, %mul3A_36 : i32
    %add3A_38 = arith.constant 480 : i32
    %add3A_39 = arith.addi %mul3A_37, %add3A_38 : i32
    "tpu.region"() ({
      %run_scoped3A = tpu.sem_alloc : memref<!tpu.dma_semaphore, #tpu.memory_space<semaphore_mem>>
      %dma_start3A = arith.constant 0 : i32
      %dma_start3A_63 = tpu.memref_slice %arg6[%add3A_39, %dma_start3A] : memref<10112x128xf32, #tpu.memory_space<vmem_shared>> -> memref<80x128xf32, #tpu.memory_space<vmem_shared>>
      %dma_start3A_64 = arith.constant 0 : i32
      %dma_start3A_65 = tpu.memref_slice %arg6[%add3A_39, %dma_start3A_64] : memref<10112x128xf32, #tpu.memory_space<vmem_shared>> -> memref<80x128xf32, #tpu.memory_space<vmem_shared>>
      tpu.enqueue_dma source(%arg5 : memref<80x128xf32, #tpu.memory_space<vmem>>) target(%dma_start3A_65 : memref<80x128xf32, #tpu.memory_space<vmem_shared>>) target_semaphore(%run_scoped3A : memref<!tpu.dma_semaphore, #tpu.memory_space<semaphore_mem>>)
      %dma_wait3A = arith.constant 0 : i32
      %dma_wait3A_66 = tpu.memref_slice %arg6[%add3A_39, %dma_wait3A] : memref<10112x128xf32, #tpu.memory_space<vmem_shared>> -> memref<80x128xf32, #tpu.memory_space<vmem_shared>>
      %dma_wait3A_67 = arith.constant 0 : i32
      %dma_wait3A_68 = tpu.memref_slice %arg6[%add3A_39, %dma_wait3A_67] : memref<10112x128xf32, #tpu.memory_space<vmem_shared>> -> memref<80x128xf32, #tpu.memory_space<vmem_shared>>
      tpu.wait_dma2 semaphore(%run_scoped3A : memref<!tpu.dma_semaphore, #tpu.memory_space<semaphore_mem>>) src(%arg5 : memref<80x128xf32, #tpu.memory_space<vmem>>) dst(%dma_wait3A_68 : memref<80x128xf32, #tpu.memory_space<vmem_shared>>)
      tpu.yield
    }) : () -> ()
    %mul3A_40 = arith.constant 632 : i32
    %mul3A_41 = arith.muli %arg1, %mul3A_40 : i32
    %add3A_42 = arith.constant 560 : i32
    %add3A_43 = arith.addi %mul3A_41, %add3A_42 : i32
    "tpu.region"() ({
      %run_scoped3A = tpu.sem_alloc : memref<!tpu.dma_semaphore, #tpu.memory_space<semaphore_mem>>
      %dma_start3A = arith.constant 0 : i32
      %dma_start3A_63 = arith.constant 0 : i32
      %dma_start3A_64 = tpu.memref_slice %arg5[%dma_start3A, %dma_start3A_63] : memref<80x128xf32, #tpu.memory_space<vmem>> -> memref<72x128xf32, #tpu.memory_space<vmem>>
      %dma_start3A_65 = arith.constant 0 : i32
      %dma_start3A_66 = tpu.memref_slice %arg6[%add3A_43, %dma_start3A_65] : memref<10112x128xf32, #tpu.memory_space<vmem_shared>> -> memref<72x128xf32, #tpu.memory_space<vmem_shared>>
      %dma_start3A_67 = arith.constant 0 : i32
      %dma_start3A_68 = tpu.memref_slice %arg6[%add3A_43, %dma_start3A_67] : memref<10112x128xf32, #tpu.memory_space<vmem_shared>> -> memref<72x128xf32, #tpu.memory_space<vmem_shared>>
      %dma_start3A_69 = arith.constant 0 : i32
      %dma_start3A_70 = arith.constant 0 : i32
      %dma_start3A_71 = tpu.memref_slice %arg5[%dma_start3A_69, %dma_start3A_70] : memref<80x128xf32, #tpu.memory_space<vmem>> -> memref<72x128xf32, #tpu.memory_space<vmem>>
      tpu.enqueue_dma source(%dma_start3A_71 : memref<72x128xf32, #tpu.memory_space<vmem>>) target(%dma_start3A_68 : memref<72x128xf32, #tpu.memory_space<vmem_shared>>) target_semaphore(%run_scoped3A : memref<!tpu.dma_semaphore, #tpu.memory_space<semaphore_mem>>)
      %dma_wait3A = arith.constant 0 : i32
      %dma_wait3A_72 = arith.constant 0 : i32
      %dma_wait3A_73 = tpu.memref_slice %arg5[%dma_wait3A, %dma_wait3A_72] : memref<80x128xf32, #tpu.memory_space<vmem>> -> memref<72x128xf32, #tpu.memory_space<vmem>>
      %dma_wait3A_74 = arith.constant 0 : i32
      %dma_wait3A_75 = tpu.memref_slice %arg6[%add3A_43, %dma_wait3A_74] : memref<10112x128xf32, #tpu.memory_space<vmem_shared>> -> memref<72x128xf32, #tpu.memory_space<vmem_shared>>
      %dma_wait3A_76 = arith.constant 0 : i32
      %dma_wait3A_77 = tpu.memref_slice %arg6[%add3A_43, %dma_wait3A_76] : memref<10112x128xf32, #tpu.memory_space<vmem_shared>> -> memref<72x128xf32, #tpu.memory_space<vmem_shared>>
      %dma_wait3A_78 = arith.constant 0 : i32
      %dma_wait3A_79 = arith.constant 0 : i32
      %dma_wait3A_80 = tpu.memref_slice %arg5[%dma_wait3A_78, %dma_wait3A_79] : memref<80x128xf32, #tpu.memory_space<vmem>> -> memref<72x128xf32, #tpu.memory_space<vmem>>
      tpu.wait_dma2 semaphore(%run_scoped3A : memref<!tpu.dma_semaphore, #tpu.memory_space<semaphore_mem>>) src(%dma_wait3A_80 : memref<72x128xf32, #tpu.memory_space<vmem>>) dst(%dma_wait3A_77 : memref<72x128xf32, #tpu.memory_space<vmem_shared>>)
      tpu.yield
    }) : () -> ()
    %scan3A_44 = arith.constant 0 : i32
    %scan3A_45 = arith.constant 0 : i32
    %scan3A_46 = arith.constant 80 : i32
    %scan3A_47 = arith.addi %scan3A_45, %scan3A_46 : i32
    %scan3A_48 = arith.constant 1 : i32
    scf.for %scan3A_63 = %scan3A_45 to %scan3A_47 step %scan3A_48  : i32 {
      %swap3A = arith.index_cast %scan3A_63 : i32 to index
      %swap3A_64 = arith.constant 0 : index
      %swap3A_65 = tpu.vector_load %arg5[%swap3A, %swap3A_64] {strides = array<i32>} : memref<80x128xf32, #tpu.memory_space<vmem>>, vector<1x16xf32>,
      %swap3A_66 = vector.shape_cast %swap3A_65 : vector<1x16xf32> to vector<16xf32>
      %swap3A_67 = vector.shape_cast %select_n3A : vector<16xf32> to vector<1x16xf32>
      tpu.vector_store %arg5[%swap3A, %swap3A_64], %swap3A_67 {strides = array<i32>} : memref<80x128xf32, #tpu.memory_space<vmem>>, vector<1x16xf32>,
    }
    %scan3A_49 = arith.constant 80 : i32
    %barrier3A = arith.constant 0 : index
    tpu.barrier barrier_id(%barrier3A)
    %mul3A_50 = arith.constant 10000 : i32
    %mul3A_51 = arith.muli %add3A, %mul3A_50 : i32
    %scan3A_52 = arith.constant 0 : i32
    %scan3A_53 = arith.constant 0 : i32
    %scan3A_54 = arith.constant 125 : i32
    %scan3A_55 = arith.addi %scan3A_53, %scan3A_54 : i32
    %scan3A_56 = arith.constant 1 : i32
    scf.for %scan3A_63 = %scan3A_53 to %scan3A_55 step %scan3A_56  : i32 {
      %mul3A_64 = arith.constant 80 : i32
      %mul3A_65 = arith.muli %scan3A_63, %mul3A_64 : i32
      %add3A_66 = arith.addi %mul3A_51, %mul3A_65 : i32
      "tpu.region"() ({
        %run_scoped3A = tpu.sem_alloc : memref<!tpu.dma_semaphore, #tpu.memory_space<semaphore_mem>>
        %dma_start3A = tpu.memref_slice %arg2[%add3A_66] : memref<320000xi32, #tpu.memory_space<hbm>> -> memref<80xi32, #tpu.memory_space<hbm>>
        %dma_start3A_67 = tpu.memref_slice %arg2[%add3A_66] : memref<320000xi32, #tpu.memory_space<hbm>> -> memref<80xi32, #tpu.memory_space<hbm>>
        tpu.enqueue_dma source(%dma_start3A_67 : memref<80xi32, #tpu.memory_space<hbm>>) target(%arg4 : memref<80xi32, #tpu.memory_space<vmem>>) target_semaphore(%run_scoped3A : memref<!tpu.dma_semaphore, #tpu.memory_space<semaphore_mem>>)
        %dma_wait3A = tpu.memref_slice %arg2[%add3A_66] : memref<320000xi32, #tpu.memory_space<hbm>> -> memref<80xi32, #tpu.memory_space<hbm>>
        %dma_wait3A_68 = tpu.memref_slice %arg2[%add3A_66] : memref<320000xi32, #tpu.memory_space<hbm>> -> memref<80xi32, #tpu.memory_space<hbm>>
        tpu.wait_dma2 semaphore(%run_scoped3A : memref<!tpu.dma_semaphore, #tpu.memory_space<semaphore_mem>>) src(%dma_wait3A_68 : memref<80xi32, #tpu.memory_space<hbm>>) dst(%arg4 : memref<80xi32, #tpu.memory_space<vmem>>)
        tpu.yield
      }) : () -> ()
      "tpu.region"() ({
        %run_scoped3A = tpu.sem_alloc : memref<!tpu.dma_semaphore, #tpu.memory_space<semaphore_mem>>
        %dma_start3A = arith.constant 0 : i32
        %dma_start3A_67 = arith.constant 0 : i32
        %dma_start3A_68 = tpu.memref_slice %arg6[%dma_start3A, %dma_start3A_67] : memref<10112x128xf32, #tpu.memory_space<vmem_shared>> -> memref<10112x128xf32, #tpu.memory_space<vmem_shared>>
        tpu.enqueue_indirect_dma source(%arg5 : memref<80x128xf32, #tpu.memory_space<vmem>>) target(%dma_start3A_68 : memref<10112x128xf32, #tpu.memory_space<vmem_shared>>) offsets(%arg4 : memref<80xi32, #tpu.memory_space<vmem>>) semaphore(%run_scoped3A : memref<!tpu.dma_semaphore, #tpu.memory_space<semaphore_mem>>) {add = true}
        %dma_wait3A = arith.constant 0 : i32
        %dma_wait3A_69 = arith.constant 0 : i32
        %dma_wait3A_70 = tpu.memref_slice %arg6[%dma_wait3A, %dma_wait3A_69] : memref<10112x128xf32, #tpu.memory_space<vmem_shared>> -> memref<10112x128xf32, #tpu.memory_space<vmem_shared>>
        tpu.wait_indirect_dma semaphore(%run_scoped3A : memref<!tpu.dma_semaphore, #tpu.memory_space<semaphore_mem>>) src(%arg5 : memref<80x128xf32, #tpu.memory_space<vmem>>) dst(%dma_wait3A_70 : memref<10112x128xf32, #tpu.memory_space<vmem_shared>>)
        tpu.yield
      }) : () -> ()
    }
    %scan3A_57 = arith.constant 125 : i32
    %barrier3A_58 = arith.constant 0 : index
    tpu.barrier barrier_id(%barrier3A_58)
    %mul3A_59 = arith.constant 632 : i32
    %mul3A_60 = arith.muli %arg1, %mul3A_59 : i32
    %mul3A_61 = arith.constant 632 : i32
    %mul3A_62 = arith.muli %arg1, %mul3A_61 : i32
    "tpu.region"() ({
      %run_scoped3A = tpu.sem_alloc : memref<!tpu.dma_semaphore, #tpu.memory_space<semaphore_mem>>
      %dma_start3A = arith.constant 0 : i32
      %dma_start3A_63 = tpu.memref_slice %arg3[%arg0, %mul3A_62, %dma_start3A] : memref<2x10112x128xf32, #tpu.memory_space<hbm>> -> memref<1x632x128xf32, #tpu.memory_space<hbm>>
      %dma_start3A_64 = tpu.memref_squeeze %dma_start3A_63 : memref<1x632x128xf32, #tpu.memory_space<hbm>> -> memref<632x128xf32, #tpu.memory_space<hbm>>
      %dma_start3A_65 = arith.constant 0 : i32
      %dma_start3A_66 = tpu.memref_slice %arg6[%mul3A_60, %dma_start3A_65] : memref<10112x128xf32, #tpu.memory_space<vmem_shared>> -> memref<632x128xf32, #tpu.memory_space<vmem_shared>>
      tpu.enqueue_dma source(%dma_start3A_66 : memref<632x128xf32, #tpu.memory_space<vmem_shared>>) target(%dma_start3A_64 : memref<632x128xf32, #tpu.memory_space<hbm>>) target_semaphore(%run_scoped3A : memref<!tpu.dma_semaphore, #tpu.memory_space<semaphore_mem>>)
      %dma_wait3A = arith.constant 0 : i32
      %dma_wait3A_67 = tpu.memref_slice %arg3[%arg0, %mul3A_62, %dma_wait3A] : memref<2x10112x128xf32, #tpu.memory_space<hbm>> -> memref<1x632x128xf32, #tpu.memory_space<hbm>>
      %dma_wait3A_68 = tpu.memref_squeeze %dma_wait3A_67 : memref<1x632x128xf32, #tpu.memory_space<hbm>> -> memref<632x128xf32, #tpu.memory_space<hbm>>
      %dma_wait3A_69 = arith.constant 0 : i32
      %dma_wait3A_70 = tpu.memref_slice %arg6[%mul3A_60, %dma_wait3A_69] : memref<10112x128xf32, #tpu.memory_space<vmem_shared>> -> memref<632x128xf32, #tpu.memory_space<vmem_shared>>
      tpu.wait_dma2 semaphore(%run_scoped3A : memref<!tpu.dma_semaphore, #tpu.memory_space<semaphore_mem>>) src(%dma_wait3A_70 : memref<632x128xf32, #tpu.memory_space<vmem_shared>>) dst(%dma_wait3A_68 : memref<632x128xf32, #tpu.memory_space<hbm>>)
      tpu.yield
    }) : () -> ()
    return
  }
}

module attributes {stable_mosaic.version = 14 : i64} {
  func.func @body(%arg0: i32, %arg1: memref<1000x128xf32, #tpu.memory_space<vmem>>, %arg2: memref<128x256xf32, #tpu.memory_space<vmem>>, %arg3: memref<1000x128xf32, #tpu.memory_space<vmem>>, %arg4: memref<1000x128xf32, #tpu.memory_space<vmem>>) attributes {dimension_semantics = [#tpu.dimension_semantics<arbitrary>], iteration_bounds = array<i64: 10>, scalar_prefetch = 0 : i64, scratch_operands = 0 : i64, tpu.core_type = #tpu.core_type<tc>, window_params = [{transform_indices = @transform_0, window_bounds = array<i64: 1000, 128>}, {pipeline_mode = #tpu.pipeline_mode<synchronous>, transform_indices = @transform_1, window_bounds = array<i64: 128, 256>}, {transform_indices = @transform_2, window_bounds = array<i64: 1000, 128>}, {transform_indices = @transform_3, window_bounds = array<i64: 1000, 128>}]} {
    %get3A = arith.constant 0 : index
    %get3A_0 = arith.constant 0 : index
    %get3A_1 = vector.load %arg1[%get3A, %get3A_0] : memref<1000x128xf32, #tpu.memory_space<vmem>>, vector<1000x128xf32>
    %get3A_2 = arith.constant 0 : index
    %get3A_3 = arith.constant 0 : index
    %get3A_4 = vector.load %arg2[%get3A_2, %get3A_3] : memref<128x256xf32, #tpu.memory_space<vmem>>, vector<128x256xf32>
    %dot_general3A = arith.constant dense<0.000000e+00> : vector<1000x256xf32>
    %dot_general3A_5 = tpu.matmul %get3A_1, %get3A_4, %dot_general3A {dimension_numbers = #tpu.dot_dimension_numbers<[1], [0], [0], [1], [0, 0, 1, 1], [], []>, transpose_lhs_hint = false} : vector<1000x128xf32>, vector<128x256xf32>, vector<1000x256xf32> -> vector<1000x256xf32>
    %slice3A = vector.extract_strided_slice %dot_general3A_5 {offsets = [0, 0], sizes = [1000, 128], strides = [1, 1]} : vector<1000x256xf32> to vector<1000x128xf32>
    %swap3A = arith.constant 0 : index
    %swap3A_6 = arith.constant 0 : index
    %swap3A_7 = vector.load %arg3[%swap3A, %swap3A_6] : memref<1000x128xf32, #tpu.memory_space<vmem>>, vector<1000x128xf32>
    tpu.vector_store %arg3[%swap3A, %swap3A_6], %slice3A {strides = array<i32>} : memref<1000x128xf32, #tpu.memory_space<vmem>>, vector<1000x128xf32>,
    %slice3A_8 = vector.extract_strided_slice %dot_general3A_5 {offsets = [0, 128], sizes = [1000, 128], strides = [1, 1]} : vector<1000x256xf32> to vector<1000x128xf32>
    %swap3A_9 = arith.constant 0 : index
    %swap3A_10 = arith.constant 0 : index
    %swap3A_11 = vector.load %arg4[%swap3A_9, %swap3A_10] : memref<1000x128xf32, #tpu.memory_space<vmem>>, vector<1000x128xf32>
    tpu.vector_store %arg4[%swap3A_9, %swap3A_10], %slice3A_8 {strides = array<i32>} : memref<1000x128xf32, #tpu.memory_space<vmem>>, vector<1000x128xf32>,
    return
  }
  func.func @transform_0(%arg0: i32) -> (i32, i32) {
    %c0_i32 = arith.constant 0 : i32
    %c0_i32_0 = arith.constant 0 : i32
    return %arg0, %c0_i32 : i32, i32
  }
  func.func @transform_1(%arg0: i32) -> (i32, i32) {
    %c0_i32 = arith.constant 0 : i32
    %c0_i32_0 = arith.constant 0 : i32
    %c0_i32_1 = arith.constant 0 : i32
    return %c0_i32, %c0_i32_0 : i32, i32
  }
  func.func @transform_2(%arg0: i32) -> (i32, i32) {
    %c0_i32 = arith.constant 0 : i32
    %c0_i32_0 = arith.constant 0 : i32
    return %arg0, %c0_i32 : i32, i32
  }
  func.func @transform_3(%arg0: i32) -> (i32, i32) {
    %c0_i32 = arith.constant 0 : i32
    %c0_i32_0 = arith.constant 0 : i32
    return %arg0, %c0_i32 : i32, i32
  }
}

module attributes {stable_mosaic.version = 14 : i64} {
  func.func @body(%arg0: i32, %arg1: memref<1000x128xf32, #tpu.memory_space<vmem>>, %arg2: memref<1000x128xf32, #tpu.memory_space<vmem>>, %arg3: memref<1000x128xf32, #tpu.memory_space<vmem>>, %arg4: memref<1000x128xf32, #tpu.memory_space<vmem>>, %arg5: memref<1000x128xf32, #tpu.memory_space<vmem>>, %arg6: memref<128x128xf32, #tpu.memory_space<vmem>>, %arg7: memref<1x128xf32, #tpu.memory_space<vmem>>, %arg8: memref<128x128xf32, #tpu.memory_space<vmem>>, %arg9: memref<128x128xf32, #tpu.memory_space<vmem>>, %arg10: memref<1x128xf32, #tpu.memory_space<vmem>>, %arg11: memref<128x128xf32, #tpu.memory_space<vmem>>, %arg12: memref<1x128xf32, #tpu.memory_space<vmem>>, %arg13: memref<1000x128xf32, #tpu.memory_space<vmem>>) attributes {dimension_semantics = [#tpu.dimension_semantics<arbitrary>], iteration_bounds = array<i64: 10>, scalar_prefetch = 0 : i64, scratch_operands = 0 : i64, tpu.core_type = #tpu.core_type<tc>, window_params = [{transform_indices = @transform_0, window_bounds = array<i64: 1000, 128>}, {transform_indices = @transform_1, window_bounds = array<i64: 1000, 128>}, {transform_indices = @transform_2, window_bounds = array<i64: 1000, 128>}, {transform_indices = @transform_3, window_bounds = array<i64: 1000, 128>}, {transform_indices = @transform_4, window_bounds = array<i64: 1000, 128>}, {pipeline_mode = #tpu.pipeline_mode<synchronous>, transform_indices = @transform_5, window_bounds = array<i64: 128, 128>}, {pipeline_mode = #tpu.pipeline_mode<synchronous>, transform_indices = @transform_6, window_bounds = array<i64: 1, 128>}, {pipeline_mode = #tpu.pipeline_mode<synchronous>, transform_indices = @transform_7, window_bounds = array<i64: 128, 128>}, {pipeline_mode = #tpu.pipeline_mode<synchronous>, transform_indices = @transform_8, window_bounds = array<i64: 128, 128>}, {pipeline_mode = #tpu.pipeline_mode<synchronous>, transform_indices = @transform_9, window_bounds = array<i64: 1, 128>}, {pipeline_mode = #tpu.pipeline_mode<synchronous>, transform_indices = @transform_10, window_bounds = array<i64: 128, 128>}, {pipeline_mode = #tpu.pipeline_mode<synchronous>, transform_indices = @transform_11, window_bounds = array<i64: 1, 128>}, {transform_indices = @transform_12, window_bounds = array<i64: 1000, 128>}]} {
    %get3A = arith.constant 0 : index
    %get3A_0 = arith.constant 0 : index
    %get3A_1 = vector.load %arg4[%get3A, %get3A_0] : memref<1000x128xf32, #tpu.memory_space<vmem>>, vector<1000x128xf32>
    %slice3A = vector.extract_strided_slice %get3A_1 {offsets = [0, 0], sizes = [1000, 1], strides = [1, 1]} : vector<1000x128xf32> to vector<1000x1xf32>
    %get3A_2 = arith.constant 0 : index
    %get3A_3 = arith.constant 0 : index
    %get3A_4 = vector.load %arg5[%get3A_2, %get3A_3] : memref<1000x128xf32, #tpu.memory_space<vmem>>, vector<1000x128xf32>
    %slice3A_5 = vector.extract_strided_slice %get3A_4 {offsets = [0, 0], sizes = [1000, 1], strides = [1, 1]} : vector<1000x128xf32> to vector<1000x1xf32>
    %add3A = arith.addf %slice3A, %slice3A_5 : vector<1000x1xf32>
    %get3A_6 = arith.constant 0 : index
    %get3A_7 = arith.constant 0 : index
    %get3A_8 = vector.load %arg2[%get3A_6, %get3A_7] : memref<1000x128xf32, #tpu.memory_space<vmem>>, vector<1000x128xf32>
    %get3A_9 = arith.constant 0 : index
    %get3A_10 = arith.constant 0 : index
    %get3A_11 = vector.load %arg3[%get3A_9, %get3A_10] : memref<1000x128xf32, #tpu.memory_space<vmem>>, vector<1000x128xf32>
    %add3A_12 = arith.addf %get3A_8, %get3A_11 : vector<1000x128xf32>
    %get3A_13 = arith.constant 0 : index
    %get3A_14 = arith.constant 0 : index
    %get3A_15 = vector.load %arg6[%get3A_13, %get3A_14] : memref<128x128xf32, #tpu.memory_space<vmem>>, vector<128x128xf32>
    %dot_general3A = arith.constant dense<0.000000e+00> : vector<1000x128xf32>
    %dot_general3A_16 = tpu.matmul %add3A_12, %get3A_15, %dot_general3A {dimension_numbers = #tpu.dot_dimension_numbers<[1], [0], [0], [1], [0, 0, 1, 1], [], []>, transpose_lhs_hint = false} : vector<1000x128xf32>, vector<128x128xf32>, vector<1000x128xf32> -> vector<1000x128xf32>
    %get3A_17 = arith.constant 0 : index
    %get3A_18 = arith.constant 0 : index
    %get3A_19 = vector.load %arg7[%get3A_17, %get3A_18] : memref<1x128xf32, #tpu.memory_space<vmem>>, vector<1x128xf32>
    %mul3A = vector.broadcast %add3A : vector<1000x1xf32> to vector<1000x128xf32>
    %mul3A_20 = vector.broadcast %get3A_19 : vector<1x128xf32> to vector<1000x128xf32>
    %mul3A_21 = arith.mulf %mul3A, %mul3A_20 : vector<1000x128xf32>
    %add3A_22 = arith.addf %dot_general3A_16, %mul3A_21 : vector<1000x128xf32>
    %get3A_23 = arith.constant 0 : index
    %get3A_24 = arith.constant 0 : index
    %get3A_25 = vector.load %arg1[%get3A_23, %get3A_24] : memref<1000x128xf32, #tpu.memory_space<vmem>>, vector<1000x128xf32>
    %get3A_26 = arith.constant 0 : index
    %get3A_27 = arith.constant 0 : index
    %get3A_28 = vector.load %arg8[%get3A_26, %get3A_27] : memref<128x128xf32, #tpu.memory_space<vmem>>, vector<128x128xf32>
    %dot_general3A_29 = arith.constant dense<0.000000e+00> : vector<1000x128xf32>
    %dot_general3A_30 = tpu.matmul %get3A_25, %get3A_28, %dot_general3A_29 {dimension_numbers = #tpu.dot_dimension_numbers<[1], [0], [0], [1], [0, 0, 1, 1], [], []>, transpose_lhs_hint = false} : vector<1000x128xf32>, vector<128x128xf32>, vector<1000x128xf32> -> vector<1000x128xf32>
    %get3A_31 = arith.constant 0 : index
    %get3A_32 = arith.constant 0 : index
    %get3A_33 = vector.load %arg9[%get3A_31, %get3A_32] : memref<128x128xf32, #tpu.memory_space<vmem>>, vector<128x128xf32>
    %dot_general3A_34 = arith.constant dense<0.000000e+00> : vector<1000x128xf32>
    %dot_general3A_35 = tpu.matmul %add3A_22, %get3A_33, %dot_general3A_34 {dimension_numbers = #tpu.dot_dimension_numbers<[1], [0], [0], [1], [0, 0, 1, 1], [], []>, transpose_lhs_hint = false} : vector<1000x128xf32>, vector<128x128xf32>, vector<1000x128xf32> -> vector<1000x128xf32>
    %add3A_36 = arith.addf %dot_general3A_30, %dot_general3A_35 : vector<1000x128xf32>
    %get3A_37 = arith.constant 0 : index
    %get3A_38 = arith.constant 0 : index
    %get3A_39 = vector.load %arg10[%get3A_37, %get3A_38] : memref<1x128xf32, #tpu.memory_space<vmem>>, vector<1x128xf32>
    %add3A_40 = vector.broadcast %get3A_39 : vector<1x128xf32> to vector<1000x128xf32>
    %add3A_41 = arith.addf %add3A_36, %add3A_40 : vector<1000x128xf32>
    %max3A = arith.constant 0.000000e+00 : f32
    %max3A_42 = vector.broadcast %max3A : f32 to vector<1000x128xf32>
    %max3A_43 = arith.maximumf %add3A_41, %max3A_42 : vector<1000x128xf32>
    %get3A_44 = arith.constant 0 : index
    %get3A_45 = arith.constant 0 : index
    %get3A_46 = vector.load %arg1[%get3A_44, %get3A_45] : memref<1000x128xf32, #tpu.memory_space<vmem>>, vector<1000x128xf32>
    %get3A_47 = arith.constant 0 : index
    %get3A_48 = arith.constant 0 : index
    %get3A_49 = vector.load %arg11[%get3A_47, %get3A_48] : memref<128x128xf32, #tpu.memory_space<vmem>>, vector<128x128xf32>
    %dot_general3A_50 = arith.constant dense<0.000000e+00> : vector<1000x128xf32>
    %dot_general3A_51 = tpu.matmul %max3A_43, %get3A_49, %dot_general3A_50 {dimension_numbers = #tpu.dot_dimension_numbers<[1], [0], [0], [1], [0, 0, 1, 1], [], []>, transpose_lhs_hint = false} : vector<1000x128xf32>, vector<128x128xf32>, vector<1000x128xf32> -> vector<1000x128xf32>
    %add3A_52 = arith.addf %get3A_46, %dot_general3A_51 : vector<1000x128xf32>
    %get3A_53 = arith.constant 0 : index
    %get3A_54 = arith.constant 0 : index
    %get3A_55 = vector.load %arg12[%get3A_53, %get3A_54] : memref<1x128xf32, #tpu.memory_space<vmem>>, vector<1x128xf32>
    %add3A_56 = vector.broadcast %get3A_55 : vector<1x128xf32> to vector<1000x128xf32>
    %add3A_57 = arith.addf %add3A_52, %add3A_56 : vector<1000x128xf32>
    %swap3A = arith.constant 0 : index
    %swap3A_58 = arith.constant 0 : index
    %swap3A_59 = vector.load %arg13[%swap3A, %swap3A_58] : memref<1000x128xf32, #tpu.memory_space<vmem>>, vector<1000x128xf32>
    tpu.vector_store %arg13[%swap3A, %swap3A_58], %add3A_57 {strides = array<i32>} : memref<1000x128xf32, #tpu.memory_space<vmem>>, vector<1000x128xf32>,
    return
  }
  func.func @transform_0(%arg0: i32) -> (i32, i32) {
    %c0_i32 = arith.constant 0 : i32
    %c0_i32_0 = arith.constant 0 : i32
    return %arg0, %c0_i32 : i32, i32
  }
  func.func @transform_1(%arg0: i32) -> (i32, i32) {
    %c0_i32 = arith.constant 0 : i32
    %c0_i32_0 = arith.constant 0 : i32
    return %arg0, %c0_i32 : i32, i32
  }
  func.func @transform_2(%arg0: i32) -> (i32, i32) {
    %c0_i32 = arith.constant 0 : i32
    %c0_i32_0 = arith.constant 0 : i32
    return %arg0, %c0_i32 : i32, i32
  }
  func.func @transform_3(%arg0: i32) -> (i32, i32) {
    %c0_i32 = arith.constant 0 : i32
    %c0_i32_0 = arith.constant 0 : i32
    return %arg0, %c0_i32 : i32, i32
  }
  func.func @transform_4(%arg0: i32) -> (i32, i32) {
    %c0_i32 = arith.constant 0 : i32
    %c0_i32_0 = arith.constant 0 : i32
    return %arg0, %c0_i32 : i32, i32
  }
  func.func @transform_5(%arg0: i32) -> (i32, i32) {
    %c0_i32 = arith.constant 0 : i32
    %c0_i32_0 = arith.constant 0 : i32
    %c0_i32_1 = arith.constant 0 : i32
    return %c0_i32, %c0_i32_0 : i32, i32
  }
  func.func @transform_6(%arg0: i32) -> (i32, i32) {
    %c0_i32 = arith.constant 0 : i32
    %c0_i32_0 = arith.constant 0 : i32
    %c0_i32_1 = arith.constant 0 : i32
    return %c0_i32, %c0_i32_0 : i32, i32
  }
  func.func @transform_7(%arg0: i32) -> (i32, i32) {
    %c0_i32 = arith.constant 0 : i32
    %c0_i32_0 = arith.constant 0 : i32
    %c0_i32_1 = arith.constant 0 : i32
    return %c0_i32, %c0_i32_0 : i32, i32
  }
  func.func @transform_8(%arg0: i32) -> (i32, i32) {
    %c0_i32 = arith.constant 0 : i32
    %c0_i32_0 = arith.constant 0 : i32
    %c0_i32_1 = arith.constant 0 : i32
    return %c0_i32, %c0_i32_0 : i32, i32
  }
  func.func @transform_9(%arg0: i32) -> (i32, i32) {
    %c0_i32 = arith.constant 0 : i32
    %c0_i32_0 = arith.constant 0 : i32
    %c0_i32_1 = arith.constant 0 : i32
    return %c0_i32, %c0_i32_0 : i32, i32
  }
  func.func @transform_10(%arg0: i32) -> (i32, i32) {
    %c0_i32 = arith.constant 0 : i32
    %c0_i32_0 = arith.constant 0 : i32
    %c0_i32_1 = arith.constant 0 : i32
    return %c0_i32, %c0_i32_0 : i32, i32
  }
  func.func @transform_11(%arg0: i32) -> (i32, i32) {
    %c0_i32 = arith.constant 0 : i32
    %c0_i32_0 = arith.constant 0 : i32
    %c0_i32_1 = arith.constant 0 : i32
    return %c0_i32, %c0_i32_0 : i32, i32
  }
  func.func @transform_12(%arg0: i32) -> (i32, i32) {
    %c0_i32 = arith.constant 0 : i32
    %c0_i32_0 = arith.constant 0 : i32
    return %arg0, %c0_i32 : i32, i32
  }
}

</mosaic_0001>

<sc_bundles>
// kernel: kernel.6.cloned.1.call-start
scs
__scs_entry_jumppad:
0x0: {  	(pc) =	sbr.rel $0x88, $3  }
0x1: {  	(tag) =	ssettag $0x0;
	lr =	simm.s32 $0x1  }
0x2: {  	[smem:$0x3F96] =	sst lr;
	_ =	strace $0xD0000000  }
0x3: {  	_ = 	snop  }
0x4: {  	_ = 	snop  }
0x5: {  	_ = 	snop  }
0x6: {  	_ = 	snop  }
0x7: {  	_ = 	snop  }
__scs_overlays_trampoline_lowered:
0x8: {  	[smem:$0x3FA5] =	sst s0  }
0x9: {  	[smem:$0x3FA6] =	sst s1  }
0xa: {  	[smem:$0x3FA7] =	sst s2  }
0xb: {  	[smem:$0x3FA8] =	sst s3  }
0xc: {  	[smem:$0x3FA9] =	sst s4  }
0xd: {  	[smem:$0x3FAA] =	sst s5  }
0xe: {  	[smem:$0x3FAB] =	sst s6  }
0xf: {  	[smem:$0x3FAC] =	sst s7  }
0x10: {  	[smem:$0x3FAD] =	sst s8  }
0x11: {  	[smem:$0x3FAE] =	sst s9;
	s0 =	simm.s32 @!p0 $0x0  }
0x12: {  	s1 =	sld [smem:$0x3F94];
	s0 =	simm.s32 @p0 $0x1  }
0x13: {  	[smem:$0x3FAF] =	sst s0;
	s0 =	simm.s32 @!p1 $0x0  }
0x14: {  	s2 =	sld [smem:$0x3F93];
	s0 =	simm.s32 @p1 $0x1  }
0x15: {  	[smem:$0x3FB0] =	sst s0;
	s0 =	simm.s32 @!p2 $0x0  }
0x16: {  	s3 =	sld [smem:$0x3FDB];
	s0 =	simm.s32 @p2 $0x1  }
0x17: {  	s4 =	simm.s32 $0x1BF5;
	[smem:$0x3FB2] =	sst s0  }
0x18: {  	s0 =	sld [smem:$0x3F95];
	_ =	swait.ge [sflag:s4], $0x0  }
0x19: {  	s7 =	sld [smem:$0x3F96]  }
0x1a: {  	s8 =	sadd.s32 $0xFFFFE003, lr  }
0x1b: {  	s9 =	sadd.s32 $0xFFFFFEF7, lr;
	s5 =	simm.s32 $0xFFFFFFFF;
	p2 =	slt.u32 s8, $0xFFFFF086  }
0x1c: {  	p1 =	slt.u32 s9, $0xF7A;
	s5 =	simm.s32 @!p2 $0x0  }
0x1d: {  	s5 =	simm.s32 @p1 $0x1;
	p0 =	seq.s32 s7, s2  }
0x1e: {  	s7 =	smul.u32 @!p0 $0xF7A, s2;
	p2 =	seq.s32 @!p0 s5, $0x0  }
0x1f: {  	s9 =	smul.u32 $0xF7A, s1;
	s8 =	simm.s32 @!p0 $0x1BF5;
	p2 =	por !p2, p0  }
0x20: {  	[sflag:s8] =	ssyncset.s32 @!p0 $0xFFFFF086;
	s6 =	sadd.s32 @!p0 s3, s7;
	s7 =	simm.s32 @!p0 $0x108  }
0x21: {  	s3 =	sadd.s32 s3, s9;
	s6 =	sadd.s32 @!p0 $0x88, s6;
	s7 =	simm.s32 @p2 $0x1082  }
0x22: {  	[simem:s7], [sflag:s8] =	dma.local @!p0 [hbm:s6], $0xF7A  }
0x23: {  	s9 =	sor.u32 $0xD0000000, s2;
	s6 =	simm.s32 $0x108;
	_ =	swait.ge @!p0 [sflag:s8], $0x0  }
0x24: {  	s3 =	sadd.s32 $0x88, s3;
	s6 =	simm.s32 @!p1 $0x1082;
	[sflag:s4] =	ssyncset.s32 $0xFFFFF086  }
0x25: {  	[simem:s6], [sflag:s4] =	dma.local [hbm:s3], $0xF7A  }
0x26: {  	[smem:$0x3F96] =	sst s1;
	(tag) =	ssettag s2;
	_ =	strace s9  }
0x27: {  	s1 =	sld [smem:$0x3FA6]  }
0x28: {  	s2 =	sld [smem:$0x3FA7]  }
0x29: {  	s4 =	sld [smem:$0x3FA9]  }
0x2a: {  	p0 =	seq.s32 s5, $0x0;
	s5 =	sld [smem:$0x3FAA]  }
0x2b: {  	s6 =	sld [smem:$0x3FAB]  }
0x2c: {  	s7 =	sld [smem:$0x3FAC]  }
0x2d: {  	s3 =	simm.s32 $0x108;
	s8 =	sld [smem:$0x3FAD]  }
0x2e: {  	s3 =	simm.s32 @!p0 $0x1082;
	s9 =	sld [smem:$0x3FAE]  }
0x2f: {  	lr =	sadd.s32 s0, s3;
	s0 =	sld [smem:$0x3FA5]  }
0x30: {  	s3 =	sld [smem:$0x3FA8]  }
0x31: {  	[smem:$0x3FB1] =	sst s10  }
0x32: {  	s10 =	sld [smem:$0x3FAF];
	_ =	sdelay $0x3  }
0x33: {  	p0 =	seq.s32 s10, $0x1;
	s10 =	sld [smem:$0x3FB1];
	_ =	sdelay $0x3  }
0x34: {  	[smem:$0x3FB1] =	sst s10  }
0x35: {  	s10 =	sld [smem:$0x3FB0];
	_ =	sdelay $0x3  }
0x36: {  	p1 =	seq.s32 s10, $0x1;
	s10 =	sld [smem:$0x3FB1];
	_ =	sdelay $0x3  }
0x37: {  	[smem:$0x3FB1] =	sst s10  }
0x38: {  	s10 =	sld [smem:$0x3FB2]  }
0x39: {  	_ = 	snop;
	(pc) =	sbr.ind lr, $3  }
0x3a: {  	_ = 	snop  }
0x3b: {  	_ = 	snop  }
0x3c: {  	p2 =	seq.s32 s10, $0x1;
	s10 =	sld [smem:$0x3FB1]  }
0x3d: {  	_ =	shalt  }
0x3e: {  	_ =	shalt  }
0x3f: {  	_ =	shalt  }
0x40: {  	_ =	shalt  }
0x41: {  	_ =	shalt  }
0x42: {  	_ =	shalt  }
0x43: {  	_ =	shalt  }
0x44: {  	_ =	shalt  }
0x45: {  	_ =	shalt  }
0x46: {  	_ =	shalt  }
0x47: {  	_ =	shalt  }
0x48: {  	_ =	shalt  }
0x49: {  	_ =	shalt  }
0x4a: {  	_ =	shalt  }
0x4b: {  	_ =	shalt  }
0x4c: {  	_ =	shalt  }
0x4d: {  	_ =	shalt  }
0x4e: {  	_ =	shalt  }
0x4f: {  	_ =	shalt  }
0x50: {  	_ =	shalt  }
0x51: {  	_ =	shalt  }
0x52: {  	_ =	shalt  }
0x53: {  	_ =	shalt  }
0x54: {  	_ =	shalt  }
0x55: {  	_ =	shalt  }
0x56: {  	_ =	shalt  }
0x57: {  	_ =	shalt  }
0x58: {  	_ =	shalt  }
0x59: {  	_ =	shalt  }
0x5a: {  	_ =	shalt  }
0x5b: {  	_ =	shalt  }
0x5c: {  	_ =	shalt  }
0x5d: {  	_ =	shalt  }
0x5e: {  	_ =	shalt  }
0x5f: {  	_ =	shalt  }
0x60: {  	_ =	shalt  }
0x61: {  	_ =	shalt  }
0x62: {  	_ =	shalt  }
0x63: {  	_ =	shalt  }
0x64: {  	_ =	shalt  }
0x65: {  	_ =	shalt  }
0x66: {  	_ =	shalt  }
0x67: {  	_ =	shalt  }
0x68: {  	_ =	shalt  }
0x69: {  	_ =	shalt  }
0x6a: {  	_ =	shalt  }
0x6b: {  	_ =	shalt  }
0x6c: {  	_ =	shalt  }
0x6d: {  	_ =	shalt  }
0x6e: {  	_ =	shalt  }
0x6f: {  	_ =	shalt  }
0x70: {  	_ =	shalt  }
0x71: {  	_ =	shalt  }
0x72: {  	_ =	shalt  }
0x73: {  	_ =	shalt  }
0x74: {  	_ =	shalt  }
0x75: {  	_ =	shalt  }
0x76: {  	_ =	shalt  }
0x77: {  	_ =	shalt  }
0x78: {  	_ =	shalt  }
0x79: {  	_ =	shalt  }
0x7a: {  	_ =	shalt  }
0x7b: {  	_ =	shalt  }
0x7c: {  	_ =	shalt  }
0x7d: {  	_ =	shalt  }
0x7e: {  	_ =	shalt  }
0x7f: {  	_ =	shalt  }
0x80: {  	_ =	shalt  }
0x81: {  	_ =	shalt  }
0x82: {  	_ =	shalt  }
0x83: {  	_ =	shalt  }
0x84: {  	_ =	shalt  }
0x85: {  	_ =	shalt  }
0x86: {  	_ =	shalt  }
0x87: {  	_ =	shalt  }
.Lfunc_end0:
.L_simem_size_0:
called_computation_lowered:
.L_overlay_start_0:
0x88: {  	s2 =	sld [smem:$0x3FD9]  }
0x89: {  	s3 =	sld [smem:$0x3FFE];
	_ =	sdelay $0x1  }
0x8a: {  	s1 =	srdreg.scid  }
0x8b: {  	s0 =	sand.u32 $0x1, s1  }
0x8c: {  	s17 =	sshll.u32 s0, $0xA;
	s2 =	sadd.s32 s3, s2  }
0x8d: {  	s2 =	sadd.s32 s2, s17  }
0x8e: {  	[smem:$0x3FBD] =	sst s2  }
0x8f: {  	_ = 	snop  }
0x90: {  	(tm) =	ssettm $0x1  }
0x91: {  	s18 =	sld [smem:$0x3FFB];
	_ =	sdelay $0x3  }
0x92: {  	_ =	strace s18  }
0x93: {  	s2 =	sld [smem:$0x3FFC];
	_ =	sdelay $0x3  }
0x94: {  	_ =	strace s2  }
0x95: {  	s2 =	sld [smem:$0x3FFD];
	_ =	sdelay $0x3  }
0x96: {  	_ =	strace s2  }
0x97: {  	_ =	strace $0x8FFFFFFF  }
0x98: {  	s19 =	sld [smem:$0x3FDB];
	_ =	sdelay $0x1  }
0x99: {  	s20 =	simm.s32 $_scs_section_size  }
0x9a: {  	s4 =	simm.s32 $_size__tile_overlayer_lowered;
	s5 =	simm.s32 $_tile_overlayer_lowered  }
0x9b: {  	s6 =	simm.s32 $0x1BFF;
	s21 =	sshll.u32 s5, $0x1;
	s3 =	sadd.s32 s20, s19  }
0x9c: {  	s22 =	simm.s32 $0x0;
	s4 =	sshll.u32 s4, $0x1;
	s5 =	sadd.s32 s21, s3  }
0x9d: {  	[timem:s22], [sflag:s6] =	dma.local [hbm:s5], s4  }
0x9e: {  	_ =	swait.ge [sflag:s6], s4  }
0x9f: {  	s4 =	ssub.s32 $0x0, s4;
	[sflag:s6] =	ssyncset.done $0x0  }
0xa0: {  	[sflag:s6] =	ssyncadd.s32 s4;
	_ =	sdelay $0x1  }
0xa1: {  	s23 =	simm.s32 $0x1B8B  }
0xa2: {  	_ =	swait.ge [sflag:s23], $0x1  }
0xa3: {  	[sflag:s23] =	ssyncset.done $0x0  }
0xa4: {  	[sflag:s23] =	ssyncadd.s32 $0xFFFFFFFF  }
0xa5: {  	s4 =	sld [smem:$0x0]  }
0xa6: {  	s5 =	sand.u32 $0xFFFFFFFE, s1  }
0xa7: {  	p0 =	sne.s32 s1, s5  }
0xa8: {  	s5 =	sshll.u32 @p0 s5, $0xE  }
0xa9: {  	s5 =	sadd.s32 @p0 $0x11B8D, s5;
	s6 =	sshll.u32 @p0 s4, $0x11  }
0xaa: {  	s5 =	sor.u32 @p0 s6, s5  }
0xab: {  	[sflag:s5] =	ssyncadd.remote.s32 @p0 $0x1;
	_ =	sdelay $0x1  }
0xac: {  	s5 =	simm.s32 @p0 $0x1B8D  }
0xad: {  	_ =	swait.eq @p0 [sflag:s5], $0x1  }
0xae: {  	[sflag:s5] =	ssyncadd.s32 @p0 $0xFFFFFFFF  }
0xaf: {  	s6 =	sshll.u32 @!p0 s1, $0xE  }
0xb0: {  	s6 =	sor.u32 @!p0 $0x4000, s6;
	s5 =	simm.s32 @!p0 $0x1B8D  }
0xb1: {  	s4 =	sshll.u32 @!p0 s4, $0x11;
	s6 =	sadd.s32 @!p0 $0x11B8D, s6;
	_ =	swait.eq @!p0 [sflag:s5], $0x1  }
0xb2: {  	s4 =	sor.u32 @!p0 s4, s6;
	[sflag:s5] =	ssyncadd.s32 @!p0 $0xFFFFFFFF  }
0xb3: {  	s25 =	simm.s32 $0x1B8E;
	s24 =	sld [smem:$0x3FFE];
	[sflag:s4] =	ssyncadd.remote.s32 @!p0 $0x1  }
0xb4: {  	s26 =	simm.s32 $execute0_lowered;
	[smem:$0x3FD2] =	sst s25  }
0xb5: {  	s5 =	sshll.u32 s26, $0x1;
	_ =	strace $0x80000049;
	[dreg:$0x1] =	wrdreg $0xFFFFFFFF  }
0xb6: {  	s28 =	simm.s32 $_size_execute0_lowered;
	s3 =	sadd.s32 s3, s5;
	[dreg:$0x0] =	wrdreg $0x0  }
0xb7: {  	s5 =	sshll.u32 s28, $0x1;
	[dreg:$0x2] =	wrdreg s3  }
0xb8: {  	[dreg:$0x3] =	wrdreg s5  }
0xb9: {  	[dreg:$0x4] =	wrdreg $0xC0  }
0xba: {  	_ =	task [dreg:s22], $0x5FFFF  }
0xbb: {  	[dreg:$0x1] =	wrdreg $0xFFFFFFFF  }
0xbc: {  	[dreg:$0x0] =	wrdreg $0x60  }
0xbd: {  	[dreg:$0x2] =	wrdreg s24  }
0xbe: {  	[dreg:$0x3] =	wrdreg $0x28800  }
0xbf: {  	[dreg:$0x4] =	wrdreg $0x9  }
0xc0: {  	_ =	task.clear_ibuf [dreg:s22], $0x5FFFF;
	_ =	strace $0x90000049  }
0xc1: {  	s29 =	simm.s32 $0x9;
	_ =	strace $0x8000004B  }
0xc2: {  	_ =	swait.ge [sflag:s29], $0x1  }
0xc3: {  	[sflag:s29] =	ssyncadd.s32 $0xFFFFFFFF  }
0xc4: {  	_ =	strace $0x9000004B  }
0xc5: {  	_ =	sfence  }
0xc6: {  	s30 =	sld [smem:$0x0];
	_ =	sdelay $0x2  }
0xc7: {  	s31 =	sshll.u32 s1, $0xD;
	s1 =	sshrl.u32 s1, $0x2  }
0xc8: {  	s4 =	sand.u32 $0x4000, s31;
	s1 =	sadd.s32 s1, s30  }
0xc9: {  	s0 =	sor.u32 s4, s0;
	s1 =	sshll.u32 s1, $0x11  }
0xca: {  	s0 =	sor.u32 s1, s0  }
0xcb: {  	s0 =	sadd.s32 $0x8F2B, s0  }
0xcc: {  	[sflag:s0] =	ssyncadd.remote.s32 $0x1  }
0xcd: {  	_ =	sfence.sel $0xFFFF  }
0xce: {  	[dreg:$0x0] =	wrdreg $0xFFFFFFFF;
	(pc) =	sbr.abs _section_cstart, $3  }
0xcf: {  	[dreg:$0x1] =	wrdreg $0xFFFFFFFF  }
0xd0: {  	_ =	task.clear_ibuf [dreg:s22], $0x2FFFF;
	_ =	strace $0x9FFFFFFF  }
0xd1: {  	(tm) =	ssettm $0x7FFFFFFF  }
tec
execute0_lowered:
.L_overlay_start_1:
0x0: {  	(tag) =	ssettag $0x1  }
0x1: {  	s0 =	srdreg.scid;
	s4 =	rddreg [dreg:$0x0]  }
0x2: {  	s2 =	rddreg [dreg:$0x1];
	s5 =	sand.u32 $0x1, s0  }
0x3: {  	s0 =	stileid.u32;
	s6 =	smul.u32 $0x27100, s5  }
0x4: {  	s1 =	rddreg [dreg:$0x2];
	s3 =	simm.s32 $0x0;
	s7 =	smul.u32 $0x2710, s0  }
0x5: {  	s15 =	simm.s32 $0x80;
	s16 =	simm.s32 $0x1;
	s8 =	smul.u32 $0x13C000, s5  }
0x6: {  	s17 =	simm.s32 $0x50;
	s20 =	simm.s32 $0x0;
	s28 =	smul.u32 $0x13C00, s0  }
0x7: {  	[smem:$0x7FF] =	sst s3;
	s9 =	smul.u32 $0x4F000, s0;
	s5 =	ssub.s32 $0x2, s5  }
0x8: {  	_ =	strace $0x8000004A;
	s18 =	sshll.u32 s0, $0x6;
	s31 =	sshrl.u32 s5, $0x1  }
0x9: {  	s18 =	sor.u32 $0x1C01, s18;
	s6 =	sadd.s32 s7, s6;
	s29 =	sadd.s32 s28, s8  }
0xa: {  	s30 =	sshrl.u32 s9, $0x2;
	s13 =	ssub.s32 s5, s31;
	s6 =	sshrl.u32 s6, $0x3  }
0xb: {  	s13 =	smax.u32 s13, $0x1;
	s14 =	sadd.s32 s6, s4;
	s6 =	sshrl.u32 s29, $0x3  }
0xc: {  	s12 =	sadd.s32 s6, s4;
	s4 =	sadd.s32 s30, s2;
	s14 =	sadd.s32 $0xC200, s14  }
0xd: {  	s5 =	sadd.s32 $0x2800, s4;
	s6 =	sadd.s32 $0x5000, s4;
	s7 =	sadd.s32 $0x7800, s4  }
0xe: {  	v0 =	vimm.f32 $0.0e+00;
	vm0 =	vcmask $0x300;
	s8 =	sadd.s32 $0xA000, s4;
	s9 =	sadd.s32 $0xC800, s4;
	s10 =	sadd.s32 $0xF000, s4  }
0xf: {  	v1 =	vsel vm0, $0x3F800000, v0;
	s11 =	sadd.s32 $0x11800, s4;
	s12 =	sadd.s32 $0x8C400, s12;
	s19 =	sshrl.u32 s4, $0x3  }
.LBB2_1:
0x10: {  	s21 =	simm.s32 $0x0;
	s22 =	simm.s32 $0x200  }
.LBB2_2:
0x11: {  	p0 =	sne.s32 s22, $0x9E00;
	[tilespmem:s21+$0xF0] =	vst v0  }
0x12: {  	[tilespmem:s21+$0x80] =	vst v0  }
0x13: {  	[tilespmem:s21+$0x90] =	vst v0  }
.Ltmp0:
0x14: {  	[tilespmem:s21+$0xA0] =	vst v0;
	(pc) =	sbr.rel @p0 .LBB2_2-.Ltmp0, $4  }
0x15: {  	[tilespmem:s21+$0xB0] =	vst v0  }
0x16: {  	[tilespmem:s21+$0xC0] =	vst v0  }
0x17: {  	[tilespmem:s21+$0xD0] =	vst v0  }
0x18: {  	[tilespmem:s21+$0xE0] =	vst v0;
	s21 =	sshra.s32 s22, $0x2;
	s22 =	sadd.s32 $0x200, s22  }
0x19: {  	[tilespmem:s21+$0xF0] =	vst v0  }
0x1a: {  	[tilespmem:s21+$0x80] =	vst v0  }
0x1b: {  	[tilespmem:s21+$0x90] =	vst v0  }
0x1c: {  	[tilespmem:s21+$0xA0] =	vst v0  }
0x1d: {  	[tilespmem:s21+$0xB0] =	vst v0  }
0x1e: {  	[tilespmem:s21+$0xC0] =	vst v0  }
0x1f: {  	[tilespmem:s21+$0xD0] =	vst v0  }
0x20: {  	[tilespmem:s21+$0xE0] =	vst v0  }
0x21: {  	[spmem:s4] =	stream.linear.scatter [tilespmem:s15], [sflag:$0x1], $0x2800, $0x38;
	[tilespmem:$0x16480] =	vst v63  }
0x22: {  	_ =	swait.ge [sflag:s16], $0x2800  }
0x23: {  	[sflag:s16] =	ssyncset.done $0x0  }
0x24: {  	[sflag:s16] =	ssyncadd.s32 $0xFFFFD800  }
0x25: {  	[spmem:s5] =	stream.linear.scatter [tilespmem:s15], [sflag:$0x1], $0x2800, $0x38;
	[tilespmem:$0x16480] =	vst v63  }
0x26: {  	_ =	swait.ge [sflag:s16], $0x2800  }
0x27: {  	[sflag:s16] =	ssyncset.done $0x0  }
0x28: {  	[sflag:s16] =	ssyncadd.s32 $0xFFFFD800  }
0x29: {  	[spmem:s6] =	stream.linear.scatter [tilespmem:s15], [sflag:$0x1], $0x2800, $0x38;
	[tilespmem:$0x16480] =	vst v63  }
0x2a: {  	_ =	swait.ge [sflag:s16], $0x2800  }
0x2b: {  	[sflag:s16] =	ssyncset.done $0x0  }
0x2c: {  	[sflag:s16] =	ssyncadd.s32 $0xFFFFD800  }
0x2d: {  	[spmem:s7] =	stream.linear.scatter [tilespmem:s15], [sflag:$0x1], $0x2800, $0x38;
	[tilespmem:$0x16480] =	vst v63  }
0x2e: {  	_ =	swait.ge [sflag:s16], $0x2800  }
0x2f: {  	[sflag:s16] =	ssyncset.done $0x0  }
0x30: {  	[sflag:s16] =	ssyncadd.s32 $0xFFFFD800  }
0x31: {  	[spmem:s8] =	stream.linear.scatter [tilespmem:s15], [sflag:$0x1], $0x2800, $0x38;
	[tilespmem:$0x16480] =	vst v63  }
0x32: {  	_ =	swait.ge [sflag:s16], $0x2800  }
0x33: {  	[sflag:s16] =	ssyncset.done $0x0  }
0x34: {  	[sflag:s16] =	ssyncadd.s32 $0xFFFFD800  }
0x35: {  	[spmem:s9] =	stream.linear.scatter [tilespmem:s15], [sflag:$0x1], $0x2800, $0x38;
	[tilespmem:$0x16480] =	vst v63  }
0x36: {  	_ =	swait.ge [sflag:s16], $0x2800  }
0x37: {  	[sflag:s16] =	ssyncset.done $0x0  }
0x38: {  	[sflag:s16] =	ssyncadd.s32 $0xFFFFD800  }
0x39: {  	[spmem:s10] =	stream.linear.scatter [tilespmem:s15], [sflag:$0x1], $0x2800, $0x38;
	[tilespmem:$0x16480] =	vst v63  }
0x3a: {  	_ =	swait.ge [sflag:s16], $0x2800  }
0x3b: {  	[sflag:s16] =	ssyncset.done $0x0  }
0x3c: {  	[sflag:s16] =	ssyncadd.s32 $0xFFFFD800  }
0x3d: {  	[spmem:s11] =	stream.linear.scatter [tilespmem:s15], [sflag:$0x1], $0x2400, $0x38;
	[tilespmem:$0x16480] =	vst v63  }
0x3e: {  	_ =	swait.ge [sflag:s16], $0x2400  }
0x3f: {  	[sflag:s16] =	ssyncset.done $0x0  }
0x40: {  	s21 =	simm.s32 $0x200;
	s22 =	simm.s32 $0x0;
	[sflag:s16] =	ssyncadd.s32 $0xFFFFDC00  }
.LBB2_4:
0x41: {  	p0 =	sne.s32 s21, $0x9E00;
	[tilespmem:s22+$0x80] =	vst v1;
	s22 =	smov.u32 s21;
	s21 =	sadd.s32 $0x200, s21  }
.Ltmp1:
0x42: {  	(pc) =	sbr.rel @p0 .LBB2_4-.Ltmp1, $2  }
0x43: {  	_ =	sdelay $0x2  }
0x44: {  	s22 =	sshra.s32 s22, $0x2  }
0x45: {  	[tilespmem:s22+$0x80] =	vst v1  }
0x46: {  	s21 =	sadd.s32 $0x0, s14;
	[bflag:$0x0] =	sbarrier.arrive $0xFFFF  }
0x47: {  	[tilespmem:s3], [sflag:$0x1] =	stream.linear.gather [hbm4b:s21+s3], $0x50, $0x38;
	[tilespmem:$0x16480] =	vst v63  }
0x48: {  	_ =	swait.ge [sflag:s16], $0x50  }
0x49: {  	[sflag:s16] =	ssyncset.done $0x0  }
0x4a: {  	[sflag:s16] =	ssyncadd.s32 $0xFFFFFFB0  }
0x4b: {  	[spmem:s2] =	stream.indirect.scatter.add.f32 [tilespmem:s15], [sflag:$0x1], $0x80, s3, s17, $0xb8;
	[tilespmem:$0x16480] =	vst v63  }
0x4c: {  	_ =	swait.ge [sflag:s16], $0x2800  }
0x4d: {  	s22 =	simm.s32 $0x14;
	s21 =	simm.s32 $0xA;
	[sflag:s16] =	ssyncset.done $0x0  }
.LBB2_6:
0x4e: {  	s23 =	sadd.s32 s21, s14  }
0x4f: {  	[sflag:s16] =	ssyncadd.s32 $0xFFFFD800;
	s21 =	smov.u32 s22;
	s24 =	sadd.s32 $0xA, s22  }
0x50: {  	[tilespmem:s3], [sflag:$0x1] =	stream.linear.gather [hbm4b:s23+s3], $0x50, $0x38;
	[tilespmem:$0x16480] =	vst v63  }
0x51: {  	p0 =	sne.s32 s22, $0x4D8;
	_ =	swait.ge [sflag:s16], $0x50  }
.Ltmp2:
0x52: {  	[sflag:s16] =	ssyncset.done $0x0;
	(pc) =	sbr.rel @p0 .LBB2_6-.Ltmp2, $4  }
0x53: {  	[sflag:s16] =	ssyncadd.s32 $0xFFFFFFB0  }
0x54: {  	[spmem:s2] =	stream.indirect.scatter.add.f32 [tilespmem:s15], [sflag:$0x1], $0x80, s3, s17, $0xb8;
	[tilespmem:$0x16480] =	vst v63  }
0x55: {  	_ =	swait.ge [sflag:s16], $0x2800  }
0x56: {  	s22 =	smov.u32 s24;
	[sflag:s16] =	ssyncset.done $0x0  }
0x57: {  	s21 =	sadd.s32 s21, s14;
	[sflag:s16] =	ssyncadd.s32 $0xFFFFD800  }
0x58: {  	[tilespmem:s3], [sflag:$0x1] =	stream.linear.gather [hbm4b:s21+s3], $0x50, $0x38;
	[tilespmem:$0x16480] =	vst v63  }
0x59: {  	_ =	swait.ge [sflag:s16], $0x50  }
0x5a: {  	[sflag:s16] =	ssyncset.done $0x0  }
0x5b: {  	[sflag:s16] =	ssyncadd.s32 $0xFFFFFFB0  }
0x5c: {  	[spmem:s2] =	stream.indirect.scatter.add.f32 [tilespmem:s15], [sflag:$0x1], $0x80, s3, s17, $0xb8;
	[tilespmem:$0x16480] =	vst v63  }
0x5d: {  	_ =	swait.ge [sflag:s16], $0x2800  }
0x5e: {  	s20 =	sadd.s32 $0x1, s20;
	[sflag:s16] =	ssyncset.done $0x0  }
0x5f: {  	p0 =	sne.s32 s20, s13;
	[sflag:s16] =	ssyncadd.s32 $0xFFFFD800  }
.Ltmp3:
0x60: {  	[bflag:$0x0] =	sbarrier.arrive $0xFFFF;
	(pc) =	sbr.rel @p0 .LBB2_1-.Ltmp3, $4  }
0x61: {  	[hbm:s12], [sflag:s18] =	dma.local [spmem:s19], $0x2780  }
0x62: {  	_ =	swait.ge [sflag:s16], $0x2780  }
0x63: {  	[sflag:s16] =	ssyncset.done $0x0  }
0x64: {  	[sflag:s16] =	ssyncadd.s32 $0xFFFFD880  }
0x65: {  	_ =	sfence.sel $0x180000  }
0x66: {  	[bflag:$0x0] =	sbarrier.arrive $0xFFFF  }
0x67: {  	p0 =	sne.s32 s0, $0x0;
	_ =	strace $0x9000004A  }
0x68: {  	s0 =	sadd.s32 @!p0 $0x100000, s1;
	[bflag:$0x2] =	sbarrier.arrive $0xFFFF  }
0x69: {  	[sflag:s0] =	ssyncadd.tile.s32 @!p0 $0x1;
	_ =	shalt  }
.Lfunc_end2:
_tile_overlayer_lowered:
.L_overlay_start_2:
0x6a: {  	(tag) =	ssettag $0x2  }
0x6b: {  	s0 =	rddreg [dreg:$0x0];
	s2 =	stileid.u32  }
0x6c: {  	s1 =	rddreg [dreg:$0x1];
	p0 =	sne.s32 s2, $0x0  }
0x6d: {  	s3 =	rddreg [dreg:$0x2];
	[bflag:$0x3] =	sbarrier.arrive $0xFFFF;
	s2 =	simm.s32 @!p0 $0x1C01  }
0x6e: {  	[timem:s3], [sflag:s2] =	dma.local @!p0 [hbm:s0], s1  }
0x6f: {  	s0 =	simm.s32 @!p0 $0x1  }
0x70: {  	_ =	swait.ge @!p0 [sflag:s0], s1  }
0x71: {  	s1 =	ssub.s32 @!p0 $0x0, s1;
	[sflag:s0] =	ssyncset.done @!p0 $0x0  }
0x72: {  	[sflag:s0] =	ssyncadd.s32 @!p0 s1  }
0x73: {  	[bflag:$0x3] =	sbarrier.arrive $0xFFFF  }
0x74: {  	_ =	shalt  }

// kernel: kernel.9.cloned.1.call-start
scs
__scs_entry_jumppad:
0x0: {  	(pc) =	sbr.rel $0x88, $3  }
0x1: {  	(tag) =	ssettag $0x0;
	lr =	simm.s32 $0x1  }
0x2: {  	[smem:$0x3F96] =	sst lr;
	_ =	strace $0xD0000000  }
0x3: {  	_ = 	snop  }
0x4: {  	_ = 	snop  }
0x5: {  	_ = 	snop  }
0x6: {  	_ = 	snop  }
0x7: {  	_ = 	snop  }
__scs_overlays_trampoline_lowered:
0x8: {  	[smem:$0x3FA5] =	sst s0  }
0x9: {  	[smem:$0x3FA6] =	sst s1  }
0xa: {  	[smem:$0x3FA7] =	sst s2  }
0xb: {  	[smem:$0x3FA8] =	sst s3  }
0xc: {  	[smem:$0x3FA9] =	sst s4  }
0xd: {  	[smem:$0x3FAA] =	sst s5  }
0xe: {  	[smem:$0x3FAB] =	sst s6  }
0xf: {  	[smem:$0x3FAC] =	sst s7  }
0x10: {  	[smem:$0x3FAD] =	sst s8  }
0x11: {  	[smem:$0x3FAE] =	sst s9;
	s0 =	simm.s32 @!p0 $0x0  }
0x12: {  	s1 =	sld [smem:$0x3F94];
	s0 =	simm.s32 @p0 $0x1  }
0x13: {  	[smem:$0x3FAF] =	sst s0;
	s0 =	simm.s32 @!p1 $0x0  }
0x14: {  	s2 =	sld [smem:$0x3F93];
	s0 =	simm.s32 @p1 $0x1  }
0x15: {  	[smem:$0x3FB0] =	sst s0;
	s0 =	simm.s32 @!p2 $0x0  }
0x16: {  	s3 =	sld [smem:$0x3FDB];
	s0 =	simm.s32 @p2 $0x1  }
0x17: {  	s4 =	simm.s32 $0x1BF5;
	[smem:$0x3FB2] =	sst s0  }
0x18: {  	s0 =	sld [smem:$0x3F95];
	_ =	swait.ge [sflag:s4], $0x0  }
0x19: {  	s7 =	sld [smem:$0x3F96]  }
0x1a: {  	s8 =	sadd.s32 $0xFFFFE003, lr  }
0x1b: {  	s9 =	sadd.s32 $0xFFFFFEF7, lr;
	s5 =	simm.s32 $0xFFFFFFFF;
	p2 =	slt.u32 s8, $0xFFFFF086  }
0x1c: {  	p1 =	slt.u32 s9, $0xF7A;
	s5 =	simm.s32 @!p2 $0x0  }
0x1d: {  	s5 =	simm.s32 @p1 $0x1;
	p0 =	seq.s32 s7, s2  }
0x1e: {  	s7 =	smul.u32 @!p0 $0xF7A, s2;
	p2 =	seq.s32 @!p0 s5, $0x0  }
0x1f: {  	s9 =	smul.u32 $0xF7A, s1;
	s8 =	simm.s32 @!p0 $0x1BF5;
	p2 =	por !p2, p0  }
0x20: {  	[sflag:s8] =	ssyncset.s32 @!p0 $0xFFFFF086;
	s6 =	sadd.s32 @!p0 s3, s7;
	s7 =	simm.s32 @!p0 $0x108  }
0x21: {  	s3 =	sadd.s32 s3, s9;
	s6 =	sadd.s32 @!p0 $0x88, s6;
	s7 =	simm.s32 @p2 $0x1082  }
0x22: {  	[simem:s7], [sflag:s8] =	dma.local @!p0 [hbm:s6], $0xF7A  }
0x23: {  	s9 =	sor.u32 $0xD0000000, s2;
	s6 =	simm.s32 $0x108;
	_ =	swait.ge @!p0 [sflag:s8], $0x0  }
0x24: {  	s3 =	sadd.s32 $0x88, s3;
	s6 =	simm.s32 @!p1 $0x1082;
	[sflag:s4] =	ssyncset.s32 $0xFFFFF086  }
0x25: {  	[simem:s6], [sflag:s4] =	dma.local [hbm:s3], $0xF7A  }
0x26: {  	[smem:$0x3F96] =	sst s1;
	(tag) =	ssettag s2;
	_ =	strace s9  }
0x27: {  	s1 =	sld [smem:$0x3FA6]  }
0x28: {  	s2 =	sld [smem:$0x3FA7]  }
0x29: {  	s4 =	sld [smem:$0x3FA9]  }
0x2a: {  	p0 =	seq.s32 s5, $0x0;
	s5 =	sld [smem:$0x3FAA]  }
0x2b: {  	s6 =	sld [smem:$0x3FAB]  }
0x2c: {  	s7 =	sld [smem:$0x3FAC]  }
0x2d: {  	s3 =	simm.s32 $0x108;
	s8 =	sld [smem:$0x3FAD]  }
0x2e: {  	s3 =	simm.s32 @!p0 $0x1082;
	s9 =	sld [smem:$0x3FAE]  }
0x2f: {  	lr =	sadd.s32 s0, s3;
	s0 =	sld [smem:$0x3FA5]  }
0x30: {  	s3 =	sld [smem:$0x3FA8]  }
0x31: {  	[smem:$0x3FB1] =	sst s10  }
0x32: {  	s10 =	sld [smem:$0x3FAF];
	_ =	sdelay $0x3  }
0x33: {  	p0 =	seq.s32 s10, $0x1;
	s10 =	sld [smem:$0x3FB1];
	_ =	sdelay $0x3  }
0x34: {  	[smem:$0x3FB1] =	sst s10  }
0x35: {  	s10 =	sld [smem:$0x3FB0];
	_ =	sdelay $0x3  }
0x36: {  	p1 =	seq.s32 s10, $0x1;
	s10 =	sld [smem:$0x3FB1];
	_ =	sdelay $0x3  }
0x37: {  	[smem:$0x3FB1] =	sst s10  }
0x38: {  	s10 =	sld [smem:$0x3FB2]  }
0x39: {  	_ = 	snop;
	(pc) =	sbr.ind lr, $3  }
0x3a: {  	_ = 	snop  }
0x3b: {  	_ = 	snop  }
0x3c: {  	p2 =	seq.s32 s10, $0x1;
	s10 =	sld [smem:$0x3FB1]  }
0x3d: {  	_ =	shalt  }
0x3e: {  	_ =	shalt  }
0x3f: {  	_ =	shalt  }
0x40: {  	_ =	shalt  }
0x41: {  	_ =	shalt  }
0x42: {  	_ =	shalt  }
0x43: {  	_ =	shalt  }
0x44: {  	_ =	shalt  }
0x45: {  	_ =	shalt  }
0x46: {  	_ =	shalt  }
0x47: {  	_ =	shalt  }
0x48: {  	_ =	shalt  }
0x49: {  	_ =	shalt  }
0x4a: {  	_ =	shalt  }
0x4b: {  	_ =	shalt  }
0x4c: {  	_ =	shalt  }
0x4d: {  	_ =	shalt  }
0x4e: {  	_ =	shalt  }
0x4f: {  	_ =	shalt  }
0x50: {  	_ =	shalt  }
0x51: {  	_ =	shalt  }
0x52: {  	_ =	shalt  }
0x53: {  	_ =	shalt  }
0x54: {  	_ =	shalt  }
0x55: {  	_ =	shalt  }
0x56: {  	_ =	shalt  }
0x57: {  	_ =	shalt  }
0x58: {  	_ =	shalt  }
0x59: {  	_ =	shalt  }
0x5a: {  	_ =	shalt  }
0x5b: {  	_ =	shalt  }
0x5c: {  	_ =	shalt  }
0x5d: {  	_ =	shalt  }
0x5e: {  	_ =	shalt  }
0x5f: {  	_ =	shalt  }
0x60: {  	_ =	shalt  }
0x61: {  	_ =	shalt  }
0x62: {  	_ =	shalt  }
0x63: {  	_ =	shalt  }
0x64: {  	_ =	shalt  }
0x65: {  	_ =	shalt  }
0x66: {  	_ =	shalt  }
0x67: {  	_ =	shalt  }
0x68: {  	_ =	shalt  }
0x69: {  	_ =	shalt  }
0x6a: {  	_ =	shalt  }
0x6b: {  	_ =	shalt  }
0x6c: {  	_ =	shalt  }
0x6d: {  	_ =	shalt  }
0x6e: {  	_ =	shalt  }
0x6f: {  	_ =	shalt  }
0x70: {  	_ =	shalt  }
0x71: {  	_ =	shalt  }
0x72: {  	_ =	shalt  }
0x73: {  	_ =	shalt  }
0x74: {  	_ =	shalt  }
0x75: {  	_ =	shalt  }
0x76: {  	_ =	shalt  }
0x77: {  	_ =	shalt  }
0x78: {  	_ =	shalt  }
0x79: {  	_ =	shalt  }
0x7a: {  	_ =	shalt  }
0x7b: {  	_ =	shalt  }
0x7c: {  	_ =	shalt  }
0x7d: {  	_ =	shalt  }
0x7e: {  	_ =	shalt  }
0x7f: {  	_ =	shalt  }
0x80: {  	_ =	shalt  }
0x81: {  	_ =	shalt  }
0x82: {  	_ =	shalt  }
0x83: {  	_ =	shalt  }
0x84: {  	_ =	shalt  }
0x85: {  	_ =	shalt  }
0x86: {  	_ =	shalt  }
0x87: {  	_ =	shalt  }
.Lfunc_end0:
.L_simem_size_0:
called_computation.1_lowered:
.L_overlay_start_0:
0x88: {  	s2 =	sld [smem:$0x3FD9]  }
0x89: {  	s3 =	sld [smem:$0x3FFE];
	_ =	sdelay $0x1  }
0x8a: {  	s1 =	srdreg.scid  }
0x8b: {  	s0 =	sand.u32 $0x1, s1  }
0x8c: {  	s17 =	sshll.u32 s0, $0xA;
	s2 =	sadd.s32 s3, s2  }
0x8d: {  	s2 =	sadd.s32 s2, s17  }
0x8e: {  	[smem:$0x3FBD] =	sst s2  }
0x8f: {  	_ = 	snop  }
0x90: {  	s2 =	sld [smem:$0x3FD0];
	(tm) =	ssettm $0x1  }
0x91: {  	s18 =	sld [smem:$0x3FFB];
	_ =	sdelay $0x3  }
0x92: {  	_ =	strace s18  }
0x93: {  	s3 =	sld [smem:$0x3FFC];
	_ =	sdelay $0x3  }
0x94: {  	_ =	strace s3  }
0x95: {  	s3 =	sld [smem:$0x3FFD];
	_ =	sdelay $0x3  }
0x96: {  	_ =	strace s3  }
0x97: {  	_ =	strace $0x8FFFFFFF  }
0x98: {  	s19 =	sld [smem:$0x3FDB];
	_ =	sdelay $0x1  }
0x99: {  	s4 =	simm.s32 $_scs_section_size  }
0x9a: {  	s5 =	simm.s32 $_size__tile_overlayer_lowered;
	s6 =	simm.s32 $_tile_overlayer_lowered  }
0x9b: {  	s22 =	simm.s32 $0x1BFF;
	s21 =	sshll.u32 s6, $0x1;
	s3 =	sadd.s32 s4, s19  }
0x9c: {  	s7 =	simm.s32 $0x0;
	s20 =	sshll.u32 s5, $0x1;
	s5 =	sadd.s32 s21, s3  }
0x9d: {  	[timem:s7], [sflag:s22] =	dma.local [hbm:s5], s20  }
0x9e: {  	_ =	swait.ge [sflag:s22], s20  }
0x9f: {  	s4 =	ssub.s32 $0x0, s20;
	[sflag:s22] =	ssyncset.done $0x0  }
0xa0: {  	[sflag:s22] =	ssyncadd.s32 s4;
	_ =	sdelay $0x1  }
0xa1: {  	s23 =	simm.s32 $0x1B8B  }
0xa2: {  	_ =	swait.ge [sflag:s23], $0x1  }
0xa3: {  	[sflag:s23] =	ssyncset.done $0x0  }
0xa4: {  	s25 =	simm.s32 $0x1B8E;
	s24 =	sld [smem:$0x3FFE];
	[sflag:s23] =	ssyncadd.s32 $0xFFFFFFFF  }
0xa5: {  	s26 =	simm.s32 $execute0_lowered;
	[smem:$0x3FD2] =	sst s25  }
0xa6: {  	s5 =	sshll.u32 s26, $0x1;
	_ =	strace $0x80000046;
	[dreg:$0x1] =	wrdreg $0xFFFFFFFF  }
0xa7: {  	s28 =	simm.s32 $_size_execute0_lowered;
	s3 =	sadd.s32 s3, s5;
	[dreg:$0x0] =	wrdreg $0x0  }
0xa8: {  	s5 =	sshll.u32 s28, $0x1;
	[dreg:$0x2] =	wrdreg s3  }
0xa9: {  	[dreg:$0x3] =	wrdreg s5  }
0xaa: {  	[dreg:$0x4] =	wrdreg $0xC0  }
0xab: {  	_ =	task [dreg:s7], $0x5FFFF  }
0xac: {  	[dreg:$0x1] =	wrdreg $0xFFFFFFFF  }
0xad: {  	[dreg:$0x0] =	wrdreg $0x60  }
0xae: {  	[dreg:$0x2] =	wrdreg s2  }
0xaf: {  	[dreg:$0x3] =	wrdreg s24  }
0xb0: {  	[dreg:$0x4] =	wrdreg $0x6A800  }
0xb1: {  	[dreg:$0x5] =	wrdreg $0xA  }
0xb2: {  	_ =	task.clear_ibuf [dreg:s7], $0x6FFFF;
	_ =	strace $0x90000046  }
0xb3: {  	s29 =	simm.s32 $0xA;
	_ =	strace $0x80000048  }
0xb4: {  	_ =	swait.ge [sflag:s29], $0x1  }
0xb5: {  	[sflag:s29] =	ssyncadd.s32 $0xFFFFFFFF  }
0xb6: {  	_ =	strace $0x90000048  }
0xb7: {  	_ =	sfence  }
0xb8: {  	s30 =	sld [smem:$0x0];
	_ =	sdelay $0x2  }
0xb9: {  	s31 =	sshll.u32 s1, $0xD;
	s1 =	sshrl.u32 s1, $0x2  }
0xba: {  	s3 =	sand.u32 $0x4000, s31;
	s1 =	sadd.s32 s1, s30  }
0xbb: {  	s0 =	sor.u32 s3, s0;
	s1 =	sshll.u32 s1, $0x11  }
0xbc: {  	s0 =	sor.u32 s1, s0  }
0xbd: {  	s0 =	sadd.s32 $0x8F2B, s0  }
0xbe: {  	[sflag:s0] =	ssyncadd.remote.s32 $0x1  }
0xbf: {  	_ =	sfence.sel $0xFFFF  }
0xc0: {  	[dreg:$0x0] =	wrdreg $0xFFFFFFFF;
	(pc) =	sbr.abs _section_cstart, $3  }
0xc1: {  	[dreg:$0x1] =	wrdreg $0xFFFFFFFF  }
0xc2: {  	_ =	task.clear_ibuf [dreg:s7], $0x2FFFF;
	_ =	strace $0x9FFFFFFF  }
0xc3: {  	(tm) =	ssettm $0x7FFFFFFF  }
tec
execute0_lowered:
.L_overlay_start_1:
0x0: {  	(tag) =	ssettag $0x1  }
0x1: {  	s1 =	rddreg [dreg:$0x0]  }
0x2: {  	s0 =	rddreg [dreg:$0x1]  }
0x3: {  	s2 =	rddreg [dreg:$0x2]  }
0x4: {  	s3 =	srdreg.scid;
	s4 =	simm.s32 $0x0;
	s12 =	stileid.u32  }
0x5: {  	s28 =	simm.s32 $0x5300;
	s29 =	simm.s32 $0x3;
	s30 =	simm.s32 $0x5680  }
0x6: {  	s31 =	simm.s32 $0x1;
	s3 =	sand.u32 $0x1, s3;
	[smem:$0x7FF] =	sst s4  }
0x7: {  	s8 =	smul.u32 $0x13C00, s12;
	s5 =	sadd.s32 $0x16000, s0;
	s6 =	sadd.s32 $0x4F8000, s0  }
0x8: {  	s15 =	sadd.s32 $0x3D200, s0;
	s10 =	smul.u32 $0x4F000, s12;
	s9 =	sadd.s32 $0xC200, s0  }
0x9: {  	s7 =	smul.u32 $0x13C000, s3;
	_ =	strace $0x80000047;
	[dreg:$0x4] =	wrdreg s15  }
0xa: {  	s16 =	ssub.s32 $0x2, s3;
	s3 =	sshll.u32 s3, $0x4;
	s10 =	sshrl.u32 s10, $0x2  }
0xb: {  	s11 =	sshrl.u32 s16, $0x1;
	s3 =	sor.u32 s12, s3;
	s25 =	sadd.s32 s10, s2  }
0xc: {  	s7 =	sadd.s32 s8, s7;
	s10 =	sadd.s32 $0x1400, s25;
	[dreg:$0x5] =	wrdreg s25  }
0xd: {  	s8 =	sadd.s32 $0x2400, s0;
	s18 =	sadd.s32 $0x2800, s25;
	[dreg:$0x6] =	wrdreg s10  }
0xe: {  	s17 =	smul.u32 $0x2710, s3;
	s19 =	sadd.s32 $0x3C00, s25;
	[dreg:$0x7] =	wrdreg s18  }
0xf: {  	s3 =	smul.u32 $0x1388, s3;
	s20 =	sadd.s32 $0x5000, s25;
	[dreg:$0x8] =	wrdreg s19  }
0x10: {  	s7 =	sshrl.u32 s7, $0x3;
	s22 =	sadd.s32 $0x6400, s25;
	[dreg:$0x9] =	wrdreg s20  }
0x11: {  	s13 =	sadd.s32 $0x7800, s25;
	s14 =	sadd.s32 $0x8C00, s25;
	[dreg:$0xa] =	wrdreg s22  }
0x12: {  	s0 =	sadd.s32 s7, s0;
	s7 =	ssub.s32 s16, s11;
	[dreg:$0x12] =	wrdreg s13  }
0x13: {  	s21 =	sshrl.u32 s17, $0x3;
	s3 =	sadd.s32 s6, s3;
	[dreg:$0x13] =	wrdreg s14  }
0x14: {  	s15 =	sadd.s32 $0x28, s17;
	s16 =	sadd.s32 $0xA000, s25;
	[dreg:$0xd] =	wrdreg s3  }
0x15: {  	s22 =	sadd.s32 $0x50, s17;
	s18 =	sadd.s32 $0xC800, s25;
	[dreg:$0x14] =	wrdreg s16  }
0x16: {  	s19 =	sadd.s32 $0xDC00, s25;
	s20 =	sadd.s32 $0xF000, s25;
	[dreg:$0x16] =	wrdreg s18  }
0x17: {  	s13 =	simm.s32 $0x5;
	s14 =	simm.s32 $0x200;
	[dreg:$0x17] =	wrdreg s19  }
0x18: {  	s23 =	sadd.s32 s8, s21;
	s24 =	sshrl.u32 s15, $0x3;
	[dreg:$0x18] =	wrdreg s20  }
0x19: {  	s11 =	sadd.s32 s9, s21;
	s0 =	sadd.s32 $0x3D400, s0;
	[dreg:$0xb] =	wrdreg s23  }
0x1a: {  	s12 =	smax.u32 s7, $0x1;
	s21 =	sadd.s32 $0x10400, s25;
	[dreg:$0xc] =	wrdreg s11  }
0x1b: {  	s16 =	simm.s32 $0x100;
	s18 =	simm.s32 $0x2A00;
	[dreg:$0x10] =	wrdreg s0  }
0x1c: {  	s19 =	simm.s32 $0x5200;
	s20 =	simm.s32 $0x80;
	[dreg:$0x11] =	wrdreg s12  }
0x1d: {  	s7 =	simm.s32 $0x0;
	s26 =	sadd.s32 s8, s24;
	[dreg:$0x19] =	wrdreg s21  }
0x1e: {  	s11 =	sadd.s32 s9, s24;
	s23 =	sadd.s32 $0x78, s17;
	[dreg:$0xe] =	wrdreg s26  }
0x1f: {  	s17 =	sadd.s32 $0xB400, s25;
	s24 =	sadd.s32 $0x11800, s25;
	[dreg:$0xf] =	wrdreg s11  }
0x20: {  	s21 =	simm.s32 $0x180;
	s0 =	simm.s32 $0x4;
	[dreg:$0x15] =	wrdreg s17  }
0x21: {  	[dreg:$0x1a] =	wrdreg s24;
	s26 =	sadd.s32 $0x12C00, s25;
	s17 =	simm.s32 $0x28  }
0x22: {  	v0 =	vimm.f32 $0.0e+00;
	v10 =	vimm.s32 $0x0;
	v12 =	vimm.s32 $0x1;
	s24 =	simm.s32 $0x2;
	[dreg:$0x1b] =	wrdreg s26;
	s26 =	simm.s32 $0x3E00  }
.LBB2_1:
0x23: {  	[dreg:$0x1c] =	wrdreg s7;
	s3 =	simm.s32 $0x0;
	s7 =	simm.s32 $0x200  }
.LBB2_2:
0x24: {  	p0 =	sne.s32 s7, $0x4E00;
	[tilespmem:s3+$0x270] =	vst v0  }
0x25: {  	[tilespmem:s3+$0x200] =	vst v0  }
0x26: {  	[tilespmem:s3+$0x210] =	vst v0  }
.Ltmp0:
0x27: {  	[tilespmem:s3+$0x220] =	vst v0;
	(pc) =	sbr.rel @p0 .LBB2_2-.Ltmp0, $4  }
0x28: {  	[tilespmem:s3+$0x230] =	vst v0  }
0x29: {  	[tilespmem:s3+$0x240] =	vst v0  }
0x2a: {  	[tilespmem:s3+$0x250] =	vst v0  }
0x2b: {  	[tilespmem:s3+$0x260] =	vst v0;
	s3 =	sshra.s32 s7, $0x2;
	s7 =	sadd.s32 $0x200, s7  }
0x2c: {  	[tilespmem:s3+$0x270] =	vst v0  }
0x2d: {  	[tilespmem:s3+$0x200] =	vst v0  }
0x2e: {  	[tilespmem:s3+$0x210] =	vst v0  }
0x2f: {  	[tilespmem:s3+$0x220] =	vst v0  }
0x30: {  	[tilespmem:s3+$0x230] =	vst v0  }
0x31: {  	[tilespmem:s3+$0x240] =	vst v0  }
0x32: {  	[tilespmem:s3+$0x250] =	vst v0  }
0x33: {  	[tilespmem:s3+$0x260] =	vst v0;
	s7 =	simm.s32 $0x0;
	s12 =	rddreg [dreg:$0x4];
	s10 =	simm.s32 $0x5400  }
0x34: {  	[tilespmem:s10], [sflag:$0x5] =	stream.linear.gather [hbm4b:s12+s7], $0x280, $0x38;
	[tilespmem:$0x1A680] =	vst v63  }
0x35: {  	_ =	swait.ge [sflag:s13], $0x280  }
0x36: {  	[sflag:s13] =	ssyncset.done $0x0  }
0x37: {  	[sflag:s13] =	ssyncadd.s32 $0xFFFFFD80  }
0x38: {  	[spmem:s25] =	stream.linear.scatter [tilespmem:s14], [sflag:$0x5], $0x1400, $0x38;
	[tilespmem:$0x1A680] =	vst v63  }
0x39: {  	_ =	swait.ge [sflag:s13], $0x1400  }
0x3a: {  	[sflag:s13] =	ssyncset.done $0x0  }
0x3b: {  	s10 =	rddreg [dreg:$0x6];
	[sflag:s13] =	ssyncadd.s32 $0xFFFFEC00  }
0x3c: {  	[spmem:s10] =	stream.linear.scatter [tilespmem:s14], [sflag:$0x5], $0x1400, $0x38;
	[tilespmem:$0x1A680] =	vst v63  }
0x3d: {  	_ =	swait.ge [sflag:s13], $0x1400  }
0x3e: {  	[sflag:s13] =	ssyncset.done $0x0  }
0x3f: {  	s11 =	rddreg [dreg:$0x7];
	[sflag:s13] =	ssyncadd.s32 $0xFFFFEC00  }
0x40: {  	[spmem:s11] =	stream.linear.scatter [tilespmem:s14], [sflag:$0x5], $0x1400, $0x38;
	[tilespmem:$0x1A680] =	vst v63  }
0x41: {  	_ =	swait.ge [sflag:s13], $0x1400  }
0x42: {  	[sflag:s13] =	ssyncset.done $0x0  }
0x43: {  	s12 =	rddreg [dreg:$0x8];
	[sflag:s13] =	ssyncadd.s32 $0xFFFFEC00  }
0x44: {  	[spmem:s12] =	stream.linear.scatter [tilespmem:s14], [sflag:$0x5], $0x1400, $0x38;
	[tilespmem:$0x1A680] =	vst v63  }
0x45: {  	_ =	swait.ge [sflag:s13], $0x1400  }
0x46: {  	[sflag:s13] =	ssyncset.done $0x0  }
0x47: {  	s25 =	rddreg [dreg:$0x9];
	[sflag:s13] =	ssyncadd.s32 $0xFFFFEC00  }
0x48: {  	[spmem:s25] =	stream.linear.scatter [tilespmem:s14], [sflag:$0x5], $0x1400, $0x38;
	[tilespmem:$0x1A680] =	vst v63  }
0x49: {  	_ =	swait.ge [sflag:s13], $0x1400  }
0x4a: {  	[sflag:s13] =	ssyncset.done $0x0  }
0x4b: {  	s10 =	rddreg [dreg:$0xa];
	[sflag:s13] =	ssyncadd.s32 $0xFFFFEC00  }
0x4c: {  	[spmem:s10] =	stream.linear.scatter [tilespmem:s14], [sflag:$0x5], $0x1400, $0x38;
	[tilespmem:$0x1A680] =	vst v63  }
0x4d: {  	_ =	swait.ge [sflag:s13], $0x1400  }
0x4e: {  	[sflag:s13] =	ssyncset.done $0x0  }
0x4f: {  	s11 =	rddreg [dreg:$0x12];
	[sflag:s13] =	ssyncadd.s32 $0xFFFFEC00  }
0x50: {  	[spmem:s11] =	stream.linear.scatter [tilespmem:s14], [sflag:$0x5], $0x1400, $0x38;
	[tilespmem:$0x1A680] =	vst v63  }
0x51: {  	_ =	swait.ge [sflag:s13], $0x1400  }
0x52: {  	[sflag:s13] =	ssyncset.done $0x0  }
0x53: {  	s12 =	rddreg [dreg:$0x13];
	[sflag:s13] =	ssyncadd.s32 $0xFFFFEC00  }
0x54: {  	[spmem:s12] =	stream.linear.scatter [tilespmem:s14], [sflag:$0x5], $0x1400, $0x38;
	[tilespmem:$0x1A680] =	vst v63  }
0x55: {  	_ =	swait.ge [sflag:s13], $0x1400  }
0x56: {  	[sflag:s13] =	ssyncset.done $0x0  }
0x57: {  	s25 =	rddreg [dreg:$0x14];
	[sflag:s13] =	ssyncadd.s32 $0xFFFFEC00  }
0x58: {  	[spmem:s25] =	stream.linear.scatter [tilespmem:s14], [sflag:$0x5], $0x1400, $0x38;
	[tilespmem:$0x1A680] =	vst v63  }
0x59: {  	_ =	swait.ge [sflag:s13], $0x1400  }
0x5a: {  	[sflag:s13] =	ssyncset.done $0x0  }
0x5b: {  	s10 =	rddreg [dreg:$0x15];
	[sflag:s13] =	ssyncadd.s32 $0xFFFFEC00  }
0x5c: {  	[spmem:s10] =	stream.linear.scatter [tilespmem:s14], [sflag:$0x5], $0x1400, $0x38;
	[tilespmem:$0x1A680] =	vst v63  }
0x5d: {  	_ =	swait.ge [sflag:s13], $0x1400  }
0x5e: {  	[sflag:s13] =	ssyncset.done $0x0  }
0x5f: {  	s11 =	rddreg [dreg:$0x16];
	[sflag:s13] =	ssyncadd.s32 $0xFFFFEC00  }
0x60: {  	[spmem:s11] =	stream.linear.scatter [tilespmem:s14], [sflag:$0x5], $0x1400, $0x38;
	[tilespmem:$0x1A680] =	vst v63  }
0x61: {  	_ =	swait.ge [sflag:s13], $0x1400  }
0x62: {  	[sflag:s13] =	ssyncset.done $0x0  }
0x63: {  	s12 =	rddreg [dreg:$0x17];
	[sflag:s13] =	ssyncadd.s32 $0xFFFFEC00  }
0x64: {  	[spmem:s12] =	stream.linear.scatter [tilespmem:s14], [sflag:$0x5], $0x1400, $0x38;
	[tilespmem:$0x1A680] =	vst v63  }
0x65: {  	_ =	swait.ge [sflag:s13], $0x1400  }
0x66: {  	[sflag:s13] =	ssyncset.done $0x0  }
0x67: {  	s25 =	rddreg [dreg:$0x18];
	[sflag:s13] =	ssyncadd.s32 $0xFFFFEC00  }
0x68: {  	[spmem:s25] =	stream.linear.scatter [tilespmem:s14], [sflag:$0x5], $0x1400, $0x38;
	[tilespmem:$0x1A680] =	vst v63  }
0x69: {  	_ =	swait.ge [sflag:s13], $0x1400  }
0x6a: {  	[sflag:s13] =	ssyncset.done $0x0  }
0x6b: {  	s10 =	rddreg [dreg:$0x19];
	[sflag:s13] =	ssyncadd.s32 $0xFFFFEC00  }
0x6c: {  	[spmem:s10] =	stream.linear.scatter [tilespmem:s14], [sflag:$0x5], $0x1400, $0x38;
	[tilespmem:$0x1A680] =	vst v63  }
0x6d: {  	_ =	swait.ge [sflag:s13], $0x1400  }
0x6e: {  	[sflag:s13] =	ssyncset.done $0x0  }
0x6f: {  	s11 =	rddreg [dreg:$0x1a];
	[sflag:s13] =	ssyncadd.s32 $0xFFFFEC00  }
0x70: {  	[spmem:s11] =	stream.linear.scatter [tilespmem:s14], [sflag:$0x5], $0x1400, $0x38;
	[tilespmem:$0x1A680] =	vst v63  }
0x71: {  	_ =	swait.ge [sflag:s13], $0x1400  }
0x72: {  	[sflag:s13] =	ssyncset.done $0x0  }
0x73: {  	s12 =	rddreg [dreg:$0x1b];
	[sflag:s13] =	ssyncadd.s32 $0xFFFFEC00  }
0x74: {  	[spmem:s12] =	stream.linear.scatter [tilespmem:s14], [sflag:$0x5], $0x1000, $0x38;
	[tilespmem:$0x1A680] =	vst v63  }
0x75: {  	_ =	swait.ge [sflag:s13], $0x1000  }
0x76: {  	[sflag:s13] =	ssyncset.done $0x0  }
0x77: {  	[sflag:s13] =	ssyncadd.s32 $0xFFFFF000  }
0x78: {  	[bflag:$0x0] =	sbarrier.arrive $0xFFFF  }
0x79: {  	s25 =	rddreg [dreg:$0xb]  }
0x7a: {  	[tilespmem:s7], [sflag:$0x5] =	stream.linear.gather [hbm4b:s25+s7], $0x28, $0x38;
	[tilespmem:$0x1A680] =	vst v63  }
0x7b: {  	_ =	swait.ge [sflag:s13], $0x28  }
0x7c: {  	[sflag:s13] =	ssyncset.done $0x0  }
0x7d: {  	s10 =	rddreg [dreg:$0xc];
	[sflag:s13] =	ssyncadd.s32 $0xFFFFFFD8  }
0x7e: {  	[tilespmem:s16], [sflag:$0x5] =	stream.linear.gather [hbm4b:s10+s7], $0x28, $0x38;
	[tilespmem:$0x1A680] =	vst v63  }
0x7f: {  	_ =	swait.ge [sflag:s13], $0x28  }
0x80: {  	[sflag:s13] =	ssyncset.done $0x0  }
0x81: {  	[sflag:s13] =	ssyncadd.s32 $0xFFFFFFD8  }
0x82: {  	[tilespmem:s14], [sflag:$0x3] =	stream.indirect.gather [hbm4b:s1+s17], $0x80, s7, s17, $0xb8;
	[tilespmem:$0x1A680] =	vst v63  }
0x83: {  	_ = 	snop  }
0x84: {  	[tilespmem:s18], [sflag:$0x3] =	stream.indirect.gather [hbm4b:s5+s17], $0x80, s16, s17, $0xb8;
	[tilespmem:$0x1A680] =	vst v63  }
0x85: {  	s11 =	rddreg [dreg:$0xd]  }
0x86: {  	[tilespmem:s19], [sflag:$0x3] =	stream.linear.gather [hbm4b:s11+s7], $0xA0, $0x38;
	[tilespmem:$0x1A680] =	vst v63  }
0x87: {  	s12 =	rddreg [dreg:$0xe]  }
0x88: {  	[tilespmem:s20], [sflag:$0x2] =	stream.linear.gather [hbm4b:s12+s7], $0x28, $0x38;
	[tilespmem:$0x1A680] =	vst v63  }
0x89: {  	s25 =	rddreg [dreg:$0xf]  }
0x8a: {  	[tilespmem:s21], [sflag:$0x2] =	stream.linear.gather [hbm4b:s25+s7], $0x28, $0x38;
	[tilespmem:$0x1A680] =	vst v63  }
.LBB2_4:
0x8b: {  	_ =	swait.ge [sflag:s24], $0x28  }
0x8c: {  	[sflag:s24] =	ssyncset.done $0x0  }
0x8d: {  	[sflag:s24] =	ssyncadd.s32 $0xFFFFFFD8  }
0x8e: {  	_ =	swait.ge [sflag:s24], $0x28  }
0x8f: {  	[sflag:s24] =	ssyncset.done $0x0  }
0x90: {  	s3 =	simm.s32 $0x1600;
	s25 =	smul.u32 $0x50, s7;
	[sflag:s24] =	ssyncadd.s32 $0xFFFFFFD8  }
0x91: {  	[tilespmem:s3], [sflag:$0x4] =	stream.indirect.gather [hbm4b:s1+s17], $0x80, s20, s17, $0xb8;
	[tilespmem:$0x1A680] =	vst v63  }
0x92: {  	s3 =	sadd.s32 s25, s15  }
0x93: {  	s3 =	sshrl.u32 s3, $0x1  }
0x94: {  	[tilespmem:s26], [sflag:$0x4] =	stream.indirect.gather [hbm4b:s5+s17], $0x80, s21, s17, $0xb8;
	[tilespmem:$0x1A680] =	vst v63  }
0x95: {  	s3 =	sadd.s32 s6, s3  }
0x96: {  	[tilespmem:s28], [sflag:$0x4] =	stream.linear.gather [hbm4b:s3+s4], $0xA0, $0x38;
	[tilespmem:$0x1A680] =	vst v63  }
0x97: {  	_ =	swait.ge [sflag:s29], $0x1400  }
0x98: {  	[sflag:s29] =	ssyncset.done $0x0  }
0x99: {  	[sflag:s29] =	ssyncadd.s32 $0xFFFFEC00  }
0x9a: {  	_ =	swait.ge [sflag:s29], $0x1400  }
0x9b: {  	[sflag:s29] =	ssyncset.done $0x0  }
0x9c: {  	[sflag:s29] =	ssyncadd.s32 $0xFFFFEC00  }
0x9d: {  	_ =	swait.ge [sflag:s29], $0xA0  }
0x9e: {  	[sflag:s29] =	ssyncset.done $0x0  }
0x9f: {  	[sflag:s29] =	ssyncadd.s32 $0xFFFFFF60  }
0xa0: {  	v0 =	vld [tilespmem:$0x5400];
	_ =	sdelay $0x4  }
0xa1: {  	[tilespmem:$0x1FE80] =	vst v0;
	v0 =	vld [tilespmem:$0x5410];
	_ =	sdelay $0x4  }
0xa2: {  	[tilespmem:$0x1FE90] =	vst v0;
	v0 =	vld [tilespmem:$0x5420];
	_ =	sdelay $0x4  }
0xa3: {  	[tilespmem:$0x1FEA0] =	vst v0;
	v0 =	vld [tilespmem:$0x5430];
	_ =	sdelay $0x4  }
0xa4: {  	[tilespmem:$0x1FEB0] =	vst v0;
	v0 =	vld [tilespmem:$0x5440];
	_ =	sdelay $0x4  }
0xa5: {  	[tilespmem:$0x1FEC0] =	vst v0;
	v0 =	vld [tilespmem:$0x5450];
	_ =	sdelay $0x4  }
0xa6: {  	[tilespmem:$0x1FED0] =	vst v0;
	v0 =	vld [tilespmem:$0x5470];
	_ =	sdelay $0x4  }
0xa7: {  	[tilespmem:$0x1FEE0] =	vst v0;
	v0 =	vld [tilespmem:$0x5480];
	_ =	sdelay $0x4  }
0xa8: {  	[tilespmem:$0x1FEF0] =	vst v0;
	v0 =	vld [tilespmem:$0x5490];
	_ =	sdelay $0x4  }
0xa9: {  	[tilespmem:$0x1FF00] =	vst v0;
	v0 =	vld [tilespmem:$0x54A0];
	_ =	sdelay $0x4  }
0xaa: {  	[tilespmem:$0x1FF10] =	vst v0;
	v0 =	vld [tilespmem:$0x54B0];
	_ =	sdelay $0x4  }
0xab: {  	[tilespmem:$0x1FF20] =	vst v0;
	v0 =	vld [tilespmem:$0x54C0];
	_ =	sdelay $0x4  }
0xac: {  	[tilespmem:$0x1FF30] =	vst v0;
	v0 =	vld [tilespmem:$0x54F0];
	_ =	sdelay $0x4  }
0xad: {  	[tilespmem:$0x1FF40] =	vst v0;
	v0 =	vld [tilespmem:$0x5500];
	_ =	sdelay $0x2  }
0xae: {  	v29 =	vld [tilespmem:$0x5460]  }
0xaf: {  	v30 =	vld [tilespmem:$0x54D0]  }
0xb0: {  	[tilespmem:$0x1FF50] =	vst v0;
	v0 =	vld [tilespmem:$0x5510]  }
0xb1: {  	v33 =	vld [tilespmem:$0x54E0]  }
0xb2: {  	v32 =	vld [tilespmem:$0x5550]  }
0xb3: {  	v35 =	vld [tilespmem:$0x5560]  }
0xb4: {  	v31 =	vld [tilespmem:$0x55C0]  }
0xb5: {  	[tilespmem:$0x1FF60] =	vst v0;
	v0 =	vld [tilespmem:$0x5520]  }
0xb6: {  	v34 =	vld [tilespmem:$0x55D0]  }
0xb7: {  	v36 =	vld [tilespmem:$0x55E0]  }
0xb8: {  	v42 =	vld [tilespmem:$0x5600]  }
0xb9: {  	v41 =	vld [tilespmem:$0x5610]  }
0xba: {  	[tilespmem:$0x1FF70] =	vst v0;
	v0 =	vld [tilespmem:$0x5530]  }
0xbb: {  	v40 =	vld [tilespmem:$0x5620]  }
0xbc: {  	v39 =	vld [tilespmem:$0x5630]  }
0xbd: {  	s12 =	simm.s32 $0xF0;
	v38 =	vld [tilespmem:$0x5640]  }
0xbe: {  	v45 =	vld [tilespmem:s12+$0x110]  }
0xbf: {  	[tilespmem:$0x1FF80] =	vst v0;
	v0 =	vld [tilespmem:$0x5540]  }
0xc0: {  	v46 =	vld [tilespmem:s12+$0x2910]  }
0xc1: {  	v1 =	vld [tilespmem:s12+$0x190]  }
0xc2: {  	v2 =	vld [tilespmem:s12+$0x2990]  }
0xc3: {  	v47 =	vld [tilespmem:s12+$0x120]  }
0xc4: {  	[tilespmem:$0x1FF90] =	vst v0;
	v0 =	vld [tilespmem:$0x5570]  }
0xc5: {  	v48 =	vld [tilespmem:s12+$0x2920]  }
0xc6: {  	v3 =	vld [tilespmem:s12+$0x1A0]  }
0xc7: {  	v4 =	vld [tilespmem:s12+$0x29A0]  }
0xc8: {  	v5 =	vld [tilespmem:s12+$0x130]  }
0xc9: {  	[tilespmem:$0x1FFA0] =	vst v0;
	v0 =	vld [tilespmem:$0x5580]  }
0xca: {  	v52 =	vld [tilespmem:s12+$0x2930]  }
0xcb: {  	v6 =	vld [tilespmem:s12+$0x1B0]  }
0xcc: {  	v54 =	vld [tilespmem:s12+$0x29B0]  }
0xcd: {  	v43 =	vld [tilespmem:s12+$0x140]  }
0xce: {  	[tilespmem:$0x1FFB0] =	vst v0;
	v0 =	vld [tilespmem:$0x5590]  }
0xcf: {  	v56 =	vld [tilespmem:s12+$0x2940]  }
0xd0: {  	v61 =	vld [tilespmem:s12+$0x1C0]  }
0xd1: {  	v44 =	vld [tilespmem:s12+$0x29C0]  }
0xd2: {  	v63 =	vld [tilespmem:s12+$0x150]  }
0xd3: {  	[tilespmem:$0x1FFC0] =	vst v0;
	v0 =	vld [tilespmem:$0x55A0]  }
0xd4: {  	v60 =	vld [tilespmem:s12+$0x2950]  }
0xd5: {  	v7 =	vld [tilespmem:s12+$0x1D0]  }
0xd6: {  	v59 =	vld [tilespmem:s12+$0x29D0]  }
0xd7: {  	v58 =	vld [tilespmem:s12+$0x160]  }
0xd8: {  	[tilespmem:$0x1FFD0] =	vst v0;
	v0 =	vld [tilespmem:$0x55B0]  }
0xd9: {  	v37 =	vld [tilespmem:s12+$0x2960]  }
0xda: {  	v62 =	vld [tilespmem:s12+$0x1E0]  }
0xdb: {  	v57 =	vld [tilespmem:s12+$0x29E0]  }
0xdc: {  	v55 =	vld [tilespmem:s12+$0x170]  }
0xdd: {  	[tilespmem:$0x1FFE0] =	vst v0;
	v0 =	vld [tilespmem:$0x55F0]  }
0xde: {  	v50 =	vld [tilespmem:s12+$0x2970]  }
0xdf: {  	v53 =	vld [tilespmem:s12+$0x1F0]  }
0xe0: {  	v51 =	vld [tilespmem:s12+$0x180];
	v45 =	vadd.f32 v46, v45  }
0xe1: {  	v49 =	vld [tilespmem:s12+$0x2980];
	v46 =	vadd.f32 v2, v1;
	v47 =	vadd.f32 v48, v47  }
0xe2: {  	v48 =	vadd.f32 v4, v3;
	v52 =	vadd.f32 v52, v5;
	[tilespmem:$0x1FFF0] =	vst v0;
	v0 =	vld [tilespmem:s12+$0x29F0]  }
0xe3: {  	v54 =	vadd.f32 v54, v6;
	v56 =	vadd.f32 v56, v43;
	v43 =	vld [tilespmem:$0x5650]  }
0xe4: {  	v61 =	vadd.f32 v44, v61;
	v63 =	vadd.f32 v60, v63;
	v44 =	vld [tilespmem:$0x5660]  }
0xe5: {  	v59 =	vadd.f32 v59, v7;
	v60 =	vadd.f32 v37, v58;
	v37 =	vld [tilespmem:$0x5670]  }
0xe6: {  	v57 =	vadd.f32 v57, v62;
	v58 =	vadd.f32 v50, v55;
	v50 =	vld [tilespmem:s12+$0x200]  }
0xe7: {  	s11 =	simm.s32 $0x5204;
	s10 =	simm.s32 $0x7C0;
	v49 =	vadd.f32 v49, v51;
	v0 =	vadd.f32 v0, v53;
	v53 =	vld [tilespmem:s12+$0x2A00]  }
.LBB2_5:
0xe8: {  	v1 =	vld [tilespmem:s11+$0x0]  }
0xe9: {  	v62 =	vadd.f32 v56, v39;
	v51 =	vadd.f32 v45, v42  }
0xea: {  	v11 =	vld [tilespmem:$0x1FED0];
	v55 =	vadd.f32 v52, v40;
	v56 =	vadd.f32 v61, v39  }
0xeb: {  	v13 =	vld [tilespmem:$0x1FEC0];
	v9 =	vimm.s32 $0x2;
	v61 =	vadd.f32 v63, v38;
	v57 =	vadd.f32 v57, v43  }
0xec: {  	v8 =	vimm.s32 $0x3;
	v14 =	vld [tilespmem:$0x1FF30];
	v52 =	vadd.f32 v49, v37;
	v2 =	vadd.f32 v53, v50  }
0xed: {  	v15 =	vld [tilespmem:$0x1FEB0];
	v53 =	vadd.f32 v47, v41;
	v45 =	vperm.xlane v1, v10;
	v47 =	vperm.xlane v1, v12  }
0xee: {  	v50 =	vadd.f32 v48, v41;
	v49 =	vperm.xlane v1, v9;
	v48 =	vperm.xlane v1, v8  }
0xef: {  	v0 =	vadd.f32 v0, v44;
	v18 =	vmul.f32 v45, v29;
	v3 =	vmul.f32 v45, v11  }
0xf0: {  	v26 =	vld [tilespmem:$0x1FF90];
	v17 =	vadd.f32 v59, v38;
	v19 =	vmul.f32 v45, v13;
	v20 =	vmul.f32 v47, v33  }
0xf1: {  	v21 =	vmul.f32 v47, v30;
	v0 =	vadd.f32 v0, v18;
	v3 =	vadd.f32 v57, v3  }
0xf2: {  	v16 =	vld [tilespmem:$0x1FEA0];
	v22 =	vmul.f32 v47, v14;
	v25 =	vmul.f32 v45, v15;
	v63 =	vadd.f32 v17, v19  }
0xf3: {  	v23 =	vmul.f32 v49, v32;
	v57 =	vld [tilespmem:s11+$0xFFFFFFFC];
	v0 =	vadd.f32 v0, v20;
	v3 =	vadd.f32 v3, v21  }
0xf4: {  	v1 =	vmul.f32 v49, v35;
	v59 =	vadd.f32 v63, v22;
	v63 =	vadd.f32 v56, v25;
	v25 =	vld [tilespmem:$0x1FFE0]  }
0xf5: {  	v24 =	vmul.f32 v49, v26;
	v3 =	vadd.f32 v3, v23;
	v23 =	vld [tilespmem:$0x1FF20]  }
0xf6: {  	v54 =	vadd.f32 v54, v40;
	v20 =	vld [tilespmem:$0x1FF10];
	v0 =	vadd.f32 v0, v1;
	v1 =	vmul.f32 v48, v36  }
0xf7: {  	v60 =	vadd.f32 v60, v43;
	v5 =	vmul.f32 v48, v31;
	v59 =	vadd.f32 v59, v24;
	v24 =	vld [tilespmem:$0x1FF80]  }
0xf8: {  	v58 =	vadd.f32 v58, v44;
	v0 =	vadd.f32 v0, v1  }
0xf9: {  	v4 =	vmul.f32 v48, v34;
	v21 =	vld [tilespmem:$0x1FF70];
	v8 =	vperm.xlane v57, v8;
	v5 =	vadd.f32 v59, v5  }
0xfa: {  	v22 =	vld [tilespmem:$0x1FFD0];
	v6 =	vmul.f32 v48, v25;
	v0 =	vmax.f32 v0, $0.0e+00;
	v1 =	vmul.f32 v47, v23  }
0xfb: {  	v3 =	vadd.f32 v3, v4;
	v7 =	vmul.f32 v47, v20;
	[tilespmem:s12+$0x5670] =	vst v0;
	v0 =	vmul.f32 v45, v16  }
0xfc: {  	v5 =	vmax.f32 v5, $0.0e+00;
	v56 =	vmul.f32 v49, v24;
	v1 =	vadd.f32 v63, v1  }
0xfd: {  	v3 =	vmax.f32 v3, $0.0e+00;
	[tilespmem:s12+$0x5650] =	vst v5;
	v5 =	vperm.xlane v57, v12;
	v0 =	vadd.f32 v54, v0  }
0xfe: {  	v54 =	vadd.f32 v2, v37;
	v2 =	vperm.xlane v57, v10;
	v1 =	vadd.f32 v1, v56  }
0xff: {  	v28 =	vld [tilespmem:$0x1FFC0];
	v4 =	vmul.f32 v48, v22;
	[tilespmem:s12+$0x5660] =	vst v3;
	v3 =	vmul.f32 v49, v21;
	v0 =	vadd.f32 v0, v7  }
0x100: {  	v27 =	vld [tilespmem:$0x1FFB0];
	v10 =	vmul.f32 v5, v30;
	v7 =	vmul.f32 v2, v29;
	v1 =	vadd.f32 v1, v6  }
0x101: {  	v17 =	vld [tilespmem:$0x1FE90];
	v6 =	vperm.xlane v57, v9;
	v57 =	vmul.f32 v5, v33;
	v0 =	vadd.f32 v0, v3  }
0x102: {  	v18 =	vld [tilespmem:$0x1FF00];
	v9 =	vmul.f32 v2, v11;
	v7 =	vadd.f32 v58, v7;
	v1 =	vmax.f32 v1, $0.0e+00  }
0x103: {  	s3 =	sshra.s32 s10, $0x2;
	v19 =	vld [tilespmem:$0x1FF60];
	v12 =	vmul.f32 v2, v13;
	v13 =	vmul.f32 v5, v14;
	v0 =	vadd.f32 v0, v4;
	[tilespmem:s12+$0x5640] =	vst v1  }
0x104: {  	v9 =	vadd.f32 v60, v9;
	v7 =	vadd.f32 v7, v57;
	v14 =	vmul.f32 v6, v26;
	v57 =	vld [tilespmem:s3+$0x110]  }
0x105: {  	v26 =	vmul.f32 v2, v15;
	v1 =	vmul.f32 v6, v35;
	v60 =	vld [tilespmem:s3+$0x2910]  }
0x106: {  	v0 =	vmax.f32 v0, $0.0e+00;
	v9 =	vadd.f32 v9, v10;
	v10 =	vmul.f32 v5, v23;
	v23 =	vld [tilespmem:$0x1FF50]  }
0x107: {  	[tilespmem:s12+$0x5630] =	vst v0;
	v1 =	vadd.f32 v7, v1;
	v7 =	vadd.f32 v62, v26;
	v26 =	vmul.f32 v8, v22;
	v22 =	vld [tilespmem:$0x1FEF0]  }
0x108: {  	v12 =	vadd.f32 v61, v12;
	v58 =	vld [tilespmem:s3+$0x190]  }
0x109: {  	v3 =	vmul.f32 v8, v36;
	v4 =	vmul.f32 v6, v32;
	v61 =	vld [tilespmem:s3+$0x2990]  }
0x10a: {  	v11 =	vmul.f32 v8, v34;
	v15 =	vmul.f32 v6, v24;
	v12 =	vadd.f32 v12, v13;
	v13 =	vld [tilespmem:s3+$0x2920]  }
0x10b: {  	v24 =	vmul.f32 v2, v16;
	v4 =	vadd.f32 v9, v4;
	v1 =	vadd.f32 v1, v3;
	v3 =	vld [tilespmem:s3+$0x120]  }
0x10c: {  	v7 =	vadd.f32 v7, v10;
	v10 =	vadd.f32 v12, v14;
	v14 =	vmul.f32 v6, v21;
	v21 =	vld [tilespmem:$0x1FE80]  }
0x10d: {  	v9 =	vmul.f32 v8, v25;
	v25 =	vmul.f32 v5, v20;
	v12 =	vadd.f32 v55, v24;
	v24 =	vld [tilespmem:$0x1FEE0]  }
0x10e: {  	v4 =	vadd.f32 v4, v11;
	v11 =	vld [tilespmem:s3+$0x1A0];
	v1 =	vmax.f32 v1, $0.0e+00  }
0x10f: {  	v0 =	vmul.f32 v8, v31;
	v12 =	vadd.f32 v12, v25;
	v25 =	vld [tilespmem:$0x1FF40];
	[tilespmem:s12+$0x55F0] =	vst v1  }
0x110: {  	v4 =	vmax.f32 v4, $0.0e+00;
	v1 =	vld [tilespmem:s3+$0x29A0]  }
0x111: {  	v0 =	vadd.f32 v10, v0;
	v55 =	vld [tilespmem:s3+$0x130];
	[tilespmem:s12+$0x55E0] =	vst v4  }
0x112: {  	v7 =	vadd.f32 v7, v15;
	v10 =	vmul.f32 v2, v17;
	v4 =	vld [tilespmem:s3+$0x2930]  }
0x113: {  	v0 =	vmax.f32 v0, $0.0e+00;
	v16 =	vld [tilespmem:s3+$0x1B0]  }
0x114: {  	v15 =	vmul.f32 v5, v18;
	v7 =	vadd.f32 v7, v9;
	v10 =	vadd.f32 v53, v10;
	v9 =	vld [tilespmem:s3+$0x29B0];
	[tilespmem:s12+$0x55D0] =	vst v0  }
0x115: {  	v63 =	vmul.f32 v45, v17;
	v56 =	vmul.f32 v49, v19;
	v12 =	vadd.f32 v12, v14;
	v0 =	vld [tilespmem:s3+$0x140]  }
0x116: {  	v17 =	vmul.f32 v6, v19;
	v7 =	vmax.f32 v7, $0.0e+00;
	v19 =	vld [tilespmem:s3+$0x2940];
	v10 =	vadd.f32 v10, v15  }
0x117: {  	v59 =	vmul.f32 v47, v18;
	v14 =	vmul.f32 v2, v21;
	v12 =	vadd.f32 v12, v26;
	v26 =	vld [tilespmem:$0x1FFA0];
	[tilespmem:s12+$0x55C0] =	vst v7  }
0x118: {  	v53 =	vmul.f32 v8, v28;
	v2 =	vmul.f32 v2, v24;
	v7 =	vld [tilespmem:s3+$0x1C0];
	v10 =	vadd.f32 v10, v17  }
0x119: {  	v18 =	vmul.f32 v5, v22;
	v14 =	vadd.f32 v51, v14;
	v5 =	vmul.f32 v5, v25;
	v51 =	vld [tilespmem:s3+$0x29C0]  }
0x11a: {  	v2 =	vadd.f32 v52, v2;
	v12 =	vmax.f32 v12, $0.0e+00;
	v10 =	vadd.f32 v10, v53;
	v53 =	vld [tilespmem:$0x1FFF0]  }
0x11b: {  	v46 =	vadd.f32 v46, v42;
	v20 =	vmul.f32 v6, v23;
	v17 =	vld [tilespmem:s3+$0x150];
	v14 =	vadd.f32 v14, v18;
	[tilespmem:s12+$0x55B0] =	vst v12  }
0x11c: {  	v15 =	vmul.f32 v8, v27;
	v18 =	vadd.f32 v50, v63;
	v2 =	vadd.f32 v2, v5;
	v12 =	vld [tilespmem:s3+$0x2950]  }
0x11d: {  	v50 =	vmul.f32 v45, v21;
	v62 =	vld [tilespmem:s3+$0x1D0];
	v6 =	vmul.f32 v6, v26;
	v14 =	vadd.f32 v14, v20  }
0x11e: {  	v63 =	vmul.f32 v47, v22;
	v5 =	vld [tilespmem:s3+$0x29D0];
	v18 =	vadd.f32 v18, v59;
	v10 =	vmax.f32 v10, $0.0e+00  }
0x11f: {  	v21 =	vld [tilespmem:s3+$0x160];
	v14 =	vadd.f32 v14, v15;
	[tilespmem:s12+$0x55A0] =	vst v10;
	v2 =	vadd.f32 v2, v6;
	v8 =	vmul.f32 v8, v53  }
0x120: {  	v20 =	vmul.f32 v48, v28;
	v10 =	vadd.f32 v46, v50;
	v18 =	vadd.f32 v18, v56;
	v6 =	vld [tilespmem:s3+$0x2960]  }
0x121: {  	v15 =	vmul.f32 v49, v23;
	v22 =	vld [tilespmem:s3+$0x1E0];
	v14 =	vmax.f32 v14, $0.0e+00;
	v2 =	vadd.f32 v2, v8  }
0x122: {  	v10 =	vadd.f32 v10, v63;
	v63 =	vmul.f32 v45, v24;
	v8 =	vld [tilespmem:s3+$0x29E0];
	[tilespmem:s12+$0x5590] =	vst v14;
	v14 =	vadd.f32 v18, v20  }
0x123: {  	v47 =	vmul.f32 v47, v25;
	v52 =	vadd.f32 v4, v55;
	v24 =	vld [tilespmem:s3+$0x170];
	v2 =	vmax.f32 v2, $0.0e+00  }
0x124: {  	v10 =	vadd.f32 v10, v15;
	v15 =	vadd.f32 v54, v63;
	v25 =	vld [tilespmem:s3+$0x2970];
	v14 =	vmax.f32 v14, $0.0e+00;
	[tilespmem:s12+$0x5600] =	vst v2  }
0x125: {  	v46 =	vadd.f32 v61, v58;
	v56 =	vadd.f32 v19, v0;
	v2 =	vld [tilespmem:s3+$0x1F0];
	[tilespmem:s12+$0x5620] =	vst v14  }
0x126: {  	v49 =	vmul.f32 v49, v26;
	v61 =	vadd.f32 v51, v7;
	v15 =	vadd.f32 v15, v47;
	v26 =	vld [tilespmem:s3+$0x29F0]  }
0x127: {  	v59 =	vmul.f32 v48, v27;
	v45 =	vadd.f32 v60, v57;
	v47 =	vadd.f32 v13, v3;
	v3 =	vld [tilespmem:s3+$0x180]  }
0x128: {  	p0 =	sne.s32 s10, $0x4FC0;
	v14 =	vmul.f32 v48, v53;
	v48 =	vadd.f32 v1, v11;
	v11 =	vadd.f32 v15, v49;
	v1 =	vld [tilespmem:s3+$0x2980]  }
.Ltmp1:
0x129: {  	v54 =	vadd.f32 v9, v16;
	v10 =	vadd.f32 v10, v59;
	(pc) =	sbr.rel @p0 .LBB2_5-.Ltmp1, $4  }
0x12a: {  	v63 =	vadd.f32 v12, v17;
	v12 =	vimm.s32 $0x1;
	v0 =	vadd.f32 v11, v14  }
0x12b: {  	v59 =	vadd.f32 v5, v62;
	v60 =	vadd.f32 v6, v21;
	v10 =	vmax.f32 v10, $0.0e+00  }
0x12c: {  	v50 =	vld [tilespmem:s3+$0x200];
	[tilespmem:s12+$0x5610] =	vst v10;
	v57 =	vadd.f32 v8, v22;
	v58 =	vadd.f32 v25, v24;
	v0 =	vmax.f32 v0, $0.0e+00  }
0x12d: {  	s10 =	sadd.s32 $0x400, s10;
	s11 =	sadd.s32 $0x8, s11;
	v10 =	vimm.s32 $0x0;
	v53 =	vld [tilespmem:s3+$0x2A00];
	[tilespmem:s12+$0x5680] =	vst v0;
	s12 =	smov.u32 s3;
	v0 =	vadd.f32 v26, v2;
	v49 =	vadd.f32 v1, v3  }
0x12e: {  	v2 =	vadd.f32 v45, v42  }
0x12f: {  	v4 =	vadd.f32 v47, v41;
	v45 =	vadd.f32 v48, v41  }
0x130: {  	v1 =	vld [tilespmem:s11+$0x0];
	v5 =	vadd.f32 v52, v40;
	v6 =	vadd.f32 v54, v40  }
0x131: {  	v7 =	vadd.f32 v56, v39;
	v8 =	vadd.f32 v61, v39;
	v26 =	vld [tilespmem:$0x1FED0]  }
0x132: {  	v9 =	vadd.f32 v63, v38;
	v20 =	vadd.f32 v59, v38;
	v63 =	vld [tilespmem:s11+$0xFFFFFFFC]  }
0x133: {  	v11 =	vadd.f32 v60, v43;
	v13 =	vadd.f32 v57, v43;
	v25 =	vld [tilespmem:$0x1FEC0]  }
0x134: {  	v14 =	vadd.f32 v58, v44;
	v43 =	vimm.s32 $0x3;
	v28 =	vld [tilespmem:$0x1FF30];
	v0 =	vadd.f32 v0, v44  }
0x135: {  	v55 =	vld [tilespmem:$0x1FF90];
	v44 =	vimm.s32 $0x2;
	v3 =	vadd.f32 v53, v50;
	v41 =	vperm.xlane v1, v10  }
0x136: {  	v52 =	vld [tilespmem:$0x1FF20];
	v17 =	vadd.f32 v49, v37;
	v39 =	vperm.xlane v1, v12;
	v38 =	vperm.xlane v1, v44  }
0x137: {  	v54 =	vld [tilespmem:$0x1FFE0];
	v40 =	vperm.xlane v1, v43;
	v3 =	vadd.f32 v3, v37;
	v37 =	vperm.xlane v63, v44  }
0x138: {  	v51 =	vld [tilespmem:$0x1FFD0];
	v21 =	vmul.f32 v41, v29;
	v15 =	vmul.f32 v41, v26  }
0x139: {  	v48 =	vld [tilespmem:$0x1FFA0];
	v22 =	vmul.f32 v39, v33;
	v16 =	vmul.f32 v41, v25  }
0x13a: {  	v50 =	vld [tilespmem:$0x1FEB0];
	v23 =	vmul.f32 v39, v30;
	v24 =	vmul.f32 v38, v35  }
0x13b: {  	v42 =	vadd.f32 v46, v42;
	v53 =	vld [tilespmem:$0x1FF80];
	v1 =	vmul.f32 v39, v28;
	v46 =	vmul.f32 v38, v32  }
0x13c: {  	v27 =	vld [tilespmem:$0x1FE90];
	v47 =	vmul.f32 v40, v36;
	v57 =	vmul.f32 v38, v55  }
0x13d: {  	v58 =	vmul.f32 v40, v34;
	v18 =	vmul.f32 v40, v31  }
0x13e: {  	v60 =	vmul.f32 v39, v52;
	v56 =	vmul.f32 v40, v54  }
0x13f: {  	v44 =	vmul.f32 v37, v55;
	v49 =	vmul.f32 v37, v48;
	v0 =	vadd.f32 v0, v21  }
0x140: {  	v13 =	vadd.f32 v13, v15;
	v59 =	vmul.f32 v41, v50;
	v62 =	vmul.f32 v38, v53  }
0x141: {  	v10 =	vadd.f32 v20, v16;
	v20 =	vmul.f32 v40, v51;
	v21 =	vmul.f32 v41, v27  }
0x142: {  	v15 =	vperm.xlane v63, v43;
	v53 =	vmul.f32 v37, v53;
	v0 =	vadd.f32 v0, v22  }
0x143: {  	v13 =	vadd.f32 v13, v23;
	v1 =	vadd.f32 v10, v1;
	v22 =	vimm.s32 $0x0  }
0x144: {  	v23 =	vimm.s32 $0x1;
	v55 =	vmul.f32 v15, v54;
	v22 =	vperm.xlane v63, v22  }
0x145: {  	v8 =	vadd.f32 v8, v59;
	v23 =	vperm.xlane v63, v23;
	v63 =	vmul.f32 v37, v35  }
0x146: {  	v59 =	vld [tilespmem:$0x1FF70];
	v35 =	vmul.f32 v15, v34;
	v0 =	vadd.f32 v0, v24;
	v13 =	vadd.f32 v13, v46  }
0x147: {  	v1 =	vadd.f32 v1, v57;
	v26 =	vmul.f32 v22, v26;
	v30 =	vmul.f32 v23, v30  }
0x148: {  	v8 =	vadd.f32 v8, v60;
	v43 =	vmul.f32 v23, v28;
	v28 =	vmul.f32 v15, v31  }
0x149: {  	v24 =	vld [tilespmem:$0x1FEA0];
	v50 =	vmul.f32 v22, v50;
	v0 =	vadd.f32 v0, v47;
	v61 =	vadd.f32 v13, v58  }
0x14a: {  	v46 =	vld [tilespmem:$0x1FF00];
	v1 =	vadd.f32 v1, v18;
	v8 =	vadd.f32 v8, v62;
	v62 =	vmul.f32 v23, v33  }
0x14b: {  	v33 =	vmul.f32 v37, v32;
	v60 =	vmul.f32 v38, v59;
	v11 =	vadd.f32 v11, v26  }
0x14c: {  	v58 =	vld [tilespmem:$0x1FF10];
	v7 =	vadd.f32 v7, v50;
	v50 =	vadd.f32 v45, v21;
	v0 =	vmax.f32 v0, $0.0e+00  }
0x14d: {  	v47 =	vld [tilespmem:$0x1FF60];
	v12 =	vmax.f32 v61, $0.0e+00;
	v1 =	vmax.f32 v1, $0.0e+00;
	v61 =	vmul.f32 v22, v29  }
0x14e: {  	v8 =	vadd.f32 v8, v56;
	v29 =	vmul.f32 v15, v36;
	v36 =	vmul.f32 v22, v25  }
0x14f: {  	v57 =	vmul.f32 v41, v24;
	v13 =	vmul.f32 v39, v46;
	v11 =	vadd.f32 v11, v30  }
0x150: {  	v32 =	vld [tilespmem:$0x1FE80];
	v30 =	vmul.f32 v23, v52;
	v56 =	vmul.f32 v22, v24;
	v8 =	vmax.f32 v8, $0.0e+00  }
0x151: {  	v14 =	vadd.f32 v14, v61;
	v9 =	vadd.f32 v9, v36;
	v61 =	vmul.f32 v23, v46  }
0x152: {  	v19 =	vmul.f32 v39, v58;
	v6 =	vadd.f32 v6, v57;
	v18 =	vmul.f32 v38, v47  }
0x153: {  	v11 =	vadd.f32 v11, v33;
	v7 =	vadd.f32 v7, v30;
	v57 =	vmul.f32 v23, v58  }
0x154: {  	v5 =	vadd.f32 v5, v56;
	v58 =	vmul.f32 v37, v59;
	v14 =	vadd.f32 v14, v62  }
0x155: {  	v33 =	vmul.f32 v22, v32;
	v9 =	vadd.f32 v9, v43;
	v6 =	vadd.f32 v6, v19  }
0x156: {  	v30 =	vld [tilespmem:$0x1FFC0];
	v54 =	vmul.f32 v41, v32;
	v11 =	vadd.f32 v11, v35;
	v7 =	vadd.f32 v7, v53  }
0x157: {  	v59 =	vmul.f32 v15, v51;
	v51 =	vld [tilespmem:$0x1FFF0];
	v5 =	vadd.f32 v5, v57;
	v2 =	vadd.f32 v2, v33  }
0x158: {  	[tilespmem:s12+$0x5660] =	vst v12;
	v62 =	vmul.f32 v37, v47;
	v12 =	vadd.f32 v42, v54;
	v10 =	vadd.f32 v14, v63  }
0x159: {  	v43 =	vld [tilespmem:$0x1FEE0];
	v9 =	vadd.f32 v9, v44;
	v6 =	vadd.f32 v6, v60;
	v11 =	vmax.f32 v11, $0.0e+00  }
0x15a: {  	v60 =	vmul.f32 v22, v27;
	v7 =	vadd.f32 v7, v55;
	v5 =	vadd.f32 v5, v58  }
0x15b: {  	v27 =	vld [tilespmem:$0x1FEF0];
	v55 =	vadd.f32 v50, v13;
	v10 =	vadd.f32 v10, v29;
	v63 =	vmul.f32 v15, v30  }
0x15c: {  	v44 =	vld [tilespmem:$0x1FF40];
	v9 =	vadd.f32 v9, v28;
	v52 =	vmul.f32 v15, v51;
	v53 =	vmul.f32 v40, v30  }
0x15d: {  	v28 =	vld [tilespmem:$0x1FF50];
	v6 =	vadd.f32 v6, v20;
	v4 =	vadd.f32 v4, v60;
	v7 =	vmax.f32 v7, $0.0e+00  }
0x15e: {  	v5 =	vadd.f32 v5, v59;
	v22 =	vmul.f32 v22, v43;
	v56 =	vmul.f32 v41, v43  }
0x15f: {  	v29 =	vld [tilespmem:$0x1FFB0];
	v10 =	vmax.f32 v10, $0.0e+00;
	v9 =	vmax.f32 v9, $0.0e+00;
	v6 =	vmax.f32 v6, $0.0e+00  }
0x160: {  	[tilespmem:s12+$0x5670] =	vst v0;
	v4 =	vadd.f32 v4, v61;
	v0 =	vmax.f32 v5, $0.0e+00;
	v34 =	vmul.f32 v23, v27  }
0x161: {  	[tilespmem:s12+$0x5650] =	vst v1;
	v46 =	vmul.f32 v23, v44;
	v47 =	vadd.f32 v17, v22;
	v58 =	vmul.f32 v39, v44  }
0x162: {  	[tilespmem:s12+$0x5640] =	vst v8;
	v3 =	vadd.f32 v3, v56;
	v35 =	vmul.f32 v37, v28;
	v2 =	vadd.f32 v2, v34  }
0x163: {  	[tilespmem:s12+$0x5630] =	vst v6;
	v57 =	vmul.f32 v39, v27;
	v6 =	vadd.f32 v55, v18;
	v4 =	vadd.f32 v4, v62  }
0x164: {  	[tilespmem:s12+$0x55E0] =	vst v11;
	v36 =	vmul.f32 v15, v29;
	v5 =	vadd.f32 v47, v46;
	v2 =	vadd.f32 v2, v35  }
0x165: {  	[tilespmem:s12+$0x55F0] =	vst v10;
	v59 =	vmul.f32 v38, v28;
	v10 =	vadd.f32 v12, v57;
	v1 =	vadd.f32 v4, v63  }
0x166: {  	[tilespmem:s12+$0x55C0] =	vst v7;
	v61 =	vmul.f32 v38, v48;
	v5 =	vadd.f32 v5, v49;
	v2 =	vadd.f32 v2, v36  }
0x167: {  	[tilespmem:s12+$0x55D0] =	vst v9;
	v60 =	vmul.f32 v40, v29;
	v3 =	vadd.f32 v3, v58;
	v62 =	vadd.f32 v10, v59  }
0x168: {  	[tilespmem:s12+$0x55B0] =	vst v0;
	v1 =	vmax.f32 v1, $0.0e+00;
	v0 =	vmax.f32 v2, $0.0e+00;
	v2 =	vadd.f32 v5, v52  }
0x169: {  	v63 =	vmul.f32 v40, v51;
	v3 =	vadd.f32 v3, v61;
	[tilespmem:s12+$0x55A0] =	vst v1;
	v1 =	vadd.f32 v6, v53  }
0x16a: {  	[tilespmem:s12+$0x5590] =	vst v0;
	v0 =	vmax.f32 v2, $0.0e+00;
	v2 =	vadd.f32 v62, v60  }
0x16b: {  	v1 =	vmax.f32 v1, $0.0e+00;
	[tilespmem:s12+$0x5600] =	vst v0;
	v0 =	vadd.f32 v3, v63  }
0x16c: {  	s11 =	sshll.u32 s7, $0x1;
	[tilespmem:s12+$0x5620] =	vst v1;
	v1 =	vmax.f32 v2, $0.0e+00  }
0x16d: {  	s3 =	smin.u32 s11, $0xF7;
	[tilespmem:s12+$0x5610] =	vst v1;
	v0 =	vmax.f32 v0, $0.0e+00  }
0x16e: {  	s3 =	smul.u32 $0x28, s3;
	[tilespmem:s12+$0x5680] =	vst v0  }
0x16f: {  	[spmem:s2] =	stream.indirect.scatter.add.f32 [tilespmem:s30], [sflag:$0x5], $0x80, s16, s17, $0xb8;
	[tilespmem:$0x1A680] =	vst v63  }
0x170: {  	s3 =	sadd.s32 s3, s22;
	_ =	swait.ge [sflag:s13], $0x1400  }
0x171: {  	s10 =	sshrl.u32 s3, $0x3;
	[sflag:s13] =	ssyncset.done $0x0  }
0x172: {  	s25 =	sadd.s32 s8, s10;
	[sflag:s13] =	ssyncadd.s32 $0xFFFFEC00  }
0x173: {  	[tilespmem:s4], [sflag:$0x1] =	stream.linear.gather [hbm4b:s25+s4], $0x28, $0x38;
	[tilespmem:$0x1A680] =	vst v63  }
0x174: {  	s10 =	sadd.s32 s9, s10  }
0x175: {  	[tilespmem:s16], [sflag:$0x1] =	stream.linear.gather [hbm4b:s10+s4], $0x28, $0x38;
	[tilespmem:$0x1A680] =	vst v63  }
0x176: {  	_ =	swait.ge [sflag:s31], $0x28  }
0x177: {  	[sflag:s31] =	ssyncset.done $0x0  }
0x178: {  	[sflag:s31] =	ssyncadd.s32 $0xFFFFFFD8  }
0x179: {  	_ =	swait.ge [sflag:s31], $0x28  }
0x17a: {  	[sflag:s31] =	ssyncset.done $0x0  }
0x17b: {  	s3 =	sshrl.u32 s3, $0x1;
	[sflag:s31] =	ssyncadd.s32 $0xFFFFFFD8  }
0x17c: {  	[tilespmem:s14], [sflag:$0x3] =	stream.indirect.gather [hbm4b:s1+s17], $0x80, s4, s17, $0xb8;
	[tilespmem:$0x1A680] =	vst v63  }
0x17d: {  	s3 =	sand.u32 $0xFFFFC, s3  }
0x17e: {  	[tilespmem:s18], [sflag:$0x3] =	stream.indirect.gather [hbm4b:s5+s17], $0x80, s16, s17, $0xb8;
	[tilespmem:$0x1A680] =	vst v63  }
0x17f: {  	s3 =	sadd.s32 s6, s3  }
0x180: {  	[tilespmem:s19], [sflag:$0x3] =	stream.linear.gather [hbm4b:s3+s4], $0xA0, $0x38;
	[tilespmem:$0x1A680] =	vst v63  }
0x181: {  	_ =	swait.ge [sflag:s0], $0x1400  }
0x182: {  	[sflag:s0] =	ssyncset.done $0x0  }
0x183: {  	[sflag:s0] =	ssyncadd.s32 $0xFFFFEC00  }
0x184: {  	_ =	swait.ge [sflag:s0], $0x1400  }
0x185: {  	[sflag:s0] =	ssyncset.done $0x0  }
0x186: {  	[sflag:s0] =	ssyncadd.s32 $0xFFFFEC00  }
0x187: {  	_ =	swait.ge [sflag:s0], $0xA0  }
0x188: {  	[sflag:s0] =	ssyncset.done $0x0  }
0x189: {  	[sflag:s0] =	ssyncadd.s32 $0xFFFFFF60  }
0x18a: {  	v0 =	vld [tilespmem:$0x5400];
	_ =	sdelay $0x4  }
0x18b: {  	[tilespmem:$0x1FD00] =	vst v0;
	v0 =	vld [tilespmem:$0x5410];
	_ =	sdelay $0x4  }
0x18c: {  	[tilespmem:$0x1FD10] =	vst v0;
	v0 =	vld [tilespmem:$0x5420];
	_ =	sdelay $0x4  }
0x18d: {  	[tilespmem:$0x1FD20] =	vst v0;
	v0 =	vld [tilespmem:$0x5430];
	_ =	sdelay $0x4  }
0x18e: {  	[tilespmem:$0x1FD30] =	vst v0;
	v0 =	vld [tilespmem:$0x5440];
	_ =	sdelay $0x4  }
0x18f: {  	[tilespmem:$0x1FD40] =	vst v0;
	v0 =	vld [tilespmem:$0x5450];
	_ =	sdelay $0x4  }
0x190: {  	[tilespmem:$0x1FD50] =	vst v0;
	v0 =	vld [tilespmem:$0x5470];
	_ =	sdelay $0x4  }
0x191: {  	[tilespmem:$0x1FD60] =	vst v0;
	v0 =	vld [tilespmem:$0x5480];
	_ =	sdelay $0x4  }
0x192: {  	[tilespmem:$0x1FD70] =	vst v0;
	v0 =	vld [tilespmem:$0x5490];
	_ =	sdelay $0x4  }
0x193: {  	[tilespmem:$0x1FD80] =	vst v0;
	v0 =	vld [tilespmem:$0x54A0];
	_ =	sdelay $0x4  }
0x194: {  	[tilespmem:$0x1FD90] =	vst v0;
	v0 =	vld [tilespmem:$0x54B0];
	_ =	sdelay $0x4  }
0x195: {  	[tilespmem:$0x1FDA0] =	vst v0;
	v0 =	vld [tilespmem:$0x54C0];
	_ =	sdelay $0x4  }
0x196: {  	[tilespmem:$0x1FDB0] =	vst v0;
	v0 =	vld [tilespmem:$0x54F0];
	_ =	sdelay $0x4  }
0x197: {  	[tilespmem:$0x1FDC0] =	vst v0;
	v0 =	vld [tilespmem:$0x5500];
	_ =	sdelay $0x2  }
0x198: {  	v33 =	vld [tilespmem:$0x5460]  }
0x199: {  	v29 =	vld [tilespmem:$0x54D0]  }
0x19a: {  	[tilespmem:$0x1FDD0] =	vst v0;
	v0 =	vld [tilespmem:$0x5510]  }
0x19b: {  	v31 =	vld [tilespmem:$0x54E0]  }
0x19c: {  	v32 =	vld [tilespmem:$0x5550]  }
0x19d: {  	v34 =	vld [tilespmem:$0x5560]  }
0x19e: {  	v30 =	vld [tilespmem:$0x55C0]  }
0x19f: {  	[tilespmem:$0x1FDE0] =	vst v0;
	v0 =	vld [tilespmem:$0x5520]  }
0x1a0: {  	v35 =	vld [tilespmem:$0x55D0]  }
0x1a1: {  	v36 =	vld [tilespmem:$0x55E0]  }
0x1a2: {  	v42 =	vld [tilespmem:$0x5600]  }
0x1a3: {  	v41 =	vld [tilespmem:$0x5610]  }
0x1a4: {  	[tilespmem:$0x1FDF0] =	vst v0;
	v0 =	vld [tilespmem:$0x5530]  }
0x1a5: {  	v40 =	vld [tilespmem:$0x5620]  }
0x1a6: {  	v39 =	vld [tilespmem:$0x5630]  }
0x1a7: {  	s12 =	simm.s32 $0xF0;
	v38 =	vld [tilespmem:$0x5640]  }
0x1a8: {  	v45 =	vld [tilespmem:s12+$0x1510]  }
0x1a9: {  	[tilespmem:$0x1FE00] =	vst v0;
	v0 =	vld [tilespmem:$0x5540]  }
0x1aa: {  	v47 =	vld [tilespmem:s12+$0x3D10]  }
0x1ab: {  	v46 =	vld [tilespmem:s12+$0x1590]  }
0x1ac: {  	v48 =	vld [tilespmem:s12+$0x3D90]  }
0x1ad: {  	v1 =	vld [tilespmem:s12+$0x1520]  }
0x1ae: {  	[tilespmem:$0x1FE10] =	vst v0;
	v0 =	vld [tilespmem:$0x5570]  }
0x1af: {  	v2 =	vld [tilespmem:s12+$0x3D20]  }
0x1b0: {  	v8 =	vld [tilespmem:s12+$0x15A0]  }
0x1b1: {  	v9 =	vld [tilespmem:s12+$0x3DA0]  }
0x1b2: {  	v10 =	vld [tilespmem:s12+$0x1530]  }
0x1b3: {  	[tilespmem:$0x1FE20] =	vst v0;
	v0 =	vld [tilespmem:$0x5580]  }
0x1b4: {  	v11 =	vld [tilespmem:s12+$0x3D30]  }
0x1b5: {  	v12 =	vld [tilespmem:s12+$0x15B0]  }
0x1b6: {  	v13 =	vld [tilespmem:s12+$0x3DB0]  }
0x1b7: {  	v14 =	vld [tilespmem:s12+$0x1540]  }
0x1b8: {  	[tilespmem:$0x1FE30] =	vst v0;
	v0 =	vld [tilespmem:$0x5590]  }
0x1b9: {  	v15 =	vld [tilespmem:s12+$0x3D40]  }
0x1ba: {  	v16 =	vld [tilespmem:s12+$0x15C0]  }
0x1bb: {  	v17 =	vld [tilespmem:s12+$0x3DC0]  }
0x1bc: {  	v18 =	vld [tilespmem:s12+$0x1550]  }
0x1bd: {  	[tilespmem:$0x1FE40] =	vst v0;
	v0 =	vld [tilespmem:$0x55A0]  }
0x1be: {  	v19 =	vld [tilespmem:s12+$0x3D50]  }
0x1bf: {  	v62 =	vld [tilespmem:s12+$0x15D0]  }
0x1c0: {  	v20 =	vld [tilespmem:s12+$0x3DD0]  }
0x1c1: {  	v21 =	vld [tilespmem:s12+$0x1560]  }
0x1c2: {  	[tilespmem:$0x1FE50] =	vst v0;
	v0 =	vld [tilespmem:$0x55B0]  }
0x1c3: {  	v3 =	vld [tilespmem:s12+$0x3D60]  }
0x1c4: {  	v22 =	vld [tilespmem:s12+$0x15E0]  }
0x1c5: {  	v23 =	vld [tilespmem:s12+$0x3DE0]  }
0x1c6: {  	v24 =	vld [tilespmem:s12+$0x1570]  }
0x1c7: {  	[tilespmem:$0x1FE60] =	vst v0;
	v0 =	vld [tilespmem:$0x55F0]  }
0x1c8: {  	v25 =	vld [tilespmem:s12+$0x3D70]  }
0x1c9: {  	v26 =	vld [tilespmem:s12+$0x15F0]  }
0x1ca: {  	v45 =	vadd.f32 v47, v45;
	v47 =	vadd.f32 v2, v1;
	v2 =	vld [tilespmem:s12+$0x1580]  }
0x1cb: {  	v46 =	vadd.f32 v48, v46;
	v1 =	vld [tilespmem:s12+$0x3D80]  }
0x1cc: {  	v48 =	vadd.f32 v9, v8;
	v52 =	vadd.f32 v11, v10;
	[tilespmem:$0x1FE70] =	vst v0;
	v0 =	vld [tilespmem:s12+$0x3DF0]  }
0x1cd: {  	v43 =	vld [tilespmem:$0x5650];
	v54 =	vadd.f32 v13, v12;
	v56 =	vadd.f32 v15, v14  }
0x1ce: {  	v44 =	vld [tilespmem:$0x5660];
	v61 =	vadd.f32 v17, v16;
	v63 =	vadd.f32 v19, v18  }
0x1cf: {  	v37 =	vld [tilespmem:$0x5670];
	v59 =	vadd.f32 v20, v62;
	v60 =	vadd.f32 v3, v21  }
0x1d0: {  	v50 =	vld [tilespmem:s12+$0x1600];
	v57 =	vadd.f32 v23, v22;
	v58 =	vadd.f32 v25, v24  }
0x1d1: {  	s10 =	simm.s32 $0x5304;
	s3 =	simm.s32 $0x7C0;
	v53 =	vld [tilespmem:s12+$0x3E00];
	v49 =	vadd.f32 v1, v2;
	v0 =	vadd.f32 v0, v26  }
.LBB2_7:
0x1d2: {  	v1 =	vld [tilespmem:s10+$0x0]  }
0x1d3: {  	v62 =	vadd.f32 v56, v39;
	v13 =	vimm.s32 $0x0;
	v51 =	vadd.f32 v45, v42  }
0x1d4: {  	v12 =	vimm.s32 $0x1;
	v26 =	vld [tilespmem:$0x1FD50];
	v55 =	vadd.f32 v52, v40;
	v3 =	vadd.f32 v54, v40  }
0x1d5: {  	v11 =	vimm.s32 $0x2;
	v4 =	vadd.f32 v61, v39;
	v6 =	vadd.f32 v59, v38  }
0x1d6: {  	v23 =	vld [tilespmem:$0x1FD40];
	v10 =	vimm.s32 $0x3;
	v60 =	vadd.f32 v60, v43;
	v7 =	vadd.f32 v57, v43  }
0x1d7: {  	v25 =	vld [tilespmem:$0x1FDB0];
	v57 =	vadd.f32 v58, v44;
	v0 =	vadd.f32 v0, v44;
	v45 =	vperm.xlane v1, v13  }
0x1d8: {  	v2 =	vadd.f32 v53, v50;
	v53 =	vadd.f32 v47, v41;
	v47 =	vperm.xlane v1, v12  }
0x1d9: {  	v28 =	vld [tilespmem:$0x1FE10];
	v52 =	vadd.f32 v49, v37;
	v49 =	vperm.xlane v1, v11;
	v18 =	vmul.f32 v45, v26  }
0x1da: {  	v14 =	vld [tilespmem:$0x1FD30];
	v50 =	vadd.f32 v48, v41;
	v48 =	vperm.xlane v1, v10;
	v16 =	vmul.f32 v45, v33  }
0x1db: {  	v15 =	vld [tilespmem:$0x1FDA0];
	v17 =	vmul.f32 v45, v23;
	v20 =	vmul.f32 v47, v29;
	v54 =	vadd.f32 v7, v18  }
0x1dc: {  	v27 =	vld [tilespmem:$0x1FE60];
	v19 =	vmul.f32 v47, v31;
	v21 =	vmul.f32 v47, v25;
	v0 =	vadd.f32 v0, v16  }
0x1dd: {  	v22 =	vmul.f32 v49, v32;
	v58 =	vadd.f32 v6, v17;
	v16 =	vld [tilespmem:$0x1FD20];
	v54 =	vadd.f32 v54, v20  }
0x1de: {  	v1 =	vmul.f32 v49, v34;
	v24 =	vmul.f32 v48, v35;
	v0 =	vadd.f32 v0, v19;
	v20 =	vld [tilespmem:$0x1FD90]  }
0x1df: {  	v8 =	vmul.f32 v49, v28;
	v56 =	vadd.f32 v58, v21;
	v21 =	vld [tilespmem:$0x1FDF0];
	v54 =	vadd.f32 v54, v22  }
0x1e0: {  	v9 =	vmul.f32 v45, v14;
	v0 =	vadd.f32 v0, v1;
	v1 =	vmul.f32 v48, v36;
	v22 =	vld [tilespmem:$0x1FE50]  }
0x1e1: {  	v5 =	vmul.f32 v48, v30;
	v56 =	vadd.f32 v56, v8;
	v54 =	vadd.f32 v54, v24;
	v24 =	vld [tilespmem:$0x1FE00]  }
0x1e2: {  	v4 =	vadd.f32 v4, v9;
	v6 =	vld [tilespmem:s10+$0xFFFFFFFC];
	v0 =	vadd.f32 v0, v1;
	v1 =	vmul.f32 v47, v15  }
0x1e3: {  	v7 =	vmul.f32 v48, v27;
	v5 =	vadd.f32 v56, v5;
	v8 =	vmul.f32 v47, v20  }
0x1e4: {  	v0 =	vmax.f32 v0, $0.0e+00;
	v54 =	vmax.f32 v54, $0.0e+00;
	v1 =	vadd.f32 v4, v1  }
0x1e5: {  	v4 =	vmul.f32 v49, v21;
	v5 =	vmax.f32 v5, $0.0e+00;
	[tilespmem:s12+$0x5670] =	vst v0;
	v0 =	vmul.f32 v45, v16  }
0x1e6: {  	[tilespmem:s12+$0x5660] =	vst v54;
	v9 =	vmul.f32 v48, v22;
	v54 =	vadd.f32 v2, v37;
	v58 =	vmul.f32 v49, v24  }
0x1e7: {  	[tilespmem:s12+$0x5650] =	vst v5;
	v2 =	vperm.xlane v6, v13;
	v5 =	vperm.xlane v6, v11;
	v0 =	vadd.f32 v3, v0  }
0x1e8: {  	v3 =	vperm.xlane v6, v12;
	v6 =	vperm.xlane v6, v10;
	v1 =	vadd.f32 v1, v58  }
0x1e9: {  	v13 =	vmul.f32 v2, v33;
	v12 =	vmul.f32 v2, v23;
	v0 =	vadd.f32 v0, v8  }
0x1ea: {  	v17 =	vld [tilespmem:$0x1FD10];
	v8 =	vmul.f32 v3, v31;
	v58 =	vmul.f32 v2, v26;
	v1 =	vadd.f32 v1, v7  }
0x1eb: {  	v61 =	vadd.f32 v63, v38;
	v18 =	vld [tilespmem:$0x1FD80];
	v26 =	vmul.f32 v3, v29;
	v25 =	vmul.f32 v3, v25  }
0x1ec: {  	v19 =	vld [tilespmem:$0x1FDE0];
	v0 =	vadd.f32 v0, v4;
	v58 =	vadd.f32 v60, v58;
	v1 =	vmax.f32 v1, $0.0e+00  }
0x1ed: {  	s25 =	sshra.s32 s3, $0x2;
	v12 =	vadd.f32 v61, v12;
	v7 =	vadd.f32 v57, v13;
	v13 =	vmul.f32 v5, v28;
	v28 =	vld [tilespmem:$0x1FE40];
	[tilespmem:s12+$0x5640] =	vst v1  }
0x1ee: {  	v0 =	vadd.f32 v0, v9;
	v9 =	vmul.f32 v5, v32;
	v10 =	vadd.f32 v58, v26;
	v57 =	vld [tilespmem:s25+$0x1510]  }
0x1ef: {  	v7 =	vadd.f32 v7, v8;
	v26 =	vmul.f32 v2, v14;
	v1 =	vmul.f32 v5, v34;
	v60 =	vld [tilespmem:s25+$0x3D10]  }
0x1f0: {  	v0 =	vmax.f32 v0, $0.0e+00;
	v9 =	vadd.f32 v10, v9;
	v10 =	vmul.f32 v6, v27;
	v27 =	vld [tilespmem:$0x1FE30]  }
0x1f1: {  	[tilespmem:s12+$0x5630] =	vst v0;
	v1 =	vadd.f32 v7, v1;
	v7 =	vadd.f32 v62, v26;
	v62 =	vmul.f32 v6, v22;
	v22 =	vld [tilespmem:$0x1FD70]  }
0x1f2: {  	v11 =	vmul.f32 v6, v35;
	v8 =	vadd.f32 v12, v25;
	v25 =	vmul.f32 v2, v16;
	v58 =	vld [tilespmem:s25+$0x1590]  }
0x1f3: {  	v23 =	vmul.f32 v3, v15;
	v4 =	vmul.f32 v6, v36;
	v61 =	vld [tilespmem:s25+$0x3D90]  }
0x1f4: {  	v8 =	vadd.f32 v8, v13;
	v26 =	vmul.f32 v3, v20;
	v20 =	vadd.f32 v55, v25;
	v12 =	vld [tilespmem:s25+$0x3D20]  }
0x1f5: {  	v9 =	vadd.f32 v9, v11;
	v11 =	vld [tilespmem:s25+$0x15A0];
	v1 =	vadd.f32 v1, v4  }
0x1f6: {  	v4 =	vld [tilespmem:s25+$0x1520];
	v7 =	vadd.f32 v7, v23;
	v23 =	vmul.f32 v5, v21;
	v13 =	vadd.f32 v20, v26  }
0x1f7: {  	v24 =	vmul.f32 v5, v24;
	v21 =	vld [tilespmem:$0x1FD00];
	v1 =	vmax.f32 v1, $0.0e+00  }
0x1f8: {  	v13 =	vadd.f32 v13, v23;
	v23 =	vld [tilespmem:$0x1FDD0];
	[tilespmem:s12+$0x55F0] =	vst v1  }
0x1f9: {  	v0 =	vmul.f32 v6, v30;
	v7 =	vadd.f32 v7, v24;
	v24 =	vmul.f32 v2, v17;
	v1 =	vld [tilespmem:s25+$0x3DA0]  }
0x1fa: {  	v9 =	vmax.f32 v9, $0.0e+00;
	v55 =	vld [tilespmem:s25+$0x1530]  }
0x1fb: {  	v0 =	vadd.f32 v8, v0;
	[tilespmem:s12+$0x55E0] =	vst v9;
	v9 =	vadd.f32 v53, v24;
	v24 =	vld [tilespmem:$0x1FD60]  }
0x1fc: {  	v8 =	vld [tilespmem:s25+$0x3D30]  }
0x1fd: {  	v0 =	vmax.f32 v0, $0.0e+00;
	v16 =	vld [tilespmem:s25+$0x15B0]  }
0x1fe: {  	v63 =	vmul.f32 v45, v17;
	v7 =	vadd.f32 v7, v10;
	v10 =	vld [tilespmem:s25+$0x3DB0];
	[tilespmem:s12+$0x55D0] =	vst v0  }
0x1ff: {  	v56 =	vmul.f32 v49, v19;
	v25 =	vmul.f32 v3, v18;
	v0 =	vld [tilespmem:s25+$0x1540]  }
0x200: {  	v17 =	vmul.f32 v5, v19;
	v26 =	vmul.f32 v2, v21;
	v19 =	vld [tilespmem:s25+$0x3D40]  }
0x201: {  	v7 =	vmax.f32 v7, $0.0e+00;
	v9 =	vadd.f32 v9, v25;
	v25 =	vld [tilespmem:$0x1FDC0]  }
0x202: {  	v59 =	vmul.f32 v47, v18;
	v13 =	vadd.f32 v13, v62;
	[tilespmem:s12+$0x55C0] =	vst v7;
	v14 =	vadd.f32 v51, v26;
	v26 =	vld [tilespmem:$0x1FE20]  }
0x203: {  	v18 =	vmul.f32 v3, v22;
	v53 =	vmul.f32 v6, v28;
	v7 =	vld [tilespmem:s25+$0x15C0];
	v9 =	vadd.f32 v9, v17  }
0x204: {  	v46 =	vadd.f32 v46, v42;
	v13 =	vmax.f32 v13, $0.0e+00;
	v51 =	vld [tilespmem:s25+$0x3DC0];
	v2 =	vmul.f32 v2, v24  }
0x205: {  	v20 =	vmul.f32 v5, v23;
	v14 =	vadd.f32 v14, v18;
	v9 =	vadd.f32 v9, v53;
	v53 =	vld [tilespmem:$0x1FE70]  }
0x206: {  	v15 =	vmul.f32 v6, v27;
	v17 =	vld [tilespmem:s25+$0x1550];
	[tilespmem:s12+$0x55B0] =	vst v13;
	v3 =	vmul.f32 v3, v25;
	v2 =	vadd.f32 v52, v2  }
0x207: {  	v13 =	vld [tilespmem:s25+$0x3D50];
	v18 =	vadd.f32 v50, v63;
	v63 =	vmul.f32 v45, v21;
	v14 =	vadd.f32 v14, v20  }
0x208: {  	v62 =	vld [tilespmem:s25+$0x15D0];
	v20 =	vmul.f32 v48, v28;
	v5 =	vmul.f32 v5, v26;
	v2 =	vadd.f32 v2, v3  }
0x209: {  	v21 =	vld [tilespmem:s25+$0x1560];
	v18 =	vadd.f32 v18, v59;
	v52 =	vmul.f32 v47, v22;
	v9 =	vmax.f32 v9, $0.0e+00  }
0x20a: {  	v3 =	vld [tilespmem:s25+$0x3DD0];
	v14 =	vadd.f32 v14, v15;
	[tilespmem:s12+$0x55A0] =	vst v9;
	v6 =	vmul.f32 v6, v53;
	v2 =	vadd.f32 v2, v5  }
0x20b: {  	v59 =	vadd.f32 v46, v63;
	v63 =	vmul.f32 v49, v23;
	v18 =	vadd.f32 v18, v56;
	v22 =	vld [tilespmem:s25+$0x15E0]  }
0x20c: {  	v46 =	vmul.f32 v48, v27;
	v5 =	vld [tilespmem:s25+$0x3D60];
	v14 =	vmax.f32 v14, $0.0e+00;
	v2 =	vadd.f32 v2, v6  }
0x20d: {  	v9 =	vadd.f32 v59, v52;
	v59 =	vmul.f32 v45, v24;
	v56 =	vadd.f32 v18, v20;
	v6 =	vld [tilespmem:s25+$0x3DE0];
	[tilespmem:s12+$0x5590] =	vst v14  }
0x20e: {  	v47 =	vmul.f32 v47, v25;
	v45 =	vadd.f32 v60, v57;
	v20 =	vld [tilespmem:s25+$0x1570];
	v2 =	vmax.f32 v2, $0.0e+00  }
0x20f: {  	v9 =	vadd.f32 v9, v63;
	v63 =	vadd.f32 v54, v59;
	v14 =	vmax.f32 v56, $0.0e+00;
	v23 =	vld [tilespmem:s25+$0x3D70];
	[tilespmem:s12+$0x5600] =	vst v2  }
0x210: {  	v52 =	vadd.f32 v8, v55;
	v24 =	vmul.f32 v48, v53;
	v48 =	vadd.f32 v1, v11;
	v2 =	vld [tilespmem:s25+$0x15F0];
	[tilespmem:s12+$0x5620] =	vst v14  }
0x211: {  	v49 =	vmul.f32 v49, v26;
	v54 =	vadd.f32 v10, v16;
	v15 =	vadd.f32 v63, v47;
	v25 =	vld [tilespmem:s25+$0x3DF0]  }
0x212: {  	v9 =	vadd.f32 v9, v46;
	v46 =	vadd.f32 v61, v58;
	v26 =	vld [tilespmem:s25+$0x1580]  }
0x213: {  	p0 =	sne.s32 s3, $0x4FC0;
	v47 =	vadd.f32 v12, v4;
	v63 =	vadd.f32 v15, v49;
	v1 =	vld [tilespmem:s25+$0x3D80]  }
.Ltmp2:
0x214: {  	v56 =	vadd.f32 v19, v0;
	v61 =	vadd.f32 v51, v7;
	(pc) =	sbr.rel @p0 .LBB2_7-.Ltmp2, $4  }
0x215: {  	v59 =	vadd.f32 v3, v62;
	v0 =	vadd.f32 v63, v24  }
0x216: {  	v9 =	vmax.f32 v9, $0.0e+00;
	v60 =	vadd.f32 v5, v21;
	v63 =	vadd.f32 v13, v17  }
0x217: {  	v50 =	vld [tilespmem:s25+$0x1600];
	[tilespmem:s12+$0x5610] =	vst v9;
	v57 =	vadd.f32 v6, v22;
	v0 =	vmax.f32 v0, $0.0e+00;
	v58 =	vadd.f32 v23, v20  }
0x218: {  	s3 =	sadd.s32 $0x400, s3;
	s10 =	sadd.s32 $0x8, s10;
	v53 =	vld [tilespmem:s25+$0x3E00];
	[tilespmem:s12+$0x5680] =	vst v0;
	s12 =	smov.u32 s25;
	v0 =	vadd.f32 v25, v2;
	v49 =	vadd.f32 v1, v26  }
0x219: {  	v1 =	vld [tilespmem:s10+$0x0];
	v2 =	vadd.f32 v45, v42;
	v42 =	vadd.f32 v46, v42  }
0x21a: {  	v4 =	vadd.f32 v47, v41;
	v45 =	vadd.f32 v48, v41  }
0x21b: {  	v5 =	vadd.f32 v52, v40;
	v6 =	vadd.f32 v54, v40;
	v25 =	vld [tilespmem:$0x1FD40]  }
0x21c: {  	v7 =	vadd.f32 v56, v39;
	v8 =	vadd.f32 v61, v39;
	v26 =	vld [tilespmem:$0x1FD50]  }
0x21d: {  	v9 =	vadd.f32 v63, v38;
	v20 =	vimm.s32 $0x0;
	v10 =	vadd.f32 v59, v38;
	v28 =	vld [tilespmem:$0x1FDB0]  }
0x21e: {  	v11 =	vadd.f32 v60, v43;
	v63 =	vimm.s32 $0x1;
	v41 =	vperm.xlane v1, v20  }
0x21f: {  	v13 =	vadd.f32 v57, v43;
	v14 =	vadd.f32 v58, v44;
	v23 =	vimm.s32 $0x2  }
0x220: {  	v22 =	vimm.s32 $0x3;
	v39 =	vperm.xlane v1, v63;
	v16 =	vmul.f32 v41, v25  }
0x221: {  	v47 =	vld [tilespmem:$0x1FD30];
	v0 =	vadd.f32 v0, v44;
	v38 =	vperm.xlane v1, v23;
	v12 =	vmul.f32 v41, v33  }
0x222: {  	v24 =	vld [tilespmem:$0x1FD20];
	v15 =	vmul.f32 v41, v26;
	v52 =	vmul.f32 v39, v28;
	v10 =	vadd.f32 v10, v16  }
0x223: {  	v51 =	vld [tilespmem:$0x1FE60];
	v40 =	vperm.xlane v1, v22;
	v0 =	vadd.f32 v0, v12;
	v12 =	vmul.f32 v39, v31  }
0x224: {  	v13 =	vadd.f32 v13, v15;
	v15 =	vmul.f32 v39, v29;
	v1 =	vadd.f32 v10, v52;
	v52 =	vld [tilespmem:$0x1FE10]  }
0x225: {  	v17 =	vadd.f32 v49, v37;
	v49 =	vld [tilespmem:$0x1FDA0];
	v0 =	vadd.f32 v0, v12;
	v12 =	vmul.f32 v38, v34  }
0x226: {  	v44 =	vld [tilespmem:$0x1FDF0];
	v3 =	vadd.f32 v53, v50;
	v13 =	vadd.f32 v13, v15;
	v15 =	vmul.f32 v38, v32  }
0x227: {  	v50 =	vld [tilespmem:$0x1FE00];
	v53 =	vmul.f32 v40, v35;
	v18 =	vmul.f32 v40, v30;
	v0 =	vadd.f32 v0, v12  }
0x228: {  	v55 =	vld [tilespmem:$0x1FD90];
	v12 =	vmul.f32 v40, v36;
	v13 =	vadd.f32 v13, v15;
	v15 =	vmul.f32 v41, v47  }
0x229: {  	v57 =	vld [tilespmem:$0x1FE50];
	v3 =	vadd.f32 v3, v37;
	v54 =	vmul.f32 v41, v24;
	v10 =	vmul.f32 v38, v52  }
0x22a: {  	v27 =	vld [tilespmem:$0x1FD10];
	v0 =	vadd.f32 v0, v12;
	v12 =	vmul.f32 v39, v49;
	v8 =	vadd.f32 v8, v15  }
0x22b: {  	v19 =	vmul.f32 v40, v51;
	v13 =	vadd.f32 v13, v53;
	v1 =	vadd.f32 v1, v10;
	v10 =	vld [tilespmem:s10+$0xFFFFFFFC]  }
0x22c: {  	v37 =	vld [tilespmem:$0x1FD80];
	v56 =	vmul.f32 v38, v44;
	v15 =	vmul.f32 v38, v50;
	v8 =	vadd.f32 v8, v12  }
0x22d: {  	v6 =	vadd.f32 v6, v54;
	v12 =	vmax.f32 v13, $0.0e+00;
	v13 =	vmul.f32 v39, v55  }
0x22e: {  	v58 =	vmul.f32 v40, v57;
	v0 =	vmax.f32 v0, $0.0e+00;
	v8 =	vadd.f32 v8, v15  }
0x22f: {  	v6 =	vadd.f32 v6, v13;
	v13 =	vmul.f32 v41, v27;
	v1 =	vadd.f32 v1, v18  }
0x230: {  	v8 =	vadd.f32 v8, v19;
	v15 =	vperm.xlane v10, v20;
	v19 =	vperm.xlane v10, v63  }
0x231: {  	v6 =	vadd.f32 v6, v56;
	v13 =	vadd.f32 v45, v13;
	v20 =	vmul.f32 v39, v37  }
0x232: {  	v1 =	vmax.f32 v1, $0.0e+00;
	v21 =	vmul.f32 v15, v33;
	v59 =	vmul.f32 v19, v31  }
0x233: {  	v6 =	vadd.f32 v6, v58;
	v26 =	vmul.f32 v15, v26;
	v61 =	vmul.f32 v19, v29  }
0x234: {  	v8 =	vmax.f32 v8, $0.0e+00;
	v47 =	vmul.f32 v15, v47;
	v49 =	vmul.f32 v19, v49  }
0x235: {  	v6 =	vmax.f32 v6, $0.0e+00;
	v54 =	vmul.f32 v15, v24;
	v55 =	vmul.f32 v19, v55  }
0x236: {  	v14 =	vadd.f32 v14, v21;
	v21 =	vperm.xlane v10, v23;
	v10 =	vperm.xlane v10, v22  }
0x237: {  	v58 =	vmul.f32 v15, v27;
	v11 =	vadd.f32 v11, v26;
	v7 =	vadd.f32 v7, v47  }
0x238: {  	v5 =	vadd.f32 v5, v54;
	v23 =	vmul.f32 v21, v34;
	v60 =	vmul.f32 v10, v36  }
0x239: {  	v4 =	vadd.f32 v4, v58;
	v62 =	vmul.f32 v21, v32;
	v63 =	vmul.f32 v10, v35  }
0x23a: {  	v33 =	vld [tilespmem:$0x1FDE0];
	v34 =	vmul.f32 v15, v25;
	v14 =	vadd.f32 v14, v59;
	v35 =	vmul.f32 v19, v28  }
0x23b: {  	v47 =	vld [tilespmem:$0x1FDC0];
	v36 =	vmul.f32 v21, v52;
	v11 =	vadd.f32 v11, v61;
	v46 =	vmul.f32 v10, v30  }
0x23c: {  	v52 =	vmul.f32 v21, v50;
	v7 =	vadd.f32 v7, v49;
	v56 =	vmul.f32 v21, v44;
	v61 =	vld [tilespmem:$0x1FE40]  }
0x23d: {  	v59 =	vmul.f32 v19, v37;
	v5 =	vadd.f32 v5, v55;
	v37 =	vld [tilespmem:$0x1FE30];
	v14 =	vadd.f32 v14, v23  }
0x23e: {  	v53 =	vmul.f32 v10, v51;
	v51 =	vld [tilespmem:$0x1FE70];
	v9 =	vadd.f32 v9, v34;
	v11 =	vadd.f32 v11, v62  }
0x23f: {  	v57 =	vmul.f32 v10, v57;
	v7 =	vadd.f32 v7, v52;
	v5 =	vadd.f32 v5, v56  }
0x240: {  	v16 =	vmul.f32 v38, v33;
	v4 =	vadd.f32 v4, v59;
	v14 =	vadd.f32 v14, v60  }
0x241: {  	v44 =	vld [tilespmem:$0x1FD60];
	v48 =	vmul.f32 v19, v47;
	v9 =	vadd.f32 v9, v35;
	v11 =	vadd.f32 v11, v63  }
0x242: {  	v60 =	vmul.f32 v21, v33;
	v7 =	vadd.f32 v7, v53;
	v63 =	vld [tilespmem:$0x1FD00];
	v62 =	vmul.f32 v10, v61  }
0x243: {  	v5 =	vadd.f32 v5, v57;
	v43 =	vmul.f32 v10, v37;
	v52 =	vmul.f32 v10, v51  }
0x244: {  	[tilespmem:s12+$0x5640] =	vst v8;
	v53 =	vadd.f32 v13, v20;
	v8 =	vmul.f32 v40, v61;
	v54 =	vmul.f32 v40, v37  }
0x245: {  	v33 =	vld [tilespmem:$0x1FD70];
	v59 =	vmul.f32 v40, v51;
	v14 =	vmax.f32 v14, $0.0e+00;
	v9 =	vadd.f32 v9, v36  }
0x246: {  	v35 =	vld [tilespmem:$0x1FDD0];
	v11 =	vmax.f32 v11, $0.0e+00;
	v7 =	vmax.f32 v7, $0.0e+00;
	v4 =	vadd.f32 v4, v60  }
0x247: {  	[tilespmem:s12+$0x5630] =	vst v6;
	v6 =	vadd.f32 v53, v16;
	v32 =	vmul.f32 v15, v63;
	v15 =	vmul.f32 v15, v44  }
0x248: {  	v49 =	vld [tilespmem:$0x1FE20];
	[tilespmem:s12+$0x55E0] =	vst v11;
	v11 =	vmul.f32 v39, v47;
	v9 =	vadd.f32 v9, v46;
	v50 =	vadd.f32 v4, v62  }
0x249: {  	[tilespmem:s12+$0x5660] =	vst v12;
	v46 =	vmax.f32 v5, $0.0e+00;
	v58 =	vadd.f32 v6, v8;
	v12 =	vadd.f32 v17, v15  }
0x24a: {  	v34 =	vmul.f32 v19, v33;
	v10 =	vmul.f32 v41, v63;
	v2 =	vadd.f32 v2, v32  }
0x24b: {  	[tilespmem:s12+$0x5670] =	vst v0;
	v36 =	vmul.f32 v21, v35;
	v5 =	vadd.f32 v12, v48;
	v12 =	vmul.f32 v41, v44  }
0x24c: {  	[tilespmem:s12+$0x5650] =	vst v1;
	v13 =	vmul.f32 v39, v33;
	v10 =	vadd.f32 v42, v10;
	v2 =	vadd.f32 v2, v34  }
0x24d: {  	[tilespmem:s12+$0x55F0] =	vst v14;
	v9 =	vmax.f32 v9, $0.0e+00;
	v15 =	vmul.f32 v21, v49;
	v3 =	vadd.f32 v3, v12  }
0x24e: {  	[tilespmem:s12+$0x55D0] =	vst v9;
	v9 =	vmul.f32 v38, v35;
	v10 =	vadd.f32 v10, v13;
	v2 =	vadd.f32 v2, v36  }
0x24f: {  	[tilespmem:s12+$0x55C0] =	vst v7;
	v5 =	vadd.f32 v5, v15;
	v12 =	vmul.f32 v38, v49;
	v3 =	vadd.f32 v3, v11  }
0x250: {  	[tilespmem:s12+$0x55B0] =	vst v46;
	v1 =	vmax.f32 v50, $0.0e+00;
	v57 =	vadd.f32 v10, v9;
	v2 =	vadd.f32 v2, v43  }
0x251: {  	[tilespmem:s12+$0x55A0] =	vst v1;
	v1 =	vmax.f32 v58, $0.0e+00;
	v56 =	vadd.f32 v5, v52;
	v3 =	vadd.f32 v3, v12  }
0x252: {  	[tilespmem:s12+$0x5620] =	vst v1;
	v61 =	vadd.f32 v57, v54;
	v55 =	vmax.f32 v2, $0.0e+00  }
0x253: {  	v60 =	vmax.f32 v56, $0.0e+00;
	[tilespmem:s12+$0x5590] =	vst v55;
	v62 =	vadd.f32 v3, v59  }
0x254: {  	v63 =	vmax.f32 v61, $0.0e+00;
	[tilespmem:s12+$0x5600] =	vst v60  }
0x255: {  	s3 =	smin.u32 s11, $0xF6;
	[tilespmem:s12+$0x5610] =	vst v63;
	v0 =	vmax.f32 v62, $0.0e+00  }
0x256: {  	s7 =	sadd.s32 $0x1, s7;
	s3 =	smul.u32 $0x28, s3;
	[tilespmem:s12+$0x5680] =	vst v0  }
0x257: {  	[spmem:s2] =	stream.indirect.scatter.add.f32 [tilespmem:s30], [sflag:$0x5], $0x80, s21, s17, $0xb8;
	[tilespmem:$0x1A680] =	vst v63  }
0x258: {  	p0 =	sne.s32 s7, $0x7D;
	s3 =	sadd.s32 s3, s23;
	_ =	swait.ge [sflag:s13], $0x1400  }
.Ltmp3:
0x259: {  	s3 =	sshrl.u32 s3, $0x3;
	[sflag:s13] =	ssyncset.done $0x0;
	(pc) =	sbr.rel @p0 .LBB2_4-.Ltmp3, $4  }
0x25a: {  	s25 =	sadd.s32 s8, s3;
	[sflag:s13] =	ssyncadd.s32 $0xFFFFEC00  }
0x25b: {  	[tilespmem:s20], [sflag:$0x2] =	stream.linear.gather [hbm4b:s25+s4], $0x28, $0x38;
	[tilespmem:$0x1A680] =	vst v63  }
0x25c: {  	s3 =	sadd.s32 s9, s3  }
0x25d: {  	v10 =	vimm.s32 $0x0;
	v12 =	vimm.s32 $0x1;
	[tilespmem:s21], [sflag:$0x2] =	stream.linear.gather [hbm4b:s3+s4], $0x28, $0x38;
	[tilespmem:$0x1A680] =	vst v63  }
0x25e: {  	_ =	swait.ge [sflag:s24], $0x28  }
0x25f: {  	[sflag:s24] =	ssyncset.done $0x0  }
0x260: {  	[sflag:s24] =	ssyncadd.s32 $0xFFFFFFD8  }
0x261: {  	_ =	swait.ge [sflag:s24], $0x28  }
0x262: {  	[sflag:s24] =	ssyncset.done $0x0  }
0x263: {  	[sflag:s24] =	ssyncadd.s32 $0xFFFFFFD8  }
0x264: {  	_ =	swait.ge [sflag:s29], $0x1400  }
0x265: {  	[sflag:s29] =	ssyncset.done $0x0  }
0x266: {  	[sflag:s29] =	ssyncadd.s32 $0xFFFFEC00  }
0x267: {  	_ =	swait.ge [sflag:s29], $0x1400  }
0x268: {  	[sflag:s29] =	ssyncset.done $0x0  }
0x269: {  	[sflag:s29] =	ssyncadd.s32 $0xFFFFEC00  }
0x26a: {  	_ =	swait.ge [sflag:s29], $0xA0  }
0x26b: {  	[sflag:s29] =	ssyncset.done $0x0  }
0x26c: {  	[sflag:s29] =	ssyncadd.s32 $0xFFFFFF60  }
0x26d: {  	s3 =	stileid.u32;
	[bflag:$0x0] =	sbarrier.arrive $0xFFFF  }
0x26e: {  	s3 =	sshll.u32 s3, $0x6;
	s25 =	rddreg [dreg:$0x5]  }
0x26f: {  	s3 =	sor.u32 $0x1C05, s3;
	s10 =	rddreg [dreg:$0x10];
	s7 =	sshrl.u32 s25, $0x3  }
0x270: {  	[hbm:s10], [sflag:s3] =	dma.local [spmem:s7], $0x2780  }
0x271: {  	_ =	swait.ge [sflag:s13], $0x2780  }
0x272: {  	s11 =	rddreg [dreg:$0x1c]  }
0x273: {  	s12 =	rddreg [dreg:$0x11];
	s7 =	sadd.s32 $0x1, s11  }
0x274: {  	p0 =	sne.s32 s7, s12  }
.Ltmp4:
0x275: {  	_ = 	snop;
	(pc) =	sbr.rel @p0 .LBB2_1-.Ltmp4, $3  }
0x276: {  	_ =	sdelay $0x1  }
0x277: {  	[sflag:s13] =	ssyncset.done $0x0  }
0x278: {  	v0 =	vimm.f32 $0.0e+00;
	[sflag:s13] =	ssyncadd.s32 $0xFFFFD880  }
0x279: {  	_ =	sfence.sel $0x180000  }
0x27a: {  	[bflag:$0x0] =	sbarrier.arrive $0xFFFF  }
0x27b: {  	_ =	strace $0x90000047  }
0x27c: {  	s0 =	stileid.u32;
	[bflag:$0x2] =	sbarrier.arrive $0xFFFF  }
0x27d: {  	p0 =	sne.s32 s0, $0x0;
	s0 =	rddreg [dreg:$0x3]  }
0x27e: {  	s0 =	sadd.s32 @!p0 $0x100000, s0  }
0x27f: {  	[sflag:s0] =	ssyncadd.tile.s32 @!p0 $0x1;
	_ =	shalt  }
.Lfunc_end2:
_tile_overlayer_lowered:
.L_overlay_start_2:
0x280: {  	(tag) =	ssettag $0x2  }
0x281: {  	s0 =	rddreg [dreg:$0x0];
	s2 =	stileid.u32  }
0x282: {  	s1 =	rddreg [dreg:$0x1];
	p0 =	sne.s32 s2, $0x0  }
0x283: {  	s3 =	rddreg [dreg:$0x2];
	[bflag:$0x3] =	sbarrier.arrive $0xFFFF;
	s2 =	simm.s32 @!p0 $0x1C05  }
0x284: {  	[timem:s3], [sflag:s2] =	dma.local @!p0 [hbm:s0], s1  }
0x285: {  	s0 =	simm.s32 @!p0 $0x5  }
0x286: {  	_ =	swait.ge @!p0 [sflag:s0], s1  }
0x287: {  	s1 =	ssub.s32 @!p0 $0x0, s1;
	[sflag:s0] =	ssyncset.done @!p0 $0x0  }
0x288: {  	[sflag:s0] =	ssyncadd.s32 @!p0 s1  }
0x289: {  	[bflag:$0x3] =	sbarrier.arrive $0xFFFF  }
0x28a: {  	_ =	shalt  }

</sc_bundles>
